<compile_context>
chip_gen: v7x
topology: tpu7x:2x2x1
jax: 0.10.2.dev20260603
libtpu: 0.0.44.dev20260713+nightly
codegen_flags: <defaults>
</compile_context>

<pallas_src>
import functools

import jax
import jax.numpy as jnp
from jax import lax
from jax.experimental import pallas as pl
from jax.experimental.pallas import tpu as pltpu
from jax.experimental.pallas import tpu_sc as plsc

LANES = 16
NC = 2
NS = 16
CHUNK = 128


def _sc_edge_weights(edge_index, n_nodes):
    E = edge_index.shape[1]
    NCH = E // CHUNK
    B1 = NCH // NS
    R1 = NCH - B1 * NS
    P1M = B1 * CHUNK // LANES
    PX = CHUNK // LANES
    K0 = B1 // 4
    P2A = K0 * CHUNK // LANES
    P2B = (B1 - K0) * CHUNK // LANES
    EMAX = (B1 + 1) * CHUNK
    NPAD = -(-n_nodes // (NS * LANES)) * (NS * LANES)
    NV = NPAD // LANES
    STRIPE = NPAD // NS
    SV = STRIPE // LANES

    mesh = plsc.VectorSubcoreMesh(core_axis_name="c", subcore_axis_name="s")

    @functools.partial(
        pl.kernel,
        out_type=(
            jax.ShapeDtypeStruct((NC * NS, NPAD), jnp.float32),
            jax.ShapeDtypeStruct((NPAD,), jnp.float32),
        ),
        mesh=mesh,
        scratch_types=[
            pltpu.VMEM((2, EMAX), jnp.int32),
            pltpu.VMEM((NPAD,), jnp.float32),
            pltpu.VMEM((NPAD,), jnp.float32),
            pltpu.VMEM((NPAD,), jnp.float32),
            pltpu.VMEM((NS, 2, STRIPE), jnp.float32),
            pltpu.VMEM((2, STRIPE), jnp.float32),
            pltpu.VMEM_SHARED((NS, 2, NPAD), jnp.float32),
            pltpu.VMEM_SHARED((NPAD,), jnp.float32),
            pltpu.SemaphoreType.DMA,
            pltpu.SemaphoreType.DMA,
        ],
        compiler_params=pltpu.CompilerParams(needs_layout_passes=False),
    )
    def ew_kernel(edge_hbm, wp_hbm, degsrc_hbm, ed_v, degs_v, degd_v,
                  w_v, peer_v, sred_v, stage_sh, rdst_sh, sem, sem2):
        c = lax.axis_index("c")
        t = lax.axis_index("s")
        zeros = jnp.zeros((LANES,), jnp.float32)
        ones = jnp.full((LANES,), 1.0, jnp.float32)

        off1 = (B1 * t + jnp.minimum(t, R1)) * CHUNK
        HALF = (B1 // 2) * CHUNK
        ld_a = pltpu.async_copy(edge_hbm.at[:, pl.ds(off1, HALF)],
                                ed_v.at[:, pl.ds(0, HALF)], sem)
        ld_b = pltpu.async_copy(
            edge_hbm.at[:, pl.ds(off1 + HALF, B1 * CHUNK - HALF)],
            ed_v.at[:, pl.ds(HALF, B1 * CHUNK - HALF)], sem2)
        extra = t < R1

        @pl.when(extra)
        def _():
            ldx = pltpu.async_copy(
                edge_hbm.at[:, pl.ds(off1 + B1 * CHUNK, CHUNK)],
                ed_v.at[:, pl.ds(B1 * CHUNK, CHUNK)], sem)
            ldx.wait()

        @plsc.parallel_loop(0, NV, unroll=8)
        def zero_body(i):
            sl = pl.ds(i * LANES, LANES)
            degd_v[sl] = zeros
            w_v[sl] = zeros

        @pl.when(c == 0)
        def _():
            @plsc.parallel_loop(0, NV, unroll=8)
            def zs_body(i):
                degs_v[pl.ds(i * LANES, LANES)] = zeros

        ld_a.wait()

        P1H = HALF // LANES

        @pl.when(c == 0)
        def _():
            @plsc.parallel_loop(0, P1H, unroll=8)
            def p1a_body(i):
                sl = pl.ds(i * LANES, LANES)
                plsc.addupdate_scatter(degs_v, [ed_v[0, sl]], ones)
                plsc.addupdate_scatter(degd_v, [ed_v[1, sl]], ones)

        @pl.when(c != 0)
        def _():
            @plsc.parallel_loop(0, P1H, unroll=8)
            def p1a1_body(i):
                sl = pl.ds(i * LANES, LANES)
                plsc.addupdate_scatter(degd_v, [ed_v[1, sl]], ones)

        ld_b.wait()

        @pl.when(c == 0)
        def _():
            @plsc.parallel_loop(0, P1M - P1H, unroll=8)
            def p1b_body(i):
                sl = pl.ds(HALF + i * LANES, LANES)
                plsc.addupdate_scatter(degs_v, [ed_v[0, sl]], ones)
                plsc.addupdate_scatter(degd_v, [ed_v[1, sl]], ones)

            @pl.when(extra)
            def _():
                @plsc.parallel_loop(0, PX, unroll=8)
                def p1x_body(i):
                    sl = pl.ds(P1M * LANES + i * LANES, LANES)
                    plsc.addupdate_scatter(degs_v, [ed_v[0, sl]], ones)
                    plsc.addupdate_scatter(degd_v, [ed_v[1, sl]], ones)

        @pl.when(c != 0)
        def _():
            @plsc.parallel_loop(0, P1M - P1H, unroll=8)
            def p1b1_body(i):
                sl = pl.ds(HALF + i * LANES, LANES)
                plsc.addupdate_scatter(degd_v, [ed_v[1, sl]], ones)

            @pl.when(extra)
            def _():
                @plsc.parallel_loop(0, PX, unroll=8)
                def p1x1_body(i):
                    sl = pl.ds(P1M * LANES + i * LANES, LANES)
                    plsc.addupdate_scatter(degd_v, [ed_v[1, sl]], ones)

        st_d = pltpu.async_copy(degd_v, stage_sh.at[t, 1], sem)
        st_d.wait()

        @pl.when(c == 0)
        def _():
            st_s = pltpu.async_copy(degs_v, stage_sh.at[t, 0], sem)
            st_s.wait()

        plsc.subcore_barrier()

        fetches = []
        for tt in range(NS):
            fetches.append(pltpu.async_copy(
                stage_sh.at[tt, 1, pl.ds(t * STRIPE, STRIPE)],
                peer_v.at[tt, 1], sem))
        for f in fetches:
            f.wait()

        @plsc.parallel_loop(0, SV, unroll=4)
        def acc_body(j):
            sl = pl.ds(j * LANES, LANES)
            v = peer_v[0, 1, sl]
            for tt in range(1, NS):
                v = v + peer_v[tt, 1, sl]
            sred_v[1, sl] = v

        magic = jnp.full((LANES,), 0x5F3759DF, jnp.int32)
        half = jnp.full((LANES,), 0.5, jnp.float32)
        th = jnp.full((LANES,), 1.5, jnp.float32)

        @plsc.parallel_loop(0, SV, unroll=4)
        def rs_body(j):
            sl = pl.ds(j * LANES, LANES)
            v = jnp.maximum(sred_v[1, sl], ones)
            y = plsc.bitcast(magic - (plsc.bitcast(v, jnp.int32) >> 1),
                             jnp.float32)
            y = y * (th - half * v * y * y)
            y = y * (th - half * v * y * y)
            y = y * (th - half * v * y * y)
            sred_v[1, sl] = y

        wb1 = pltpu.async_copy(sred_v.at[1],
                               rdst_sh.at[pl.ds(t * STRIPE, STRIPE)], sem)
        wb1.wait()
        plsc.subcore_barrier()

        rb = pltpu.async_copy(rdst_sh, degd_v, sem)
        rb.wait()

        @pl.when(c == 0)
        def _():
            sfetch = []
            for tt in range(NS):
                sfetch.append(pltpu.async_copy(
                    stage_sh.at[tt, 0, pl.ds(t * STRIPE, STRIPE)],
                    peer_v.at[tt, 0], sem2))

            @plsc.parallel_loop(0, P2A, unroll=8)
            def p2a_body(i):
                sl = pl.ds(i * LANES, LANES)
                rd = plsc.load_gather(degd_v, [ed_v[1, sl]])
                plsc.addupdate_scatter(w_v, [ed_v[0, sl]], rd)

            for f in sfetch:
                f.wait()

            @plsc.parallel_loop(0, SV, unroll=4)
            def sacc_body(j):
                sl = pl.ds(j * LANES, LANES)
                v = peer_v[0, 0, sl]
                for tt in range(1, NS):
                    v = v + peer_v[tt, 0, sl]
                sred_v[0, sl] = v

            wb = pltpu.async_copy(
                sred_v.at[0], degsrc_hbm.at[pl.ds(t * STRIPE, STRIPE)], sem2)
            wb.wait()

        @pl.when(c != 0)
        def _():
            @plsc.parallel_loop(0, P2B, unroll=8)
            def p2b_body(i):
                sl = pl.ds(K0 * CHUNK + i * LANES, LANES)
                rd = plsc.load_gather(degd_v, [ed_v[1, sl]])
                plsc.addupdate_scatter(w_v, [ed_v[0, sl]], rd)

            @pl.when(extra)
            def _():
                @plsc.parallel_loop(0, PX, unroll=8)
                def p2x_body(i):
                    sl = pl.ds(B1 * CHUNK + i * LANES, LANES)
                    rd = plsc.load_gather(degd_v, [ed_v[1, sl]])
                    plsc.addupdate_scatter(w_v, [ed_v[0, sl]], rd)

        pltpu.sync_copy(w_v, wp_hbm.at[c * NS + t])

    return ew_kernel(edge_index)


def _tc_head(wp, degsrc, x, W, b, Wd, bd):
    N, D = x.shape
    L = Wd.shape[1]

    def body(wp_ref, ds_ref, x_ref, W_ref, b_ref, Wd_ref, bd_ref, o_ref):
        acc = jnp.sum(wp_ref[...], axis=0, keepdims=True)
        r_src = lax.rsqrt(jnp.maximum(ds_ref[...], 1.0))
        w = (acc * r_src)[:, :N]
        t = jnp.sum(w)
        dn = (((1,), (0,)), ((), ()))
        s = lax.dot_general(w, x_ref[...], dn,
                            preferred_element_type=jnp.float32)
        pooled = lax.dot_general(s, W_ref[...], dn,
                                 preferred_element_type=jnp.float32)
        pooled = pooled + t * b_ref[...]
        logits = lax.dot_general(pooled, Wd_ref[...], dn,
                                 preferred_element_type=jnp.float32)
        logits = logits + bd_ref[...]
        e = jnp.exp(logits - jnp.max(logits))
        o_ref[...] = e / jnp.sum(e)

    return pl.pallas_call(
        body,
        out_shape=jax.ShapeDtypeStruct((1, L), jnp.float32),
    )(wp, degsrc.reshape(1, -1), x, W, b.reshape(1, D), Wd, bd.reshape(1, L))


def kernel(x, edge_index, W, b, Wd, bd):
    wp, degsrc = _sc_edge_weights(edge_index, x.shape[0])
    out = _tc_head(wp, degsrc, x, W, b, Wd, bd)
    return out.reshape(-1)

# --- scband reference (transcript-rebuilt; emitter-appended) ---
"""Pipeline reference for scband-my-first-gnn-42743514530681 (READ-ONLY COPY).

The authoritative reference and input builder live on the scoring server;
editing this copy changes nothing except your own understanding.
"""

import jax, jax.numpy as jnp
import numpy as np

N = 10000
E = 320000
D = 128
H = 128
L = 10


def setup_inputs(seed: int = 0) -> dict:
    key = jax.random.key(seed)
    ks = jax.random.split(key, 6)
    x = jax.random.normal(ks[0], (N, D), dtype=jnp.float32)
    edge_index = jax.random.randint(ks[1], (2, E), 0, N, dtype=jnp.int32)
    # GCNConv kernel + bias (n_hidden units)
    W = jax.random.normal(ks[2], (D, H), dtype=jnp.float32) * 0.05
    b = jnp.zeros((H,), dtype=jnp.float32)
    # Final Dense(n_labels, softmax)
    Wd = jax.random.normal(ks[3], (H, L), dtype=jnp.float32) * 0.05
    bd = jnp.zeros((L,), dtype=jnp.float32)
    return {"x": x, "edge_index": edge_index, "W": W, "b": b, "Wd": Wd, "bd": bd}


def reference(x, edge_index, W, b, Wd, bd):
    src = edge_index[0]
    dst = edge_index[1]
    # GCNConv: A_hat @ (X W) + b, with symmetric degree normalization
    h = x @ W + b
    deg_src = jnp.zeros((N,), x.dtype).at[src].add(1.0)
    deg_dst = jnp.zeros((N,), x.dtype).at[dst].add(1.0)
    deg_src = jnp.maximum(deg_src, 1.0)
    deg_dst = jnp.maximum(deg_dst, 1.0)
    norm = jax.lax.rsqrt(deg_src[src] * deg_dst[dst])
    msgs = h[src] * norm[:, None]
    agg = jnp.zeros((N, H), h.dtype).at[dst].add(msgs)
    # Dropout is identity at inference (training=False)
    # GlobalSumPool over nodes (single graph)
    pooled = jnp.sum(agg, axis=0)
    # Dense + softmax
    logits = pooled @ Wd + bd
    return jax.nn.softmax(logits)

if __name__ == "__main__":
    import jax
    _d = setup_inputs()
    print(jax.jit(kernel)(*tuple(_d.values())))

</pallas_src>

<mosaic_0001>
#map = affine_map<(d0, d1) -> (0, 0)>
#map1 = affine_map<(d0, d1) -> (0)>
module attributes {stable_mosaic.version = 14 : i64} {
  func.func @ew_kernel(%arg0: i32, %arg1: i32, %arg2: memref<2x320000xi32, #tpu.memory_space<hbm>>, %arg3: memref<32x10240xf32, #tpu.memory_space<hbm>>, %arg4: memref<10240xf32, #tpu.memory_space<hbm>>, %arg5: memref<2x20096xi32, #tpu.memory_space<vmem>>, %arg6: memref<10240xf32, #tpu.memory_space<vmem>>, %arg7: memref<10240xf32, #tpu.memory_space<vmem>>, %arg8: memref<10240xf32, #tpu.memory_space<vmem>>, %arg9: memref<16x2x640xf32, #tpu.memory_space<vmem>>, %arg10: memref<2x640xf32, #tpu.memory_space<vmem>>, %arg11: memref<16x2x10240xf32, #tpu.memory_space<vmem_shared>>, %arg12: memref<10240xf32, #tpu.memory_space<vmem_shared>>, %arg13: memref<!tpu.dma_semaphore, #tpu.memory_space<semaphore_mem>>, %arg14: memref<!tpu.dma_semaphore, #tpu.memory_space<semaphore_mem>>) attributes {dimension_semantics = [#tpu.dimension_semantics<core_parallel>, #tpu.dimension_semantics<subcore_parallel>], iteration_bounds = array<i64: 2, 16>, scalar_prefetch = 0 : i64, scratch_operands = 10 : i64, tpu.core_type = #tpu.core_type<sc_vector_subcore>, window_params = [{transform_indices = #map}, {transform_indices = #map}, {transform_indices = #map1}]} {
    %broadcast_in_dim3A = arith.constant 0.000000e+00 : f32
    %broadcast_in_dim3A_0 = vector.broadcast %broadcast_in_dim3A : f32 to vector<16xf32>
    %broadcast_in_dim3A_1 = arith.constant 1.000000e+00 : f32
    %broadcast_in_dim3A_2 = vector.broadcast %broadcast_in_dim3A_1 : f32 to vector<16xf32>
    %mul3A = arith.constant 156 : i32
    %mul3A_3 = arith.muli %mul3A, %arg1 : i32
    %min3A = arith.constant 4 : i32
    %min3A_4 = arith.minsi %arg1, %min3A : i32
    %add3A = arith.addi %mul3A_3, %min3A_4 : i32
    %mul3A_5 = arith.constant 128 : i32
    %mul3A_6 = arith.muli %add3A, %mul3A_5 : i32
    %dma_start3A = arith.constant 0 : i32
    %dma_start3A_7 = arith.constant 0 : i32
    %dma_start3A_8 = tpu.memref_slice %arg5[%dma_start3A, %dma_start3A_7] : memref<2x20096xi32, #tpu.memory_space<vmem>> -> memref<2x9984xi32, #tpu.memory_space<vmem>>
    %dma_start3A_9 = arith.constant 0 : i32
    %dma_start3A_10 = tpu.memref_slice %arg2[%dma_start3A_9, %mul3A_6] : memref<2x320000xi32, #tpu.memory_space<hbm>> -> memref<2x9984xi32, #tpu.memory_space<hbm>>
    %dma_start3A_11 = arith.constant 0 : i32
    %dma_start3A_12 = arith.constant 0 : i32
    %dma_start3A_13 = tpu.memref_slice %arg5[%dma_start3A_11, %dma_start3A_12] : memref<2x20096xi32, #tpu.memory_space<vmem>> -> memref<2x9984xi32, #tpu.memory_space<vmem>>
    %dma_start3A_14 = arith.constant 0 : i32
    %dma_start3A_15 = tpu.memref_slice %arg2[%dma_start3A_14, %mul3A_6] : memref<2x320000xi32, #tpu.memory_space<hbm>> -> memref<2x9984xi32, #tpu.memory_space<hbm>>
    tpu.enqueue_dma source(%dma_start3A_15 : memref<2x9984xi32, #tpu.memory_space<hbm>>) target(%dma_start3A_13 : memref<2x9984xi32, #tpu.memory_space<vmem>>) target_semaphore(%arg13 : memref<!tpu.dma_semaphore, #tpu.memory_space<semaphore_mem>>)
    %add3A_16 = arith.constant 9984 : i32
    %add3A_17 = arith.addi %mul3A_6, %add3A_16 : i32
    %dma_start3A_18 = arith.constant 0 : i32
    %dma_start3A_19 = arith.constant 9984 : i32
    %dma_start3A_20 = tpu.memref_slice %arg5[%dma_start3A_18, %dma_start3A_19] : memref<2x20096xi32, #tpu.memory_space<vmem>> -> memref<2x9984xi32, #tpu.memory_space<vmem>>
    %dma_start3A_21 = arith.constant 0 : i32
    %dma_start3A_22 = tpu.memref_slice %arg2[%dma_start3A_21, %add3A_17] : memref<2x320000xi32, #tpu.memory_space<hbm>> -> memref<2x9984xi32, #tpu.memory_space<hbm>>
    %dma_start3A_23 = arith.constant 0 : i32
    %dma_start3A_24 = arith.constant 9984 : i32
    %dma_start3A_25 = tpu.memref_slice %arg5[%dma_start3A_23, %dma_start3A_24] : memref<2x20096xi32, #tpu.memory_space<vmem>> -> memref<2x9984xi32, #tpu.memory_space<vmem>>
    %dma_start3A_26 = arith.constant 0 : i32
    %dma_start3A_27 = tpu.memref_slice %arg2[%dma_start3A_26, %add3A_17] : memref<2x320000xi32, #tpu.memory_space<hbm>> -> memref<2x9984xi32, #tpu.memory_space<hbm>>
    tpu.enqueue_dma source(%dma_start3A_27 : memref<2x9984xi32, #tpu.memory_space<hbm>>) target(%dma_start3A_25 : memref<2x9984xi32, #tpu.memory_space<vmem>>) target_semaphore(%arg14 : memref<!tpu.dma_semaphore, #tpu.memory_space<semaphore_mem>>)
    %lt3A = arith.constant 4 : i32
    %lt3A_28 = arith.cmpi slt, %arg1, %lt3A : i32
    %convert_element_type3A = arith.extui %lt3A_28 : i1 to i32
    %cond3A = arith.constant 0 : i32
    %cond3A_29 = arith.cmpi ne, %convert_element_type3A, %cond3A : i32
    scf.if %cond3A_29 {
      %add3A_619 = arith.constant 19968 : i32
      %add3A_620 = arith.addi %mul3A_6, %add3A_619 : i32
      %dma_start3A_621 = arith.constant 0 : i32
      %dma_start3A_622 = arith.constant 19968 : i32
      %dma_start3A_623 = tpu.memref_slice %arg5[%dma_start3A_621, %dma_start3A_622] : memref<2x20096xi32, #tpu.memory_space<vmem>> -> memref<2x128xi32, #tpu.memory_space<vmem>>
      %dma_start3A_624 = arith.constant 0 : i32
      %dma_start3A_625 = tpu.memref_slice %arg2[%dma_start3A_624, %add3A_620] : memref<2x320000xi32, #tpu.memory_space<hbm>> -> memref<2x128xi32, #tpu.memory_space<hbm>>
      %dma_start3A_626 = arith.constant 0 : i32
      %dma_start3A_627 = arith.constant 19968 : i32
      %dma_start3A_628 = tpu.memref_slice %arg5[%dma_start3A_626, %dma_start3A_627] : memref<2x20096xi32, #tpu.memory_space<vmem>> -> memref<2x128xi32, #tpu.memory_space<vmem>>
      %dma_start3A_629 = arith.constant 0 : i32
      %dma_start3A_630 = tpu.memref_slice %arg2[%dma_start3A_629, %add3A_620] : memref<2x320000xi32, #tpu.memory_space<hbm>> -> memref<2x128xi32, #tpu.memory_space<hbm>>
      tpu.enqueue_dma source(%dma_start3A_630 : memref<2x128xi32, #tpu.memory_space<hbm>>) target(%dma_start3A_628 : memref<2x128xi32, #tpu.memory_space<vmem>>) target_semaphore(%arg13 : memref<!tpu.dma_semaphore, #tpu.memory_space<semaphore_mem>>)
      %dma_wait3A_631 = arith.constant 0 : i32
      %dma_wait3A_632 = arith.constant 19968 : i32
      %dma_wait3A_633 = tpu.memref_slice %arg5[%dma_wait3A_631, %dma_wait3A_632] : memref<2x20096xi32, #tpu.memory_space<vmem>> -> memref<2x128xi32, #tpu.memory_space<vmem>>
      %dma_wait3A_634 = arith.constant 0 : i32
      %dma_wait3A_635 = tpu.memref_slice %arg2[%dma_wait3A_634, %add3A_620] : memref<2x320000xi32, #tpu.memory_space<hbm>> -> memref<2x128xi32, #tpu.memory_space<hbm>>
      %dma_wait3A_636 = arith.constant 0 : i32
      %dma_wait3A_637 = arith.constant 19968 : i32
      %dma_wait3A_638 = tpu.memref_slice %arg5[%dma_wait3A_636, %dma_wait3A_637] : memref<2x20096xi32, #tpu.memory_space<vmem>> -> memref<2x128xi32, #tpu.memory_space<vmem>>
      %dma_wait3A_639 = arith.constant 0 : i32
      %dma_wait3A_640 = tpu.memref_slice %arg2[%dma_wait3A_639, %add3A_620] : memref<2x320000xi32, #tpu.memory_space<hbm>> -> memref<2x128xi32, #tpu.memory_space<hbm>>
      tpu.wait_dma2 semaphore(%arg13 : memref<!tpu.dma_semaphore, #tpu.memory_space<semaphore_mem>>) src(%dma_wait3A_640 : memref<2x128xi32, #tpu.memory_space<hbm>>) dst(%dma_wait3A_638 : memref<2x128xi32, #tpu.memory_space<vmem>>)
    } else {
    }
    %parallel_loop3A = arith.constant 0 : i32
    %parallel_loop3A_30 = arith.constant 640 : i32
    %parallel_loop3A_31 = arith.constant 1 : i32
    scf.for %parallel_loop3A_619 = %parallel_loop3A to %parallel_loop3A_30 step %parallel_loop3A_31  : i32 {
      %parallel_loop3A_620 = arith.constant 16 : i32
      %parallel_loop3A_621 = arith.muli %parallel_loop3A_619, %parallel_loop3A_620 : i32
      %parallel_loop3A_622 = arith.index_cast %parallel_loop3A_621 : i32 to index
      %parallel_loop3A_623 = tpu.vector_load %arg7[%parallel_loop3A_622] {strides = array<i32>} : memref<10240xf32, #tpu.memory_space<vmem>>, vector<16xf32>,
      tpu.vector_store %arg7[%parallel_loop3A_622], %broadcast_in_dim3A_0 {strides = array<i32>} : memref<10240xf32, #tpu.memory_space<vmem>>, vector<16xf32>,
      %parallel_loop3A_624 = arith.index_cast %parallel_loop3A_621 : i32 to index
      %parallel_loop3A_625 = tpu.vector_load %arg8[%parallel_loop3A_624] {strides = array<i32>} : memref<10240xf32, #tpu.memory_space<vmem>>, vector<16xf32>,
      tpu.vector_store %arg8[%parallel_loop3A_624], %broadcast_in_dim3A_0 {strides = array<i32>} : memref<10240xf32, #tpu.memory_space<vmem>>, vector<16xf32>,
    } {sc.loop_unroll_factor = 8 : i64, sc.parallel_access}
    %eq3A = arith.constant 0 : i32
    %eq3A_32 = arith.cmpi eq, %arg0, %eq3A : i32
    %convert_element_type3A_33 = arith.extui %eq3A_32 : i1 to i32
    %cond3A_34 = arith.constant 0 : i32
    %cond3A_35 = arith.cmpi ne, %convert_element_type3A_33, %cond3A_34 : i32
    scf.if %cond3A_35 {
      %parallel_loop3A_619 = arith.constant 0 : i32
      %parallel_loop3A_620 = arith.constant 640 : i32
      %parallel_loop3A_621 = arith.constant 1 : i32
      scf.for %parallel_loop3A_622 = %parallel_loop3A_619 to %parallel_loop3A_620 step %parallel_loop3A_621  : i32 {
        %parallel_loop3A_623 = arith.constant 16 : i32
        %parallel_loop3A_624 = arith.muli %parallel_loop3A_622, %parallel_loop3A_623 : i32
        %parallel_loop3A_625 = arith.index_cast %parallel_loop3A_624 : i32 to index
        %parallel_loop3A_626 = tpu.vector_load %arg6[%parallel_loop3A_625] {strides = array<i32>} : memref<10240xf32, #tpu.memory_space<vmem>>, vector<16xf32>,
        tpu.vector_store %arg6[%parallel_loop3A_625], %broadcast_in_dim3A_0 {strides = array<i32>} : memref<10240xf32, #tpu.memory_space<vmem>>, vector<16xf32>,
      } {sc.loop_unroll_factor = 8 : i64, sc.parallel_access}
    } else {
    }
    %dma_wait3A = arith.constant 0 : i32
    %dma_wait3A_36 = arith.constant 0 : i32
    %dma_wait3A_37 = tpu.memref_slice %arg5[%dma_wait3A, %dma_wait3A_36] : memref<2x20096xi32, #tpu.memory_space<vmem>> -> memref<2x9984xi32, #tpu.memory_space<vmem>>
    %dma_wait3A_38 = arith.constant 0 : i32
    %dma_wait3A_39 = tpu.memref_slice %arg2[%dma_wait3A_38, %mul3A_6] : memref<2x320000xi32, #tpu.memory_space<hbm>> -> memref<2x9984xi32, #tpu.memory_space<hbm>>
    %dma_wait3A_40 = arith.constant 0 : i32
    %dma_wait3A_41 = arith.constant 0 : i32
    %dma_wait3A_42 = tpu.memref_slice %arg5[%dma_wait3A_40, %dma_wait3A_41] : memref<2x20096xi32, #tpu.memory_space<vmem>> -> memref<2x9984xi32, #tpu.memory_space<vmem>>
    %dma_wait3A_43 = arith.constant 0 : i32
    %dma_wait3A_44 = tpu.memref_slice %arg2[%dma_wait3A_43, %mul3A_6] : memref<2x320000xi32, #tpu.memory_space<hbm>> -> memref<2x9984xi32, #tpu.memory_space<hbm>>
    tpu.wait_dma2 semaphore(%arg13 : memref<!tpu.dma_semaphore, #tpu.memory_space<semaphore_mem>>) src(%dma_wait3A_44 : memref<2x9984xi32, #tpu.memory_space<hbm>>) dst(%dma_wait3A_42 : memref<2x9984xi32, #tpu.memory_space<vmem>>)
    %eq3A_45 = arith.constant 0 : i32
    %eq3A_46 = arith.cmpi eq, %arg0, %eq3A_45 : i32
    %convert_element_type3A_47 = arith.extui %eq3A_46 : i1 to i32
    %cond3A_48 = arith.constant 0 : i32
    %cond3A_49 = arith.cmpi ne, %convert_element_type3A_47, %cond3A_48 : i32
    scf.if %cond3A_49 {
      %parallel_loop3A_619 = arith.constant 0 : i32
      %parallel_loop3A_620 = arith.constant 624 : i32
      %parallel_loop3A_621 = arith.constant 1 : i32
      scf.for %parallel_loop3A_622 = %parallel_loop3A_619 to %parallel_loop3A_620 step %parallel_loop3A_621  : i32 {
        %parallel_loop3A_623 = arith.constant 16 : i32
        %parallel_loop3A_624 = arith.muli %parallel_loop3A_622, %parallel_loop3A_623 : i32
        %parallel_loop3A_625 = arith.constant 0 : i32
        %parallel_loop3A_626 = arith.index_cast %parallel_loop3A_625 : i32 to index
        %parallel_loop3A_627 = arith.index_cast %parallel_loop3A_624 : i32 to index
        %parallel_loop3A_628 = tpu.vector_load %arg5[%parallel_loop3A_626, %parallel_loop3A_627] {strides = array<i32>} : memref<2x20096xi32, #tpu.memory_space<vmem>>, vector<16xi32>,
        tpu.vector_store_idx %arg6[%parallel_loop3A_628], %broadcast_in_dim3A_2 {add = true} : memref<10240xf32, #tpu.memory_space<vmem>>[vector<16xi32>], vector<16xf32>,
        %parallel_loop3A_629 = arith.constant 1 : i32
        %parallel_loop3A_630 = arith.index_cast %parallel_loop3A_629 : i32 to index
        %parallel_loop3A_631 = arith.index_cast %parallel_loop3A_624 : i32 to index
        %parallel_loop3A_632 = tpu.vector_load %arg5[%parallel_loop3A_630, %parallel_loop3A_631] {strides = array<i32>} : memref<2x20096xi32, #tpu.memory_space<vmem>>, vector<16xi32>,
        tpu.vector_store_idx %arg7[%parallel_loop3A_632], %broadcast_in_dim3A_2 {add = true} : memref<10240xf32, #tpu.memory_space<vmem>>[vector<16xi32>], vector<16xf32>,
      } {sc.loop_unroll_factor = 8 : i64, sc.parallel_access}
    } else {
    }
    %ne3A = arith.constant 0 : i32
    %ne3A_50 = arith.cmpi ne, %arg0, %ne3A : i32
    %convert_element_type3A_51 = arith.extui %ne3A_50 : i1 to i32
    %cond3A_52 = arith.constant 0 : i32
    %cond3A_53 = arith.cmpi ne, %convert_element_type3A_51, %cond3A_52 : i32
    scf.if %cond3A_53 {
      %parallel_loop3A_619 = arith.constant 0 : i32
      %parallel_loop3A_620 = arith.constant 624 : i32
      %parallel_loop3A_621 = arith.constant 1 : i32
      scf.for %parallel_loop3A_622 = %parallel_loop3A_619 to %parallel_loop3A_620 step %parallel_loop3A_621  : i32 {
        %parallel_loop3A_623 = arith.constant 16 : i32
        %parallel_loop3A_624 = arith.muli %parallel_loop3A_622, %parallel_loop3A_623 : i32
        %parallel_loop3A_625 = arith.constant 1 : i32
        %parallel_loop3A_626 = arith.index_cast %parallel_loop3A_625 : i32 to index
        %parallel_loop3A_627 = arith.index_cast %parallel_loop3A_624 : i32 to index
        %parallel_loop3A_628 = tpu.vector_load %arg5[%parallel_loop3A_626, %parallel_loop3A_627] {strides = array<i32>} : memref<2x20096xi32, #tpu.memory_space<vmem>>, vector<16xi32>,
        tpu.vector_store_idx %arg7[%parallel_loop3A_628], %broadcast_in_dim3A_2 {add = true} : memref<10240xf32, #tpu.memory_space<vmem>>[vector<16xi32>], vector<16xf32>,
      } {sc.loop_unroll_factor = 8 : i64, sc.parallel_access}
    } else {
    }
    %dma_wait3A_54 = arith.constant 0 : i32
    %dma_wait3A_55 = arith.constant 9984 : i32
    %dma_wait3A_56 = tpu.memref_slice %arg5[%dma_wait3A_54, %dma_wait3A_55] : memref<2x20096xi32, #tpu.memory_space<vmem>> -> memref<2x9984xi32, #tpu.memory_space<vmem>>
    %dma_wait3A_57 = arith.constant 0 : i32
    %dma_wait3A_58 = tpu.memref_slice %arg2[%dma_wait3A_57, %add3A_17] : memref<2x320000xi32, #tpu.memory_space<hbm>> -> memref<2x9984xi32, #tpu.memory_space<hbm>>
    %dma_wait3A_59 = arith.constant 0 : i32
    %dma_wait3A_60 = arith.constant 9984 : i32
    %dma_wait3A_61 = tpu.memref_slice %arg5[%dma_wait3A_59, %dma_wait3A_60] : memref<2x20096xi32, #tpu.memory_space<vmem>> -> memref<2x9984xi32, #tpu.memory_space<vmem>>
    %dma_wait3A_62 = arith.constant 0 : i32
    %dma_wait3A_63 = tpu.memref_slice %arg2[%dma_wait3A_62, %add3A_17] : memref<2x320000xi32, #tpu.memory_space<hbm>> -> memref<2x9984xi32, #tpu.memory_space<hbm>>
    tpu.wait_dma2 semaphore(%arg14 : memref<!tpu.dma_semaphore, #tpu.memory_space<semaphore_mem>>) src(%dma_wait3A_63 : memref<2x9984xi32, #tpu.memory_space<hbm>>) dst(%dma_wait3A_61 : memref<2x9984xi32, #tpu.memory_space<vmem>>)
    %eq3A_64 = arith.constant 0 : i32
    %eq3A_65 = arith.cmpi eq, %arg0, %eq3A_64 : i32
    %convert_element_type3A_66 = arith.extui %eq3A_65 : i1 to i32
    %cond3A_67 = arith.constant 0 : i32
    %cond3A_68 = arith.cmpi ne, %convert_element_type3A_66, %cond3A_67 : i32
    scf.if %cond3A_68 {
      %parallel_loop3A_619 = arith.constant 0 : i32
      %parallel_loop3A_620 = arith.constant 624 : i32
      %parallel_loop3A_621 = arith.constant 1 : i32
      scf.for %parallel_loop3A_625 = %parallel_loop3A_619 to %parallel_loop3A_620 step %parallel_loop3A_621  : i32 {
        %parallel_loop3A_626 = arith.constant 16 : i32
        %parallel_loop3A_627 = arith.muli %parallel_loop3A_625, %parallel_loop3A_626 : i32
        %parallel_loop3A_628 = arith.constant 9984 : i32
        %parallel_loop3A_629 = arith.addi %parallel_loop3A_628, %parallel_loop3A_627 : i32
        %parallel_loop3A_630 = arith.constant 0 : i32
        %parallel_loop3A_631 = arith.index_cast %parallel_loop3A_630 : i32 to index
        %parallel_loop3A_632 = arith.index_cast %parallel_loop3A_629 : i32 to index
        %parallel_loop3A_633 = tpu.vector_load %arg5[%parallel_loop3A_631, %parallel_loop3A_632] {strides = array<i32>} : memref<2x20096xi32, #tpu.memory_space<vmem>>, vector<16xi32>,
        tpu.vector_store_idx %arg6[%parallel_loop3A_633], %broadcast_in_dim3A_2 {add = true} : memref<10240xf32, #tpu.memory_space<vmem>>[vector<16xi32>], vector<16xf32>,
        %parallel_loop3A_634 = arith.constant 1 : i32
        %parallel_loop3A_635 = arith.index_cast %parallel_loop3A_634 : i32 to index
        %parallel_loop3A_636 = arith.index_cast %parallel_loop3A_629 : i32 to index
        %parallel_loop3A_637 = tpu.vector_load %arg5[%parallel_loop3A_635, %parallel_loop3A_636] {strides = array<i32>} : memref<2x20096xi32, #tpu.memory_space<vmem>>, vector<16xi32>,
        tpu.vector_store_idx %arg7[%parallel_loop3A_637], %broadcast_in_dim3A_2 {add = true} : memref<10240xf32, #tpu.memory_space<vmem>>[vector<16xi32>], vector<16xf32>,
      } {sc.loop_unroll_factor = 8 : i64, sc.parallel_access}
      %convert_element_type3A_622 = arith.extui %lt3A_28 : i1 to i32
      %cond3A_623 = arith.constant 0 : i32
      %cond3A_624 = arith.cmpi ne, %convert_element_type3A_622, %cond3A_623 : i32
      scf.if %cond3A_624 {
        %parallel_loop3A_625 = arith.constant 0 : i32
        %parallel_loop3A_626 = arith.constant 8 : i32
        %parallel_loop3A_627 = arith.constant 1 : i32
        scf.for %parallel_loop3A_628 = %parallel_loop3A_625 to %parallel_loop3A_626 step %parallel_loop3A_627  : i32 {
          %parallel_loop3A_629 = arith.constant 16 : i32
          %parallel_loop3A_630 = arith.muli %parallel_loop3A_628, %parallel_loop3A_629 : i32
          %parallel_loop3A_631 = arith.constant 19968 : i32
          %parallel_loop3A_632 = arith.addi %parallel_loop3A_631, %parallel_loop3A_630 : i32
          %parallel_loop3A_633 = arith.constant 0 : i32
          %parallel_loop3A_634 = arith.index_cast %parallel_loop3A_633 : i32 to index
          %parallel_loop3A_635 = arith.index_cast %parallel_loop3A_632 : i32 to index
          %parallel_loop3A_636 = tpu.vector_load %arg5[%parallel_loop3A_634, %parallel_loop3A_635] {strides = array<i32>} : memref<2x20096xi32, #tpu.memory_space<vmem>>, vector<16xi32>,
          tpu.vector_store_idx %arg6[%parallel_loop3A_636], %broadcast_in_dim3A_2 {add = true} : memref<10240xf32, #tpu.memory_space<vmem>>[vector<16xi32>], vector<16xf32>,
          %parallel_loop3A_637 = arith.constant 1 : i32
          %parallel_loop3A_638 = arith.index_cast %parallel_loop3A_637 : i32 to index
          %parallel_loop3A_639 = arith.index_cast %parallel_loop3A_632 : i32 to index
          %parallel_loop3A_640 = tpu.vector_load %arg5[%parallel_loop3A_638, %parallel_loop3A_639] {strides = array<i32>} : memref<2x20096xi32, #tpu.memory_space<vmem>>, vector<16xi32>,
          tpu.vector_store_idx %arg7[%parallel_loop3A_640], %broadcast_in_dim3A_2 {add = true} : memref<10240xf32, #tpu.memory_space<vmem>>[vector<16xi32>], vector<16xf32>,
        } {sc.loop_unroll_factor = 8 : i64, sc.parallel_access}
      } else {
      }
    } else {
    }
    %ne3A_69 = arith.constant 0 : i32
    %ne3A_70 = arith.cmpi ne, %arg0, %ne3A_69 : i32
    %convert_element_type3A_71 = arith.extui %ne3A_70 : i1 to i32
    %cond3A_72 = arith.constant 0 : i32
    %cond3A_73 = arith.cmpi ne, %convert_element_type3A_71, %cond3A_72 : i32
    scf.if %cond3A_73 {
      %parallel_loop3A_619 = arith.constant 0 : i32
      %parallel_loop3A_620 = arith.constant 624 : i32
      %parallel_loop3A_621 = arith.constant 1 : i32
      scf.for %parallel_loop3A_625 = %parallel_loop3A_619 to %parallel_loop3A_620 step %parallel_loop3A_621  : i32 {
        %parallel_loop3A_626 = arith.constant 16 : i32
        %parallel_loop3A_627 = arith.muli %parallel_loop3A_625, %parallel_loop3A_626 : i32
        %parallel_loop3A_628 = arith.constant 9984 : i32
        %parallel_loop3A_629 = arith.addi %parallel_loop3A_628, %parallel_loop3A_627 : i32
        %parallel_loop3A_630 = arith.constant 1 : i32
        %parallel_loop3A_631 = arith.index_cast %parallel_loop3A_630 : i32 to index
        %parallel_loop3A_632 = arith.index_cast %parallel_loop3A_629 : i32 to index
        %parallel_loop3A_633 = tpu.vector_load %arg5[%parallel_loop3A_631, %parallel_loop3A_632] {strides = array<i32>} : memref<2x20096xi32, #tpu.memory_space<vmem>>, vector<16xi32>,
        tpu.vector_store_idx %arg7[%parallel_loop3A_633], %broadcast_in_dim3A_2 {add = true} : memref<10240xf32, #tpu.memory_space<vmem>>[vector<16xi32>], vector<16xf32>,
      } {sc.loop_unroll_factor = 8 : i64, sc.parallel_access}
      %convert_element_type3A_622 = arith.extui %lt3A_28 : i1 to i32
      %cond3A_623 = arith.constant 0 : i32
      %cond3A_624 = arith.cmpi ne, %convert_element_type3A_622, %cond3A_623 : i32
      scf.if %cond3A_624 {
        %parallel_loop3A_625 = arith.constant 0 : i32
        %parallel_loop3A_626 = arith.constant 8 : i32
        %parallel_loop3A_627 = arith.constant 1 : i32
        scf.for %parallel_loop3A_628 = %parallel_loop3A_625 to %parallel_loop3A_626 step %parallel_loop3A_627  : i32 {
          %parallel_loop3A_629 = arith.constant 16 : i32
          %parallel_loop3A_630 = arith.muli %parallel_loop3A_628, %parallel_loop3A_629 : i32
          %parallel_loop3A_631 = arith.constant 19968 : i32
          %parallel_loop3A_632 = arith.addi %parallel_loop3A_631, %parallel_loop3A_630 : i32
          %parallel_loop3A_633 = arith.constant 1 : i32
          %parallel_loop3A_634 = arith.index_cast %parallel_loop3A_633 : i32 to index
          %parallel_loop3A_635 = arith.index_cast %parallel_loop3A_632 : i32 to index
          %parallel_loop3A_636 = tpu.vector_load %arg5[%parallel_loop3A_634, %parallel_loop3A_635] {strides = array<i32>} : memref<2x20096xi32, #tpu.memory_space<vmem>>, vector<16xi32>,
          tpu.vector_store_idx %arg7[%parallel_loop3A_636], %broadcast_in_dim3A_2 {add = true} : memref<10240xf32, #tpu.memory_space<vmem>>[vector<16xi32>], vector<16xf32>,
        } {sc.loop_unroll_factor = 8 : i64, sc.parallel_access}
      } else {
      }
    } else {
    }
    %dma_start3A_74 = arith.constant 1 : i32
    %dma_start3A_75 = arith.constant 0 : i32
    %dma_start3A_76 = tpu.memref_slice %arg11[%arg1, %dma_start3A_74, %dma_start3A_75] : memref<16x2x10240xf32, #tpu.memory_space<vmem_shared>> -> memref<1x1x10240xf32, #tpu.memory_space<vmem_shared>>
    %dma_start3A_77 = tpu.memref_squeeze %dma_start3A_76 : memref<1x1x10240xf32, #tpu.memory_space<vmem_shared>> -> memref<10240xf32, #tpu.memory_space<vmem_shared>>
    %dma_start3A_78 = arith.constant 0 : i32
    %dma_start3A_79 = tpu.memref_slice %arg11[%arg1, %dma_start3A_74, %dma_start3A_78] : memref<16x2x10240xf32, #tpu.memory_space<vmem_shared>> -> memref<1x1x10240xf32, #tpu.memory_space<vmem_shared>>
    %dma_start3A_80 = tpu.memref_squeeze %dma_start3A_79 : memref<1x1x10240xf32, #tpu.memory_space<vmem_shared>> -> memref<10240xf32, #tpu.memory_space<vmem_shared>>
    tpu.enqueue_dma source(%arg7 : memref<10240xf32, #tpu.memory_space<vmem>>) target(%dma_start3A_80 : memref<10240xf32, #tpu.memory_space<vmem_shared>>) target_semaphore(%arg13 : memref<!tpu.dma_semaphore, #tpu.memory_space<semaphore_mem>>)
    %dma_wait3A_81 = arith.constant 1 : i32
    %dma_wait3A_82 = arith.constant 0 : i32
    %dma_wait3A_83 = tpu.memref_slice %arg11[%arg1, %dma_wait3A_81, %dma_wait3A_82] : memref<16x2x10240xf32, #tpu.memory_space<vmem_shared>> -> memref<1x1x10240xf32, #tpu.memory_space<vmem_shared>>
    %dma_wait3A_84 = tpu.memref_squeeze %dma_wait3A_83 : memref<1x1x10240xf32, #tpu.memory_space<vmem_shared>> -> memref<10240xf32, #tpu.memory_space<vmem_shared>>
    %dma_wait3A_85 = arith.constant 0 : i32
    %dma_wait3A_86 = tpu.memref_slice %arg11[%arg1, %dma_wait3A_81, %dma_wait3A_85] : memref<16x2x10240xf32, #tpu.memory_space<vmem_shared>> -> memref<1x1x10240xf32, #tpu.memory_space<vmem_shared>>
    %dma_wait3A_87 = tpu.memref_squeeze %dma_wait3A_86 : memref<1x1x10240xf32, #tpu.memory_space<vmem_shared>> -> memref<10240xf32, #tpu.memory_space<vmem_shared>>
    tpu.wait_dma2 semaphore(%arg13 : memref<!tpu.dma_semaphore, #tpu.memory_space<semaphore_mem>>) src(%arg7 : memref<10240xf32, #tpu.memory_space<vmem>>) dst(%dma_wait3A_87 : memref<10240xf32, #tpu.memory_space<vmem_shared>>)
    %eq3A_88 = arith.constant 0 : i32
    %eq3A_89 = arith.cmpi eq, %arg0, %eq3A_88 : i32
    %convert_element_type3A_90 = arith.extui %eq3A_89 : i1 to i32
    %cond3A_91 = arith.constant 0 : i32
    %cond3A_92 = arith.cmpi ne, %convert_element_type3A_90, %cond3A_91 : i32
    scf.if %cond3A_92 {
      %dma_start3A_619 = arith.constant 0 : i32
      %dma_start3A_620 = arith.constant 0 : i32
      %dma_start3A_621 = tpu.memref_slice %arg11[%arg1, %dma_start3A_619, %dma_start3A_620] : memref<16x2x10240xf32, #tpu.memory_space<vmem_shared>> -> memref<1x1x10240xf32, #tpu.memory_space<vmem_shared>>
      %dma_start3A_622 = tpu.memref_squeeze %dma_start3A_621 : memref<1x1x10240xf32, #tpu.memory_space<vmem_shared>> -> memref<10240xf32, #tpu.memory_space<vmem_shared>>
      %dma_start3A_623 = arith.constant 0 : i32
      %dma_start3A_624 = tpu.memref_slice %arg11[%arg1, %dma_start3A_619, %dma_start3A_623] : memref<16x2x10240xf32, #tpu.memory_space<vmem_shared>> -> memref<1x1x10240xf32, #tpu.memory_space<vmem_shared>>
      %dma_start3A_625 = tpu.memref_squeeze %dma_start3A_624 : memref<1x1x10240xf32, #tpu.memory_space<vmem_shared>> -> memref<10240xf32, #tpu.memory_space<vmem_shared>>
      tpu.enqueue_dma source(%arg6 : memref<10240xf32, #tpu.memory_space<vmem>>) target(%dma_start3A_625 : memref<10240xf32, #tpu.memory_space<vmem_shared>>) target_semaphore(%arg13 : memref<!tpu.dma_semaphore, #tpu.memory_space<semaphore_mem>>)
      %dma_wait3A_626 = arith.constant 0 : i32
      %dma_wait3A_627 = arith.constant 0 : i32
      %dma_wait3A_628 = tpu.memref_slice %arg11[%arg1, %dma_wait3A_626, %dma_wait3A_627] : memref<16x2x10240xf32, #tpu.memory_space<vmem_shared>> -> memref<1x1x10240xf32, #tpu.memory_space<vmem_shared>>
      %dma_wait3A_629 = tpu.memref_squeeze %dma_wait3A_628 : memref<1x1x10240xf32, #tpu.memory_space<vmem_shared>> -> memref<10240xf32, #tpu.memory_space<vmem_shared>>
      %dma_wait3A_630 = arith.constant 0 : i32
      %dma_wait3A_631 = tpu.memref_slice %arg11[%arg1, %dma_wait3A_626, %dma_wait3A_630] : memref<16x2x10240xf32, #tpu.memory_space<vmem_shared>> -> memref<1x1x10240xf32, #tpu.memory_space<vmem_shared>>
      %dma_wait3A_632 = tpu.memref_squeeze %dma_wait3A_631 : memref<1x1x10240xf32, #tpu.memory_space<vmem_shared>> -> memref<10240xf32, #tpu.memory_space<vmem_shared>>
      tpu.wait_dma2 semaphore(%arg13 : memref<!tpu.dma_semaphore, #tpu.memory_space<semaphore_mem>>) src(%arg6 : memref<10240xf32, #tpu.memory_space<vmem>>) dst(%dma_wait3A_632 : memref<10240xf32, #tpu.memory_space<vmem_shared>>)
    } else {
    }
    %barrier3A = arith.constant 0 : index
    tpu.barrier barrier_id(%barrier3A)
    %mul3A_93 = arith.constant 640 : i32
    %mul3A_94 = arith.muli %arg1, %mul3A_93 : i32
    %dma_start3A_95 = arith.constant 0 : i32
    %dma_start3A_96 = arith.constant 1 : i32
    %dma_start3A_97 = arith.constant 0 : i32
    %dma_start3A_98 = arith.constant 1 : i32
    %dma_start3A_99 = arith.constant 0 : i32
    %dma_start3A_100 = tpu.memref_slice %arg9[%dma_start3A_97, %dma_start3A_98, %dma_start3A_99] : memref<16x2x640xf32, #tpu.memory_space<vmem>> -> memref<1x1x640xf32, #tpu.memory_space<vmem>>
    %dma_start3A_101 = tpu.memref_squeeze %dma_start3A_100 : memref<1x1x640xf32, #tpu.memory_space<vmem>> -> memref<640xf32, #tpu.memory_space<vmem>>
    %dma_start3A_102 = tpu.memref_slice %arg11[%dma_start3A_95, %dma_start3A_96, %mul3A_94] : memref<16x2x10240xf32, #tpu.memory_space<vmem_shared>> -> memref<1x1x640xf32, #tpu.memory_space<vmem_shared>>
    %dma_start3A_103 = tpu.memref_squeeze %dma_start3A_102 : memref<1x1x640xf32, #tpu.memory_space<vmem_shared>> -> memref<640xf32, #tpu.memory_space<vmem_shared>>
    %dma_start3A_104 = arith.constant 0 : i32
    %dma_start3A_105 = tpu.memref_slice %arg9[%dma_start3A_97, %dma_start3A_98, %dma_start3A_104] : memref<16x2x640xf32, #tpu.memory_space<vmem>> -> memref<1x1x640xf32, #tpu.memory_space<vmem>>
    %dma_start3A_106 = tpu.memref_squeeze %dma_start3A_105 : memref<1x1x640xf32, #tpu.memory_space<vmem>> -> memref<640xf32, #tpu.memory_space<vmem>>
    %dma_start3A_107 = tpu.memref_slice %arg11[%dma_start3A_95, %dma_start3A_96, %mul3A_94] : memref<16x2x10240xf32, #tpu.memory_space<vmem_shared>> -> memref<1x1x640xf32, #tpu.memory_space<vmem_shared>>
    %dma_start3A_108 = tpu.memref_squeeze %dma_start3A_107 : memref<1x1x640xf32, #tpu.memory_space<vmem_shared>> -> memref<640xf32, #tpu.memory_space<vmem_shared>>
    tpu.enqueue_dma source(%dma_start3A_108 : memref<640xf32, #tpu.memory_space<vmem_shared>>) target(%dma_start3A_106 : memref<640xf32, #tpu.memory_space<vmem>>) target_semaphore(%arg13 : memref<!tpu.dma_semaphore, #tpu.memory_space<semaphore_mem>>)
    %mul3A_109 = arith.constant 640 : i32
    %mul3A_110 = arith.muli %arg1, %mul3A_109 : i32
    %dma_start3A_111 = arith.constant 1 : i32
    %dma_start3A_112 = arith.constant 1 : i32
    %dma_start3A_113 = arith.constant 1 : i32
    %dma_start3A_114 = arith.constant 1 : i32
    %dma_start3A_115 = arith.constant 0 : i32
    %dma_start3A_116 = tpu.memref_slice %arg9[%dma_start3A_113, %dma_start3A_114, %dma_start3A_115] : memref<16x2x640xf32, #tpu.memory_space<vmem>> -> memref<1x1x640xf32, #tpu.memory_space<vmem>>
    %dma_start3A_117 = tpu.memref_squeeze %dma_start3A_116 : memref<1x1x640xf32, #tpu.memory_space<vmem>> -> memref<640xf32, #tpu.memory_space<vmem>>
    %dma_start3A_118 = tpu.memref_slice %arg11[%dma_start3A_111, %dma_start3A_112, %mul3A_110] : memref<16x2x10240xf32, #tpu.memory_space<vmem_shared>> -> memref<1x1x640xf32, #tpu.memory_space<vmem_shared>>
    %dma_start3A_119 = tpu.memref_squeeze %dma_start3A_118 : memref<1x1x640xf32, #tpu.memory_space<vmem_shared>> -> memref<640xf32, #tpu.memory_space<vmem_shared>>
    %dma_start3A_120 = arith.constant 0 : i32
    %dma_start3A_121 = tpu.memref_slice %arg9[%dma_start3A_113, %dma_start3A_114, %dma_start3A_120] : memref<16x2x640xf32, #tpu.memory_space<vmem>> -> memref<1x1x640xf32, #tpu.memory_space<vmem>>
    %dma_start3A_122 = tpu.memref_squeeze %dma_start3A_121 : memref<1x1x640xf32, #tpu.memory_space<vmem>> -> memref<640xf32, #tpu.memory_space<vmem>>
    %dma_start3A_123 = tpu.memref_slice %arg11[%dma_start3A_111, %dma_start3A_112, %mul3A_110] : memref<16x2x10240xf32, #tpu.memory_space<vmem_shared>> -> memref<1x1x640xf32, #tpu.memory_space<vmem_shared>>
    %dma_start3A_124 = tpu.memref_squeeze %dma_start3A_123 : memref<1x1x640xf32, #tpu.memory_space<vmem_shared>> -> memref<640xf32, #tpu.memory_space<vmem_shared>>
    tpu.enqueue_dma source(%dma_start3A_124 : memref<640xf32, #tpu.memory_space<vmem_shared>>) target(%dma_start3A_122 : memref<640xf32, #tpu.memory_space<vmem>>) target_semaphore(%arg13 : memref<!tpu.dma_semaphore, #tpu.memory_space<semaphore_mem>>)
    %mul3A_125 = arith.constant 640 : i32
    %mul3A_126 = arith.muli %arg1, %mul3A_125 : i32
    %dma_start3A_127 = arith.constant 2 : i32
    %dma_start3A_128 = arith.constant 1 : i32
    %dma_start3A_129 = arith.constant 2 : i32
    %dma_start3A_130 = arith.constant 1 : i32
    %dma_start3A_131 = arith.constant 0 : i32
    %dma_start3A_132 = tpu.memref_slice %arg9[%dma_start3A_129, %dma_start3A_130, %dma_start3A_131] : memref<16x2x640xf32, #tpu.memory_space<vmem>> -> memref<1x1x640xf32, #tpu.memory_space<vmem>>
    %dma_start3A_133 = tpu.memref_squeeze %dma_start3A_132 : memref<1x1x640xf32, #tpu.memory_space<vmem>> -> memref<640xf32, #tpu.memory_space<vmem>>
    %dma_start3A_134 = tpu.memref_slice %arg11[%dma_start3A_127, %dma_start3A_128, %mul3A_126] : memref<16x2x10240xf32, #tpu.memory_space<vmem_shared>> -> memref<1x1x640xf32, #tpu.memory_space<vmem_shared>>
    %dma_start3A_135 = tpu.memref_squeeze %dma_start3A_134 : memref<1x1x640xf32, #tpu.memory_space<vmem_shared>> -> memref<640xf32, #tpu.memory_space<vmem_shared>>
    %dma_start3A_136 = arith.constant 0 : i32
    %dma_start3A_137 = tpu.memref_slice %arg9[%dma_start3A_129, %dma_start3A_130, %dma_start3A_136] : memref<16x2x640xf32, #tpu.memory_space<vmem>> -> memref<1x1x640xf32, #tpu.memory_space<vmem>>
    %dma_start3A_138 = tpu.memref_squeeze %dma_start3A_137 : memref<1x1x640xf32, #tpu.memory_space<vmem>> -> memref<640xf32, #tpu.memory_space<vmem>>
    %dma_start3A_139 = tpu.memref_slice %arg11[%dma_start3A_127, %dma_start3A_128, %mul3A_126] : memref<16x2x10240xf32, #tpu.memory_space<vmem_shared>> -> memref<1x1x640xf32, #tpu.memory_space<vmem_shared>>
    %dma_start3A_140 = tpu.memref_squeeze %dma_start3A_139 : memref<1x1x640xf32, #tpu.memory_space<vmem_shared>> -> memref<640xf32, #tpu.memory_space<vmem_shared>>
    tpu.enqueue_dma source(%dma_start3A_140 : memref<640xf32, #tpu.memory_space<vmem_shared>>) target(%dma_start3A_138 : memref<640xf32, #tpu.memory_space<vmem>>) target_semaphore(%arg13 : memref<!tpu.dma_semaphore, #tpu.memory_space<semaphore_mem>>)
    %mul3A_141 = arith.constant 640 : i32
    %mul3A_142 = arith.muli %arg1, %mul3A_141 : i32
    %dma_start3A_143 = arith.constant 3 : i32
    %dma_start3A_144 = arith.constant 1 : i32
    %dma_start3A_145 = arith.constant 3 : i32
    %dma_start3A_146 = arith.constant 1 : i32
    %dma_start3A_147 = arith.constant 0 : i32
    %dma_start3A_148 = tpu.memref_slice %arg9[%dma_start3A_145, %dma_start3A_146, %dma_start3A_147] : memref<16x2x640xf32, #tpu.memory_space<vmem>> -> memref<1x1x640xf32, #tpu.memory_space<vmem>>
    %dma_start3A_149 = tpu.memref_squeeze %dma_start3A_148 : memref<1x1x640xf32, #tpu.memory_space<vmem>> -> memref<640xf32, #tpu.memory_space<vmem>>
    %dma_start3A_150 = tpu.memref_slice %arg11[%dma_start3A_143, %dma_start3A_144, %mul3A_142] : memref<16x2x10240xf32, #tpu.memory_space<vmem_shared>> -> memref<1x1x640xf32, #tpu.memory_space<vmem_shared>>
    %dma_start3A_151 = tpu.memref_squeeze %dma_start3A_150 : memref<1x1x640xf32, #tpu.memory_space<vmem_shared>> -> memref<640xf32, #tpu.memory_space<vmem_shared>>
    %dma_start3A_152 = arith.constant 0 : i32
    %dma_start3A_153 = tpu.memref_slice %arg9[%dma_start3A_145, %dma_start3A_146, %dma_start3A_152] : memref<16x2x640xf32, #tpu.memory_space<vmem>> -> memref<1x1x640xf32, #tpu.memory_space<vmem>>
    %dma_start3A_154 = tpu.memref_squeeze %dma_start3A_153 : memref<1x1x640xf32, #tpu.memory_space<vmem>> -> memref<640xf32, #tpu.memory_space<vmem>>
    %dma_start3A_155 = tpu.memref_slice %arg11[%dma_start3A_143, %dma_start3A_144, %mul3A_142] : memref<16x2x10240xf32, #tpu.memory_space<vmem_shared>> -> memref<1x1x640xf32, #tpu.memory_space<vmem_shared>>
    %dma_start3A_156 = tpu.memref_squeeze %dma_start3A_155 : memref<1x1x640xf32, #tpu.memory_space<vmem_shared>> -> memref<640xf32, #tpu.memory_space<vmem_shared>>
    tpu.enqueue_dma source(%dma_start3A_156 : memref<640xf32, #tpu.memory_space<vmem_shared>>) target(%dma_start3A_154 : memref<640xf32, #tpu.memory_space<vmem>>) target_semaphore(%arg13 : memref<!tpu.dma_semaphore, #tpu.memory_space<semaphore_mem>>)
    %mul3A_157 = arith.constant 640 : i32
    %mul3A_158 = arith.muli %arg1, %mul3A_157 : i32
    %dma_start3A_159 = arith.constant 4 : i32
    %dma_start3A_160 = arith.constant 1 : i32
    %dma_start3A_161 = arith.constant 4 : i32
    %dma_start3A_162 = arith.constant 1 : i32
    %dma_start3A_163 = arith.constant 0 : i32
    %dma_start3A_164 = tpu.memref_slice %arg9[%dma_start3A_161, %dma_start3A_162, %dma_start3A_163] : memref<16x2x640xf32, #tpu.memory_space<vmem>> -> memref<1x1x640xf32, #tpu.memory_space<vmem>>
    %dma_start3A_165 = tpu.memref_squeeze %dma_start3A_164 : memref<1x1x640xf32, #tpu.memory_space<vmem>> -> memref<640xf32, #tpu.memory_space<vmem>>
    %dma_start3A_166 = tpu.memref_slice %arg11[%dma_start3A_159, %dma_start3A_160, %mul3A_158] : memref<16x2x10240xf32, #tpu.memory_space<vmem_shared>> -> memref<1x1x640xf32, #tpu.memory_space<vmem_shared>>
    %dma_start3A_167 = tpu.memref_squeeze %dma_start3A_166 : memref<1x1x640xf32, #tpu.memory_space<vmem_shared>> -> memref<640xf32, #tpu.memory_space<vmem_shared>>
    %dma_start3A_168 = arith.constant 0 : i32
    %dma_start3A_169 = tpu.memref_slice %arg9[%dma_start3A_161, %dma_start3A_162, %dma_start3A_168] : memref<16x2x640xf32, #tpu.memory_space<vmem>> -> memref<1x1x640xf32, #tpu.memory_space<vmem>>
    %dma_start3A_170 = tpu.memref_squeeze %dma_start3A_169 : memref<1x1x640xf32, #tpu.memory_space<vmem>> -> memref<640xf32, #tpu.memory_space<vmem>>
    %dma_start3A_171 = tpu.memref_slice %arg11[%dma_start3A_159, %dma_start3A_160, %mul3A_158] : memref<16x2x10240xf32, #tpu.memory_space<vmem_shared>> -> memref<1x1x640xf32, #tpu.memory_space<vmem_shared>>
    %dma_start3A_172 = tpu.memref_squeeze %dma_start3A_171 : memref<1x1x640xf32, #tpu.memory_space<vmem_shared>> -> memref<640xf32, #tpu.memory_space<vmem_shared>>
    tpu.enqueue_dma source(%dma_start3A_172 : memref<640xf32, #tpu.memory_space<vmem_shared>>) target(%dma_start3A_170 : memref<640xf32, #tpu.memory_space<vmem>>) target_semaphore(%arg13 : memref<!tpu.dma_semaphore, #tpu.memory_space<semaphore_mem>>)
    %mul3A_173 = arith.constant 640 : i32
    %mul3A_174 = arith.muli %arg1, %mul3A_173 : i32
    %dma_start3A_175 = arith.constant 5 : i32
    %dma_start3A_176 = arith.constant 1 : i32
    %dma_start3A_177 = arith.constant 5 : i32
    %dma_start3A_178 = arith.constant 1 : i32
    %dma_start3A_179 = arith.constant 0 : i32
    %dma_start3A_180 = tpu.memref_slice %arg9[%dma_start3A_177, %dma_start3A_178, %dma_start3A_179] : memref<16x2x640xf32, #tpu.memory_space<vmem>> -> memref<1x1x640xf32, #tpu.memory_space<vmem>>
    %dma_start3A_181 = tpu.memref_squeeze %dma_start3A_180 : memref<1x1x640xf32, #tpu.memory_space<vmem>> -> memref<640xf32, #tpu.memory_space<vmem>>
    %dma_start3A_182 = tpu.memref_slice %arg11[%dma_start3A_175, %dma_start3A_176, %mul3A_174] : memref<16x2x10240xf32, #tpu.memory_space<vmem_shared>> -> memref<1x1x640xf32, #tpu.memory_space<vmem_shared>>
    %dma_start3A_183 = tpu.memref_squeeze %dma_start3A_182 : memref<1x1x640xf32, #tpu.memory_space<vmem_shared>> -> memref<640xf32, #tpu.memory_space<vmem_shared>>
    %dma_start3A_184 = arith.constant 0 : i32
    %dma_start3A_185 = tpu.memref_slice %arg9[%dma_start3A_177, %dma_start3A_178, %dma_start3A_184] : memref<16x2x640xf32, #tpu.memory_space<vmem>> -> memref<1x1x640xf32, #tpu.memory_space<vmem>>
    %dma_start3A_186 = tpu.memref_squeeze %dma_start3A_185 : memref<1x1x640xf32, #tpu.memory_space<vmem>> -> memref<640xf32, #tpu.memory_space<vmem>>
    %dma_start3A_187 = tpu.memref_slice %arg11[%dma_start3A_175, %dma_start3A_176, %mul3A_174] : memref<16x2x10240xf32, #tpu.memory_space<vmem_shared>> -> memref<1x1x640xf32, #tpu.memory_space<vmem_shared>>
    %dma_start3A_188 = tpu.memref_squeeze %dma_start3A_187 : memref<1x1x640xf32, #tpu.memory_space<vmem_shared>> -> memref<640xf32, #tpu.memory_space<vmem_shared>>
    tpu.enqueue_dma source(%dma_start3A_188 : memref<640xf32, #tpu.memory_space<vmem_shared>>) target(%dma_start3A_186 : memref<640xf32, #tpu.memory_space<vmem>>) target_semaphore(%arg13 : memref<!tpu.dma_semaphore, #tpu.memory_space<semaphore_mem>>)
    %mul3A_189 = arith.constant 640 : i32
    %mul3A_190 = arith.muli %arg1, %mul3A_189 : i32
    %dma_start3A_191 = arith.constant 6 : i32
    %dma_start3A_192 = arith.constant 1 : i32
    %dma_start3A_193 = arith.constant 6 : i32
    %dma_start3A_194 = arith.constant 1 : i32
    %dma_start3A_195 = arith.constant 0 : i32
    %dma_start3A_196 = tpu.memref_slice %arg9[%dma_start3A_193, %dma_start3A_194, %dma_start3A_195] : memref<16x2x640xf32, #tpu.memory_space<vmem>> -> memref<1x1x640xf32, #tpu.memory_space<vmem>>
    %dma_start3A_197 = tpu.memref_squeeze %dma_start3A_196 : memref<1x1x640xf32, #tpu.memory_space<vmem>> -> memref<640xf32, #tpu.memory_space<vmem>>
    %dma_start3A_198 = tpu.memref_slice %arg11[%dma_start3A_191, %dma_start3A_192, %mul3A_190] : memref<16x2x10240xf32, #tpu.memory_space<vmem_shared>> -> memref<1x1x640xf32, #tpu.memory_space<vmem_shared>>
    %dma_start3A_199 = tpu.memref_squeeze %dma_start3A_198 : memref<1x1x640xf32, #tpu.memory_space<vmem_shared>> -> memref<640xf32, #tpu.memory_space<vmem_shared>>
    %dma_start3A_200 = arith.constant 0 : i32
    %dma_start3A_201 = tpu.memref_slice %arg9[%dma_start3A_193, %dma_start3A_194, %dma_start3A_200] : memref<16x2x640xf32, #tpu.memory_space<vmem>> -> memref<1x1x640xf32, #tpu.memory_space<vmem>>
    %dma_start3A_202 = tpu.memref_squeeze %dma_start3A_201 : memref<1x1x640xf32, #tpu.memory_space<vmem>> -> memref<640xf32, #tpu.memory_space<vmem>>
    %dma_start3A_203 = tpu.memref_slice %arg11[%dma_start3A_191, %dma_start3A_192, %mul3A_190] : memref<16x2x10240xf32, #tpu.memory_space<vmem_shared>> -> memref<1x1x640xf32, #tpu.memory_space<vmem_shared>>
    %dma_start3A_204 = tpu.memref_squeeze %dma_start3A_203 : memref<1x1x640xf32, #tpu.memory_space<vmem_shared>> -> memref<640xf32, #tpu.memory_space<vmem_shared>>
    tpu.enqueue_dma source(%dma_start3A_204 : memref<640xf32, #tpu.memory_space<vmem_shared>>) target(%dma_start3A_202 : memref<640xf32, #tpu.memory_space<vmem>>) target_semaphore(%arg13 : memref<!tpu.dma_semaphore, #tpu.memory_space<semaphore_mem>>)
    %mul3A_205 = arith.constant 640 : i32
    %mul3A_206 = arith.muli %arg1, %mul3A_205 : i32
    %dma_start3A_207 = arith.constant 7 : i32
    %dma_start3A_208 = arith.constant 1 : i32
    %dma_start3A_209 = arith.constant 7 : i32
    %dma_start3A_210 = arith.constant 1 : i32
    %dma_start3A_211 = arith.constant 0 : i32
    %dma_start3A_212 = tpu.memref_slice %arg9[%dma_start3A_209, %dma_start3A_210, %dma_start3A_211] : memref<16x2x640xf32, #tpu.memory_space<vmem>> -> memref<1x1x640xf32, #tpu.memory_space<vmem>>
    %dma_start3A_213 = tpu.memref_squeeze %dma_start3A_212 : memref<1x1x640xf32, #tpu.memory_space<vmem>> -> memref<640xf32, #tpu.memory_space<vmem>>
    %dma_start3A_214 = tpu.memref_slice %arg11[%dma_start3A_207, %dma_start3A_208, %mul3A_206] : memref<16x2x10240xf32, #tpu.memory_space<vmem_shared>> -> memref<1x1x640xf32, #tpu.memory_space<vmem_shared>>
    %dma_start3A_215 = tpu.memref_squeeze %dma_start3A_214 : memref<1x1x640xf32, #tpu.memory_space<vmem_shared>> -> memref<640xf32, #tpu.memory_space<vmem_shared>>
    %dma_start3A_216 = arith.constant 0 : i32
    %dma_start3A_217 = tpu.memref_slice %arg9[%dma_start3A_209, %dma_start3A_210, %dma_start3A_216] : memref<16x2x640xf32, #tpu.memory_space<vmem>> -> memref<1x1x640xf32, #tpu.memory_space<vmem>>
    %dma_start3A_218 = tpu.memref_squeeze %dma_start3A_217 : memref<1x1x640xf32, #tpu.memory_space<vmem>> -> memref<640xf32, #tpu.memory_space<vmem>>
    %dma_start3A_219 = tpu.memref_slice %arg11[%dma_start3A_207, %dma_start3A_208, %mul3A_206] : memref<16x2x10240xf32, #tpu.memory_space<vmem_shared>> -> memref<1x1x640xf32, #tpu.memory_space<vmem_shared>>
    %dma_start3A_220 = tpu.memref_squeeze %dma_start3A_219 : memref<1x1x640xf32, #tpu.memory_space<vmem_shared>> -> memref<640xf32, #tpu.memory_space<vmem_shared>>
    tpu.enqueue_dma source(%dma_start3A_220 : memref<640xf32, #tpu.memory_space<vmem_shared>>) target(%dma_start3A_218 : memref<640xf32, #tpu.memory_space<vmem>>) target_semaphore(%arg13 : memref<!tpu.dma_semaphore, #tpu.memory_space<semaphore_mem>>)
    %mul3A_221 = arith.constant 640 : i32
    %mul3A_222 = arith.muli %arg1, %mul3A_221 : i32
    %dma_start3A_223 = arith.constant 8 : i32
    %dma_start3A_224 = arith.constant 1 : i32
    %dma_start3A_225 = arith.constant 8 : i32
    %dma_start3A_226 = arith.constant 1 : i32
    %dma_start3A_227 = arith.constant 0 : i32
    %dma_start3A_228 = tpu.memref_slice %arg9[%dma_start3A_225, %dma_start3A_226, %dma_start3A_227] : memref<16x2x640xf32, #tpu.memory_space<vmem>> -> memref<1x1x640xf32, #tpu.memory_space<vmem>>
    %dma_start3A_229 = tpu.memref_squeeze %dma_start3A_228 : memref<1x1x640xf32, #tpu.memory_space<vmem>> -> memref<640xf32, #tpu.memory_space<vmem>>
    %dma_start3A_230 = tpu.memref_slice %arg11[%dma_start3A_223, %dma_start3A_224, %mul3A_222] : memref<16x2x10240xf32, #tpu.memory_space<vmem_shared>> -> memref<1x1x640xf32, #tpu.memory_space<vmem_shared>>
    %dma_start3A_231 = tpu.memref_squeeze %dma_start3A_230 : memref<1x1x640xf32, #tpu.memory_space<vmem_shared>> -> memref<640xf32, #tpu.memory_space<vmem_shared>>
    %dma_start3A_232 = arith.constant 0 : i32
    %dma_start3A_233 = tpu.memref_slice %arg9[%dma_start3A_225, %dma_start3A_226, %dma_start3A_232] : memref<16x2x640xf32, #tpu.memory_space<vmem>> -> memref<1x1x640xf32, #tpu.memory_space<vmem>>
    %dma_start3A_234 = tpu.memref_squeeze %dma_start3A_233 : memref<1x1x640xf32, #tpu.memory_space<vmem>> -> memref<640xf32, #tpu.memory_space<vmem>>
    %dma_start3A_235 = tpu.memref_slice %arg11[%dma_start3A_223, %dma_start3A_224, %mul3A_222] : memref<16x2x10240xf32, #tpu.memory_space<vmem_shared>> -> memref<1x1x640xf32, #tpu.memory_space<vmem_shared>>
    %dma_start3A_236 = tpu.memref_squeeze %dma_start3A_235 : memref<1x1x640xf32, #tpu.memory_space<vmem_shared>> -> memref<640xf32, #tpu.memory_space<vmem_shared>>
    tpu.enqueue_dma source(%dma_start3A_236 : memref<640xf32, #tpu.memory_space<vmem_shared>>) target(%dma_start3A_234 : memref<640xf32, #tpu.memory_space<vmem>>) target_semaphore(%arg13 : memref<!tpu.dma_semaphore, #tpu.memory_space<semaphore_mem>>)
    %mul3A_237 = arith.constant 640 : i32
    %mul3A_238 = arith.muli %arg1, %mul3A_237 : i32
    %dma_start3A_239 = arith.constant 9 : i32
    %dma_start3A_240 = arith.constant 1 : i32
    %dma_start3A_241 = arith.constant 9 : i32
    %dma_start3A_242 = arith.constant 1 : i32
    %dma_start3A_243 = arith.constant 0 : i32
    %dma_start3A_244 = tpu.memref_slice %arg9[%dma_start3A_241, %dma_start3A_242, %dma_start3A_243] : memref<16x2x640xf32, #tpu.memory_space<vmem>> -> memref<1x1x640xf32, #tpu.memory_space<vmem>>
    %dma_start3A_245 = tpu.memref_squeeze %dma_start3A_244 : memref<1x1x640xf32, #tpu.memory_space<vmem>> -> memref<640xf32, #tpu.memory_space<vmem>>
    %dma_start3A_246 = tpu.memref_slice %arg11[%dma_start3A_239, %dma_start3A_240, %mul3A_238] : memref<16x2x10240xf32, #tpu.memory_space<vmem_shared>> -> memref<1x1x640xf32, #tpu.memory_space<vmem_shared>>
    %dma_start3A_247 = tpu.memref_squeeze %dma_start3A_246 : memref<1x1x640xf32, #tpu.memory_space<vmem_shared>> -> memref<640xf32, #tpu.memory_space<vmem_shared>>
    %dma_start3A_248 = arith.constant 0 : i32
    %dma_start3A_249 = tpu.memref_slice %arg9[%dma_start3A_241, %dma_start3A_242, %dma_start3A_248] : memref<16x2x640xf32, #tpu.memory_space<vmem>> -> memref<1x1x640xf32, #tpu.memory_space<vmem>>
    %dma_start3A_250 = tpu.memref_squeeze %dma_start3A_249 : memref<1x1x640xf32, #tpu.memory_space<vmem>> -> memref<640xf32, #tpu.memory_space<vmem>>
    %dma_start3A_251 = tpu.memref_slice %arg11[%dma_start3A_239, %dma_start3A_240, %mul3A_238] : memref<16x2x10240xf32, #tpu.memory_space<vmem_shared>> -> memref<1x1x640xf32, #tpu.memory_space<vmem_shared>>
    %dma_start3A_252 = tpu.memref_squeeze %dma_start3A_251 : memref<1x1x640xf32, #tpu.memory_space<vmem_shared>> -> memref<640xf32, #tpu.memory_space<vmem_shared>>
    tpu.enqueue_dma source(%dma_start3A_252 : memref<640xf32, #tpu.memory_space<vmem_shared>>) target(%dma_start3A_250 : memref<640xf32, #tpu.memory_space<vmem>>) target_semaphore(%arg13 : memref<!tpu.dma_semaphore, #tpu.memory_space<semaphore_mem>>)
    %mul3A_253 = arith.constant 640 : i32
    %mul3A_254 = arith.muli %arg1, %mul3A_253 : i32
    %dma_start3A_255 = arith.constant 10 : i32
    %dma_start3A_256 = arith.constant 1 : i32
    %dma_start3A_257 = arith.constant 10 : i32
    %dma_start3A_258 = arith.constant 1 : i32
    %dma_start3A_259 = arith.constant 0 : i32
    %dma_start3A_260 = tpu.memref_slice %arg9[%dma_start3A_257, %dma_start3A_258, %dma_start3A_259] : memref<16x2x640xf32, #tpu.memory_space<vmem>> -> memref<1x1x640xf32, #tpu.memory_space<vmem>>
    %dma_start3A_261 = tpu.memref_squeeze %dma_start3A_260 : memref<1x1x640xf32, #tpu.memory_space<vmem>> -> memref<640xf32, #tpu.memory_space<vmem>>
    %dma_start3A_262 = tpu.memref_slice %arg11[%dma_start3A_255, %dma_start3A_256, %mul3A_254] : memref<16x2x10240xf32, #tpu.memory_space<vmem_shared>> -> memref<1x1x640xf32, #tpu.memory_space<vmem_shared>>
    %dma_start3A_263 = tpu.memref_squeeze %dma_start3A_262 : memref<1x1x640xf32, #tpu.memory_space<vmem_shared>> -> memref<640xf32, #tpu.memory_space<vmem_shared>>
    %dma_start3A_264 = arith.constant 0 : i32
    %dma_start3A_265 = tpu.memref_slice %arg9[%dma_start3A_257, %dma_start3A_258, %dma_start3A_264] : memref<16x2x640xf32, #tpu.memory_space<vmem>> -> memref<1x1x640xf32, #tpu.memory_space<vmem>>
    %dma_start3A_266 = tpu.memref_squeeze %dma_start3A_265 : memref<1x1x640xf32, #tpu.memory_space<vmem>> -> memref<640xf32, #tpu.memory_space<vmem>>
    %dma_start3A_267 = tpu.memref_slice %arg11[%dma_start3A_255, %dma_start3A_256, %mul3A_254] : memref<16x2x10240xf32, #tpu.memory_space<vmem_shared>> -> memref<1x1x640xf32, #tpu.memory_space<vmem_shared>>
    %dma_start3A_268 = tpu.memref_squeeze %dma_start3A_267 : memref<1x1x640xf32, #tpu.memory_space<vmem_shared>> -> memref<640xf32, #tpu.memory_space<vmem_shared>>
    tpu.enqueue_dma source(%dma_start3A_268 : memref<640xf32, #tpu.memory_space<vmem_shared>>) target(%dma_start3A_266 : memref<640xf32, #tpu.memory_space<vmem>>) target_semaphore(%arg13 : memref<!tpu.dma_semaphore, #tpu.memory_space<semaphore_mem>>)
    %mul3A_269 = arith.constant 640 : i32
    %mul3A_270 = arith.muli %arg1, %mul3A_269 : i32
    %dma_start3A_271 = arith.constant 11 : i32
    %dma_start3A_272 = arith.constant 1 : i32
    %dma_start3A_273 = arith.constant 11 : i32
    %dma_start3A_274 = arith.constant 1 : i32
    %dma_start3A_275 = arith.constant 0 : i32
    %dma_start3A_276 = tpu.memref_slice %arg9[%dma_start3A_273, %dma_start3A_274, %dma_start3A_275] : memref<16x2x640xf32, #tpu.memory_space<vmem>> -> memref<1x1x640xf32, #tpu.memory_space<vmem>>
    %dma_start3A_277 = tpu.memref_squeeze %dma_start3A_276 : memref<1x1x640xf32, #tpu.memory_space<vmem>> -> memref<640xf32, #tpu.memory_space<vmem>>
    %dma_start3A_278 = tpu.memref_slice %arg11[%dma_start3A_271, %dma_start3A_272, %mul3A_270] : memref<16x2x10240xf32, #tpu.memory_space<vmem_shared>> -> memref<1x1x640xf32, #tpu.memory_space<vmem_shared>>
    %dma_start3A_279 = tpu.memref_squeeze %dma_start3A_278 : memref<1x1x640xf32, #tpu.memory_space<vmem_shared>> -> memref<640xf32, #tpu.memory_space<vmem_shared>>
    %dma_start3A_280 = arith.constant 0 : i32
    %dma_start3A_281 = tpu.memref_slice %arg9[%dma_start3A_273, %dma_start3A_274, %dma_start3A_280] : memref<16x2x640xf32, #tpu.memory_space<vmem>> -> memref<1x1x640xf32, #tpu.memory_space<vmem>>
    %dma_start3A_282 = tpu.memref_squeeze %dma_start3A_281 : memref<1x1x640xf32, #tpu.memory_space<vmem>> -> memref<640xf32, #tpu.memory_space<vmem>>
    %dma_start3A_283 = tpu.memref_slice %arg11[%dma_start3A_271, %dma_start3A_272, %mul3A_270] : memref<16x2x10240xf32, #tpu.memory_space<vmem_shared>> -> memref<1x1x640xf32, #tpu.memory_space<vmem_shared>>
    %dma_start3A_284 = tpu.memref_squeeze %dma_start3A_283 : memref<1x1x640xf32, #tpu.memory_space<vmem_shared>> -> memref<640xf32, #tpu.memory_space<vmem_shared>>
    tpu.enqueue_dma source(%dma_start3A_284 : memref<640xf32, #tpu.memory_space<vmem_shared>>) target(%dma_start3A_282 : memref<640xf32, #tpu.memory_space<vmem>>) target_semaphore(%arg13 : memref<!tpu.dma_semaphore, #tpu.memory_space<semaphore_mem>>)
    %mul3A_285 = arith.constant 640 : i32
    %mul3A_286 = arith.muli %arg1, %mul3A_285 : i32
    %dma_start3A_287 = arith.constant 12 : i32
    %dma_start3A_288 = arith.constant 1 : i32
    %dma_start3A_289 = arith.constant 12 : i32
    %dma_start3A_290 = arith.constant 1 : i32
    %dma_start3A_291 = arith.constant 0 : i32
    %dma_start3A_292 = tpu.memref_slice %arg9[%dma_start3A_289, %dma_start3A_290, %dma_start3A_291] : memref<16x2x640xf32, #tpu.memory_space<vmem>> -> memref<1x1x640xf32, #tpu.memory_space<vmem>>
    %dma_start3A_293 = tpu.memref_squeeze %dma_start3A_292 : memref<1x1x640xf32, #tpu.memory_space<vmem>> -> memref<640xf32, #tpu.memory_space<vmem>>
    %dma_start3A_294 = tpu.memref_slice %arg11[%dma_start3A_287, %dma_start3A_288, %mul3A_286] : memref<16x2x10240xf32, #tpu.memory_space<vmem_shared>> -> memref<1x1x640xf32, #tpu.memory_space<vmem_shared>>
    %dma_start3A_295 = tpu.memref_squeeze %dma_start3A_294 : memref<1x1x640xf32, #tpu.memory_space<vmem_shared>> -> memref<640xf32, #tpu.memory_space<vmem_shared>>
    %dma_start3A_296 = arith.constant 0 : i32
    %dma_start3A_297 = tpu.memref_slice %arg9[%dma_start3A_289, %dma_start3A_290, %dma_start3A_296] : memref<16x2x640xf32, #tpu.memory_space<vmem>> -> memref<1x1x640xf32, #tpu.memory_space<vmem>>
    %dma_start3A_298 = tpu.memref_squeeze %dma_start3A_297 : memref<1x1x640xf32, #tpu.memory_space<vmem>> -> memref<640xf32, #tpu.memory_space<vmem>>
    %dma_start3A_299 = tpu.memref_slice %arg11[%dma_start3A_287, %dma_start3A_288, %mul3A_286] : memref<16x2x10240xf32, #tpu.memory_space<vmem_shared>> -> memref<1x1x640xf32, #tpu.memory_space<vmem_shared>>
    %dma_start3A_300 = tpu.memref_squeeze %dma_start3A_299 : memref<1x1x640xf32, #tpu.memory_space<vmem_shared>> -> memref<640xf32, #tpu.memory_space<vmem_shared>>
    tpu.enqueue_dma source(%dma_start3A_300 : memref<640xf32, #tpu.memory_space<vmem_shared>>) target(%dma_start3A_298 : memref<640xf32, #tpu.memory_space<vmem>>) target_semaphore(%arg13 : memref<!tpu.dma_semaphore, #tpu.memory_space<semaphore_mem>>)
    %mul3A_301 = arith.constant 640 : i32
    %mul3A_302 = arith.muli %arg1, %mul3A_301 : i32
    %dma_start3A_303 = arith.constant 13 : i32
    %dma_start3A_304 = arith.constant 1 : i32
    %dma_start3A_305 = arith.constant 13 : i32
    %dma_start3A_306 = arith.constant 1 : i32
    %dma_start3A_307 = arith.constant 0 : i32
    %dma_start3A_308 = tpu.memref_slice %arg9[%dma_start3A_305, %dma_start3A_306, %dma_start3A_307] : memref<16x2x640xf32, #tpu.memory_space<vmem>> -> memref<1x1x640xf32, #tpu.memory_space<vmem>>
    %dma_start3A_309 = tpu.memref_squeeze %dma_start3A_308 : memref<1x1x640xf32, #tpu.memory_space<vmem>> -> memref<640xf32, #tpu.memory_space<vmem>>
    %dma_start3A_310 = tpu.memref_slice %arg11[%dma_start3A_303, %dma_start3A_304, %mul3A_302] : memref<16x2x10240xf32, #tpu.memory_space<vmem_shared>> -> memref<1x1x640xf32, #tpu.memory_space<vmem_shared>>
    %dma_start3A_311 = tpu.memref_squeeze %dma_start3A_310 : memref<1x1x640xf32, #tpu.memory_space<vmem_shared>> -> memref<640xf32, #tpu.memory_space<vmem_shared>>
    %dma_start3A_312 = arith.constant 0 : i32
    %dma_start3A_313 = tpu.memref_slice %arg9[%dma_start3A_305, %dma_start3A_306, %dma_start3A_312] : memref<16x2x640xf32, #tpu.memory_space<vmem>> -> memref<1x1x640xf32, #tpu.memory_space<vmem>>
    %dma_start3A_314 = tpu.memref_squeeze %dma_start3A_313 : memref<1x1x640xf32, #tpu.memory_space<vmem>> -> memref<640xf32, #tpu.memory_space<vmem>>
    %dma_start3A_315 = tpu.memref_slice %arg11[%dma_start3A_303, %dma_start3A_304, %mul3A_302] : memref<16x2x10240xf32, #tpu.memory_space<vmem_shared>> -> memref<1x1x640xf32, #tpu.memory_space<vmem_shared>>
    %dma_start3A_316 = tpu.memref_squeeze %dma_start3A_315 : memref<1x1x640xf32, #tpu.memory_space<vmem_shared>> -> memref<640xf32, #tpu.memory_space<vmem_shared>>
    tpu.enqueue_dma source(%dma_start3A_316 : memref<640xf32, #tpu.memory_space<vmem_shared>>) target(%dma_start3A_314 : memref<640xf32, #tpu.memory_space<vmem>>) target_semaphore(%arg13 : memref<!tpu.dma_semaphore, #tpu.memory_space<semaphore_mem>>)
    %mul3A_317 = arith.constant 640 : i32
    %mul3A_318 = arith.muli %arg1, %mul3A_317 : i32
    %dma_start3A_319 = arith.constant 14 : i32
    %dma_start3A_320 = arith.constant 1 : i32
    %dma_start3A_321 = arith.constant 14 : i32
    %dma_start3A_322 = arith.constant 1 : i32
    %dma_start3A_323 = arith.constant 0 : i32
    %dma_start3A_324 = tpu.memref_slice %arg9[%dma_start3A_321, %dma_start3A_322, %dma_start3A_323] : memref<16x2x640xf32, #tpu.memory_space<vmem>> -> memref<1x1x640xf32, #tpu.memory_space<vmem>>
    %dma_start3A_325 = tpu.memref_squeeze %dma_start3A_324 : memref<1x1x640xf32, #tpu.memory_space<vmem>> -> memref<640xf32, #tpu.memory_space<vmem>>
    %dma_start3A_326 = tpu.memref_slice %arg11[%dma_start3A_319, %dma_start3A_320, %mul3A_318] : memref<16x2x10240xf32, #tpu.memory_space<vmem_shared>> -> memref<1x1x640xf32, #tpu.memory_space<vmem_shared>>
    %dma_start3A_327 = tpu.memref_squeeze %dma_start3A_326 : memref<1x1x640xf32, #tpu.memory_space<vmem_shared>> -> memref<640xf32, #tpu.memory_space<vmem_shared>>
    %dma_start3A_328 = arith.constant 0 : i32
    %dma_start3A_329 = tpu.memref_slice %arg9[%dma_start3A_321, %dma_start3A_322, %dma_start3A_328] : memref<16x2x640xf32, #tpu.memory_space<vmem>> -> memref<1x1x640xf32, #tpu.memory_space<vmem>>
    %dma_start3A_330 = tpu.memref_squeeze %dma_start3A_329 : memref<1x1x640xf32, #tpu.memory_space<vmem>> -> memref<640xf32, #tpu.memory_space<vmem>>
    %dma_start3A_331 = tpu.memref_slice %arg11[%dma_start3A_319, %dma_start3A_320, %mul3A_318] : memref<16x2x10240xf32, #tpu.memory_space<vmem_shared>> -> memref<1x1x640xf32, #tpu.memory_space<vmem_shared>>
    %dma_start3A_332 = tpu.memref_squeeze %dma_start3A_331 : memref<1x1x640xf32, #tpu.memory_space<vmem_shared>> -> memref<640xf32, #tpu.memory_space<vmem_shared>>
    tpu.enqueue_dma source(%dma_start3A_332 : memref<640xf32, #tpu.memory_space<vmem_shared>>) target(%dma_start3A_330 : memref<640xf32, #tpu.memory_space<vmem>>) target_semaphore(%arg13 : memref<!tpu.dma_semaphore, #tpu.memory_space<semaphore_mem>>)
    %mul3A_333 = arith.constant 640 : i32
    %mul3A_334 = arith.muli %arg1, %mul3A_333 : i32
    %dma_start3A_335 = arith.constant 15 : i32
    %dma_start3A_336 = arith.constant 1 : i32
    %dma_start3A_337 = arith.constant 15 : i32
    %dma_start3A_338 = arith.constant 1 : i32
    %dma_start3A_339 = arith.constant 0 : i32
    %dma_start3A_340 = tpu.memref_slice %arg9[%dma_start3A_337, %dma_start3A_338, %dma_start3A_339] : memref<16x2x640xf32, #tpu.memory_space<vmem>> -> memref<1x1x640xf32, #tpu.memory_space<vmem>>
    %dma_start3A_341 = tpu.memref_squeeze %dma_start3A_340 : memref<1x1x640xf32, #tpu.memory_space<vmem>> -> memref<640xf32, #tpu.memory_space<vmem>>
    %dma_start3A_342 = tpu.memref_slice %arg11[%dma_start3A_335, %dma_start3A_336, %mul3A_334] : memref<16x2x10240xf32, #tpu.memory_space<vmem_shared>> -> memref<1x1x640xf32, #tpu.memory_space<vmem_shared>>
    %dma_start3A_343 = tpu.memref_squeeze %dma_start3A_342 : memref<1x1x640xf32, #tpu.memory_space<vmem_shared>> -> memref<640xf32, #tpu.memory_space<vmem_shared>>
    %dma_start3A_344 = arith.constant 0 : i32
    %dma_start3A_345 = tpu.memref_slice %arg9[%dma_start3A_337, %dma_start3A_338, %dma_start3A_344] : memref<16x2x640xf32, #tpu.memory_space<vmem>> -> memref<1x1x640xf32, #tpu.memory_space<vmem>>
    %dma_start3A_346 = tpu.memref_squeeze %dma_start3A_345 : memref<1x1x640xf32, #tpu.memory_space<vmem>> -> memref<640xf32, #tpu.memory_space<vmem>>
    %dma_start3A_347 = tpu.memref_slice %arg11[%dma_start3A_335, %dma_start3A_336, %mul3A_334] : memref<16x2x10240xf32, #tpu.memory_space<vmem_shared>> -> memref<1x1x640xf32, #tpu.memory_space<vmem_shared>>
    %dma_start3A_348 = tpu.memref_squeeze %dma_start3A_347 : memref<1x1x640xf32, #tpu.memory_space<vmem_shared>> -> memref<640xf32, #tpu.memory_space<vmem_shared>>
    tpu.enqueue_dma source(%dma_start3A_348 : memref<640xf32, #tpu.memory_space<vmem_shared>>) target(%dma_start3A_346 : memref<640xf32, #tpu.memory_space<vmem>>) target_semaphore(%arg13 : memref<!tpu.dma_semaphore, #tpu.memory_space<semaphore_mem>>)
    %dma_wait3A_349 = arith.constant 0 : i32
    %dma_wait3A_350 = arith.constant 1 : i32
    %dma_wait3A_351 = arith.constant 0 : i32
    %dma_wait3A_352 = arith.constant 1 : i32
    %dma_wait3A_353 = arith.constant 0 : i32
    %dma_wait3A_354 = tpu.memref_slice %arg9[%dma_wait3A_351, %dma_wait3A_352, %dma_wait3A_353] : memref<16x2x640xf32, #tpu.memory_space<vmem>> -> memref<1x1x640xf32, #tpu.memory_space<vmem>>
    %dma_wait3A_355 = tpu.memref_squeeze %dma_wait3A_354 : memref<1x1x640xf32, #tpu.memory_space<vmem>> -> memref<640xf32, #tpu.memory_space<vmem>>
    %dma_wait3A_356 = tpu.memref_slice %arg11[%dma_wait3A_349, %dma_wait3A_350, %mul3A_94] : memref<16x2x10240xf32, #tpu.memory_space<vmem_shared>> -> memref<1x1x640xf32, #tpu.memory_space<vmem_shared>>
    %dma_wait3A_357 = tpu.memref_squeeze %dma_wait3A_356 : memref<1x1x640xf32, #tpu.memory_space<vmem_shared>> -> memref<640xf32, #tpu.memory_space<vmem_shared>>
    %dma_wait3A_358 = arith.constant 0 : i32
    %dma_wait3A_359 = tpu.memref_slice %arg9[%dma_wait3A_351, %dma_wait3A_352, %dma_wait3A_358] : memref<16x2x640xf32, #tpu.memory_space<vmem>> -> memref<1x1x640xf32, #tpu.memory_space<vmem>>
    %dma_wait3A_360 = tpu.memref_squeeze %dma_wait3A_359 : memref<1x1x640xf32, #tpu.memory_space<vmem>> -> memref<640xf32, #tpu.memory_space<vmem>>
    %dma_wait3A_361 = tpu.memref_slice %arg11[%dma_wait3A_349, %dma_wait3A_350, %mul3A_94] : memref<16x2x10240xf32, #tpu.memory_space<vmem_shared>> -> memref<1x1x640xf32, #tpu.memory_space<vmem_shared>>
    %dma_wait3A_362 = tpu.memref_squeeze %dma_wait3A_361 : memref<1x1x640xf32, #tpu.memory_space<vmem_shared>> -> memref<640xf32, #tpu.memory_space<vmem_shared>>
    tpu.wait_dma2 semaphore(%arg13 : memref<!tpu.dma_semaphore, #tpu.memory_space<semaphore_mem>>) src(%dma_wait3A_362 : memref<640xf32, #tpu.memory_space<vmem_shared>>) dst(%dma_wait3A_360 : memref<640xf32, #tpu.memory_space<vmem>>)
    %dma_wait3A_363 = arith.constant 1 : i32
    %dma_wait3A_364 = arith.constant 1 : i32
    %dma_wait3A_365 = arith.constant 1 : i32
    %dma_wait3A_366 = arith.constant 1 : i32
    %dma_wait3A_367 = arith.constant 0 : i32
    %dma_wait3A_368 = tpu.memref_slice %arg9[%dma_wait3A_365, %dma_wait3A_366, %dma_wait3A_367] : memref<16x2x640xf32, #tpu.memory_space<vmem>> -> memref<1x1x640xf32, #tpu.memory_space<vmem>>
    %dma_wait3A_369 = tpu.memref_squeeze %dma_wait3A_368 : memref<1x1x640xf32, #tpu.memory_space<vmem>> -> memref<640xf32, #tpu.memory_space<vmem>>
    %dma_wait3A_370 = tpu.memref_slice %arg11[%dma_wait3A_363, %dma_wait3A_364, %mul3A_110] : memref<16x2x10240xf32, #tpu.memory_space<vmem_shared>> -> memref<1x1x640xf32, #tpu.memory_space<vmem_shared>>
    %dma_wait3A_371 = tpu.memref_squeeze %dma_wait3A_370 : memref<1x1x640xf32, #tpu.memory_space<vmem_shared>> -> memref<640xf32, #tpu.memory_space<vmem_shared>>
    %dma_wait3A_372 = arith.constant 0 : i32
    %dma_wait3A_373 = tpu.memref_slice %arg9[%dma_wait3A_365, %dma_wait3A_366, %dma_wait3A_372] : memref<16x2x640xf32, #tpu.memory_space<vmem>> -> memref<1x1x640xf32, #tpu.memory_space<vmem>>
    %dma_wait3A_374 = tpu.memref_squeeze %dma_wait3A_373 : memref<1x1x640xf32, #tpu.memory_space<vmem>> -> memref<640xf32, #tpu.memory_space<vmem>>
    %dma_wait3A_375 = tpu.memref_slice %arg11[%dma_wait3A_363, %dma_wait3A_364, %mul3A_110] : memref<16x2x10240xf32, #tpu.memory_space<vmem_shared>> -> memref<1x1x640xf32, #tpu.memory_space<vmem_shared>>
    %dma_wait3A_376 = tpu.memref_squeeze %dma_wait3A_375 : memref<1x1x640xf32, #tpu.memory_space<vmem_shared>> -> memref<640xf32, #tpu.memory_space<vmem_shared>>
    tpu.wait_dma2 semaphore(%arg13 : memref<!tpu.dma_semaphore, #tpu.memory_space<semaphore_mem>>) src(%dma_wait3A_376 : memref<640xf32, #tpu.memory_space<vmem_shared>>) dst(%dma_wait3A_374 : memref<640xf32, #tpu.memory_space<vmem>>)
    %dma_wait3A_377 = arith.constant 2 : i32
    %dma_wait3A_378 = arith.constant 1 : i32
    %dma_wait3A_379 = arith.constant 2 : i32
    %dma_wait3A_380 = arith.constant 1 : i32
    %dma_wait3A_381 = arith.constant 0 : i32
    %dma_wait3A_382 = tpu.memref_slice %arg9[%dma_wait3A_379, %dma_wait3A_380, %dma_wait3A_381] : memref<16x2x640xf32, #tpu.memory_space<vmem>> -> memref<1x1x640xf32, #tpu.memory_space<vmem>>
    %dma_wait3A_383 = tpu.memref_squeeze %dma_wait3A_382 : memref<1x1x640xf32, #tpu.memory_space<vmem>> -> memref<640xf32, #tpu.memory_space<vmem>>
    %dma_wait3A_384 = tpu.memref_slice %arg11[%dma_wait3A_377, %dma_wait3A_378, %mul3A_126] : memref<16x2x10240xf32, #tpu.memory_space<vmem_shared>> -> memref<1x1x640xf32, #tpu.memory_space<vmem_shared>>
    %dma_wait3A_385 = tpu.memref_squeeze %dma_wait3A_384 : memref<1x1x640xf32, #tpu.memory_space<vmem_shared>> -> memref<640xf32, #tpu.memory_space<vmem_shared>>
    %dma_wait3A_386 = arith.constant 0 : i32
    %dma_wait3A_387 = tpu.memref_slice %arg9[%dma_wait3A_379, %dma_wait3A_380, %dma_wait3A_386] : memref<16x2x640xf32, #tpu.memory_space<vmem>> -> memref<1x1x640xf32, #tpu.memory_space<vmem>>
    %dma_wait3A_388 = tpu.memref_squeeze %dma_wait3A_387 : memref<1x1x640xf32, #tpu.memory_space<vmem>> -> memref<640xf32, #tpu.memory_space<vmem>>
    %dma_wait3A_389 = tpu.memref_slice %arg11[%dma_wait3A_377, %dma_wait3A_378, %mul3A_126] : memref<16x2x10240xf32, #tpu.memory_space<vmem_shared>> -> memref<1x1x640xf32, #tpu.memory_space<vmem_shared>>
    %dma_wait3A_390 = tpu.memref_squeeze %dma_wait3A_389 : memref<1x1x640xf32, #tpu.memory_space<vmem_shared>> -> memref<640xf32, #tpu.memory_space<vmem_shared>>
    tpu.wait_dma2 semaphore(%arg13 : memref<!tpu.dma_semaphore, #tpu.memory_space<semaphore_mem>>) src(%dma_wait3A_390 : memref<640xf32, #tpu.memory_space<vmem_shared>>) dst(%dma_wait3A_388 : memref<640xf32, #tpu.memory_space<vmem>>)
    %dma_wait3A_391 = arith.constant 3 : i32
    %dma_wait3A_392 = arith.constant 1 : i32
    %dma_wait3A_393 = arith.constant 3 : i32
    %dma_wait3A_394 = arith.constant 1 : i32
    %dma_wait3A_395 = arith.constant 0 : i32
    %dma_wait3A_396 = tpu.memref_slice %arg9[%dma_wait3A_393, %dma_wait3A_394, %dma_wait3A_395] : memref<16x2x640xf32, #tpu.memory_space<vmem>> -> memref<1x1x640xf32, #tpu.memory_space<vmem>>
    %dma_wait3A_397 = tpu.memref_squeeze %dma_wait3A_396 : memref<1x1x640xf32, #tpu.memory_space<vmem>> -> memref<640xf32, #tpu.memory_space<vmem>>
    %dma_wait3A_398 = tpu.memref_slice %arg11[%dma_wait3A_391, %dma_wait3A_392, %mul3A_142] : memref<16x2x10240xf32, #tpu.memory_space<vmem_shared>> -> memref<1x1x640xf32, #tpu.memory_space<vmem_shared>>
    %dma_wait3A_399 = tpu.memref_squeeze %dma_wait3A_398 : memref<1x1x640xf32, #tpu.memory_space<vmem_shared>> -> memref<640xf32, #tpu.memory_space<vmem_shared>>
    %dma_wait3A_400 = arith.constant 0 : i32
    %dma_wait3A_401 = tpu.memref_slice %arg9[%dma_wait3A_393, %dma_wait3A_394, %dma_wait3A_400] : memref<16x2x640xf32, #tpu.memory_space<vmem>> -> memref<1x1x640xf32, #tpu.memory_space<vmem>>
    %dma_wait3A_402 = tpu.memref_squeeze %dma_wait3A_401 : memref<1x1x640xf32, #tpu.memory_space<vmem>> -> memref<640xf32, #tpu.memory_space<vmem>>
    %dma_wait3A_403 = tpu.memref_slice %arg11[%dma_wait3A_391, %dma_wait3A_392, %mul3A_142] : memref<16x2x10240xf32, #tpu.memory_space<vmem_shared>> -> memref<1x1x640xf32, #tpu.memory_space<vmem_shared>>
    %dma_wait3A_404 = tpu.memref_squeeze %dma_wait3A_403 : memref<1x1x640xf32, #tpu.memory_space<vmem_shared>> -> memref<640xf32, #tpu.memory_space<vmem_shared>>
    tpu.wait_dma2 semaphore(%arg13 : memref<!tpu.dma_semaphore, #tpu.memory_space<semaphore_mem>>) src(%dma_wait3A_404 : memref<640xf32, #tpu.memory_space<vmem_shared>>) dst(%dma_wait3A_402 : memref<640xf32, #tpu.memory_space<vmem>>)
    %dma_wait3A_405 = arith.constant 4 : i32
    %dma_wait3A_406 = arith.constant 1 : i32
    %dma_wait3A_407 = arith.constant 4 : i32
    %dma_wait3A_408 = arith.constant 1 : i32
    %dma_wait3A_409 = arith.constant 0 : i32
    %dma_wait3A_410 = tpu.memref_slice %arg9[%dma_wait3A_407, %dma_wait3A_408, %dma_wait3A_409] : memref<16x2x640xf32, #tpu.memory_space<vmem>> -> memref<1x1x640xf32, #tpu.memory_space<vmem>>
    %dma_wait3A_411 = tpu.memref_squeeze %dma_wait3A_410 : memref<1x1x640xf32, #tpu.memory_space<vmem>> -> memref<640xf32, #tpu.memory_space<vmem>>
    %dma_wait3A_412 = tpu.memref_slice %arg11[%dma_wait3A_405, %dma_wait3A_406, %mul3A_158] : memref<16x2x10240xf32, #tpu.memory_space<vmem_shared>> -> memref<1x1x640xf32, #tpu.memory_space<vmem_shared>>
    %dma_wait3A_413 = tpu.memref_squeeze %dma_wait3A_412 : memref<1x1x640xf32, #tpu.memory_space<vmem_shared>> -> memref<640xf32, #tpu.memory_space<vmem_shared>>
    %dma_wait3A_414 = arith.constant 0 : i32
    %dma_wait3A_415 = tpu.memref_slice %arg9[%dma_wait3A_407, %dma_wait3A_408, %dma_wait3A_414] : memref<16x2x640xf32, #tpu.memory_space<vmem>> -> memref<1x1x640xf32, #tpu.memory_space<vmem>>
    %dma_wait3A_416 = tpu.memref_squeeze %dma_wait3A_415 : memref<1x1x640xf32, #tpu.memory_space<vmem>> -> memref<640xf32, #tpu.memory_space<vmem>>
    %dma_wait3A_417 = tpu.memref_slice %arg11[%dma_wait3A_405, %dma_wait3A_406, %mul3A_158] : memref<16x2x10240xf32, #tpu.memory_space<vmem_shared>> -> memref<1x1x640xf32, #tpu.memory_space<vmem_shared>>
    %dma_wait3A_418 = tpu.memref_squeeze %dma_wait3A_417 : memref<1x1x640xf32, #tpu.memory_space<vmem_shared>> -> memref<640xf32, #tpu.memory_space<vmem_shared>>
    tpu.wait_dma2 semaphore(%arg13 : memref<!tpu.dma_semaphore, #tpu.memory_space<semaphore_mem>>) src(%dma_wait3A_418 : memref<640xf32, #tpu.memory_space<vmem_shared>>) dst(%dma_wait3A_416 : memref<640xf32, #tpu.memory_space<vmem>>)
    %dma_wait3A_419 = arith.constant 5 : i32
    %dma_wait3A_420 = arith.constant 1 : i32
    %dma_wait3A_421 = arith.constant 5 : i32
    %dma_wait3A_422 = arith.constant 1 : i32
    %dma_wait3A_423 = arith.constant 0 : i32
    %dma_wait3A_424 = tpu.memref_slice %arg9[%dma_wait3A_421, %dma_wait3A_422, %dma_wait3A_423] : memref<16x2x640xf32, #tpu.memory_space<vmem>> -> memref<1x1x640xf32, #tpu.memory_space<vmem>>
    %dma_wait3A_425 = tpu.memref_squeeze %dma_wait3A_424 : memref<1x1x640xf32, #tpu.memory_space<vmem>> -> memref<640xf32, #tpu.memory_space<vmem>>
    %dma_wait3A_426 = tpu.memref_slice %arg11[%dma_wait3A_419, %dma_wait3A_420, %mul3A_174] : memref<16x2x10240xf32, #tpu.memory_space<vmem_shared>> -> memref<1x1x640xf32, #tpu.memory_space<vmem_shared>>
    %dma_wait3A_427 = tpu.memref_squeeze %dma_wait3A_426 : memref<1x1x640xf32, #tpu.memory_space<vmem_shared>> -> memref<640xf32, #tpu.memory_space<vmem_shared>>
    %dma_wait3A_428 = arith.constant 0 : i32
    %dma_wait3A_429 = tpu.memref_slice %arg9[%dma_wait3A_421, %dma_wait3A_422, %dma_wait3A_428] : memref<16x2x640xf32, #tpu.memory_space<vmem>> -> memref<1x1x640xf32, #tpu.memory_space<vmem>>
    %dma_wait3A_430 = tpu.memref_squeeze %dma_wait3A_429 : memref<1x1x640xf32, #tpu.memory_space<vmem>> -> memref<640xf32, #tpu.memory_space<vmem>>
    %dma_wait3A_431 = tpu.memref_slice %arg11[%dma_wait3A_419, %dma_wait3A_420, %mul3A_174] : memref<16x2x10240xf32, #tpu.memory_space<vmem_shared>> -> memref<1x1x640xf32, #tpu.memory_space<vmem_shared>>
    %dma_wait3A_432 = tpu.memref_squeeze %dma_wait3A_431 : memref<1x1x640xf32, #tpu.memory_space<vmem_shared>> -> memref<640xf32, #tpu.memory_space<vmem_shared>>
    tpu.wait_dma2 semaphore(%arg13 : memref<!tpu.dma_semaphore, #tpu.memory_space<semaphore_mem>>) src(%dma_wait3A_432 : memref<640xf32, #tpu.memory_space<vmem_shared>>) dst(%dma_wait3A_430 : memref<640xf32, #tpu.memory_space<vmem>>)
    %dma_wait3A_433 = arith.constant 6 : i32
    %dma_wait3A_434 = arith.constant 1 : i32
    %dma_wait3A_435 = arith.constant 6 : i32
    %dma_wait3A_436 = arith.constant 1 : i32
    %dma_wait3A_437 = arith.constant 0 : i32
    %dma_wait3A_438 = tpu.memref_slice %arg9[%dma_wait3A_435, %dma_wait3A_436, %dma_wait3A_437] : memref<16x2x640xf32, #tpu.memory_space<vmem>> -> memref<1x1x640xf32, #tpu.memory_space<vmem>>
    %dma_wait3A_439 = tpu.memref_squeeze %dma_wait3A_438 : memref<1x1x640xf32, #tpu.memory_space<vmem>> -> memref<640xf32, #tpu.memory_space<vmem>>
    %dma_wait3A_440 = tpu.memref_slice %arg11[%dma_wait3A_433, %dma_wait3A_434, %mul3A_190] : memref<16x2x10240xf32, #tpu.memory_space<vmem_shared>> -> memref<1x1x640xf32, #tpu.memory_space<vmem_shared>>
    %dma_wait3A_441 = tpu.memref_squeeze %dma_wait3A_440 : memref<1x1x640xf32, #tpu.memory_space<vmem_shared>> -> memref<640xf32, #tpu.memory_space<vmem_shared>>
    %dma_wait3A_442 = arith.constant 0 : i32
    %dma_wait3A_443 = tpu.memref_slice %arg9[%dma_wait3A_435, %dma_wait3A_436, %dma_wait3A_442] : memref<16x2x640xf32, #tpu.memory_space<vmem>> -> memref<1x1x640xf32, #tpu.memory_space<vmem>>
    %dma_wait3A_444 = tpu.memref_squeeze %dma_wait3A_443 : memref<1x1x640xf32, #tpu.memory_space<vmem>> -> memref<640xf32, #tpu.memory_space<vmem>>
    %dma_wait3A_445 = tpu.memref_slice %arg11[%dma_wait3A_433, %dma_wait3A_434, %mul3A_190] : memref<16x2x10240xf32, #tpu.memory_space<vmem_shared>> -> memref<1x1x640xf32, #tpu.memory_space<vmem_shared>>
    %dma_wait3A_446 = tpu.memref_squeeze %dma_wait3A_445 : memref<1x1x640xf32, #tpu.memory_space<vmem_shared>> -> memref<640xf32, #tpu.memory_space<vmem_shared>>
    tpu.wait_dma2 semaphore(%arg13 : memref<!tpu.dma_semaphore, #tpu.memory_space<semaphore_mem>>) src(%dma_wait3A_446 : memref<640xf32, #tpu.memory_space<vmem_shared>>) dst(%dma_wait3A_444 : memref<640xf32, #tpu.memory_space<vmem>>)
    %dma_wait3A_447 = arith.constant 7 : i32
    %dma_wait3A_448 = arith.constant 1 : i32
    %dma_wait3A_449 = arith.constant 7 : i32
    %dma_wait3A_450 = arith.constant 1 : i32
    %dma_wait3A_451 = arith.constant 0 : i32
    %dma_wait3A_452 = tpu.memref_slice %arg9[%dma_wait3A_449, %dma_wait3A_450, %dma_wait3A_451] : memref<16x2x640xf32, #tpu.memory_space<vmem>> -> memref<1x1x640xf32, #tpu.memory_space<vmem>>
    %dma_wait3A_453 = tpu.memref_squeeze %dma_wait3A_452 : memref<1x1x640xf32, #tpu.memory_space<vmem>> -> memref<640xf32, #tpu.memory_space<vmem>>
    %dma_wait3A_454 = tpu.memref_slice %arg11[%dma_wait3A_447, %dma_wait3A_448, %mul3A_206] : memref<16x2x10240xf32, #tpu.memory_space<vmem_shared>> -> memref<1x1x640xf32, #tpu.memory_space<vmem_shared>>
    %dma_wait3A_455 = tpu.memref_squeeze %dma_wait3A_454 : memref<1x1x640xf32, #tpu.memory_space<vmem_shared>> -> memref<640xf32, #tpu.memory_space<vmem_shared>>
    %dma_wait3A_456 = arith.constant 0 : i32
    %dma_wait3A_457 = tpu.memref_slice %arg9[%dma_wait3A_449, %dma_wait3A_450, %dma_wait3A_456] : memref<16x2x640xf32, #tpu.memory_space<vmem>> -> memref<1x1x640xf32, #tpu.memory_space<vmem>>
    %dma_wait3A_458 = tpu.memref_squeeze %dma_wait3A_457 : memref<1x1x640xf32, #tpu.memory_space<vmem>> -> memref<640xf32, #tpu.memory_space<vmem>>
    %dma_wait3A_459 = tpu.memref_slice %arg11[%dma_wait3A_447, %dma_wait3A_448, %mul3A_206] : memref<16x2x10240xf32, #tpu.memory_space<vmem_shared>> -> memref<1x1x640xf32, #tpu.memory_space<vmem_shared>>
    %dma_wait3A_460 = tpu.memref_squeeze %dma_wait3A_459 : memref<1x1x640xf32, #tpu.memory_space<vmem_shared>> -> memref<640xf32, #tpu.memory_space<vmem_shared>>
    tpu.wait_dma2 semaphore(%arg13 : memref<!tpu.dma_semaphore, #tpu.memory_space<semaphore_mem>>) src(%dma_wait3A_460 : memref<640xf32, #tpu.memory_space<vmem_shared>>) dst(%dma_wait3A_458 : memref<640xf32, #tpu.memory_space<vmem>>)
    %dma_wait3A_461 = arith.constant 8 : i32
    %dma_wait3A_462 = arith.constant 1 : i32
    %dma_wait3A_463 = arith.constant 8 : i32
    %dma_wait3A_464 = arith.constant 1 : i32
    %dma_wait3A_465 = arith.constant 0 : i32
    %dma_wait3A_466 = tpu.memref_slice %arg9[%dma_wait3A_463, %dma_wait3A_464, %dma_wait3A_465] : memref<16x2x640xf32, #tpu.memory_space<vmem>> -> memref<1x1x640xf32, #tpu.memory_space<vmem>>
    %dma_wait3A_467 = tpu.memref_squeeze %dma_wait3A_466 : memref<1x1x640xf32, #tpu.memory_space<vmem>> -> memref<640xf32, #tpu.memory_space<vmem>>
    %dma_wait3A_468 = tpu.memref_slice %arg11[%dma_wait3A_461, %dma_wait3A_462, %mul3A_222] : memref<16x2x10240xf32, #tpu.memory_space<vmem_shared>> -> memref<1x1x640xf32, #tpu.memory_space<vmem_shared>>
    %dma_wait3A_469 = tpu.memref_squeeze %dma_wait3A_468 : memref<1x1x640xf32, #tpu.memory_space<vmem_shared>> -> memref<640xf32, #tpu.memory_space<vmem_shared>>
    %dma_wait3A_470 = arith.constant 0 : i32
    %dma_wait3A_471 = tpu.memref_slice %arg9[%dma_wait3A_463, %dma_wait3A_464, %dma_wait3A_470] : memref<16x2x640xf32, #tpu.memory_space<vmem>> -> memref<1x1x640xf32, #tpu.memory_space<vmem>>
    %dma_wait3A_472 = tpu.memref_squeeze %dma_wait3A_471 : memref<1x1x640xf32, #tpu.memory_space<vmem>> -> memref<640xf32, #tpu.memory_space<vmem>>
    %dma_wait3A_473 = tpu.memref_slice %arg11[%dma_wait3A_461, %dma_wait3A_462, %mul3A_222] : memref<16x2x10240xf32, #tpu.memory_space<vmem_shared>> -> memref<1x1x640xf32, #tpu.memory_space<vmem_shared>>
    %dma_wait3A_474 = tpu.memref_squeeze %dma_wait3A_473 : memref<1x1x640xf32, #tpu.memory_space<vmem_shared>> -> memref<640xf32, #tpu.memory_space<vmem_shared>>
    tpu.wait_dma2 semaphore(%arg13 : memref<!tpu.dma_semaphore, #tpu.memory_space<semaphore_mem>>) src(%dma_wait3A_474 : memref<640xf32, #tpu.memory_space<vmem_shared>>) dst(%dma_wait3A_472 : memref<640xf32, #tpu.memory_space<vmem>>)
    %dma_wait3A_475 = arith.constant 9 : i32
    %dma_wait3A_476 = arith.constant 1 : i32
    %dma_wait3A_477 = arith.constant 9 : i32
    %dma_wait3A_478 = arith.constant 1 : i32
    %dma_wait3A_479 = arith.constant 0 : i32
    %dma_wait3A_480 = tpu.memref_slice %arg9[%dma_wait3A_477, %dma_wait3A_478, %dma_wait3A_479] : memref<16x2x640xf32, #tpu.memory_space<vmem>> -> memref<1x1x640xf32, #tpu.memory_space<vmem>>
    %dma_wait3A_481 = tpu.memref_squeeze %dma_wait3A_480 : memref<1x1x640xf32, #tpu.memory_space<vmem>> -> memref<640xf32, #tpu.memory_space<vmem>>
    %dma_wait3A_482 = tpu.memref_slice %arg11[%dma_wait3A_475, %dma_wait3A_476, %mul3A_238] : memref<16x2x10240xf32, #tpu.memory_space<vmem_shared>> -> memref<1x1x640xf32, #tpu.memory_space<vmem_shared>>
    %dma_wait3A_483 = tpu.memref_squeeze %dma_wait3A_482 : memref<1x1x640xf32, #tpu.memory_space<vmem_shared>> -> memref<640xf32, #tpu.memory_space<vmem_shared>>
    %dma_wait3A_484 = arith.constant 0 : i32
    %dma_wait3A_485 = tpu.memref_slice %arg9[%dma_wait3A_477, %dma_wait3A_478, %dma_wait3A_484] : memref<16x2x640xf32, #tpu.memory_space<vmem>> -> memref<1x1x640xf32, #tpu.memory_space<vmem>>
    %dma_wait3A_486 = tpu.memref_squeeze %dma_wait3A_485 : memref<1x1x640xf32, #tpu.memory_space<vmem>> -> memref<640xf32, #tpu.memory_space<vmem>>
    %dma_wait3A_487 = tpu.memref_slice %arg11[%dma_wait3A_475, %dma_wait3A_476, %mul3A_238] : memref<16x2x10240xf32, #tpu.memory_space<vmem_shared>> -> memref<1x1x640xf32, #tpu.memory_space<vmem_shared>>
    %dma_wait3A_488 = tpu.memref_squeeze %dma_wait3A_487 : memref<1x1x640xf32, #tpu.memory_space<vmem_shared>> -> memref<640xf32, #tpu.memory_space<vmem_shared>>
    tpu.wait_dma2 semaphore(%arg13 : memref<!tpu.dma_semaphore, #tpu.memory_space<semaphore_mem>>) src(%dma_wait3A_488 : memref<640xf32, #tpu.memory_space<vmem_shared>>) dst(%dma_wait3A_486 : memref<640xf32, #tpu.memory_space<vmem>>)
    %dma_wait3A_489 = arith.constant 10 : i32
    %dma_wait3A_490 = arith.constant 1 : i32
    %dma_wait3A_491 = arith.constant 10 : i32
    %dma_wait3A_492 = arith.constant 1 : i32
    %dma_wait3A_493 = arith.constant 0 : i32
    %dma_wait3A_494 = tpu.memref_slice %arg9[%dma_wait3A_491, %dma_wait3A_492, %dma_wait3A_493] : memref<16x2x640xf32, #tpu.memory_space<vmem>> -> memref<1x1x640xf32, #tpu.memory_space<vmem>>
    %dma_wait3A_495 = tpu.memref_squeeze %dma_wait3A_494 : memref<1x1x640xf32, #tpu.memory_space<vmem>> -> memref<640xf32, #tpu.memory_space<vmem>>
    %dma_wait3A_496 = tpu.memref_slice %arg11[%dma_wait3A_489, %dma_wait3A_490, %mul3A_254] : memref<16x2x10240xf32, #tpu.memory_space<vmem_shared>> -> memref<1x1x640xf32, #tpu.memory_space<vmem_shared>>
    %dma_wait3A_497 = tpu.memref_squeeze %dma_wait3A_496 : memref<1x1x640xf32, #tpu.memory_space<vmem_shared>> -> memref<640xf32, #tpu.memory_space<vmem_shared>>
    %dma_wait3A_498 = arith.constant 0 : i32
    %dma_wait3A_499 = tpu.memref_slice %arg9[%dma_wait3A_491, %dma_wait3A_492, %dma_wait3A_498] : memref<16x2x640xf32, #tpu.memory_space<vmem>> -> memref<1x1x640xf32, #tpu.memory_space<vmem>>
    %dma_wait3A_500 = tpu.memref_squeeze %dma_wait3A_499 : memref<1x1x640xf32, #tpu.memory_space<vmem>> -> memref<640xf32, #tpu.memory_space<vmem>>
    %dma_wait3A_501 = tpu.memref_slice %arg11[%dma_wait3A_489, %dma_wait3A_490, %mul3A_254] : memref<16x2x10240xf32, #tpu.memory_space<vmem_shared>> -> memref<1x1x640xf32, #tpu.memory_space<vmem_shared>>
    %dma_wait3A_502 = tpu.memref_squeeze %dma_wait3A_501 : memref<1x1x640xf32, #tpu.memory_space<vmem_shared>> -> memref<640xf32, #tpu.memory_space<vmem_shared>>
    tpu.wait_dma2 semaphore(%arg13 : memref<!tpu.dma_semaphore, #tpu.memory_space<semaphore_mem>>) src(%dma_wait3A_502 : memref<640xf32, #tpu.memory_space<vmem_shared>>) dst(%dma_wait3A_500 : memref<640xf32, #tpu.memory_space<vmem>>)
    %dma_wait3A_503 = arith.constant 11 : i32
    %dma_wait3A_504 = arith.constant 1 : i32
    %dma_wait3A_505 = arith.constant 11 : i32
    %dma_wait3A_506 = arith.constant 1 : i32
    %dma_wait3A_507 = arith.constant 0 : i32
    %dma_wait3A_508 = tpu.memref_slice %arg9[%dma_wait3A_505, %dma_wait3A_506, %dma_wait3A_507] : memref<16x2x640xf32, #tpu.memory_space<vmem>> -> memref<1x1x640xf32, #tpu.memory_space<vmem>>
    %dma_wait3A_509 = tpu.memref_squeeze %dma_wait3A_508 : memref<1x1x640xf32, #tpu.memory_space<vmem>> -> memref<640xf32, #tpu.memory_space<vmem>>
    %dma_wait3A_510 = tpu.memref_slice %arg11[%dma_wait3A_503, %dma_wait3A_504, %mul3A_270] : memref<16x2x10240xf32, #tpu.memory_space<vmem_shared>> -> memref<1x1x640xf32, #tpu.memory_space<vmem_shared>>
    %dma_wait3A_511 = tpu.memref_squeeze %dma_wait3A_510 : memref<1x1x640xf32, #tpu.memory_space<vmem_shared>> -> memref<640xf32, #tpu.memory_space<vmem_shared>>
    %dma_wait3A_512 = arith.constant 0 : i32
    %dma_wait3A_513 = tpu.memref_slice %arg9[%dma_wait3A_505, %dma_wait3A_506, %dma_wait3A_512] : memref<16x2x640xf32, #tpu.memory_space<vmem>> -> memref<1x1x640xf32, #tpu.memory_space<vmem>>
    %dma_wait3A_514 = tpu.memref_squeeze %dma_wait3A_513 : memref<1x1x640xf32, #tpu.memory_space<vmem>> -> memref<640xf32, #tpu.memory_space<vmem>>
    %dma_wait3A_515 = tpu.memref_slice %arg11[%dma_wait3A_503, %dma_wait3A_504, %mul3A_270] : memref<16x2x10240xf32, #tpu.memory_space<vmem_shared>> -> memref<1x1x640xf32, #tpu.memory_space<vmem_shared>>
    %dma_wait3A_516 = tpu.memref_squeeze %dma_wait3A_515 : memref<1x1x640xf32, #tpu.memory_space<vmem_shared>> -> memref<640xf32, #tpu.memory_space<vmem_shared>>
    tpu.wait_dma2 semaphore(%arg13 : memref<!tpu.dma_semaphore, #tpu.memory_space<semaphore_mem>>) src(%dma_wait3A_516 : memref<640xf32, #tpu.memory_space<vmem_shared>>) dst(%dma_wait3A_514 : memref<640xf32, #tpu.memory_space<vmem>>)
    %dma_wait3A_517 = arith.constant 12 : i32
    %dma_wait3A_518 = arith.constant 1 : i32
    %dma_wait3A_519 = arith.constant 12 : i32
    %dma_wait3A_520 = arith.constant 1 : i32
    %dma_wait3A_521 = arith.constant 0 : i32
    %dma_wait3A_522 = tpu.memref_slice %arg9[%dma_wait3A_519, %dma_wait3A_520, %dma_wait3A_521] : memref<16x2x640xf32, #tpu.memory_space<vmem>> -> memref<1x1x640xf32, #tpu.memory_space<vmem>>
    %dma_wait3A_523 = tpu.memref_squeeze %dma_wait3A_522 : memref<1x1x640xf32, #tpu.memory_space<vmem>> -> memref<640xf32, #tpu.memory_space<vmem>>
    %dma_wait3A_524 = tpu.memref_slice %arg11[%dma_wait3A_517, %dma_wait3A_518, %mul3A_286] : memref<16x2x10240xf32, #tpu.memory_space<vmem_shared>> -> memref<1x1x640xf32, #tpu.memory_space<vmem_shared>>
    %dma_wait3A_525 = tpu.memref_squeeze %dma_wait3A_524 : memref<1x1x640xf32, #tpu.memory_space<vmem_shared>> -> memref<640xf32, #tpu.memory_space<vmem_shared>>
    %dma_wait3A_526 = arith.constant 0 : i32
    %dma_wait3A_527 = tpu.memref_slice %arg9[%dma_wait3A_519, %dma_wait3A_520, %dma_wait3A_526] : memref<16x2x640xf32, #tpu.memory_space<vmem>> -> memref<1x1x640xf32, #tpu.memory_space<vmem>>
    %dma_wait3A_528 = tpu.memref_squeeze %dma_wait3A_527 : memref<1x1x640xf32, #tpu.memory_space<vmem>> -> memref<640xf32, #tpu.memory_space<vmem>>
    %dma_wait3A_529 = tpu.memref_slice %arg11[%dma_wait3A_517, %dma_wait3A_518, %mul3A_286] : memref<16x2x10240xf32, #tpu.memory_space<vmem_shared>> -> memref<1x1x640xf32, #tpu.memory_space<vmem_shared>>
    %dma_wait3A_530 = tpu.memref_squeeze %dma_wait3A_529 : memref<1x1x640xf32, #tpu.memory_space<vmem_shared>> -> memref<640xf32, #tpu.memory_space<vmem_shared>>
    tpu.wait_dma2 semaphore(%arg13 : memref<!tpu.dma_semaphore, #tpu.memory_space<semaphore_mem>>) src(%dma_wait3A_530 : memref<640xf32, #tpu.memory_space<vmem_shared>>) dst(%dma_wait3A_528 : memref<640xf32, #tpu.memory_space<vmem>>)
    %dma_wait3A_531 = arith.constant 13 : i32
    %dma_wait3A_532 = arith.constant 1 : i32
    %dma_wait3A_533 = arith.constant 13 : i32
    %dma_wait3A_534 = arith.constant 1 : i32
    %dma_wait3A_535 = arith.constant 0 : i32
    %dma_wait3A_536 = tpu.memref_slice %arg9[%dma_wait3A_533, %dma_wait3A_534, %dma_wait3A_535] : memref<16x2x640xf32, #tpu.memory_space<vmem>> -> memref<1x1x640xf32, #tpu.memory_space<vmem>>
    %dma_wait3A_537 = tpu.memref_squeeze %dma_wait3A_536 : memref<1x1x640xf32, #tpu.memory_space<vmem>> -> memref<640xf32, #tpu.memory_space<vmem>>
    %dma_wait3A_538 = tpu.memref_slice %arg11[%dma_wait3A_531, %dma_wait3A_532, %mul3A_302] : memref<16x2x10240xf32, #tpu.memory_space<vmem_shared>> -> memref<1x1x640xf32, #tpu.memory_space<vmem_shared>>
    %dma_wait3A_539 = tpu.memref_squeeze %dma_wait3A_538 : memref<1x1x640xf32, #tpu.memory_space<vmem_shared>> -> memref<640xf32, #tpu.memory_space<vmem_shared>>
    %dma_wait3A_540 = arith.constant 0 : i32
    %dma_wait3A_541 = tpu.memref_slice %arg9[%dma_wait3A_533, %dma_wait3A_534, %dma_wait3A_540] : memref<16x2x640xf32, #tpu.memory_space<vmem>> -> memref<1x1x640xf32, #tpu.memory_space<vmem>>
    %dma_wait3A_542 = tpu.memref_squeeze %dma_wait3A_541 : memref<1x1x640xf32, #tpu.memory_space<vmem>> -> memref<640xf32, #tpu.memory_space<vmem>>
    %dma_wait3A_543 = tpu.memref_slice %arg11[%dma_wait3A_531, %dma_wait3A_532, %mul3A_302] : memref<16x2x10240xf32, #tpu.memory_space<vmem_shared>> -> memref<1x1x640xf32, #tpu.memory_space<vmem_shared>>
    %dma_wait3A_544 = tpu.memref_squeeze %dma_wait3A_543 : memref<1x1x640xf32, #tpu.memory_space<vmem_shared>> -> memref<640xf32, #tpu.memory_space<vmem_shared>>
    tpu.wait_dma2 semaphore(%arg13 : memref<!tpu.dma_semaphore, #tpu.memory_space<semaphore_mem>>) src(%dma_wait3A_544 : memref<640xf32, #tpu.memory_space<vmem_shared>>) dst(%dma_wait3A_542 : memref<640xf32, #tpu.memory_space<vmem>>)
    %dma_wait3A_545 = arith.constant 14 : i32
    %dma_wait3A_546 = arith.constant 1 : i32
    %dma_wait3A_547 = arith.constant 14 : i32
    %dma_wait3A_548 = arith.constant 1 : i32
    %dma_wait3A_549 = arith.constant 0 : i32
    %dma_wait3A_550 = tpu.memref_slice %arg9[%dma_wait3A_547, %dma_wait3A_548, %dma_wait3A_549] : memref<16x2x640xf32, #tpu.memory_space<vmem>> -> memref<1x1x640xf32, #tpu.memory_space<vmem>>
    %dma_wait3A_551 = tpu.memref_squeeze %dma_wait3A_550 : memref<1x1x640xf32, #tpu.memory_space<vmem>> -> memref<640xf32, #tpu.memory_space<vmem>>
    %dma_wait3A_552 = tpu.memref_slice %arg11[%dma_wait3A_545, %dma_wait3A_546, %mul3A_318] : memref<16x2x10240xf32, #tpu.memory_space<vmem_shared>> -> memref<1x1x640xf32, #tpu.memory_space<vmem_shared>>
    %dma_wait3A_553 = tpu.memref_squeeze %dma_wait3A_552 : memref<1x1x640xf32, #tpu.memory_space<vmem_shared>> -> memref<640xf32, #tpu.memory_space<vmem_shared>>
    %dma_wait3A_554 = arith.constant 0 : i32
    %dma_wait3A_555 = tpu.memref_slice %arg9[%dma_wait3A_547, %dma_wait3A_548, %dma_wait3A_554] : memref<16x2x640xf32, #tpu.memory_space<vmem>> -> memref<1x1x640xf32, #tpu.memory_space<vmem>>
    %dma_wait3A_556 = tpu.memref_squeeze %dma_wait3A_555 : memref<1x1x640xf32, #tpu.memory_space<vmem>> -> memref<640xf32, #tpu.memory_space<vmem>>
    %dma_wait3A_557 = tpu.memref_slice %arg11[%dma_wait3A_545, %dma_wait3A_546, %mul3A_318] : memref<16x2x10240xf32, #tpu.memory_space<vmem_shared>> -> memref<1x1x640xf32, #tpu.memory_space<vmem_shared>>
    %dma_wait3A_558 = tpu.memref_squeeze %dma_wait3A_557 : memref<1x1x640xf32, #tpu.memory_space<vmem_shared>> -> memref<640xf32, #tpu.memory_space<vmem_shared>>
    tpu.wait_dma2 semaphore(%arg13 : memref<!tpu.dma_semaphore, #tpu.memory_space<semaphore_mem>>) src(%dma_wait3A_558 : memref<640xf32, #tpu.memory_space<vmem_shared>>) dst(%dma_wait3A_556 : memref<640xf32, #tpu.memory_space<vmem>>)
    %dma_wait3A_559 = arith.constant 15 : i32
    %dma_wait3A_560 = arith.constant 1 : i32
    %dma_wait3A_561 = arith.constant 15 : i32
    %dma_wait3A_562 = arith.constant 1 : i32
    %dma_wait3A_563 = arith.constant 0 : i32
    %dma_wait3A_564 = tpu.memref_slice %arg9[%dma_wait3A_561, %dma_wait3A_562, %dma_wait3A_563] : memref<16x2x640xf32, #tpu.memory_space<vmem>> -> memref<1x1x640xf32, #tpu.memory_space<vmem>>
    %dma_wait3A_565 = tpu.memref_squeeze %dma_wait3A_564 : memref<1x1x640xf32, #tpu.memory_space<vmem>> -> memref<640xf32, #tpu.memory_space<vmem>>
    %dma_wait3A_566 = tpu.memref_slice %arg11[%dma_wait3A_559, %dma_wait3A_560, %mul3A_334] : memref<16x2x10240xf32, #tpu.memory_space<vmem_shared>> -> memref<1x1x640xf32, #tpu.memory_space<vmem_shared>>
    %dma_wait3A_567 = tpu.memref_squeeze %dma_wait3A_566 : memref<1x1x640xf32, #tpu.memory_space<vmem_shared>> -> memref<640xf32, #tpu.memory_space<vmem_shared>>
    %dma_wait3A_568 = arith.constant 0 : i32
    %dma_wait3A_569 = tpu.memref_slice %arg9[%dma_wait3A_561, %dma_wait3A_562, %dma_wait3A_568] : memref<16x2x640xf32, #tpu.memory_space<vmem>> -> memref<1x1x640xf32, #tpu.memory_space<vmem>>
    %dma_wait3A_570 = tpu.memref_squeeze %dma_wait3A_569 : memref<1x1x640xf32, #tpu.memory_space<vmem>> -> memref<640xf32, #tpu.memory_space<vmem>>
    %dma_wait3A_571 = tpu.memref_slice %arg11[%dma_wait3A_559, %dma_wait3A_560, %mul3A_334] : memref<16x2x10240xf32, #tpu.memory_space<vmem_shared>> -> memref<1x1x640xf32, #tpu.memory_space<vmem_shared>>
    %dma_wait3A_572 = tpu.memref_squeeze %dma_wait3A_571 : memref<1x1x640xf32, #tpu.memory_space<vmem_shared>> -> memref<640xf32, #tpu.memory_space<vmem_shared>>
    tpu.wait_dma2 semaphore(%arg13 : memref<!tpu.dma_semaphore, #tpu.memory_space<semaphore_mem>>) src(%dma_wait3A_572 : memref<640xf32, #tpu.memory_space<vmem_shared>>) dst(%dma_wait3A_570 : memref<640xf32, #tpu.memory_space<vmem>>)
    %parallel_loop3A_573 = arith.constant 0 : i32
    %parallel_loop3A_574 = arith.constant 40 : i32
    %parallel_loop3A_575 = arith.constant 1 : i32
    scf.for %parallel_loop3A_619 = %parallel_loop3A_573 to %parallel_loop3A_574 step %parallel_loop3A_575  : i32 {
      %parallel_loop3A_620 = arith.constant 16 : i32
      %parallel_loop3A_621 = arith.muli %parallel_loop3A_619, %parallel_loop3A_620 : i32
      %parallel_loop3A_622 = arith.constant 0 : i32
      %parallel_loop3A_623 = arith.constant 1 : i32
      %parallel_loop3A_624 = arith.index_cast %parallel_loop3A_622 : i32 to index
      %parallel_loop3A_625 = arith.index_cast %parallel_loop3A_623 : i32 to index
      %parallel_loop3A_626 = arith.index_cast %parallel_loop3A_621 : i32 to index
      %parallel_loop3A_627 = tpu.vector_load %arg9[%parallel_loop3A_624, %parallel_loop3A_625, %parallel_loop3A_626] {strides = array<i32>} : memref<16x2x640xf32, #tpu.memory_space<vmem>>, vector<16xf32>,
      %parallel_loop3A_628 = arith.constant 1 : i32
      %parallel_loop3A_629 = arith.constant 1 : i32
      %parallel_loop3A_630 = arith.index_cast %parallel_loop3A_628 : i32 to index
      %parallel_loop3A_631 = arith.index_cast %parallel_loop3A_629 : i32 to index
      %parallel_loop3A_632 = arith.index_cast %parallel_loop3A_621 : i32 to index
      %parallel_loop3A_633 = tpu.vector_load %arg9[%parallel_loop3A_630, %parallel_loop3A_631, %parallel_loop3A_632] {strides = array<i32>} : memref<16x2x640xf32, #tpu.memory_space<vmem>>, vector<16xf32>,
      %parallel_loop3A_634 = arith.addf %parallel_loop3A_627, %parallel_loop3A_633 : vector<16xf32>
      %parallel_loop3A_635 = arith.constant 2 : i32
      %parallel_loop3A_636 = arith.constant 1 : i32
      %parallel_loop3A_637 = arith.index_cast %parallel_loop3A_635 : i32 to index
      %parallel_loop3A_638 = arith.index_cast %parallel_loop3A_636 : i32 to index
      %parallel_loop3A_639 = arith.index_cast %parallel_loop3A_621 : i32 to index
      %parallel_loop3A_640 = tpu.vector_load %arg9[%parallel_loop3A_637, %parallel_loop3A_638, %parallel_loop3A_639] {strides = array<i32>} : memref<16x2x640xf32, #tpu.memory_space<vmem>>, vector<16xf32>,
      %parallel_loop3A_641 = arith.addf %parallel_loop3A_634, %parallel_loop3A_640 : vector<16xf32>
      %parallel_loop3A_642 = arith.constant 3 : i32
      %parallel_loop3A_643 = arith.constant 1 : i32
      %parallel_loop3A_644 = arith.index_cast %parallel_loop3A_642 : i32 to index
      %parallel_loop3A_645 = arith.index_cast %parallel_loop3A_643 : i32 to index
      %parallel_loop3A_646 = arith.index_cast %parallel_loop3A_621 : i32 to index
      %parallel_loop3A_647 = tpu.vector_load %arg9[%parallel_loop3A_644, %parallel_loop3A_645, %parallel_loop3A_646] {strides = array<i32>} : memref<16x2x640xf32, #tpu.memory_space<vmem>>, vector<16xf32>,
      %parallel_loop3A_648 = arith.addf %parallel_loop3A_641, %parallel_loop3A_647 : vector<16xf32>
      %parallel_loop3A_649 = arith.constant 4 : i32
      %parallel_loop3A_650 = arith.constant 1 : i32
      %parallel_loop3A_651 = arith.index_cast %parallel_loop3A_649 : i32 to index
      %parallel_loop3A_652 = arith.index_cast %parallel_loop3A_650 : i32 to index
      %parallel_loop3A_653 = arith.index_cast %parallel_loop3A_621 : i32 to index
      %parallel_loop3A_654 = tpu.vector_load %arg9[%parallel_loop3A_651, %parallel_loop3A_652, %parallel_loop3A_653] {strides = array<i32>} : memref<16x2x640xf32, #tpu.memory_space<vmem>>, vector<16xf32>,
      %parallel_loop3A_655 = arith.addf %parallel_loop3A_648, %parallel_loop3A_654 : vector<16xf32>
      %parallel_loop3A_656 = arith.constant 5 : i32
      %parallel_loop3A_657 = arith.constant 1 : i32
      %parallel_loop3A_658 = arith.index_cast %parallel_loop3A_656 : i32 to index
      %parallel_loop3A_659 = arith.index_cast %parallel_loop3A_657 : i32 to index
      %parallel_loop3A_660 = arith.index_cast %parallel_loop3A_621 : i32 to index
      %parallel_loop3A_661 = tpu.vector_load %arg9[%parallel_loop3A_658, %parallel_loop3A_659, %parallel_loop3A_660] {strides = array<i32>} : memref<16x2x640xf32, #tpu.memory_space<vmem>>, vector<16xf32>,
      %parallel_loop3A_662 = arith.addf %parallel_loop3A_655, %parallel_loop3A_661 : vector<16xf32>
      %parallel_loop3A_663 = arith.constant 6 : i32
      %parallel_loop3A_664 = arith.constant 1 : i32
      %parallel_loop3A_665 = arith.index_cast %parallel_loop3A_663 : i32 to index
      %parallel_loop3A_666 = arith.index_cast %parallel_loop3A_664 : i32 to index
      %parallel_loop3A_667 = arith.index_cast %parallel_loop3A_621 : i32 to index
      %parallel_loop3A_668 = tpu.vector_load %arg9[%parallel_loop3A_665, %parallel_loop3A_666, %parallel_loop3A_667] {strides = array<i32>} : memref<16x2x640xf32, #tpu.memory_space<vmem>>, vector<16xf32>,
      %parallel_loop3A_669 = arith.addf %parallel_loop3A_662, %parallel_loop3A_668 : vector<16xf32>
      %parallel_loop3A_670 = arith.constant 7 : i32
      %parallel_loop3A_671 = arith.constant 1 : i32
      %parallel_loop3A_672 = arith.index_cast %parallel_loop3A_670 : i32 to index
      %parallel_loop3A_673 = arith.index_cast %parallel_loop3A_671 : i32 to index
      %parallel_loop3A_674 = arith.index_cast %parallel_loop3A_621 : i32 to index
      %parallel_loop3A_675 = tpu.vector_load %arg9[%parallel_loop3A_672, %parallel_loop3A_673, %parallel_loop3A_674] {strides = array<i32>} : memref<16x2x640xf32, #tpu.memory_space<vmem>>, vector<16xf32>,
      %parallel_loop3A_676 = arith.addf %parallel_loop3A_669, %parallel_loop3A_675 : vector<16xf32>
      %parallel_loop3A_677 = arith.constant 8 : i32
      %parallel_loop3A_678 = arith.constant 1 : i32
      %parallel_loop3A_679 = arith.index_cast %parallel_loop3A_677 : i32 to index
      %parallel_loop3A_680 = arith.index_cast %parallel_loop3A_678 : i32 to index
      %parallel_loop3A_681 = arith.index_cast %parallel_loop3A_621 : i32 to index
      %parallel_loop3A_682 = tpu.vector_load %arg9[%parallel_loop3A_679, %parallel_loop3A_680, %parallel_loop3A_681] {strides = array<i32>} : memref<16x2x640xf32, #tpu.memory_space<vmem>>, vector<16xf32>,
      %parallel_loop3A_683 = arith.addf %parallel_loop3A_676, %parallel_loop3A_682 : vector<16xf32>
      %parallel_loop3A_684 = arith.constant 9 : i32
      %parallel_loop3A_685 = arith.constant 1 : i32
      %parallel_loop3A_686 = arith.index_cast %parallel_loop3A_684 : i32 to index
      %parallel_loop3A_687 = arith.index_cast %parallel_loop3A_685 : i32 to index
      %parallel_loop3A_688 = arith.index_cast %parallel_loop3A_621 : i32 to index
      %parallel_loop3A_689 = tpu.vector_load %arg9[%parallel_loop3A_686, %parallel_loop3A_687, %parallel_loop3A_688] {strides = array<i32>} : memref<16x2x640xf32, #tpu.memory_space<vmem>>, vector<16xf32>,
      %parallel_loop3A_690 = arith.addf %parallel_loop3A_683, %parallel_loop3A_689 : vector<16xf32>
      %parallel_loop3A_691 = arith.constant 10 : i32
      %parallel_loop3A_692 = arith.constant 1 : i32
      %parallel_loop3A_693 = arith.index_cast %parallel_loop3A_691 : i32 to index
      %parallel_loop3A_694 = arith.index_cast %parallel_loop3A_692 : i32 to index
      %parallel_loop3A_695 = arith.index_cast %parallel_loop3A_621 : i32 to index
      %parallel_loop3A_696 = tpu.vector_load %arg9[%parallel_loop3A_693, %parallel_loop3A_694, %parallel_loop3A_695] {strides = array<i32>} : memref<16x2x640xf32, #tpu.memory_space<vmem>>, vector<16xf32>,
      %parallel_loop3A_697 = arith.addf %parallel_loop3A_690, %parallel_loop3A_696 : vector<16xf32>
      %parallel_loop3A_698 = arith.constant 11 : i32
      %parallel_loop3A_699 = arith.constant 1 : i32
      %parallel_loop3A_700 = arith.index_cast %parallel_loop3A_698 : i32 to index
      %parallel_loop3A_701 = arith.index_cast %parallel_loop3A_699 : i32 to index
      %parallel_loop3A_702 = arith.index_cast %parallel_loop3A_621 : i32 to index
      %parallel_loop3A_703 = tpu.vector_load %arg9[%parallel_loop3A_700, %parallel_loop3A_701, %parallel_loop3A_702] {strides = array<i32>} : memref<16x2x640xf32, #tpu.memory_space<vmem>>, vector<16xf32>,
      %parallel_loop3A_704 = arith.addf %parallel_loop3A_697, %parallel_loop3A_703 : vector<16xf32>
      %parallel_loop3A_705 = arith.constant 12 : i32
      %parallel_loop3A_706 = arith.constant 1 : i32
      %parallel_loop3A_707 = arith.index_cast %parallel_loop3A_705 : i32 to index
      %parallel_loop3A_708 = arith.index_cast %parallel_loop3A_706 : i32 to index
      %parallel_loop3A_709 = arith.index_cast %parallel_loop3A_621 : i32 to index
      %parallel_loop3A_710 = tpu.vector_load %arg9[%parallel_loop3A_707, %parallel_loop3A_708, %parallel_loop3A_709] {strides = array<i32>} : memref<16x2x640xf32, #tpu.memory_space<vmem>>, vector<16xf32>,
      %parallel_loop3A_711 = arith.addf %parallel_loop3A_704, %parallel_loop3A_710 : vector<16xf32>
      %parallel_loop3A_712 = arith.constant 13 : i32
      %parallel_loop3A_713 = arith.constant 1 : i32
      %parallel_loop3A_714 = arith.index_cast %parallel_loop3A_712 : i32 to index
      %parallel_loop3A_715 = arith.index_cast %parallel_loop3A_713 : i32 to index
      %parallel_loop3A_716 = arith.index_cast %parallel_loop3A_621 : i32 to index
      %parallel_loop3A_717 = tpu.vector_load %arg9[%parallel_loop3A_714, %parallel_loop3A_715, %parallel_loop3A_716] {strides = array<i32>} : memref<16x2x640xf32, #tpu.memory_space<vmem>>, vector<16xf32>,
      %parallel_loop3A_718 = arith.addf %parallel_loop3A_711, %parallel_loop3A_717 : vector<16xf32>
      %parallel_loop3A_719 = arith.constant 14 : i32
      %parallel_loop3A_720 = arith.constant 1 : i32
      %parallel_loop3A_721 = arith.index_cast %parallel_loop3A_719 : i32 to index
      %parallel_loop3A_722 = arith.index_cast %parallel_loop3A_720 : i32 to index
      %parallel_loop3A_723 = arith.index_cast %parallel_loop3A_621 : i32 to index
      %parallel_loop3A_724 = tpu.vector_load %arg9[%parallel_loop3A_721, %parallel_loop3A_722, %parallel_loop3A_723] {strides = array<i32>} : memref<16x2x640xf32, #tpu.memory_space<vmem>>, vector<16xf32>,
      %parallel_loop3A_725 = arith.addf %parallel_loop3A_718, %parallel_loop3A_724 : vector<16xf32>
      %parallel_loop3A_726 = arith.constant 15 : i32
      %parallel_loop3A_727 = arith.constant 1 : i32
      %parallel_loop3A_728 = arith.index_cast %parallel_loop3A_726 : i32 to index
      %parallel_loop3A_729 = arith.index_cast %parallel_loop3A_727 : i32 to index
      %parallel_loop3A_730 = arith.index_cast %parallel_loop3A_621 : i32 to index
      %parallel_loop3A_731 = tpu.vector_load %arg9[%parallel_loop3A_728, %parallel_loop3A_729, %parallel_loop3A_730] {strides = array<i32>} : memref<16x2x640xf32, #tpu.memory_space<vmem>>, vector<16xf32>,
      %parallel_loop3A_732 = arith.addf %parallel_loop3A_725, %parallel_loop3A_731 : vector<16xf32>
      %parallel_loop3A_733 = arith.constant 1 : i32
      %parallel_loop3A_734 = arith.index_cast %parallel_loop3A_733 : i32 to index
      %parallel_loop3A_735 = arith.index_cast %parallel_loop3A_621 : i32 to index
      %parallel_loop3A_736 = tpu.vector_load %arg10[%parallel_loop3A_734, %parallel_loop3A_735] {strides = array<i32>} : memref<2x640xf32, #tpu.memory_space<vmem>>, vector<16xf32>,
      tpu.vector_store %arg10[%parallel_loop3A_734, %parallel_loop3A_735], %parallel_loop3A_732 {strides = array<i32>} : memref<2x640xf32, #tpu.memory_space<vmem>>, vector<16xf32>,
    } {sc.loop_unroll_factor = 4 : i64, sc.parallel_access}
    %broadcast_in_dim3A_576 = arith.constant 1597463007 : i32
    %broadcast_in_dim3A_577 = vector.broadcast %broadcast_in_dim3A_576 : i32 to vector<16xi32>
    %broadcast_in_dim3A_578 = arith.constant 5.000000e-01 : f32
    %broadcast_in_dim3A_579 = vector.broadcast %broadcast_in_dim3A_578 : f32 to vector<16xf32>
    %broadcast_in_dim3A_580 = arith.constant 1.500000e+00 : f32
    %broadcast_in_dim3A_581 = vector.broadcast %broadcast_in_dim3A_580 : f32 to vector<16xf32>
    %parallel_loop3A_582 = arith.constant 0 : i32
    %parallel_loop3A_583 = arith.constant 40 : i32
    %parallel_loop3A_584 = arith.constant 1 : i32
    scf.for %parallel_loop3A_619 = %parallel_loop3A_582 to %parallel_loop3A_583 step %parallel_loop3A_584  : i32 {
      %parallel_loop3A_620 = arith.constant 16 : i32
      %parallel_loop3A_621 = arith.muli %parallel_loop3A_619, %parallel_loop3A_620 : i32
      %parallel_loop3A_622 = arith.constant 1 : i32
      %parallel_loop3A_623 = arith.index_cast %parallel_loop3A_622 : i32 to index
      %parallel_loop3A_624 = arith.index_cast %parallel_loop3A_621 : i32 to index
      %parallel_loop3A_625 = tpu.vector_load %arg10[%parallel_loop3A_623, %parallel_loop3A_624] {strides = array<i32>} : memref<2x640xf32, #tpu.memory_space<vmem>>, vector<16xf32>,
      %parallel_loop3A_626 = arith.maximumf %parallel_loop3A_625, %broadcast_in_dim3A_2 : vector<16xf32>
      %parallel_loop3A_627 = vector.bitcast %parallel_loop3A_626 : vector<16xf32> to vector<16xi32>
      %parallel_loop3A_628 = arith.constant 1 : i32
      %parallel_loop3A_629 = vector.broadcast %parallel_loop3A_628 : i32 to vector<16xi32>
      %parallel_loop3A_630 = arith.shrsi %parallel_loop3A_627, %parallel_loop3A_629 : vector<16xi32>
      %parallel_loop3A_631 = arith.subi %broadcast_in_dim3A_577, %parallel_loop3A_630 : vector<16xi32>
      %parallel_loop3A_632 = vector.bitcast %parallel_loop3A_631 : vector<16xi32> to vector<16xf32>
      %parallel_loop3A_633 = arith.mulf %broadcast_in_dim3A_579, %parallel_loop3A_626 : vector<16xf32>
      %parallel_loop3A_634 = arith.mulf %parallel_loop3A_633, %parallel_loop3A_632 : vector<16xf32>
      %parallel_loop3A_635 = arith.mulf %parallel_loop3A_634, %parallel_loop3A_632 : vector<16xf32>
      %parallel_loop3A_636 = arith.subf %broadcast_in_dim3A_581, %parallel_loop3A_635 : vector<16xf32>
      %parallel_loop3A_637 = arith.mulf %parallel_loop3A_632, %parallel_loop3A_636 : vector<16xf32>
      %parallel_loop3A_638 = arith.mulf %broadcast_in_dim3A_579, %parallel_loop3A_626 : vector<16xf32>
      %parallel_loop3A_639 = arith.mulf %parallel_loop3A_638, %parallel_loop3A_637 : vector<16xf32>
      %parallel_loop3A_640 = arith.mulf %parallel_loop3A_639, %parallel_loop3A_637 : vector<16xf32>
      %parallel_loop3A_641 = arith.subf %broadcast_in_dim3A_581, %parallel_loop3A_640 : vector<16xf32>
      %parallel_loop3A_642 = arith.mulf %parallel_loop3A_637, %parallel_loop3A_641 : vector<16xf32>
      %parallel_loop3A_643 = arith.mulf %broadcast_in_dim3A_579, %parallel_loop3A_626 : vector<16xf32>
      %parallel_loop3A_644 = arith.mulf %parallel_loop3A_643, %parallel_loop3A_642 : vector<16xf32>
      %parallel_loop3A_645 = arith.mulf %parallel_loop3A_644, %parallel_loop3A_642 : vector<16xf32>
      %parallel_loop3A_646 = arith.subf %broadcast_in_dim3A_581, %parallel_loop3A_645 : vector<16xf32>
      %parallel_loop3A_647 = arith.mulf %parallel_loop3A_642, %parallel_loop3A_646 : vector<16xf32>
      %parallel_loop3A_648 = arith.constant 1 : i32
      %parallel_loop3A_649 = arith.index_cast %parallel_loop3A_648 : i32 to index
      %parallel_loop3A_650 = arith.index_cast %parallel_loop3A_621 : i32 to index
      %parallel_loop3A_651 = tpu.vector_load %arg10[%parallel_loop3A_649, %parallel_loop3A_650] {strides = array<i32>} : memref<2x640xf32, #tpu.memory_space<vmem>>, vector<16xf32>,
      tpu.vector_store %arg10[%parallel_loop3A_649, %parallel_loop3A_650], %parallel_loop3A_647 {strides = array<i32>} : memref<2x640xf32, #tpu.memory_space<vmem>>, vector<16xf32>,
    } {sc.loop_unroll_factor = 4 : i64, sc.parallel_access}
    %mul3A_585 = arith.constant 640 : i32
    %mul3A_586 = arith.muli %arg1, %mul3A_585 : i32
    %dma_start3A_587 = arith.constant 1 : i32
    %dma_start3A_588 = arith.constant 0 : i32
    %dma_start3A_589 = tpu.memref_slice %arg10[%dma_start3A_587, %dma_start3A_588] : memref<2x640xf32, #tpu.memory_space<vmem>> -> memref<1x640xf32, #tpu.memory_space<vmem>>
    %dma_start3A_590 = tpu.memref_squeeze %dma_start3A_589 : memref<1x640xf32, #tpu.memory_space<vmem>> -> memref<640xf32, #tpu.memory_space<vmem>>
    %dma_start3A_591 = tpu.memref_slice %arg12[%mul3A_586] : memref<10240xf32, #tpu.memory_space<vmem_shared>> -> memref<640xf32, #tpu.memory_space<vmem_shared>>
    %dma_start3A_592 = tpu.memref_slice %arg12[%mul3A_586] : memref<10240xf32, #tpu.memory_space<vmem_shared>> -> memref<640xf32, #tpu.memory_space<vmem_shared>>
    %dma_start3A_593 = arith.constant 0 : i32
    %dma_start3A_594 = tpu.memref_slice %arg10[%dma_start3A_587, %dma_start3A_593] : memref<2x640xf32, #tpu.memory_space<vmem>> -> memref<1x640xf32, #tpu.memory_space<vmem>>
    %dma_start3A_595 = tpu.memref_squeeze %dma_start3A_594 : memref<1x640xf32, #tpu.memory_space<vmem>> -> memref<640xf32, #tpu.memory_space<vmem>>
    tpu.enqueue_dma source(%dma_start3A_595 : memref<640xf32, #tpu.memory_space<vmem>>) target(%dma_start3A_592 : memref<640xf32, #tpu.memory_space<vmem_shared>>) target_semaphore(%arg13 : memref<!tpu.dma_semaphore, #tpu.memory_space<semaphore_mem>>)
    %dma_wait3A_596 = arith.constant 1 : i32
    %dma_wait3A_597 = arith.constant 0 : i32
    %dma_wait3A_598 = tpu.memref_slice %arg10[%dma_wait3A_596, %dma_wait3A_597] : memref<2x640xf32, #tpu.memory_space<vmem>> -> memref<1x640xf32, #tpu.memory_space<vmem>>
    %dma_wait3A_599 = tpu.memref_squeeze %dma_wait3A_598 : memref<1x640xf32, #tpu.memory_space<vmem>> -> memref<640xf32, #tpu.memory_space<vmem>>
    %dma_wait3A_600 = tpu.memref_slice %arg12[%mul3A_586] : memref<10240xf32, #tpu.memory_space<vmem_shared>> -> memref<640xf32, #tpu.memory_space<vmem_shared>>
    %dma_wait3A_601 = tpu.memref_slice %arg12[%mul3A_586] : memref<10240xf32, #tpu.memory_space<vmem_shared>> -> memref<640xf32, #tpu.memory_space<vmem_shared>>
    %dma_wait3A_602 = arith.constant 0 : i32
    %dma_wait3A_603 = tpu.memref_slice %arg10[%dma_wait3A_596, %dma_wait3A_602] : memref<2x640xf32, #tpu.memory_space<vmem>> -> memref<1x640xf32, #tpu.memory_space<vmem>>
    %dma_wait3A_604 = tpu.memref_squeeze %dma_wait3A_603 : memref<1x640xf32, #tpu.memory_space<vmem>> -> memref<640xf32, #tpu.memory_space<vmem>>
    tpu.wait_dma2 semaphore(%arg13 : memref<!tpu.dma_semaphore, #tpu.memory_space<semaphore_mem>>) src(%dma_wait3A_604 : memref<640xf32, #tpu.memory_space<vmem>>) dst(%dma_wait3A_601 : memref<640xf32, #tpu.memory_space<vmem_shared>>)
    %barrier3A_605 = arith.constant 0 : index
    tpu.barrier barrier_id(%barrier3A_605)
    tpu.enqueue_dma source(%arg12 : memref<10240xf32, #tpu.memory_space<vmem_shared>>) target(%arg7 : memref<10240xf32, #tpu.memory_space<vmem>>) target_semaphore(%arg13 : memref<!tpu.dma_semaphore, #tpu.memory_space<semaphore_mem>>)
    tpu.wait_dma2 semaphore(%arg13 : memref<!tpu.dma_semaphore, #tpu.memory_space<semaphore_mem>>) src(%arg12 : memref<10240xf32, #tpu.memory_space<vmem_shared>>) dst(%arg7 : memref<10240xf32, #tpu.memory_space<vmem>>)
    %eq3A_606 = arith.constant 0 : i32
    %eq3A_607 = arith.cmpi eq, %arg0, %eq3A_606 : i32
    %convert_element_type3A_608 = arith.extui %eq3A_607 : i1 to i32
    %cond3A_609 = arith.constant 0 : i32
    %cond3A_610 = arith.cmpi ne, %convert_element_type3A_608, %cond3A_609 : i32
    scf.if %cond3A_610 {
      %mul3A_619 = arith.constant 640 : i32
      %mul3A_620 = arith.muli %arg1, %mul3A_619 : i32
      %dma_start3A_621 = arith.constant 0 : i32
      %dma_start3A_622 = arith.constant 0 : i32
      %dma_start3A_623 = arith.constant 0 : i32
      %dma_start3A_624 = arith.constant 0 : i32
      %dma_start3A_625 = arith.constant 0 : i32
      %dma_start3A_626 = tpu.memref_slice %arg9[%dma_start3A_623, %dma_start3A_624, %dma_start3A_625] : memref<16x2x640xf32, #tpu.memory_space<vmem>> -> memref<1x1x640xf32, #tpu.memory_space<vmem>>
      %dma_start3A_627 = tpu.memref_squeeze %dma_start3A_626 : memref<1x1x640xf32, #tpu.memory_space<vmem>> -> memref<640xf32, #tpu.memory_space<vmem>>
      %dma_start3A_628 = tpu.memref_slice %arg11[%dma_start3A_621, %dma_start3A_622, %mul3A_620] : memref<16x2x10240xf32, #tpu.memory_space<vmem_shared>> -> memref<1x1x640xf32, #tpu.memory_space<vmem_shared>>
      %dma_start3A_629 = tpu.memref_squeeze %dma_start3A_628 : memref<1x1x640xf32, #tpu.memory_space<vmem_shared>> -> memref<640xf32, #tpu.memory_space<vmem_shared>>
      %dma_start3A_630 = arith.constant 0 : i32
      %dma_start3A_631 = tpu.memref_slice %arg9[%dma_start3A_623, %dma_start3A_624, %dma_start3A_630] : memref<16x2x640xf32, #tpu.memory_space<vmem>> -> memref<1x1x640xf32, #tpu.memory_space<vmem>>
      %dma_start3A_632 = tpu.memref_squeeze %dma_start3A_631 : memref<1x1x640xf32, #tpu.memory_space<vmem>> -> memref<640xf32, #tpu.memory_space<vmem>>
      %dma_start3A_633 = tpu.memref_slice %arg11[%dma_start3A_621, %dma_start3A_622, %mul3A_620] : memref<16x2x10240xf32, #tpu.memory_space<vmem_shared>> -> memref<1x1x640xf32, #tpu.memory_space<vmem_shared>>
      %dma_start3A_634 = tpu.memref_squeeze %dma_start3A_633 : memref<1x1x640xf32, #tpu.memory_space<vmem_shared>> -> memref<640xf32, #tpu.memory_space<vmem_shared>>
      tpu.enqueue_dma source(%dma_start3A_634 : memref<640xf32, #tpu.memory_space<vmem_shared>>) target(%dma_start3A_632 : memref<640xf32, #tpu.memory_space<vmem>>) target_semaphore(%arg14 : memref<!tpu.dma_semaphore, #tpu.memory_space<semaphore_mem>>)
      %mul3A_635 = arith.constant 640 : i32
      %mul3A_636 = arith.muli %arg1, %mul3A_635 : i32
      %dma_start3A_637 = arith.constant 1 : i32
      %dma_start3A_638 = arith.constant 0 : i32
      %dma_start3A_639 = arith.constant 1 : i32
      %dma_start3A_640 = arith.constant 0 : i32
      %dma_start3A_641 = arith.constant 0 : i32
      %dma_start3A_642 = tpu.memref_slice %arg9[%dma_start3A_639, %dma_start3A_640, %dma_start3A_641] : memref<16x2x640xf32, #tpu.memory_space<vmem>> -> memref<1x1x640xf32, #tpu.memory_space<vmem>>
      %dma_start3A_643 = tpu.memref_squeeze %dma_start3A_642 : memref<1x1x640xf32, #tpu.memory_space<vmem>> -> memref<640xf32, #tpu.memory_space<vmem>>
      %dma_start3A_644 = tpu.memref_slice %arg11[%dma_start3A_637, %dma_start3A_638, %mul3A_636] : memref<16x2x10240xf32, #tpu.memory_space<vmem_shared>> -> memref<1x1x640xf32, #tpu.memory_space<vmem_shared>>
      %dma_start3A_645 = tpu.memref_squeeze %dma_start3A_644 : memref<1x1x640xf32, #tpu.memory_space<vmem_shared>> -> memref<640xf32, #tpu.memory_space<vmem_shared>>
      %dma_start3A_646 = arith.constant 0 : i32
      %dma_start3A_647 = tpu.memref_slice %arg9[%dma_start3A_639, %dma_start3A_640, %dma_start3A_646] : memref<16x2x640xf32, #tpu.memory_space<vmem>> -> memref<1x1x640xf32, #tpu.memory_space<vmem>>
      %dma_start3A_648 = tpu.memref_squeeze %dma_start3A_647 : memref<1x1x640xf32, #tpu.memory_space<vmem>> -> memref<640xf32, #tpu.memory_space<vmem>>
      %dma_start3A_649 = tpu.memref_slice %arg11[%dma_start3A_637, %dma_start3A_638, %mul3A_636] : memref<16x2x10240xf32, #tpu.memory_space<vmem_shared>> -> memref<1x1x640xf32, #tpu.memory_space<vmem_shared>>
      %dma_start3A_650 = tpu.memref_squeeze %dma_start3A_649 : memref<1x1x640xf32, #tpu.memory_space<vmem_shared>> -> memref<640xf32, #tpu.memory_space<vmem_shared>>
      tpu.enqueue_dma source(%dma_start3A_650 : memref<640xf32, #tpu.memory_space<vmem_shared>>) target(%dma_start3A_648 : memref<640xf32, #tpu.memory_space<vmem>>) target_semaphore(%arg14 : memref<!tpu.dma_semaphore, #tpu.memory_space<semaphore_mem>>)
      %mul3A_651 = arith.constant 640 : i32
      %mul3A_652 = arith.muli %arg1, %mul3A_651 : i32
      %dma_start3A_653 = arith.constant 2 : i32
      %dma_start3A_654 = arith.constant 0 : i32
      %dma_start3A_655 = arith.constant 2 : i32
      %dma_start3A_656 = arith.constant 0 : i32
      %dma_start3A_657 = arith.constant 0 : i32
      %dma_start3A_658 = tpu.memref_slice %arg9[%dma_start3A_655, %dma_start3A_656, %dma_start3A_657] : memref<16x2x640xf32, #tpu.memory_space<vmem>> -> memref<1x1x640xf32, #tpu.memory_space<vmem>>
      %dma_start3A_659 = tpu.memref_squeeze %dma_start3A_658 : memref<1x1x640xf32, #tpu.memory_space<vmem>> -> memref<640xf32, #tpu.memory_space<vmem>>
      %dma_start3A_660 = tpu.memref_slice %arg11[%dma_start3A_653, %dma_start3A_654, %mul3A_652] : memref<16x2x10240xf32, #tpu.memory_space<vmem_shared>> -> memref<1x1x640xf32, #tpu.memory_space<vmem_shared>>
      %dma_start3A_661 = tpu.memref_squeeze %dma_start3A_660 : memref<1x1x640xf32, #tpu.memory_space<vmem_shared>> -> memref<640xf32, #tpu.memory_space<vmem_shared>>
      %dma_start3A_662 = arith.constant 0 : i32
      %dma_start3A_663 = tpu.memref_slice %arg9[%dma_start3A_655, %dma_start3A_656, %dma_start3A_662] : memref<16x2x640xf32, #tpu.memory_space<vmem>> -> memref<1x1x640xf32, #tpu.memory_space<vmem>>
      %dma_start3A_664 = tpu.memref_squeeze %dma_start3A_663 : memref<1x1x640xf32, #tpu.memory_space<vmem>> -> memref<640xf32, #tpu.memory_space<vmem>>
      %dma_start3A_665 = tpu.memref_slice %arg11[%dma_start3A_653, %dma_start3A_654, %mul3A_652] : memref<16x2x10240xf32, #tpu.memory_space<vmem_shared>> -> memref<1x1x640xf32, #tpu.memory_space<vmem_shared>>
      %dma_start3A_666 = tpu.memref_squeeze %dma_start3A_665 : memref<1x1x640xf32, #tpu.memory_space<vmem_shared>> -> memref<640xf32, #tpu.memory_space<vmem_shared>>
      tpu.enqueue_dma source(%dma_start3A_666 : memref<640xf32, #tpu.memory_space<vmem_shared>>) target(%dma_start3A_664 : memref<640xf32, #tpu.memory_space<vmem>>) target_semaphore(%arg14 : memref<!tpu.dma_semaphore, #tpu.memory_space<semaphore_mem>>)
      %mul3A_667 = arith.constant 640 : i32
      %mul3A_668 = arith.muli %arg1, %mul3A_667 : i32
      %dma_start3A_669 = arith.constant 3 : i32
      %dma_start3A_670 = arith.constant 0 : i32
      %dma_start3A_671 = arith.constant 3 : i32
      %dma_start3A_672 = arith.constant 0 : i32
      %dma_start3A_673 = arith.constant 0 : i32
      %dma_start3A_674 = tpu.memref_slice %arg9[%dma_start3A_671, %dma_start3A_672, %dma_start3A_673] : memref<16x2x640xf32, #tpu.memory_space<vmem>> -> memref<1x1x640xf32, #tpu.memory_space<vmem>>
      %dma_start3A_675 = tpu.memref_squeeze %dma_start3A_674 : memref<1x1x640xf32, #tpu.memory_space<vmem>> -> memref<640xf32, #tpu.memory_space<vmem>>
      %dma_start3A_676 = tpu.memref_slice %arg11[%dma_start3A_669, %dma_start3A_670, %mul3A_668] : memref<16x2x10240xf32, #tpu.memory_space<vmem_shared>> -> memref<1x1x640xf32, #tpu.memory_space<vmem_shared>>
      %dma_start3A_677 = tpu.memref_squeeze %dma_start3A_676 : memref<1x1x640xf32, #tpu.memory_space<vmem_shared>> -> memref<640xf32, #tpu.memory_space<vmem_shared>>
      %dma_start3A_678 = arith.constant 0 : i32
      %dma_start3A_679 = tpu.memref_slice %arg9[%dma_start3A_671, %dma_start3A_672, %dma_start3A_678] : memref<16x2x640xf32, #tpu.memory_space<vmem>> -> memref<1x1x640xf32, #tpu.memory_space<vmem>>
      %dma_start3A_680 = tpu.memref_squeeze %dma_start3A_679 : memref<1x1x640xf32, #tpu.memory_space<vmem>> -> memref<640xf32, #tpu.memory_space<vmem>>
      %dma_start3A_681 = tpu.memref_slice %arg11[%dma_start3A_669, %dma_start3A_670, %mul3A_668] : memref<16x2x10240xf32, #tpu.memory_space<vmem_shared>> -> memref<1x1x640xf32, #tpu.memory_space<vmem_shared>>
      %dma_start3A_682 = tpu.memref_squeeze %dma_start3A_681 : memref<1x1x640xf32, #tpu.memory_space<vmem_shared>> -> memref<640xf32, #tpu.memory_space<vmem_shared>>
      tpu.enqueue_dma source(%dma_start3A_682 : memref<640xf32, #tpu.memory_space<vmem_shared>>) target(%dma_start3A_680 : memref<640xf32, #tpu.memory_space<vmem>>) target_semaphore(%arg14 : memref<!tpu.dma_semaphore, #tpu.memory_space<semaphore_mem>>)
      %mul3A_683 = arith.constant 640 : i32
      %mul3A_684 = arith.muli %arg1, %mul3A_683 : i32
      %dma_start3A_685 = arith.constant 4 : i32
      %dma_start3A_686 = arith.constant 0 : i32
      %dma_start3A_687 = arith.constant 4 : i32
      %dma_start3A_688 = arith.constant 0 : i32
      %dma_start3A_689 = arith.constant 0 : i32
      %dma_start3A_690 = tpu.memref_slice %arg9[%dma_start3A_687, %dma_start3A_688, %dma_start3A_689] : memref<16x2x640xf32, #tpu.memory_space<vmem>> -> memref<1x1x640xf32, #tpu.memory_space<vmem>>
      %dma_start3A_691 = tpu.memref_squeeze %dma_start3A_690 : memref<1x1x640xf32, #tpu.memory_space<vmem>> -> memref<640xf32, #tpu.memory_space<vmem>>
      %dma_start3A_692 = tpu.memref_slice %arg11[%dma_start3A_685, %dma_start3A_686, %mul3A_684] : memref<16x2x10240xf32, #tpu.memory_space<vmem_shared>> -> memref<1x1x640xf32, #tpu.memory_space<vmem_shared>>
      %dma_start3A_693 = tpu.memref_squeeze %dma_start3A_692 : memref<1x1x640xf32, #tpu.memory_space<vmem_shared>> -> memref<640xf32, #tpu.memory_space<vmem_shared>>
      %dma_start3A_694 = arith.constant 0 : i32
      %dma_start3A_695 = tpu.memref_slice %arg9[%dma_start3A_687, %dma_start3A_688, %dma_start3A_694] : memref<16x2x640xf32, #tpu.memory_space<vmem>> -> memref<1x1x640xf32, #tpu.memory_space<vmem>>
      %dma_start3A_696 = tpu.memref_squeeze %dma_start3A_695 : memref<1x1x640xf32, #tpu.memory_space<vmem>> -> memref<640xf32, #tpu.memory_space<vmem>>
      %dma_start3A_697 = tpu.memref_slice %arg11[%dma_start3A_685, %dma_start3A_686, %mul3A_684] : memref<16x2x10240xf32, #tpu.memory_space<vmem_shared>> -> memref<1x1x640xf32, #tpu.memory_space<vmem_shared>>
      %dma_start3A_698 = tpu.memref_squeeze %dma_start3A_697 : memref<1x1x640xf32, #tpu.memory_space<vmem_shared>> -> memref<640xf32, #tpu.memory_space<vmem_shared>>
      tpu.enqueue_dma source(%dma_start3A_698 : memref<640xf32, #tpu.memory_space<vmem_shared>>) target(%dma_start3A_696 : memref<640xf32, #tpu.memory_space<vmem>>) target_semaphore(%arg14 : memref<!tpu.dma_semaphore, #tpu.memory_space<semaphore_mem>>)
      %mul3A_699 = arith.constant 640 : i32
      %mul3A_700 = arith.muli %arg1, %mul3A_699 : i32
      %dma_start3A_701 = arith.constant 5 : i32
      %dma_start3A_702 = arith.constant 0 : i32
      %dma_start3A_703 = arith.constant 5 : i32
      %dma_start3A_704 = arith.constant 0 : i32
      %dma_start3A_705 = arith.constant 0 : i32
      %dma_start3A_706 = tpu.memref_slice %arg9[%dma_start3A_703, %dma_start3A_704, %dma_start3A_705] : memref<16x2x640xf32, #tpu.memory_space<vmem>> -> memref<1x1x640xf32, #tpu.memory_space<vmem>>
      %dma_start3A_707 = tpu.memref_squeeze %dma_start3A_706 : memref<1x1x640xf32, #tpu.memory_space<vmem>> -> memref<640xf32, #tpu.memory_space<vmem>>
      %dma_start3A_708 = tpu.memref_slice %arg11[%dma_start3A_701, %dma_start3A_702, %mul3A_700] : memref<16x2x10240xf32, #tpu.memory_space<vmem_shared>> -> memref<1x1x640xf32, #tpu.memory_space<vmem_shared>>
      %dma_start3A_709 = tpu.memref_squeeze %dma_start3A_708 : memref<1x1x640xf32, #tpu.memory_space<vmem_shared>> -> memref<640xf32, #tpu.memory_space<vmem_shared>>
      %dma_start3A_710 = arith.constant 0 : i32
      %dma_start3A_711 = tpu.memref_slice %arg9[%dma_start3A_703, %dma_start3A_704, %dma_start3A_710] : memref<16x2x640xf32, #tpu.memory_space<vmem>> -> memref<1x1x640xf32, #tpu.memory_space<vmem>>
      %dma_start3A_712 = tpu.memref_squeeze %dma_start3A_711 : memref<1x1x640xf32, #tpu.memory_space<vmem>> -> memref<640xf32, #tpu.memory_space<vmem>>
      %dma_start3A_713 = tpu.memref_slice %arg11[%dma_start3A_701, %dma_start3A_702, %mul3A_700] : memref<16x2x10240xf32, #tpu.memory_space<vmem_shared>> -> memref<1x1x640xf32, #tpu.memory_space<vmem_shared>>
      %dma_start3A_714 = tpu.memref_squeeze %dma_start3A_713 : memref<1x1x640xf32, #tpu.memory_space<vmem_shared>> -> memref<640xf32, #tpu.memory_space<vmem_shared>>
      tpu.enqueue_dma source(%dma_start3A_714 : memref<640xf32, #tpu.memory_space<vmem_shared>>) target(%dma_start3A_712 : memref<640xf32, #tpu.memory_space<vmem>>) target_semaphore(%arg14 : memref<!tpu.dma_semaphore, #tpu.memory_space<semaphore_mem>>)
      %mul3A_715 = arith.constant 640 : i32
      %mul3A_716 = arith.muli %arg1, %mul3A_715 : i32
      %dma_start3A_717 = arith.constant 6 : i32
      %dma_start3A_718 = arith.constant 0 : i32
      %dma_start3A_719 = arith.constant 6 : i32
      %dma_start3A_720 = arith.constant 0 : i32
      %dma_start3A_721 = arith.constant 0 : i32
      %dma_start3A_722 = tpu.memref_slice %arg9[%dma_start3A_719, %dma_start3A_720, %dma_start3A_721] : memref<16x2x640xf32, #tpu.memory_space<vmem>> -> memref<1x1x640xf32, #tpu.memory_space<vmem>>
      %dma_start3A_723 = tpu.memref_squeeze %dma_start3A_722 : memref<1x1x640xf32, #tpu.memory_space<vmem>> -> memref<640xf32, #tpu.memory_space<vmem>>
      %dma_start3A_724 = tpu.memref_slice %arg11[%dma_start3A_717, %dma_start3A_718, %mul3A_716] : memref<16x2x10240xf32, #tpu.memory_space<vmem_shared>> -> memref<1x1x640xf32, #tpu.memory_space<vmem_shared>>
      %dma_start3A_725 = tpu.memref_squeeze %dma_start3A_724 : memref<1x1x640xf32, #tpu.memory_space<vmem_shared>> -> memref<640xf32, #tpu.memory_space<vmem_shared>>
      %dma_start3A_726 = arith.constant 0 : i32
      %dma_start3A_727 = tpu.memref_slice %arg9[%dma_start3A_719, %dma_start3A_720, %dma_start3A_726] : memref<16x2x640xf32, #tpu.memory_space<vmem>> -> memref<1x1x640xf32, #tpu.memory_space<vmem>>
      %dma_start3A_728 = tpu.memref_squeeze %dma_start3A_727 : memref<1x1x640xf32, #tpu.memory_space<vmem>> -> memref<640xf32, #tpu.memory_space<vmem>>
      %dma_start3A_729 = tpu.memref_slice %arg11[%dma_start3A_717, %dma_start3A_718, %mul3A_716] : memref<16x2x10240xf32, #tpu.memory_space<vmem_shared>> -> memref<1x1x640xf32, #tpu.memory_space<vmem_shared>>
      %dma_start3A_730 = tpu.memref_squeeze %dma_start3A_729 : memref<1x1x640xf32, #tpu.memory_space<vmem_shared>> -> memref<640xf32, #tpu.memory_space<vmem_shared>>
      tpu.enqueue_dma source(%dma_start3A_730 : memref<640xf32, #tpu.memory_space<vmem_shared>>) target(%dma_start3A_728 : memref<640xf32, #tpu.memory_space<vmem>>) target_semaphore(%arg14 : memref<!tpu.dma_semaphore, #tpu.memory_space<semaphore_mem>>)
      %mul3A_731 = arith.constant 640 : i32
      %mul3A_732 = arith.muli %arg1, %mul3A_731 : i32
      %dma_start3A_733 = arith.constant 7 : i32
      %dma_start3A_734 = arith.constant 0 : i32
      %dma_start3A_735 = arith.constant 7 : i32
      %dma_start3A_736 = arith.constant 0 : i32
      %dma_start3A_737 = arith.constant 0 : i32
      %dma_start3A_738 = tpu.memref_slice %arg9[%dma_start3A_735, %dma_start3A_736, %dma_start3A_737] : memref<16x2x640xf32, #tpu.memory_space<vmem>> -> memref<1x1x640xf32, #tpu.memory_space<vmem>>
      %dma_start3A_739 = tpu.memref_squeeze %dma_start3A_738 : memref<1x1x640xf32, #tpu.memory_space<vmem>> -> memref<640xf32, #tpu.memory_space<vmem>>
      %dma_start3A_740 = tpu.memref_slice %arg11[%dma_start3A_733, %dma_start3A_734, %mul3A_732] : memref<16x2x10240xf32, #tpu.memory_space<vmem_shared>> -> memref<1x1x640xf32, #tpu.memory_space<vmem_shared>>
      %dma_start3A_741 = tpu.memref_squeeze %dma_start3A_740 : memref<1x1x640xf32, #tpu.memory_space<vmem_shared>> -> memref<640xf32, #tpu.memory_space<vmem_shared>>
      %dma_start3A_742 = arith.constant 0 : i32
      %dma_start3A_743 = tpu.memref_slice %arg9[%dma_start3A_735, %dma_start3A_736, %dma_start3A_742] : memref<16x2x640xf32, #tpu.memory_space<vmem>> -> memref<1x1x640xf32, #tpu.memory_space<vmem>>
      %dma_start3A_744 = tpu.memref_squeeze %dma_start3A_743 : memref<1x1x640xf32, #tpu.memory_space<vmem>> -> memref<640xf32, #tpu.memory_space<vmem>>
      %dma_start3A_745 = tpu.memref_slice %arg11[%dma_start3A_733, %dma_start3A_734, %mul3A_732] : memref<16x2x10240xf32, #tpu.memory_space<vmem_shared>> -> memref<1x1x640xf32, #tpu.memory_space<vmem_shared>>
      %dma_start3A_746 = tpu.memref_squeeze %dma_start3A_745 : memref<1x1x640xf32, #tpu.memory_space<vmem_shared>> -> memref<640xf32, #tpu.memory_space<vmem_shared>>
      tpu.enqueue_dma source(%dma_start3A_746 : memref<640xf32, #tpu.memory_space<vmem_shared>>) target(%dma_start3A_744 : memref<640xf32, #tpu.memory_space<vmem>>) target_semaphore(%arg14 : memref<!tpu.dma_semaphore, #tpu.memory_space<semaphore_mem>>)
      %mul3A_747 = arith.constant 640 : i32
      %mul3A_748 = arith.muli %arg1, %mul3A_747 : i32
      %dma_start3A_749 = arith.constant 8 : i32
      %dma_start3A_750 = arith.constant 0 : i32
      %dma_start3A_751 = arith.constant 8 : i32
      %dma_start3A_752 = arith.constant 0 : i32
      %dma_start3A_753 = arith.constant 0 : i32
      %dma_start3A_754 = tpu.memref_slice %arg9[%dma_start3A_751, %dma_start3A_752, %dma_start3A_753] : memref<16x2x640xf32, #tpu.memory_space<vmem>> -> memref<1x1x640xf32, #tpu.memory_space<vmem>>
      %dma_start3A_755 = tpu.memref_squeeze %dma_start3A_754 : memref<1x1x640xf32, #tpu.memory_space<vmem>> -> memref<640xf32, #tpu.memory_space<vmem>>
      %dma_start3A_756 = tpu.memref_slice %arg11[%dma_start3A_749, %dma_start3A_750, %mul3A_748] : memref<16x2x10240xf32, #tpu.memory_space<vmem_shared>> -> memref<1x1x640xf32, #tpu.memory_space<vmem_shared>>
      %dma_start3A_757 = tpu.memref_squeeze %dma_start3A_756 : memref<1x1x640xf32, #tpu.memory_space<vmem_shared>> -> memref<640xf32, #tpu.memory_space<vmem_shared>>
      %dma_start3A_758 = arith.constant 0 : i32
      %dma_start3A_759 = tpu.memref_slice %arg9[%dma_start3A_751, %dma_start3A_752, %dma_start3A_758] : memref<16x2x640xf32, #tpu.memory_space<vmem>> -> memref<1x1x640xf32, #tpu.memory_space<vmem>>
      %dma_start3A_760 = tpu.memref_squeeze %dma_start3A_759 : memref<1x1x640xf32, #tpu.memory_space<vmem>> -> memref<640xf32, #tpu.memory_space<vmem>>
      %dma_start3A_761 = tpu.memref_slice %arg11[%dma_start3A_749, %dma_start3A_750, %mul3A_748] : memref<16x2x10240xf32, #tpu.memory_space<vmem_shared>> -> memref<1x1x640xf32, #tpu.memory_space<vmem_shared>>
      %dma_start3A_762 = tpu.memref_squeeze %dma_start3A_761 : memref<1x1x640xf32, #tpu.memory_space<vmem_shared>> -> memref<640xf32, #tpu.memory_space<vmem_shared>>
      tpu.enqueue_dma source(%dma_start3A_762 : memref<640xf32, #tpu.memory_space<vmem_shared>>) target(%dma_start3A_760 : memref<640xf32, #tpu.memory_space<vmem>>) target_semaphore(%arg14 : memref<!tpu.dma_semaphore, #tpu.memory_space<semaphore_mem>>)
      %mul3A_763 = arith.constant 640 : i32
      %mul3A_764 = arith.muli %arg1, %mul3A_763 : i32
      %dma_start3A_765 = arith.constant 9 : i32
      %dma_start3A_766 = arith.constant 0 : i32
      %dma_start3A_767 = arith.constant 9 : i32
      %dma_start3A_768 = arith.constant 0 : i32
      %dma_start3A_769 = arith.constant 0 : i32
      %dma_start3A_770 = tpu.memref_slice %arg9[%dma_start3A_767, %dma_start3A_768, %dma_start3A_769] : memref<16x2x640xf32, #tpu.memory_space<vmem>> -> memref<1x1x640xf32, #tpu.memory_space<vmem>>
      %dma_start3A_771 = tpu.memref_squeeze %dma_start3A_770 : memref<1x1x640xf32, #tpu.memory_space<vmem>> -> memref<640xf32, #tpu.memory_space<vmem>>
      %dma_start3A_772 = tpu.memref_slice %arg11[%dma_start3A_765, %dma_start3A_766, %mul3A_764] : memref<16x2x10240xf32, #tpu.memory_space<vmem_shared>> -> memref<1x1x640xf32, #tpu.memory_space<vmem_shared>>
      %dma_start3A_773 = tpu.memref_squeeze %dma_start3A_772 : memref<1x1x640xf32, #tpu.memory_space<vmem_shared>> -> memref<640xf32, #tpu.memory_space<vmem_shared>>
      %dma_start3A_774 = arith.constant 0 : i32
      %dma_start3A_775 = tpu.memref_slice %arg9[%dma_start3A_767, %dma_start3A_768, %dma_start3A_774] : memref<16x2x640xf32, #tpu.memory_space<vmem>> -> memref<1x1x640xf32, #tpu.memory_space<vmem>>
      %dma_start3A_776 = tpu.memref_squeeze %dma_start3A_775 : memref<1x1x640xf32, #tpu.memory_space<vmem>> -> memref<640xf32, #tpu.memory_space<vmem>>
      %dma_start3A_777 = tpu.memref_slice %arg11[%dma_start3A_765, %dma_start3A_766, %mul3A_764] : memref<16x2x10240xf32, #tpu.memory_space<vmem_shared>> -> memref<1x1x640xf32, #tpu.memory_space<vmem_shared>>
      %dma_start3A_778 = tpu.memref_squeeze %dma_start3A_777 : memref<1x1x640xf32, #tpu.memory_space<vmem_shared>> -> memref<640xf32, #tpu.memory_space<vmem_shared>>
      tpu.enqueue_dma source(%dma_start3A_778 : memref<640xf32, #tpu.memory_space<vmem_shared>>) target(%dma_start3A_776 : memref<640xf32, #tpu.memory_space<vmem>>) target_semaphore(%arg14 : memref<!tpu.dma_semaphore, #tpu.memory_space<semaphore_mem>>)
      %mul3A_779 = arith.constant 640 : i32
      %mul3A_780 = arith.muli %arg1, %mul3A_779 : i32
      %dma_start3A_781 = arith.constant 10 : i32
      %dma_start3A_782 = arith.constant 0 : i32
      %dma_start3A_783 = arith.constant 10 : i32
      %dma_start3A_784 = arith.constant 0 : i32
      %dma_start3A_785 = arith.constant 0 : i32
      %dma_start3A_786 = tpu.memref_slice %arg9[%dma_start3A_783, %dma_start3A_784, %dma_start3A_785] : memref<16x2x640xf32, #tpu.memory_space<vmem>> -> memref<1x1x640xf32, #tpu.memory_space<vmem>>
      %dma_start3A_787 = tpu.memref_squeeze %dma_start3A_786 : memref<1x1x640xf32, #tpu.memory_space<vmem>> -> memref<640xf32, #tpu.memory_space<vmem>>
      %dma_start3A_788 = tpu.memref_slice %arg11[%dma_start3A_781, %dma_start3A_782, %mul3A_780] : memref<16x2x10240xf32, #tpu.memory_space<vmem_shared>> -> memref<1x1x640xf32, #tpu.memory_space<vmem_shared>>
      %dma_start3A_789 = tpu.memref_squeeze %dma_start3A_788 : memref<1x1x640xf32, #tpu.memory_space<vmem_shared>> -> memref<640xf32, #tpu.memory_space<vmem_shared>>
      %dma_start3A_790 = arith.constant 0 : i32
      %dma_start3A_791 = tpu.memref_slice %arg9[%dma_start3A_783, %dma_start3A_784, %dma_start3A_790] : memref<16x2x640xf32, #tpu.memory_space<vmem>> -> memref<1x1x640xf32, #tpu.memory_space<vmem>>
      %dma_start3A_792 = tpu.memref_squeeze %dma_start3A_791 : memref<1x1x640xf32, #tpu.memory_space<vmem>> -> memref<640xf32, #tpu.memory_space<vmem>>
      %dma_start3A_793 = tpu.memref_slice %arg11[%dma_start3A_781, %dma_start3A_782, %mul3A_780] : memref<16x2x10240xf32, #tpu.memory_space<vmem_shared>> -> memref<1x1x640xf32, #tpu.memory_space<vmem_shared>>
      %dma_start3A_794 = tpu.memref_squeeze %dma_start3A_793 : memref<1x1x640xf32, #tpu.memory_space<vmem_shared>> -> memref<640xf32, #tpu.memory_space<vmem_shared>>
      tpu.enqueue_dma source(%dma_start3A_794 : memref<640xf32, #tpu.memory_space<vmem_shared>>) target(%dma_start3A_792 : memref<640xf32, #tpu.memory_space<vmem>>) target_semaphore(%arg14 : memref<!tpu.dma_semaphore, #tpu.memory_space<semaphore_mem>>)
      %mul3A_795 = arith.constant 640 : i32
      %mul3A_796 = arith.muli %arg1, %mul3A_795 : i32
      %dma_start3A_797 = arith.constant 11 : i32
      %dma_start3A_798 = arith.constant 0 : i32
      %dma_start3A_799 = arith.constant 11 : i32
      %dma_start3A_800 = arith.constant 0 : i32
      %dma_start3A_801 = arith.constant 0 : i32
      %dma_start3A_802 = tpu.memref_slice %arg9[%dma_start3A_799, %dma_start3A_800, %dma_start3A_801] : memref<16x2x640xf32, #tpu.memory_space<vmem>> -> memref<1x1x640xf32, #tpu.memory_space<vmem>>
      %dma_start3A_803 = tpu.memref_squeeze %dma_start3A_802 : memref<1x1x640xf32, #tpu.memory_space<vmem>> -> memref<640xf32, #tpu.memory_space<vmem>>
      %dma_start3A_804 = tpu.memref_slice %arg11[%dma_start3A_797, %dma_start3A_798, %mul3A_796] : memref<16x2x10240xf32, #tpu.memory_space<vmem_shared>> -> memref<1x1x640xf32, #tpu.memory_space<vmem_shared>>
      %dma_start3A_805 = tpu.memref_squeeze %dma_start3A_804 : memref<1x1x640xf32, #tpu.memory_space<vmem_shared>> -> memref<640xf32, #tpu.memory_space<vmem_shared>>
      %dma_start3A_806 = arith.constant 0 : i32
      %dma_start3A_807 = tpu.memref_slice %arg9[%dma_start3A_799, %dma_start3A_800, %dma_start3A_806] : memref<16x2x640xf32, #tpu.memory_space<vmem>> -> memref<1x1x640xf32, #tpu.memory_space<vmem>>
      %dma_start3A_808 = tpu.memref_squeeze %dma_start3A_807 : memref<1x1x640xf32, #tpu.memory_space<vmem>> -> memref<640xf32, #tpu.memory_space<vmem>>
      %dma_start3A_809 = tpu.memref_slice %arg11[%dma_start3A_797, %dma_start3A_798, %mul3A_796] : memref<16x2x10240xf32, #tpu.memory_space<vmem_shared>> -> memref<1x1x640xf32, #tpu.memory_space<vmem_shared>>
      %dma_start3A_810 = tpu.memref_squeeze %dma_start3A_809 : memref<1x1x640xf32, #tpu.memory_space<vmem_shared>> -> memref<640xf32, #tpu.memory_space<vmem_shared>>
      tpu.enqueue_dma source(%dma_start3A_810 : memref<640xf32, #tpu.memory_space<vmem_shared>>) target(%dma_start3A_808 : memref<640xf32, #tpu.memory_space<vmem>>) target_semaphore(%arg14 : memref<!tpu.dma_semaphore, #tpu.memory_space<semaphore_mem>>)
      %mul3A_811 = arith.constant 640 : i32
      %mul3A_812 = arith.muli %arg1, %mul3A_811 : i32
      %dma_start3A_813 = arith.constant 12 : i32
      %dma_start3A_814 = arith.constant 0 : i32
      %dma_start3A_815 = arith.constant 12 : i32
      %dma_start3A_816 = arith.constant 0 : i32
      %dma_start3A_817 = arith.constant 0 : i32
      %dma_start3A_818 = tpu.memref_slice %arg9[%dma_start3A_815, %dma_start3A_816, %dma_start3A_817] : memref<16x2x640xf32, #tpu.memory_space<vmem>> -> memref<1x1x640xf32, #tpu.memory_space<vmem>>
      %dma_start3A_819 = tpu.memref_squeeze %dma_start3A_818 : memref<1x1x640xf32, #tpu.memory_space<vmem>> -> memref<640xf32, #tpu.memory_space<vmem>>
      %dma_start3A_820 = tpu.memref_slice %arg11[%dma_start3A_813, %dma_start3A_814, %mul3A_812] : memref<16x2x10240xf32, #tpu.memory_space<vmem_shared>> -> memref<1x1x640xf32, #tpu.memory_space<vmem_shared>>
      %dma_start3A_821 = tpu.memref_squeeze %dma_start3A_820 : memref<1x1x640xf32, #tpu.memory_space<vmem_shared>> -> memref<640xf32, #tpu.memory_space<vmem_shared>>
      %dma_start3A_822 = arith.constant 0 : i32
      %dma_start3A_823 = tpu.memref_slice %arg9[%dma_start3A_815, %dma_start3A_816, %dma_start3A_822] : memref<16x2x640xf32, #tpu.memory_space<vmem>> -> memref<1x1x640xf32, #tpu.memory_space<vmem>>
      %dma_start3A_824 = tpu.memref_squeeze %dma_start3A_823 : memref<1x1x640xf32, #tpu.memory_space<vmem>> -> memref<640xf32, #tpu.memory_space<vmem>>
      %dma_start3A_825 = tpu.memref_slice %arg11[%dma_start3A_813, %dma_start3A_814, %mul3A_812] : memref<16x2x10240xf32, #tpu.memory_space<vmem_shared>> -> memref<1x1x640xf32, #tpu.memory_space<vmem_shared>>
      %dma_start3A_826 = tpu.memref_squeeze %dma_start3A_825 : memref<1x1x640xf32, #tpu.memory_space<vmem_shared>> -> memref<640xf32, #tpu.memory_space<vmem_shared>>
      tpu.enqueue_dma source(%dma_start3A_826 : memref<640xf32, #tpu.memory_space<vmem_shared>>) target(%dma_start3A_824 : memref<640xf32, #tpu.memory_space<vmem>>) target_semaphore(%arg14 : memref<!tpu.dma_semaphore, #tpu.memory_space<semaphore_mem>>)
      %mul3A_827 = arith.constant 640 : i32
      %mul3A_828 = arith.muli %arg1, %mul3A_827 : i32
      %dma_start3A_829 = arith.constant 13 : i32
      %dma_start3A_830 = arith.constant 0 : i32
      %dma_start3A_831 = arith.constant 13 : i32
      %dma_start3A_832 = arith.constant 0 : i32
      %dma_start3A_833 = arith.constant 0 : i32
      %dma_start3A_834 = tpu.memref_slice %arg9[%dma_start3A_831, %dma_start3A_832, %dma_start3A_833] : memref<16x2x640xf32, #tpu.memory_space<vmem>> -> memref<1x1x640xf32, #tpu.memory_space<vmem>>
      %dma_start3A_835 = tpu.memref_squeeze %dma_start3A_834 : memref<1x1x640xf32, #tpu.memory_space<vmem>> -> memref<640xf32, #tpu.memory_space<vmem>>
      %dma_start3A_836 = tpu.memref_slice %arg11[%dma_start3A_829, %dma_start3A_830, %mul3A_828] : memref<16x2x10240xf32, #tpu.memory_space<vmem_shared>> -> memref<1x1x640xf32, #tpu.memory_space<vmem_shared>>
      %dma_start3A_837 = tpu.memref_squeeze %dma_start3A_836 : memref<1x1x640xf32, #tpu.memory_space<vmem_shared>> -> memref<640xf32, #tpu.memory_space<vmem_shared>>
      %dma_start3A_838 = arith.constant 0 : i32
      %dma_start3A_839 = tpu.memref_slice %arg9[%dma_start3A_831, %dma_start3A_832, %dma_start3A_838] : memref<16x2x640xf32, #tpu.memory_space<vmem>> -> memref<1x1x640xf32, #tpu.memory_space<vmem>>
      %dma_start3A_840 = tpu.memref_squeeze %dma_start3A_839 : memref<1x1x640xf32, #tpu.memory_space<vmem>> -> memref<640xf32, #tpu.memory_space<vmem>>
      %dma_start3A_841 = tpu.memref_slice %arg11[%dma_start3A_829, %dma_start3A_830, %mul3A_828] : memref<16x2x10240xf32, #tpu.memory_space<vmem_shared>> -> memref<1x1x640xf32, #tpu.memory_space<vmem_shared>>
      %dma_start3A_842 = tpu.memref_squeeze %dma_start3A_841 : memref<1x1x640xf32, #tpu.memory_space<vmem_shared>> -> memref<640xf32, #tpu.memory_space<vmem_shared>>
      tpu.enqueue_dma source(%dma_start3A_842 : memref<640xf32, #tpu.memory_space<vmem_shared>>) target(%dma_start3A_840 : memref<640xf32, #tpu.memory_space<vmem>>) target_semaphore(%arg14 : memref<!tpu.dma_semaphore, #tpu.memory_space<semaphore_mem>>)
      %mul3A_843 = arith.constant 640 : i32
      %mul3A_844 = arith.muli %arg1, %mul3A_843 : i32
      %dma_start3A_845 = arith.constant 14 : i32
      %dma_start3A_846 = arith.constant 0 : i32
      %dma_start3A_847 = arith.constant 14 : i32
      %dma_start3A_848 = arith.constant 0 : i32
      %dma_start3A_849 = arith.constant 0 : i32
      %dma_start3A_850 = tpu.memref_slice %arg9[%dma_start3A_847, %dma_start3A_848, %dma_start3A_849] : memref<16x2x640xf32, #tpu.memory_space<vmem>> -> memref<1x1x640xf32, #tpu.memory_space<vmem>>
      %dma_start3A_851 = tpu.memref_squeeze %dma_start3A_850 : memref<1x1x640xf32, #tpu.memory_space<vmem>> -> memref<640xf32, #tpu.memory_space<vmem>>
      %dma_start3A_852 = tpu.memref_slice %arg11[%dma_start3A_845, %dma_start3A_846, %mul3A_844] : memref<16x2x10240xf32, #tpu.memory_space<vmem_shared>> -> memref<1x1x640xf32, #tpu.memory_space<vmem_shared>>
      %dma_start3A_853 = tpu.memref_squeeze %dma_start3A_852 : memref<1x1x640xf32, #tpu.memory_space<vmem_shared>> -> memref<640xf32, #tpu.memory_space<vmem_shared>>
      %dma_start3A_854 = arith.constant 0 : i32
      %dma_start3A_855 = tpu.memref_slice %arg9[%dma_start3A_847, %dma_start3A_848, %dma_start3A_854] : memref<16x2x640xf32, #tpu.memory_space<vmem>> -> memref<1x1x640xf32, #tpu.memory_space<vmem>>
      %dma_start3A_856 = tpu.memref_squeeze %dma_start3A_855 : memref<1x1x640xf32, #tpu.memory_space<vmem>> -> memref<640xf32, #tpu.memory_space<vmem>>
      %dma_start3A_857 = tpu.memref_slice %arg11[%dma_start3A_845, %dma_start3A_846, %mul3A_844] : memref<16x2x10240xf32, #tpu.memory_space<vmem_shared>> -> memref<1x1x640xf32, #tpu.memory_space<vmem_shared>>
      %dma_start3A_858 = tpu.memref_squeeze %dma_start3A_857 : memref<1x1x640xf32, #tpu.memory_space<vmem_shared>> -> memref<640xf32, #tpu.memory_space<vmem_shared>>
      tpu.enqueue_dma source(%dma_start3A_858 : memref<640xf32, #tpu.memory_space<vmem_shared>>) target(%dma_start3A_856 : memref<640xf32, #tpu.memory_space<vmem>>) target_semaphore(%arg14 : memref<!tpu.dma_semaphore, #tpu.memory_space<semaphore_mem>>)
      %mul3A_859 = arith.constant 640 : i32
      %mul3A_860 = arith.muli %arg1, %mul3A_859 : i32
      %dma_start3A_861 = arith.constant 15 : i32
      %dma_start3A_862 = arith.constant 0 : i32
      %dma_start3A_863 = arith.constant 15 : i32
      %dma_start3A_864 = arith.constant 0 : i32
      %dma_start3A_865 = arith.constant 0 : i32
      %dma_start3A_866 = tpu.memref_slice %arg9[%dma_start3A_863, %dma_start3A_864, %dma_start3A_865] : memref<16x2x640xf32, #tpu.memory_space<vmem>> -> memref<1x1x640xf32, #tpu.memory_space<vmem>>
      %dma_start3A_867 = tpu.memref_squeeze %dma_start3A_866 : memref<1x1x640xf32, #tpu.memory_space<vmem>> -> memref<640xf32, #tpu.memory_space<vmem>>
      %dma_start3A_868 = tpu.memref_slice %arg11[%dma_start3A_861, %dma_start3A_862, %mul3A_860] : memref<16x2x10240xf32, #tpu.memory_space<vmem_shared>> -> memref<1x1x640xf32, #tpu.memory_space<vmem_shared>>
      %dma_start3A_869 = tpu.memref_squeeze %dma_start3A_868 : memref<1x1x640xf32, #tpu.memory_space<vmem_shared>> -> memref<640xf32, #tpu.memory_space<vmem_shared>>
      %dma_start3A_870 = arith.constant 0 : i32
      %dma_start3A_871 = tpu.memref_slice %arg9[%dma_start3A_863, %dma_start3A_864, %dma_start3A_870] : memref<16x2x640xf32, #tpu.memory_space<vmem>> -> memref<1x1x640xf32, #tpu.memory_space<vmem>>
      %dma_start3A_872 = tpu.memref_squeeze %dma_start3A_871 : memref<1x1x640xf32, #tpu.memory_space<vmem>> -> memref<640xf32, #tpu.memory_space<vmem>>
      %dma_start3A_873 = tpu.memref_slice %arg11[%dma_start3A_861, %dma_start3A_862, %mul3A_860] : memref<16x2x10240xf32, #tpu.memory_space<vmem_shared>> -> memref<1x1x640xf32, #tpu.memory_space<vmem_shared>>
      %dma_start3A_874 = tpu.memref_squeeze %dma_start3A_873 : memref<1x1x640xf32, #tpu.memory_space<vmem_shared>> -> memref<640xf32, #tpu.memory_space<vmem_shared>>
      tpu.enqueue_dma source(%dma_start3A_874 : memref<640xf32, #tpu.memory_space<vmem_shared>>) target(%dma_start3A_872 : memref<640xf32, #tpu.memory_space<vmem>>) target_semaphore(%arg14 : memref<!tpu.dma_semaphore, #tpu.memory_space<semaphore_mem>>)
      %parallel_loop3A_875 = arith.constant 0 : i32
      %parallel_loop3A_876 = arith.constant 312 : i32
      %parallel_loop3A_877 = arith.constant 1 : i32
      scf.for %parallel_loop3A_1125 = %parallel_loop3A_875 to %parallel_loop3A_876 step %parallel_loop3A_877  : i32 {
        %parallel_loop3A_1126 = arith.constant 16 : i32
        %parallel_loop3A_1127 = arith.muli %parallel_loop3A_1125, %parallel_loop3A_1126 : i32
        %parallel_loop3A_1128 = arith.constant 1 : i32
        %parallel_loop3A_1129 = arith.index_cast %parallel_loop3A_1128 : i32 to index
        %parallel_loop3A_1130 = arith.index_cast %parallel_loop3A_1127 : i32 to index
        %parallel_loop3A_1131 = tpu.vector_load %arg5[%parallel_loop3A_1129, %parallel_loop3A_1130] {strides = array<i32>} : memref<2x20096xi32, #tpu.memory_space<vmem>>, vector<16xi32>,
        %parallel_loop3A_1132 = tpu.vector_load_idx %arg7[%parallel_loop3A_1131] : memref<10240xf32, #tpu.memory_space<vmem>>[vector<16xi32>], vector<16xf32>,
        %parallel_loop3A_1133 = arith.constant 0 : i32
        %parallel_loop3A_1134 = arith.index_cast %parallel_loop3A_1133 : i32 to index
        %parallel_loop3A_1135 = arith.index_cast %parallel_loop3A_1127 : i32 to index
        %parallel_loop3A_1136 = tpu.vector_load %arg5[%parallel_loop3A_1134, %parallel_loop3A_1135] {strides = array<i32>} : memref<2x20096xi32, #tpu.memory_space<vmem>>, vector<16xi32>,
        tpu.vector_store_idx %arg8[%parallel_loop3A_1136], %parallel_loop3A_1132 {add = true} : memref<10240xf32, #tpu.memory_space<vmem>>[vector<16xi32>], vector<16xf32>,
      } {sc.loop_unroll_factor = 8 : i64, sc.parallel_access}
      %dma_wait3A_878 = arith.constant 0 : i32
      %dma_wait3A_879 = arith.constant 0 : i32
      %dma_wait3A_880 = arith.constant 0 : i32
      %dma_wait3A_881 = arith.constant 0 : i32
      %dma_wait3A_882 = arith.constant 0 : i32
      %dma_wait3A_883 = tpu.memref_slice %arg9[%dma_wait3A_880, %dma_wait3A_881, %dma_wait3A_882] : memref<16x2x640xf32, #tpu.memory_space<vmem>> -> memref<1x1x640xf32, #tpu.memory_space<vmem>>
      %dma_wait3A_884 = tpu.memref_squeeze %dma_wait3A_883 : memref<1x1x640xf32, #tpu.memory_space<vmem>> -> memref<640xf32, #tpu.memory_space<vmem>>
      %dma_wait3A_885 = tpu.memref_slice %arg11[%dma_wait3A_878, %dma_wait3A_879, %mul3A_620] : memref<16x2x10240xf32, #tpu.memory_space<vmem_shared>> -> memref<1x1x640xf32, #tpu.memory_space<vmem_shared>>
      %dma_wait3A_886 = tpu.memref_squeeze %dma_wait3A_885 : memref<1x1x640xf32, #tpu.memory_space<vmem_shared>> -> memref<640xf32, #tpu.memory_space<vmem_shared>>
      %dma_wait3A_887 = arith.constant 0 : i32
      %dma_wait3A_888 = tpu.memref_slice %arg9[%dma_wait3A_880, %dma_wait3A_881, %dma_wait3A_887] : memref<16x2x640xf32, #tpu.memory_space<vmem>> -> memref<1x1x640xf32, #tpu.memory_space<vmem>>
      %dma_wait3A_889 = tpu.memref_squeeze %dma_wait3A_888 : memref<1x1x640xf32, #tpu.memory_space<vmem>> -> memref<640xf32, #tpu.memory_space<vmem>>
      %dma_wait3A_890 = tpu.memref_slice %arg11[%dma_wait3A_878, %dma_wait3A_879, %mul3A_620] : memref<16x2x10240xf32, #tpu.memory_space<vmem_shared>> -> memref<1x1x640xf32, #tpu.memory_space<vmem_shared>>
      %dma_wait3A_891 = tpu.memref_squeeze %dma_wait3A_890 : memref<1x1x640xf32, #tpu.memory_space<vmem_shared>> -> memref<640xf32, #tpu.memory_space<vmem_shared>>
      tpu.wait_dma2 semaphore(%arg14 : memref<!tpu.dma_semaphore, #tpu.memory_space<semaphore_mem>>) src(%dma_wait3A_891 : memref<640xf32, #tpu.memory_space<vmem_shared>>) dst(%dma_wait3A_889 : memref<640xf32, #tpu.memory_space<vmem>>)
      %dma_wait3A_892 = arith.constant 1 : i32
      %dma_wait3A_893 = arith.constant 0 : i32
      %dma_wait3A_894 = arith.constant 1 : i32
      %dma_wait3A_895 = arith.constant 0 : i32
      %dma_wait3A_896 = arith.constant 0 : i32
      %dma_wait3A_897 = tpu.memref_slice %arg9[%dma_wait3A_894, %dma_wait3A_895, %dma_wait3A_896] : memref<16x2x640xf32, #tpu.memory_space<vmem>> -> memref<1x1x640xf32, #tpu.memory_space<vmem>>
      %dma_wait3A_898 = tpu.memref_squeeze %dma_wait3A_897 : memref<1x1x640xf32, #tpu.memory_space<vmem>> -> memref<640xf32, #tpu.memory_space<vmem>>
      %dma_wait3A_899 = tpu.memref_slice %arg11[%dma_wait3A_892, %dma_wait3A_893, %mul3A_636] : memref<16x2x10240xf32, #tpu.memory_space<vmem_shared>> -> memref<1x1x640xf32, #tpu.memory_space<vmem_shared>>
      %dma_wait3A_900 = tpu.memref_squeeze %dma_wait3A_899 : memref<1x1x640xf32, #tpu.memory_space<vmem_shared>> -> memref<640xf32, #tpu.memory_space<vmem_shared>>
      %dma_wait3A_901 = arith.constant 0 : i32
      %dma_wait3A_902 = tpu.memref_slice %arg9[%dma_wait3A_894, %dma_wait3A_895, %dma_wait3A_901] : memref<16x2x640xf32, #tpu.memory_space<vmem>> -> memref<1x1x640xf32, #tpu.memory_space<vmem>>
      %dma_wait3A_903 = tpu.memref_squeeze %dma_wait3A_902 : memref<1x1x640xf32, #tpu.memory_space<vmem>> -> memref<640xf32, #tpu.memory_space<vmem>>
      %dma_wait3A_904 = tpu.memref_slice %arg11[%dma_wait3A_892, %dma_wait3A_893, %mul3A_636] : memref<16x2x10240xf32, #tpu.memory_space<vmem_shared>> -> memref<1x1x640xf32, #tpu.memory_space<vmem_shared>>
      %dma_wait3A_905 = tpu.memref_squeeze %dma_wait3A_904 : memref<1x1x640xf32, #tpu.memory_space<vmem_shared>> -> memref<640xf32, #tpu.memory_space<vmem_shared>>
      tpu.wait_dma2 semaphore(%arg14 : memref<!tpu.dma_semaphore, #tpu.memory_space<semaphore_mem>>) src(%dma_wait3A_905 : memref<640xf32, #tpu.memory_space<vmem_shared>>) dst(%dma_wait3A_903 : memref<640xf32, #tpu.memory_space<vmem>>)
      %dma_wait3A_906 = arith.constant 2 : i32
      %dma_wait3A_907 = arith.constant 0 : i32
      %dma_wait3A_908 = arith.constant 2 : i32
      %dma_wait3A_909 = arith.constant 0 : i32
      %dma_wait3A_910 = arith.constant 0 : i32
      %dma_wait3A_911 = tpu.memref_slice %arg9[%dma_wait3A_908, %dma_wait3A_909, %dma_wait3A_910] : memref<16x2x640xf32, #tpu.memory_space<vmem>> -> memref<1x1x640xf32, #tpu.memory_space<vmem>>
      %dma_wait3A_912 = tpu.memref_squeeze %dma_wait3A_911 : memref<1x1x640xf32, #tpu.memory_space<vmem>> -> memref<640xf32, #tpu.memory_space<vmem>>
      %dma_wait3A_913 = tpu.memref_slice %arg11[%dma_wait3A_906, %dma_wait3A_907, %mul3A_652] : memref<16x2x10240xf32, #tpu.memory_space<vmem_shared>> -> memref<1x1x640xf32, #tpu.memory_space<vmem_shared>>
      %dma_wait3A_914 = tpu.memref_squeeze %dma_wait3A_913 : memref<1x1x640xf32, #tpu.memory_space<vmem_shared>> -> memref<640xf32, #tpu.memory_space<vmem_shared>>
      %dma_wait3A_915 = arith.constant 0 : i32
      %dma_wait3A_916 = tpu.memref_slice %arg9[%dma_wait3A_908, %dma_wait3A_909, %dma_wait3A_915] : memref<16x2x640xf32, #tpu.memory_space<vmem>> -> memref<1x1x640xf32, #tpu.memory_space<vmem>>
      %dma_wait3A_917 = tpu.memref_squeeze %dma_wait3A_916 : memref<1x1x640xf32, #tpu.memory_space<vmem>> -> memref<640xf32, #tpu.memory_space<vmem>>
      %dma_wait3A_918 = tpu.memref_slice %arg11[%dma_wait3A_906, %dma_wait3A_907, %mul3A_652] : memref<16x2x10240xf32, #tpu.memory_space<vmem_shared>> -> memref<1x1x640xf32, #tpu.memory_space<vmem_shared>>
      %dma_wait3A_919 = tpu.memref_squeeze %dma_wait3A_918 : memref<1x1x640xf32, #tpu.memory_space<vmem_shared>> -> memref<640xf32, #tpu.memory_space<vmem_shared>>
      tpu.wait_dma2 semaphore(%arg14 : memref<!tpu.dma_semaphore, #tpu.memory_space<semaphore_mem>>) src(%dma_wait3A_919 : memref<640xf32, #tpu.memory_space<vmem_shared>>) dst(%dma_wait3A_917 : memref<640xf32, #tpu.memory_space<vmem>>)
      %dma_wait3A_920 = arith.constant 3 : i32
      %dma_wait3A_921 = arith.constant 0 : i32
      %dma_wait3A_922 = arith.constant 3 : i32
      %dma_wait3A_923 = arith.constant 0 : i32
      %dma_wait3A_924 = arith.constant 0 : i32
      %dma_wait3A_925 = tpu.memref_slice %arg9[%dma_wait3A_922, %dma_wait3A_923, %dma_wait3A_924] : memref<16x2x640xf32, #tpu.memory_space<vmem>> -> memref<1x1x640xf32, #tpu.memory_space<vmem>>
      %dma_wait3A_926 = tpu.memref_squeeze %dma_wait3A_925 : memref<1x1x640xf32, #tpu.memory_space<vmem>> -> memref<640xf32, #tpu.memory_space<vmem>>
      %dma_wait3A_927 = tpu.memref_slice %arg11[%dma_wait3A_920, %dma_wait3A_921, %mul3A_668] : memref<16x2x10240xf32, #tpu.memory_space<vmem_shared>> -> memref<1x1x640xf32, #tpu.memory_space<vmem_shared>>
      %dma_wait3A_928 = tpu.memref_squeeze %dma_wait3A_927 : memref<1x1x640xf32, #tpu.memory_space<vmem_shared>> -> memref<640xf32, #tpu.memory_space<vmem_shared>>
      %dma_wait3A_929 = arith.constant 0 : i32
      %dma_wait3A_930 = tpu.memref_slice %arg9[%dma_wait3A_922, %dma_wait3A_923, %dma_wait3A_929] : memref<16x2x640xf32, #tpu.memory_space<vmem>> -> memref<1x1x640xf32, #tpu.memory_space<vmem>>
      %dma_wait3A_931 = tpu.memref_squeeze %dma_wait3A_930 : memref<1x1x640xf32, #tpu.memory_space<vmem>> -> memref<640xf32, #tpu.memory_space<vmem>>
      %dma_wait3A_932 = tpu.memref_slice %arg11[%dma_wait3A_920, %dma_wait3A_921, %mul3A_668] : memref<16x2x10240xf32, #tpu.memory_space<vmem_shared>> -> memref<1x1x640xf32, #tpu.memory_space<vmem_shared>>
      %dma_wait3A_933 = tpu.memref_squeeze %dma_wait3A_932 : memref<1x1x640xf32, #tpu.memory_space<vmem_shared>> -> memref<640xf32, #tpu.memory_space<vmem_shared>>
      tpu.wait_dma2 semaphore(%arg14 : memref<!tpu.dma_semaphore, #tpu.memory_space<semaphore_mem>>) src(%dma_wait3A_933 : memref<640xf32, #tpu.memory_space<vmem_shared>>) dst(%dma_wait3A_931 : memref<640xf32, #tpu.memory_space<vmem>>)
      %dma_wait3A_934 = arith.constant 4 : i32
      %dma_wait3A_935 = arith.constant 0 : i32
      %dma_wait3A_936 = arith.constant 4 : i32
      %dma_wait3A_937 = arith.constant 0 : i32
      %dma_wait3A_938 = arith.constant 0 : i32
      %dma_wait3A_939 = tpu.memref_slice %arg9[%dma_wait3A_936, %dma_wait3A_937, %dma_wait3A_938] : memref<16x2x640xf32, #tpu.memory_space<vmem>> -> memref<1x1x640xf32, #tpu.memory_space<vmem>>
      %dma_wait3A_940 = tpu.memref_squeeze %dma_wait3A_939 : memref<1x1x640xf32, #tpu.memory_space<vmem>> -> memref<640xf32, #tpu.memory_space<vmem>>
      %dma_wait3A_941 = tpu.memref_slice %arg11[%dma_wait3A_934, %dma_wait3A_935, %mul3A_684] : memref<16x2x10240xf32, #tpu.memory_space<vmem_shared>> -> memref<1x1x640xf32, #tpu.memory_space<vmem_shared>>
      %dma_wait3A_942 = tpu.memref_squeeze %dma_wait3A_941 : memref<1x1x640xf32, #tpu.memory_space<vmem_shared>> -> memref<640xf32, #tpu.memory_space<vmem_shared>>
      %dma_wait3A_943 = arith.constant 0 : i32
      %dma_wait3A_944 = tpu.memref_slice %arg9[%dma_wait3A_936, %dma_wait3A_937, %dma_wait3A_943] : memref<16x2x640xf32, #tpu.memory_space<vmem>> -> memref<1x1x640xf32, #tpu.memory_space<vmem>>
      %dma_wait3A_945 = tpu.memref_squeeze %dma_wait3A_944 : memref<1x1x640xf32, #tpu.memory_space<vmem>> -> memref<640xf32, #tpu.memory_space<vmem>>
      %dma_wait3A_946 = tpu.memref_slice %arg11[%dma_wait3A_934, %dma_wait3A_935, %mul3A_684] : memref<16x2x10240xf32, #tpu.memory_space<vmem_shared>> -> memref<1x1x640xf32, #tpu.memory_space<vmem_shared>>
      %dma_wait3A_947 = tpu.memref_squeeze %dma_wait3A_946 : memref<1x1x640xf32, #tpu.memory_space<vmem_shared>> -> memref<640xf32, #tpu.memory_space<vmem_shared>>
      tpu.wait_dma2 semaphore(%arg14 : memref<!tpu.dma_semaphore, #tpu.memory_space<semaphore_mem>>) src(%dma_wait3A_947 : memref<640xf32, #tpu.memory_space<vmem_shared>>) dst(%dma_wait3A_945 : memref<640xf32, #tpu.memory_space<vmem>>)
      %dma_wait3A_948 = arith.constant 5 : i32
      %dma_wait3A_949 = arith.constant 0 : i32
      %dma_wait3A_950 = arith.constant 5 : i32
      %dma_wait3A_951 = arith.constant 0 : i32
      %dma_wait3A_952 = arith.constant 0 : i32
      %dma_wait3A_953 = tpu.memref_slice %arg9[%dma_wait3A_950, %dma_wait3A_951, %dma_wait3A_952] : memref<16x2x640xf32, #tpu.memory_space<vmem>> -> memref<1x1x640xf32, #tpu.memory_space<vmem>>
      %dma_wait3A_954 = tpu.memref_squeeze %dma_wait3A_953 : memref<1x1x640xf32, #tpu.memory_space<vmem>> -> memref<640xf32, #tpu.memory_space<vmem>>
      %dma_wait3A_955 = tpu.memref_slice %arg11[%dma_wait3A_948, %dma_wait3A_949, %mul3A_700] : memref<16x2x10240xf32, #tpu.memory_space<vmem_shared>> -> memref<1x1x640xf32, #tpu.memory_space<vmem_shared>>
      %dma_wait3A_956 = tpu.memref_squeeze %dma_wait3A_955 : memref<1x1x640xf32, #tpu.memory_space<vmem_shared>> -> memref<640xf32, #tpu.memory_space<vmem_shared>>
      %dma_wait3A_957 = arith.constant 0 : i32
      %dma_wait3A_958 = tpu.memref_slice %arg9[%dma_wait3A_950, %dma_wait3A_951, %dma_wait3A_957] : memref<16x2x640xf32, #tpu.memory_space<vmem>> -> memref<1x1x640xf32, #tpu.memory_space<vmem>>
      %dma_wait3A_959 = tpu.memref_squeeze %dma_wait3A_958 : memref<1x1x640xf32, #tpu.memory_space<vmem>> -> memref<640xf32, #tpu.memory_space<vmem>>
      %dma_wait3A_960 = tpu.memref_slice %arg11[%dma_wait3A_948, %dma_wait3A_949, %mul3A_700] : memref<16x2x10240xf32, #tpu.memory_space<vmem_shared>> -> memref<1x1x640xf32, #tpu.memory_space<vmem_shared>>
      %dma_wait3A_961 = tpu.memref_squeeze %dma_wait3A_960 : memref<1x1x640xf32, #tpu.memory_space<vmem_shared>> -> memref<640xf32, #tpu.memory_space<vmem_shared>>
      tpu.wait_dma2 semaphore(%arg14 : memref<!tpu.dma_semaphore, #tpu.memory_space<semaphore_mem>>) src(%dma_wait3A_961 : memref<640xf32, #tpu.memory_space<vmem_shared>>) dst(%dma_wait3A_959 : memref<640xf32, #tpu.memory_space<vmem>>)
      %dma_wait3A_962 = arith.constant 6 : i32
      %dma_wait3A_963 = arith.constant 0 : i32
      %dma_wait3A_964 = arith.constant 6 : i32
      %dma_wait3A_965 = arith.constant 0 : i32
      %dma_wait3A_966 = arith.constant 0 : i32
      %dma_wait3A_967 = tpu.memref_slice %arg9[%dma_wait3A_964, %dma_wait3A_965, %dma_wait3A_966] : memref<16x2x640xf32, #tpu.memory_space<vmem>> -> memref<1x1x640xf32, #tpu.memory_space<vmem>>
      %dma_wait3A_968 = tpu.memref_squeeze %dma_wait3A_967 : memref<1x1x640xf32, #tpu.memory_space<vmem>> -> memref<640xf32, #tpu.memory_space<vmem>>
      %dma_wait3A_969 = tpu.memref_slice %arg11[%dma_wait3A_962, %dma_wait3A_963, %mul3A_716] : memref<16x2x10240xf32, #tpu.memory_space<vmem_shared>> -> memref<1x1x640xf32, #tpu.memory_space<vmem_shared>>
      %dma_wait3A_970 = tpu.memref_squeeze %dma_wait3A_969 : memref<1x1x640xf32, #tpu.memory_space<vmem_shared>> -> memref<640xf32, #tpu.memory_space<vmem_shared>>
      %dma_wait3A_971 = arith.constant 0 : i32
      %dma_wait3A_972 = tpu.memref_slice %arg9[%dma_wait3A_964, %dma_wait3A_965, %dma_wait3A_971] : memref<16x2x640xf32, #tpu.memory_space<vmem>> -> memref<1x1x640xf32, #tpu.memory_space<vmem>>
      %dma_wait3A_973 = tpu.memref_squeeze %dma_wait3A_972 : memref<1x1x640xf32, #tpu.memory_space<vmem>> -> memref<640xf32, #tpu.memory_space<vmem>>
      %dma_wait3A_974 = tpu.memref_slice %arg11[%dma_wait3A_962, %dma_wait3A_963, %mul3A_716] : memref<16x2x10240xf32, #tpu.memory_space<vmem_shared>> -> memref<1x1x640xf32, #tpu.memory_space<vmem_shared>>
      %dma_wait3A_975 = tpu.memref_squeeze %dma_wait3A_974 : memref<1x1x640xf32, #tpu.memory_space<vmem_shared>> -> memref<640xf32, #tpu.memory_space<vmem_shared>>
      tpu.wait_dma2 semaphore(%arg14 : memref<!tpu.dma_semaphore, #tpu.memory_space<semaphore_mem>>) src(%dma_wait3A_975 : memref<640xf32, #tpu.memory_space<vmem_shared>>) dst(%dma_wait3A_973 : memref<640xf32, #tpu.memory_space<vmem>>)
      %dma_wait3A_976 = arith.constant 7 : i32
      %dma_wait3A_977 = arith.constant 0 : i32
      %dma_wait3A_978 = arith.constant 7 : i32
      %dma_wait3A_979 = arith.constant 0 : i32
      %dma_wait3A_980 = arith.constant 0 : i32
      %dma_wait3A_981 = tpu.memref_slice %arg9[%dma_wait3A_978, %dma_wait3A_979, %dma_wait3A_980] : memref<16x2x640xf32, #tpu.memory_space<vmem>> -> memref<1x1x640xf32, #tpu.memory_space<vmem>>
      %dma_wait3A_982 = tpu.memref_squeeze %dma_wait3A_981 : memref<1x1x640xf32, #tpu.memory_space<vmem>> -> memref<640xf32, #tpu.memory_space<vmem>>
      %dma_wait3A_983 = tpu.memref_slice %arg11[%dma_wait3A_976, %dma_wait3A_977, %mul3A_732] : memref<16x2x10240xf32, #tpu.memory_space<vmem_shared>> -> memref<1x1x640xf32, #tpu.memory_space<vmem_shared>>
      %dma_wait3A_984 = tpu.memref_squeeze %dma_wait3A_983 : memref<1x1x640xf32, #tpu.memory_space<vmem_shared>> -> memref<640xf32, #tpu.memory_space<vmem_shared>>
      %dma_wait3A_985 = arith.constant 0 : i32
      %dma_wait3A_986 = tpu.memref_slice %arg9[%dma_wait3A_978, %dma_wait3A_979, %dma_wait3A_985] : memref<16x2x640xf32, #tpu.memory_space<vmem>> -> memref<1x1x640xf32, #tpu.memory_space<vmem>>
      %dma_wait3A_987 = tpu.memref_squeeze %dma_wait3A_986 : memref<1x1x640xf32, #tpu.memory_space<vmem>> -> memref<640xf32, #tpu.memory_space<vmem>>
      %dma_wait3A_988 = tpu.memref_slice %arg11[%dma_wait3A_976, %dma_wait3A_977, %mul3A_732] : memref<16x2x10240xf32, #tpu.memory_space<vmem_shared>> -> memref<1x1x640xf32, #tpu.memory_space<vmem_shared>>
      %dma_wait3A_989 = tpu.memref_squeeze %dma_wait3A_988 : memref<1x1x640xf32, #tpu.memory_space<vmem_shared>> -> memref<640xf32, #tpu.memory_space<vmem_shared>>
      tpu.wait_dma2 semaphore(%arg14 : memref<!tpu.dma_semaphore, #tpu.memory_space<semaphore_mem>>) src(%dma_wait3A_989 : memref<640xf32, #tpu.memory_space<vmem_shared>>) dst(%dma_wait3A_987 : memref<640xf32, #tpu.memory_space<vmem>>)
      %dma_wait3A_990 = arith.constant 8 : i32
      %dma_wait3A_991 = arith.constant 0 : i32
      %dma_wait3A_992 = arith.constant 8 : i32
      %dma_wait3A_993 = arith.constant 0 : i32
      %dma_wait3A_994 = arith.constant 0 : i32
      %dma_wait3A_995 = tpu.memref_slice %arg9[%dma_wait3A_992, %dma_wait3A_993, %dma_wait3A_994] : memref<16x2x640xf32, #tpu.memory_space<vmem>> -> memref<1x1x640xf32, #tpu.memory_space<vmem>>
      %dma_wait3A_996 = tpu.memref_squeeze %dma_wait3A_995 : memref<1x1x640xf32, #tpu.memory_space<vmem>> -> memref<640xf32, #tpu.memory_space<vmem>>
      %dma_wait3A_997 = tpu.memref_slice %arg11[%dma_wait3A_990, %dma_wait3A_991, %mul3A_748] : memref<16x2x10240xf32, #tpu.memory_space<vmem_shared>> -> memref<1x1x640xf32, #tpu.memory_space<vmem_shared>>
      %dma_wait3A_998 = tpu.memref_squeeze %dma_wait3A_997 : memref<1x1x640xf32, #tpu.memory_space<vmem_shared>> -> memref<640xf32, #tpu.memory_space<vmem_shared>>
      %dma_wait3A_999 = arith.constant 0 : i32
      %dma_wait3A_1000 = tpu.memref_slice %arg9[%dma_wait3A_992, %dma_wait3A_993, %dma_wait3A_999] : memref<16x2x640xf32, #tpu.memory_space<vmem>> -> memref<1x1x640xf32, #tpu.memory_space<vmem>>
      %dma_wait3A_1001 = tpu.memref_squeeze %dma_wait3A_1000 : memref<1x1x640xf32, #tpu.memory_space<vmem>> -> memref<640xf32, #tpu.memory_space<vmem>>
      %dma_wait3A_1002 = tpu.memref_slice %arg11[%dma_wait3A_990, %dma_wait3A_991, %mul3A_748] : memref<16x2x10240xf32, #tpu.memory_space<vmem_shared>> -> memref<1x1x640xf32, #tpu.memory_space<vmem_shared>>
      %dma_wait3A_1003 = tpu.memref_squeeze %dma_wait3A_1002 : memref<1x1x640xf32, #tpu.memory_space<vmem_shared>> -> memref<640xf32, #tpu.memory_space<vmem_shared>>
      tpu.wait_dma2 semaphore(%arg14 : memref<!tpu.dma_semaphore, #tpu.memory_space<semaphore_mem>>) src(%dma_wait3A_1003 : memref<640xf32, #tpu.memory_space<vmem_shared>>) dst(%dma_wait3A_1001 : memref<640xf32, #tpu.memory_space<vmem>>)
      %dma_wait3A_1004 = arith.constant 9 : i32
      %dma_wait3A_1005 = arith.constant 0 : i32
      %dma_wait3A_1006 = arith.constant 9 : i32
      %dma_wait3A_1007 = arith.constant 0 : i32
      %dma_wait3A_1008 = arith.constant 0 : i32
      %dma_wait3A_1009 = tpu.memref_slice %arg9[%dma_wait3A_1006, %dma_wait3A_1007, %dma_wait3A_1008] : memref<16x2x640xf32, #tpu.memory_space<vmem>> -> memref<1x1x640xf32, #tpu.memory_space<vmem>>
      %dma_wait3A_1010 = tpu.memref_squeeze %dma_wait3A_1009 : memref<1x1x640xf32, #tpu.memory_space<vmem>> -> memref<640xf32, #tpu.memory_space<vmem>>
      %dma_wait3A_1011 = tpu.memref_slice %arg11[%dma_wait3A_1004, %dma_wait3A_1005, %mul3A_764] : memref<16x2x10240xf32, #tpu.memory_space<vmem_shared>> -> memref<1x1x640xf32, #tpu.memory_space<vmem_shared>>
      %dma_wait3A_1012 = tpu.memref_squeeze %dma_wait3A_1011 : memref<1x1x640xf32, #tpu.memory_space<vmem_shared>> -> memref<640xf32, #tpu.memory_space<vmem_shared>>
      %dma_wait3A_1013 = arith.constant 0 : i32
      %dma_wait3A_1014 = tpu.memref_slice %arg9[%dma_wait3A_1006, %dma_wait3A_1007, %dma_wait3A_1013] : memref<16x2x640xf32, #tpu.memory_space<vmem>> -> memref<1x1x640xf32, #tpu.memory_space<vmem>>
      %dma_wait3A_1015 = tpu.memref_squeeze %dma_wait3A_1014 : memref<1x1x640xf32, #tpu.memory_space<vmem>> -> memref<640xf32, #tpu.memory_space<vmem>>
      %dma_wait3A_1016 = tpu.memref_slice %arg11[%dma_wait3A_1004, %dma_wait3A_1005, %mul3A_764] : memref<16x2x10240xf32, #tpu.memory_space<vmem_shared>> -> memref<1x1x640xf32, #tpu.memory_space<vmem_shared>>
      %dma_wait3A_1017 = tpu.memref_squeeze %dma_wait3A_1016 : memref<1x1x640xf32, #tpu.memory_space<vmem_shared>> -> memref<640xf32, #tpu.memory_space<vmem_shared>>
      tpu.wait_dma2 semaphore(%arg14 : memref<!tpu.dma_semaphore, #tpu.memory_space<semaphore_mem>>) src(%dma_wait3A_1017 : memref<640xf32, #tpu.memory_space<vmem_shared>>) dst(%dma_wait3A_1015 : memref<640xf32, #tpu.memory_space<vmem>>)
      %dma_wait3A_1018 = arith.constant 10 : i32
      %dma_wait3A_1019 = arith.constant 0 : i32
      %dma_wait3A_1020 = arith.constant 10 : i32
      %dma_wait3A_1021 = arith.constant 0 : i32
      %dma_wait3A_1022 = arith.constant 0 : i32
      %dma_wait3A_1023 = tpu.memref_slice %arg9[%dma_wait3A_1020, %dma_wait3A_1021, %dma_wait3A_1022] : memref<16x2x640xf32, #tpu.memory_space<vmem>> -> memref<1x1x640xf32, #tpu.memory_space<vmem>>
      %dma_wait3A_1024 = tpu.memref_squeeze %dma_wait3A_1023 : memref<1x1x640xf32, #tpu.memory_space<vmem>> -> memref<640xf32, #tpu.memory_space<vmem>>
      %dma_wait3A_1025 = tpu.memref_slice %arg11[%dma_wait3A_1018, %dma_wait3A_1019, %mul3A_780] : memref<16x2x10240xf32, #tpu.memory_space<vmem_shared>> -> memref<1x1x640xf32, #tpu.memory_space<vmem_shared>>
      %dma_wait3A_1026 = tpu.memref_squeeze %dma_wait3A_1025 : memref<1x1x640xf32, #tpu.memory_space<vmem_shared>> -> memref<640xf32, #tpu.memory_space<vmem_shared>>
      %dma_wait3A_1027 = arith.constant 0 : i32
      %dma_wait3A_1028 = tpu.memref_slice %arg9[%dma_wait3A_1020, %dma_wait3A_1021, %dma_wait3A_1027] : memref<16x2x640xf32, #tpu.memory_space<vmem>> -> memref<1x1x640xf32, #tpu.memory_space<vmem>>
      %dma_wait3A_1029 = tpu.memref_squeeze %dma_wait3A_1028 : memref<1x1x640xf32, #tpu.memory_space<vmem>> -> memref<640xf32, #tpu.memory_space<vmem>>
      %dma_wait3A_1030 = tpu.memref_slice %arg11[%dma_wait3A_1018, %dma_wait3A_1019, %mul3A_780] : memref<16x2x10240xf32, #tpu.memory_space<vmem_shared>> -> memref<1x1x640xf32, #tpu.memory_space<vmem_shared>>
      %dma_wait3A_1031 = tpu.memref_squeeze %dma_wait3A_1030 : memref<1x1x640xf32, #tpu.memory_space<vmem_shared>> -> memref<640xf32, #tpu.memory_space<vmem_shared>>
      tpu.wait_dma2 semaphore(%arg14 : memref<!tpu.dma_semaphore, #tpu.memory_space<semaphore_mem>>) src(%dma_wait3A_1031 : memref<640xf32, #tpu.memory_space<vmem_shared>>) dst(%dma_wait3A_1029 : memref<640xf32, #tpu.memory_space<vmem>>)
      %dma_wait3A_1032 = arith.constant 11 : i32
      %dma_wait3A_1033 = arith.constant 0 : i32
      %dma_wait3A_1034 = arith.constant 11 : i32
      %dma_wait3A_1035 = arith.constant 0 : i32
      %dma_wait3A_1036 = arith.constant 0 : i32
      %dma_wait3A_1037 = tpu.memref_slice %arg9[%dma_wait3A_1034, %dma_wait3A_1035, %dma_wait3A_1036] : memref<16x2x640xf32, #tpu.memory_space<vmem>> -> memref<1x1x640xf32, #tpu.memory_space<vmem>>
      %dma_wait3A_1038 = tpu.memref_squeeze %dma_wait3A_1037 : memref<1x1x640xf32, #tpu.memory_space<vmem>> -> memref<640xf32, #tpu.memory_space<vmem>>
      %dma_wait3A_1039 = tpu.memref_slice %arg11[%dma_wait3A_1032, %dma_wait3A_1033, %mul3A_796] : memref<16x2x10240xf32, #tpu.memory_space<vmem_shared>> -> memref<1x1x640xf32, #tpu.memory_space<vmem_shared>>
      %dma_wait3A_1040 = tpu.memref_squeeze %dma_wait3A_1039 : memref<1x1x640xf32, #tpu.memory_space<vmem_shared>> -> memref<640xf32, #tpu.memory_space<vmem_shared>>
      %dma_wait3A_1041 = arith.constant 0 : i32
      %dma_wait3A_1042 = tpu.memref_slice %arg9[%dma_wait3A_1034, %dma_wait3A_1035, %dma_wait3A_1041] : memref<16x2x640xf32, #tpu.memory_space<vmem>> -> memref<1x1x640xf32, #tpu.memory_space<vmem>>
      %dma_wait3A_1043 = tpu.memref_squeeze %dma_wait3A_1042 : memref<1x1x640xf32, #tpu.memory_space<vmem>> -> memref<640xf32, #tpu.memory_space<vmem>>
      %dma_wait3A_1044 = tpu.memref_slice %arg11[%dma_wait3A_1032, %dma_wait3A_1033, %mul3A_796] : memref<16x2x10240xf32, #tpu.memory_space<vmem_shared>> -> memref<1x1x640xf32, #tpu.memory_space<vmem_shared>>
      %dma_wait3A_1045 = tpu.memref_squeeze %dma_wait3A_1044 : memref<1x1x640xf32, #tpu.memory_space<vmem_shared>> -> memref<640xf32, #tpu.memory_space<vmem_shared>>
      tpu.wait_dma2 semaphore(%arg14 : memref<!tpu.dma_semaphore, #tpu.memory_space<semaphore_mem>>) src(%dma_wait3A_1045 : memref<640xf32, #tpu.memory_space<vmem_shared>>) dst(%dma_wait3A_1043 : memref<640xf32, #tpu.memory_space<vmem>>)
      %dma_wait3A_1046 = arith.constant 12 : i32
      %dma_wait3A_1047 = arith.constant 0 : i32
      %dma_wait3A_1048 = arith.constant 12 : i32
      %dma_wait3A_1049 = arith.constant 0 : i32
      %dma_wait3A_1050 = arith.constant 0 : i32
      %dma_wait3A_1051 = tpu.memref_slice %arg9[%dma_wait3A_1048, %dma_wait3A_1049, %dma_wait3A_1050] : memref<16x2x640xf32, #tpu.memory_space<vmem>> -> memref<1x1x640xf32, #tpu.memory_space<vmem>>
      %dma_wait3A_1052 = tpu.memref_squeeze %dma_wait3A_1051 : memref<1x1x640xf32, #tpu.memory_space<vmem>> -> memref<640xf32, #tpu.memory_space<vmem>>
      %dma_wait3A_1053 = tpu.memref_slice %arg11[%dma_wait3A_1046, %dma_wait3A_1047, %mul3A_812] : memref<16x2x10240xf32, #tpu.memory_space<vmem_shared>> -> memref<1x1x640xf32, #tpu.memory_space<vmem_shared>>
      %dma_wait3A_1054 = tpu.memref_squeeze %dma_wait3A_1053 : memref<1x1x640xf32, #tpu.memory_space<vmem_shared>> -> memref<640xf32, #tpu.memory_space<vmem_shared>>
      %dma_wait3A_1055 = arith.constant 0 : i32
      %dma_wait3A_1056 = tpu.memref_slice %arg9[%dma_wait3A_1048, %dma_wait3A_1049, %dma_wait3A_1055] : memref<16x2x640xf32, #tpu.memory_space<vmem>> -> memref<1x1x640xf32, #tpu.memory_space<vmem>>
      %dma_wait3A_1057 = tpu.memref_squeeze %dma_wait3A_1056 : memref<1x1x640xf32, #tpu.memory_space<vmem>> -> memref<640xf32, #tpu.memory_space<vmem>>
      %dma_wait3A_1058 = tpu.memref_slice %arg11[%dma_wait3A_1046, %dma_wait3A_1047, %mul3A_812] : memref<16x2x10240xf32, #tpu.memory_space<vmem_shared>> -> memref<1x1x640xf32, #tpu.memory_space<vmem_shared>>
      %dma_wait3A_1059 = tpu.memref_squeeze %dma_wait3A_1058 : memref<1x1x640xf32, #tpu.memory_space<vmem_shared>> -> memref<640xf32, #tpu.memory_space<vmem_shared>>
      tpu.wait_dma2 semaphore(%arg14 : memref<!tpu.dma_semaphore, #tpu.memory_space<semaphore_mem>>) src(%dma_wait3A_1059 : memref<640xf32, #tpu.memory_space<vmem_shared>>) dst(%dma_wait3A_1057 : memref<640xf32, #tpu.memory_space<vmem>>)
      %dma_wait3A_1060 = arith.constant 13 : i32
      %dma_wait3A_1061 = arith.constant 0 : i32
      %dma_wait3A_1062 = arith.constant 13 : i32
      %dma_wait3A_1063 = arith.constant 0 : i32
      %dma_wait3A_1064 = arith.constant 0 : i32
      %dma_wait3A_1065 = tpu.memref_slice %arg9[%dma_wait3A_1062, %dma_wait3A_1063, %dma_wait3A_1064] : memref<16x2x640xf32, #tpu.memory_space<vmem>> -> memref<1x1x640xf32, #tpu.memory_space<vmem>>
      %dma_wait3A_1066 = tpu.memref_squeeze %dma_wait3A_1065 : memref<1x1x640xf32, #tpu.memory_space<vmem>> -> memref<640xf32, #tpu.memory_space<vmem>>
      %dma_wait3A_1067 = tpu.memref_slice %arg11[%dma_wait3A_1060, %dma_wait3A_1061, %mul3A_828] : memref<16x2x10240xf32, #tpu.memory_space<vmem_shared>> -> memref<1x1x640xf32, #tpu.memory_space<vmem_shared>>
      %dma_wait3A_1068 = tpu.memref_squeeze %dma_wait3A_1067 : memref<1x1x640xf32, #tpu.memory_space<vmem_shared>> -> memref<640xf32, #tpu.memory_space<vmem_shared>>
      %dma_wait3A_1069 = arith.constant 0 : i32
      %dma_wait3A_1070 = tpu.memref_slice %arg9[%dma_wait3A_1062, %dma_wait3A_1063, %dma_wait3A_1069] : memref<16x2x640xf32, #tpu.memory_space<vmem>> -> memref<1x1x640xf32, #tpu.memory_space<vmem>>
      %dma_wait3A_1071 = tpu.memref_squeeze %dma_wait3A_1070 : memref<1x1x640xf32, #tpu.memory_space<vmem>> -> memref<640xf32, #tpu.memory_space<vmem>>
      %dma_wait3A_1072 = tpu.memref_slice %arg11[%dma_wait3A_1060, %dma_wait3A_1061, %mul3A_828] : memref<16x2x10240xf32, #tpu.memory_space<vmem_shared>> -> memref<1x1x640xf32, #tpu.memory_space<vmem_shared>>
      %dma_wait3A_1073 = tpu.memref_squeeze %dma_wait3A_1072 : memref<1x1x640xf32, #tpu.memory_space<vmem_shared>> -> memref<640xf32, #tpu.memory_space<vmem_shared>>
      tpu.wait_dma2 semaphore(%arg14 : memref<!tpu.dma_semaphore, #tpu.memory_space<semaphore_mem>>) src(%dma_wait3A_1073 : memref<640xf32, #tpu.memory_space<vmem_shared>>) dst(%dma_wait3A_1071 : memref<640xf32, #tpu.memory_space<vmem>>)
      %dma_wait3A_1074 = arith.constant 14 : i32
      %dma_wait3A_1075 = arith.constant 0 : i32
      %dma_wait3A_1076 = arith.constant 14 : i32
      %dma_wait3A_1077 = arith.constant 0 : i32
      %dma_wait3A_1078 = arith.constant 0 : i32
      %dma_wait3A_1079 = tpu.memref_slice %arg9[%dma_wait3A_1076, %dma_wait3A_1077, %dma_wait3A_1078] : memref<16x2x640xf32, #tpu.memory_space<vmem>> -> memref<1x1x640xf32, #tpu.memory_space<vmem>>
      %dma_wait3A_1080 = tpu.memref_squeeze %dma_wait3A_1079 : memref<1x1x640xf32, #tpu.memory_space<vmem>> -> memref<640xf32, #tpu.memory_space<vmem>>
      %dma_wait3A_1081 = tpu.memref_slice %arg11[%dma_wait3A_1074, %dma_wait3A_1075, %mul3A_844] : memref<16x2x10240xf32, #tpu.memory_space<vmem_shared>> -> memref<1x1x640xf32, #tpu.memory_space<vmem_shared>>
      %dma_wait3A_1082 = tpu.memref_squeeze %dma_wait3A_1081 : memref<1x1x640xf32, #tpu.memory_space<vmem_shared>> -> memref<640xf32, #tpu.memory_space<vmem_shared>>
      %dma_wait3A_1083 = arith.constant 0 : i32
      %dma_wait3A_1084 = tpu.memref_slice %arg9[%dma_wait3A_1076, %dma_wait3A_1077, %dma_wait3A_1083] : memref<16x2x640xf32, #tpu.memory_space<vmem>> -> memref<1x1x640xf32, #tpu.memory_space<vmem>>
      %dma_wait3A_1085 = tpu.memref_squeeze %dma_wait3A_1084 : memref<1x1x640xf32, #tpu.memory_space<vmem>> -> memref<640xf32, #tpu.memory_space<vmem>>
      %dma_wait3A_1086 = tpu.memref_slice %arg11[%dma_wait3A_1074, %dma_wait3A_1075, %mul3A_844] : memref<16x2x10240xf32, #tpu.memory_space<vmem_shared>> -> memref<1x1x640xf32, #tpu.memory_space<vmem_shared>>
      %dma_wait3A_1087 = tpu.memref_squeeze %dma_wait3A_1086 : memref<1x1x640xf32, #tpu.memory_space<vmem_shared>> -> memref<640xf32, #tpu.memory_space<vmem_shared>>
      tpu.wait_dma2 semaphore(%arg14 : memref<!tpu.dma_semaphore, #tpu.memory_space<semaphore_mem>>) src(%dma_wait3A_1087 : memref<640xf32, #tpu.memory_space<vmem_shared>>) dst(%dma_wait3A_1085 : memref<640xf32, #tpu.memory_space<vmem>>)
      %dma_wait3A_1088 = arith.constant 15 : i32
      %dma_wait3A_1089 = arith.constant 0 : i32
      %dma_wait3A_1090 = arith.constant 15 : i32
      %dma_wait3A_1091 = arith.constant 0 : i32
      %dma_wait3A_1092 = arith.constant 0 : i32
      %dma_wait3A_1093 = tpu.memref_slice %arg9[%dma_wait3A_1090, %dma_wait3A_1091, %dma_wait3A_1092] : memref<16x2x640xf32, #tpu.memory_space<vmem>> -> memref<1x1x640xf32, #tpu.memory_space<vmem>>
      %dma_wait3A_1094 = tpu.memref_squeeze %dma_wait3A_1093 : memref<1x1x640xf32, #tpu.memory_space<vmem>> -> memref<640xf32, #tpu.memory_space<vmem>>
      %dma_wait3A_1095 = tpu.memref_slice %arg11[%dma_wait3A_1088, %dma_wait3A_1089, %mul3A_860] : memref<16x2x10240xf32, #tpu.memory_space<vmem_shared>> -> memref<1x1x640xf32, #tpu.memory_space<vmem_shared>>
      %dma_wait3A_1096 = tpu.memref_squeeze %dma_wait3A_1095 : memref<1x1x640xf32, #tpu.memory_space<vmem_shared>> -> memref<640xf32, #tpu.memory_space<vmem_shared>>
      %dma_wait3A_1097 = arith.constant 0 : i32
      %dma_wait3A_1098 = tpu.memref_slice %arg9[%dma_wait3A_1090, %dma_wait3A_1091, %dma_wait3A_1097] : memref<16x2x640xf32, #tpu.memory_space<vmem>> -> memref<1x1x640xf32, #tpu.memory_space<vmem>>
      %dma_wait3A_1099 = tpu.memref_squeeze %dma_wait3A_1098 : memref<1x1x640xf32, #tpu.memory_space<vmem>> -> memref<640xf32, #tpu.memory_space<vmem>>
      %dma_wait3A_1100 = tpu.memref_slice %arg11[%dma_wait3A_1088, %dma_wait3A_1089, %mul3A_860] : memref<16x2x10240xf32, #tpu.memory_space<vmem_shared>> -> memref<1x1x640xf32, #tpu.memory_space<vmem_shared>>
      %dma_wait3A_1101 = tpu.memref_squeeze %dma_wait3A_1100 : memref<1x1x640xf32, #tpu.memory_space<vmem_shared>> -> memref<640xf32, #tpu.memory_space<vmem_shared>>
      tpu.wait_dma2 semaphore(%arg14 : memref<!tpu.dma_semaphore, #tpu.memory_space<semaphore_mem>>) src(%dma_wait3A_1101 : memref<640xf32, #tpu.memory_space<vmem_shared>>) dst(%dma_wait3A_1099 : memref<640xf32, #tpu.memory_space<vmem>>)
      %parallel_loop3A_1102 = arith.constant 0 : i32
      %parallel_loop3A_1103 = arith.constant 40 : i32
      %parallel_loop3A_1104 = arith.constant 1 : i32
      scf.for %parallel_loop3A_1125 = %parallel_loop3A_1102 to %parallel_loop3A_1103 step %parallel_loop3A_1104  : i32 {
        %parallel_loop3A_1126 = arith.constant 16 : i32
        %parallel_loop3A_1127 = arith.muli %parallel_loop3A_1125, %parallel_loop3A_1126 : i32
        %parallel_loop3A_1128 = arith.constant 0 : i32
        %parallel_loop3A_1129 = arith.constant 0 : i32
        %parallel_loop3A_1130 = arith.index_cast %parallel_loop3A_1128 : i32 to index
        %parallel_loop3A_1131 = arith.index_cast %parallel_loop3A_1129 : i32 to index
        %parallel_loop3A_1132 = arith.index_cast %parallel_loop3A_1127 : i32 to index
        %parallel_loop3A_1133 = tpu.vector_load %arg9[%parallel_loop3A_1130, %parallel_loop3A_1131, %parallel_loop3A_1132] {strides = array<i32>} : memref<16x2x640xf32, #tpu.memory_space<vmem>>, vector<16xf32>,
        %parallel_loop3A_1134 = arith.constant 1 : i32
        %parallel_loop3A_1135 = arith.constant 0 : i32
        %parallel_loop3A_1136 = arith.index_cast %parallel_loop3A_1134 : i32 to index
        %parallel_loop3A_1137 = arith.index_cast %parallel_loop3A_1135 : i32 to index
        %parallel_loop3A_1138 = arith.index_cast %parallel_loop3A_1127 : i32 to index
        %parallel_loop3A_1139 = tpu.vector_load %arg9[%parallel_loop3A_1136, %parallel_loop3A_1137, %parallel_loop3A_1138] {strides = array<i32>} : memref<16x2x640xf32, #tpu.memory_space<vmem>>, vector<16xf32>,
        %parallel_loop3A_1140 = arith.addf %parallel_loop3A_1133, %parallel_loop3A_1139 : vector<16xf32>
        %parallel_loop3A_1141 = arith.constant 2 : i32
        %parallel_loop3A_1142 = arith.constant 0 : i32
        %parallel_loop3A_1143 = arith.index_cast %parallel_loop3A_1141 : i32 to index
        %parallel_loop3A_1144 = arith.index_cast %parallel_loop3A_1142 : i32 to index
        %parallel_loop3A_1145 = arith.index_cast %parallel_loop3A_1127 : i32 to index
        %parallel_loop3A_1146 = tpu.vector_load %arg9[%parallel_loop3A_1143, %parallel_loop3A_1144, %parallel_loop3A_1145] {strides = array<i32>} : memref<16x2x640xf32, #tpu.memory_space<vmem>>, vector<16xf32>,
        %parallel_loop3A_1147 = arith.addf %parallel_loop3A_1140, %parallel_loop3A_1146 : vector<16xf32>
        %parallel_loop3A_1148 = arith.constant 3 : i32
        %parallel_loop3A_1149 = arith.constant 0 : i32
        %parallel_loop3A_1150 = arith.index_cast %parallel_loop3A_1148 : i32 to index
        %parallel_loop3A_1151 = arith.index_cast %parallel_loop3A_1149 : i32 to index
        %parallel_loop3A_1152 = arith.index_cast %parallel_loop3A_1127 : i32 to index
        %parallel_loop3A_1153 = tpu.vector_load %arg9[%parallel_loop3A_1150, %parallel_loop3A_1151, %parallel_loop3A_1152] {strides = array<i32>} : memref<16x2x640xf32, #tpu.memory_space<vmem>>, vector<16xf32>,
        %parallel_loop3A_1154 = arith.addf %parallel_loop3A_1147, %parallel_loop3A_1153 : vector<16xf32>
        %parallel_loop3A_1155 = arith.constant 4 : i32
        %parallel_loop3A_1156 = arith.constant 0 : i32
        %parallel_loop3A_1157 = arith.index_cast %parallel_loop3A_1155 : i32 to index
        %parallel_loop3A_1158 = arith.index_cast %parallel_loop3A_1156 : i32 to index
        %parallel_loop3A_1159 = arith.index_cast %parallel_loop3A_1127 : i32 to index
        %parallel_loop3A_1160 = tpu.vector_load %arg9[%parallel_loop3A_1157, %parallel_loop3A_1158, %parallel_loop3A_1159] {strides = array<i32>} : memref<16x2x640xf32, #tpu.memory_space<vmem>>, vector<16xf32>,
        %parallel_loop3A_1161 = arith.addf %parallel_loop3A_1154, %parallel_loop3A_1160 : vector<16xf32>
        %parallel_loop3A_1162 = arith.constant 5 : i32
        %parallel_loop3A_1163 = arith.constant 0 : i32
        %parallel_loop3A_1164 = arith.index_cast %parallel_loop3A_1162 : i32 to index
        %parallel_loop3A_1165 = arith.index_cast %parallel_loop3A_1163 : i32 to index
        %parallel_loop3A_1166 = arith.index_cast %parallel_loop3A_1127 : i32 to index
        %parallel_loop3A_1167 = tpu.vector_load %arg9[%parallel_loop3A_1164, %parallel_loop3A_1165, %parallel_loop3A_1166] {strides = array<i32>} : memref<16x2x640xf32, #tpu.memory_space<vmem>>, vector<16xf32>,
        %parallel_loop3A_1168 = arith.addf %parallel_loop3A_1161, %parallel_loop3A_1167 : vector<16xf32>
        %parallel_loop3A_1169 = arith.constant 6 : i32
        %parallel_loop3A_1170 = arith.constant 0 : i32
        %parallel_loop3A_1171 = arith.index_cast %parallel_loop3A_1169 : i32 to index
        %parallel_loop3A_1172 = arith.index_cast %parallel_loop3A_1170 : i32 to index
        %parallel_loop3A_1173 = arith.index_cast %parallel_loop3A_1127 : i32 to index
        %parallel_loop3A_1174 = tpu.vector_load %arg9[%parallel_loop3A_1171, %parallel_loop3A_1172, %parallel_loop3A_1173] {strides = array<i32>} : memref<16x2x640xf32, #tpu.memory_space<vmem>>, vector<16xf32>,
        %parallel_loop3A_1175 = arith.addf %parallel_loop3A_1168, %parallel_loop3A_1174 : vector<16xf32>
        %parallel_loop3A_1176 = arith.constant 7 : i32
        %parallel_loop3A_1177 = arith.constant 0 : i32
        %parallel_loop3A_1178 = arith.index_cast %parallel_loop3A_1176 : i32 to index
        %parallel_loop3A_1179 = arith.index_cast %parallel_loop3A_1177 : i32 to index
        %parallel_loop3A_1180 = arith.index_cast %parallel_loop3A_1127 : i32 to index
        %parallel_loop3A_1181 = tpu.vector_load %arg9[%parallel_loop3A_1178, %parallel_loop3A_1179, %parallel_loop3A_1180] {strides = array<i32>} : memref<16x2x640xf32, #tpu.memory_space<vmem>>, vector<16xf32>,
        %parallel_loop3A_1182 = arith.addf %parallel_loop3A_1175, %parallel_loop3A_1181 : vector<16xf32>
        %parallel_loop3A_1183 = arith.constant 8 : i32
        %parallel_loop3A_1184 = arith.constant 0 : i32
        %parallel_loop3A_1185 = arith.index_cast %parallel_loop3A_1183 : i32 to index
        %parallel_loop3A_1186 = arith.index_cast %parallel_loop3A_1184 : i32 to index
        %parallel_loop3A_1187 = arith.index_cast %parallel_loop3A_1127 : i32 to index
        %parallel_loop3A_1188 = tpu.vector_load %arg9[%parallel_loop3A_1185, %parallel_loop3A_1186, %parallel_loop3A_1187] {strides = array<i32>} : memref<16x2x640xf32, #tpu.memory_space<vmem>>, vector<16xf32>,
        %parallel_loop3A_1189 = arith.addf %parallel_loop3A_1182, %parallel_loop3A_1188 : vector<16xf32>
        %parallel_loop3A_1190 = arith.constant 9 : i32
        %parallel_loop3A_1191 = arith.constant 0 : i32
        %parallel_loop3A_1192 = arith.index_cast %parallel_loop3A_1190 : i32 to index
        %parallel_loop3A_1193 = arith.index_cast %parallel_loop3A_1191 : i32 to index
        %parallel_loop3A_1194 = arith.index_cast %parallel_loop3A_1127 : i32 to index
        %parallel_loop3A_1195 = tpu.vector_load %arg9[%parallel_loop3A_1192, %parallel_loop3A_1193, %parallel_loop3A_1194] {strides = array<i32>} : memref<16x2x640xf32, #tpu.memory_space<vmem>>, vector<16xf32>,
        %parallel_loop3A_1196 = arith.addf %parallel_loop3A_1189, %parallel_loop3A_1195 : vector<16xf32>
        %parallel_loop3A_1197 = arith.constant 10 : i32
        %parallel_loop3A_1198 = arith.constant 0 : i32
        %parallel_loop3A_1199 = arith.index_cast %parallel_loop3A_1197 : i32 to index
        %parallel_loop3A_1200 = arith.index_cast %parallel_loop3A_1198 : i32 to index
        %parallel_loop3A_1201 = arith.index_cast %parallel_loop3A_1127 : i32 to index
        %parallel_loop3A_1202 = tpu.vector_load %arg9[%parallel_loop3A_1199, %parallel_loop3A_1200, %parallel_loop3A_1201] {strides = array<i32>} : memref<16x2x640xf32, #tpu.memory_space<vmem>>, vector<16xf32>,
        %parallel_loop3A_1203 = arith.addf %parallel_loop3A_1196, %parallel_loop3A_1202 : vector<16xf32>
        %parallel_loop3A_1204 = arith.constant 11 : i32
        %parallel_loop3A_1205 = arith.constant 0 : i32
        %parallel_loop3A_1206 = arith.index_cast %parallel_loop3A_1204 : i32 to index
        %parallel_loop3A_1207 = arith.index_cast %parallel_loop3A_1205 : i32 to index
        %parallel_loop3A_1208 = arith.index_cast %parallel_loop3A_1127 : i32 to index
        %parallel_loop3A_1209 = tpu.vector_load %arg9[%parallel_loop3A_1206, %parallel_loop3A_1207, %parallel_loop3A_1208] {strides = array<i32>} : memref<16x2x640xf32, #tpu.memory_space<vmem>>, vector<16xf32>,
        %parallel_loop3A_1210 = arith.addf %parallel_loop3A_1203, %parallel_loop3A_1209 : vector<16xf32>
        %parallel_loop3A_1211 = arith.constant 12 : i32
        %parallel_loop3A_1212 = arith.constant 0 : i32
        %parallel_loop3A_1213 = arith.index_cast %parallel_loop3A_1211 : i32 to index
        %parallel_loop3A_1214 = arith.index_cast %parallel_loop3A_1212 : i32 to index
        %parallel_loop3A_1215 = arith.index_cast %parallel_loop3A_1127 : i32 to index
        %parallel_loop3A_1216 = tpu.vector_load %arg9[%parallel_loop3A_1213, %parallel_loop3A_1214, %parallel_loop3A_1215] {strides = array<i32>} : memref<16x2x640xf32, #tpu.memory_space<vmem>>, vector<16xf32>,
        %parallel_loop3A_1217 = arith.addf %parallel_loop3A_1210, %parallel_loop3A_1216 : vector<16xf32>
        %parallel_loop3A_1218 = arith.constant 13 : i32
        %parallel_loop3A_1219 = arith.constant 0 : i32
        %parallel_loop3A_1220 = arith.index_cast %parallel_loop3A_1218 : i32 to index
        %parallel_loop3A_1221 = arith.index_cast %parallel_loop3A_1219 : i32 to index
        %parallel_loop3A_1222 = arith.index_cast %parallel_loop3A_1127 : i32 to index
        %parallel_loop3A_1223 = tpu.vector_load %arg9[%parallel_loop3A_1220, %parallel_loop3A_1221, %parallel_loop3A_1222] {strides = array<i32>} : memref<16x2x640xf32, #tpu.memory_space<vmem>>, vector<16xf32>,
        %parallel_loop3A_1224 = arith.addf %parallel_loop3A_1217, %parallel_loop3A_1223 : vector<16xf32>
        %parallel_loop3A_1225 = arith.constant 14 : i32
        %parallel_loop3A_1226 = arith.constant 0 : i32
        %parallel_loop3A_1227 = arith.index_cast %parallel_loop3A_1225 : i32 to index
        %parallel_loop3A_1228 = arith.index_cast %parallel_loop3A_1226 : i32 to index
        %parallel_loop3A_1229 = arith.index_cast %parallel_loop3A_1127 : i32 to index
        %parallel_loop3A_1230 = tpu.vector_load %arg9[%parallel_loop3A_1227, %parallel_loop3A_1228, %parallel_loop3A_1229] {strides = array<i32>} : memref<16x2x640xf32, #tpu.memory_space<vmem>>, vector<16xf32>,
        %parallel_loop3A_1231 = arith.addf %parallel_loop3A_1224, %parallel_loop3A_1230 : vector<16xf32>
        %parallel_loop3A_1232 = arith.constant 15 : i32
        %parallel_loop3A_1233 = arith.constant 0 : i32
        %parallel_loop3A_1234 = arith.index_cast %parallel_loop3A_1232 : i32 to index
        %parallel_loop3A_1235 = arith.index_cast %parallel_loop3A_1233 : i32 to index
        %parallel_loop3A_1236 = arith.index_cast %parallel_loop3A_1127 : i32 to index
        %parallel_loop3A_1237 = tpu.vector_load %arg9[%parallel_loop3A_1234, %parallel_loop3A_1235, %parallel_loop3A_1236] {strides = array<i32>} : memref<16x2x640xf32, #tpu.memory_space<vmem>>, vector<16xf32>,
        %parallel_loop3A_1238 = arith.addf %parallel_loop3A_1231, %parallel_loop3A_1237 : vector<16xf32>
        %parallel_loop3A_1239 = arith.constant 0 : i32
        %parallel_loop3A_1240 = arith.index_cast %parallel_loop3A_1239 : i32 to index
        %parallel_loop3A_1241 = arith.index_cast %parallel_loop3A_1127 : i32 to index
        %parallel_loop3A_1242 = tpu.vector_load %arg10[%parallel_loop3A_1240, %parallel_loop3A_1241] {strides = array<i32>} : memref<2x640xf32, #tpu.memory_space<vmem>>, vector<16xf32>,
        tpu.vector_store %arg10[%parallel_loop3A_1240, %parallel_loop3A_1241], %parallel_loop3A_1238 {strides = array<i32>} : memref<2x640xf32, #tpu.memory_space<vmem>>, vector<16xf32>,
      } {sc.loop_unroll_factor = 4 : i64, sc.parallel_access}
      %mul3A_1105 = arith.constant 640 : i32
      %mul3A_1106 = arith.muli %arg1, %mul3A_1105 : i32
      %dma_start3A_1107 = arith.constant 0 : i32
      %dma_start3A_1108 = arith.constant 0 : i32
      %dma_start3A_1109 = tpu.memref_slice %arg10[%dma_start3A_1107, %dma_start3A_1108] : memref<2x640xf32, #tpu.memory_space<vmem>> -> memref<1x640xf32, #tpu.memory_space<vmem>>
      %dma_start3A_1110 = tpu.memref_squeeze %dma_start3A_1109 : memref<1x640xf32, #tpu.memory_space<vmem>> -> memref<640xf32, #tpu.memory_space<vmem>>
      %dma_start3A_1111 = tpu.memref_slice %arg4[%mul3A_1106] : memref<10240xf32, #tpu.memory_space<hbm>> -> memref<640xf32, #tpu.memory_space<hbm>>
      %dma_start3A_1112 = tpu.memref_slice %arg4[%mul3A_1106] : memref<10240xf32, #tpu.memory_space<hbm>> -> memref<640xf32, #tpu.memory_space<hbm>>
      %dma_start3A_1113 = arith.constant 0 : i32
      %dma_start3A_1114 = tpu.memref_slice %arg10[%dma_start3A_1107, %dma_start3A_1113] : memref<2x640xf32, #tpu.memory_space<vmem>> -> memref<1x640xf32, #tpu.memory_space<vmem>>
      %dma_start3A_1115 = tpu.memref_squeeze %dma_start3A_1114 : memref<1x640xf32, #tpu.memory_space<vmem>> -> memref<640xf32, #tpu.memory_space<vmem>>
      tpu.enqueue_dma source(%dma_start3A_1115 : memref<640xf32, #tpu.memory_space<vmem>>) target(%dma_start3A_1112 : memref<640xf32, #tpu.memory_space<hbm>>) target_semaphore(%arg14 : memref<!tpu.dma_semaphore, #tpu.memory_space<semaphore_mem>>)
      %dma_wait3A_1116 = arith.constant 0 : i32
      %dma_wait3A_1117 = arith.constant 0 : i32
      %dma_wait3A_1118 = tpu.memref_slice %arg10[%dma_wait3A_1116, %dma_wait3A_1117] : memref<2x640xf32, #tpu.memory_space<vmem>> -> memref<1x640xf32, #tpu.memory_space<vmem>>
      %dma_wait3A_1119 = tpu.memref_squeeze %dma_wait3A_1118 : memref<1x640xf32, #tpu.memory_space<vmem>> -> memref<640xf32, #tpu.memory_space<vmem>>
      %dma_wait3A_1120 = tpu.memref_slice %arg4[%mul3A_1106] : memref<10240xf32, #tpu.memory_space<hbm>> -> memref<640xf32, #tpu.memory_space<hbm>>
      %dma_wait3A_1121 = tpu.memref_slice %arg4[%mul3A_1106] : memref<10240xf32, #tpu.memory_space<hbm>> -> memref<640xf32, #tpu.memory_space<hbm>>
      %dma_wait3A_1122 = arith.constant 0 : i32
      %dma_wait3A_1123 = tpu.memref_slice %arg10[%dma_wait3A_1116, %dma_wait3A_1122] : memref<2x640xf32, #tpu.memory_space<vmem>> -> memref<1x640xf32, #tpu.memory_space<vmem>>
      %dma_wait3A_1124 = tpu.memref_squeeze %dma_wait3A_1123 : memref<1x640xf32, #tpu.memory_space<vmem>> -> memref<640xf32, #tpu.memory_space<vmem>>
      tpu.wait_dma2 semaphore(%arg14 : memref<!tpu.dma_semaphore, #tpu.memory_space<semaphore_mem>>) src(%dma_wait3A_1124 : memref<640xf32, #tpu.memory_space<vmem>>) dst(%dma_wait3A_1121 : memref<640xf32, #tpu.memory_space<hbm>>)
    } else {
    }
    %ne3A_611 = arith.constant 0 : i32
    %ne3A_612 = arith.cmpi ne, %arg0, %ne3A_611 : i32
    %convert_element_type3A_613 = arith.extui %ne3A_612 : i1 to i32
    %cond3A_614 = arith.constant 0 : i32
    %cond3A_615 = arith.cmpi ne, %convert_element_type3A_613, %cond3A_614 : i32
    scf.if %cond3A_615 {
      %parallel_loop3A_619 = arith.constant 0 : i32
      %parallel_loop3A_620 = arith.constant 936 : i32
      %parallel_loop3A_621 = arith.constant 1 : i32
      scf.for %parallel_loop3A_625 = %parallel_loop3A_619 to %parallel_loop3A_620 step %parallel_loop3A_621  : i32 {
        %parallel_loop3A_626 = arith.constant 16 : i32
        %parallel_loop3A_627 = arith.muli %parallel_loop3A_625, %parallel_loop3A_626 : i32
        %parallel_loop3A_628 = arith.constant 4992 : i32
        %parallel_loop3A_629 = arith.addi %parallel_loop3A_628, %parallel_loop3A_627 : i32
        %parallel_loop3A_630 = arith.constant 1 : i32
        %parallel_loop3A_631 = arith.index_cast %parallel_loop3A_630 : i32 to index
        %parallel_loop3A_632 = arith.index_cast %parallel_loop3A_629 : i32 to index
        %parallel_loop3A_633 = tpu.vector_load %arg5[%parallel_loop3A_631, %parallel_loop3A_632] {strides = array<i32>} : memref<2x20096xi32, #tpu.memory_space<vmem>>, vector<16xi32>,
        %parallel_loop3A_634 = tpu.vector_load_idx %arg7[%parallel_loop3A_633] : memref<10240xf32, #tpu.memory_space<vmem>>[vector<16xi32>], vector<16xf32>,
        %parallel_loop3A_635 = arith.constant 0 : i32
        %parallel_loop3A_636 = arith.index_cast %parallel_loop3A_635 : i32 to index
        %parallel_loop3A_637 = arith.index_cast %parallel_loop3A_629 : i32 to index
        %parallel_loop3A_638 = tpu.vector_load %arg5[%parallel_loop3A_636, %parallel_loop3A_637] {strides = array<i32>} : memref<2x20096xi32, #tpu.memory_space<vmem>>, vector<16xi32>,
        tpu.vector_store_idx %arg8[%parallel_loop3A_638], %parallel_loop3A_634 {add = true} : memref<10240xf32, #tpu.memory_space<vmem>>[vector<16xi32>], vector<16xf32>,
      } {sc.loop_unroll_factor = 8 : i64, sc.parallel_access}
      %convert_element_type3A_622 = arith.extui %lt3A_28 : i1 to i32
      %cond3A_623 = arith.constant 0 : i32
      %cond3A_624 = arith.cmpi ne, %convert_element_type3A_622, %cond3A_623 : i32
      scf.if %cond3A_624 {
        %parallel_loop3A_625 = arith.constant 0 : i32
        %parallel_loop3A_626 = arith.constant 8 : i32
        %parallel_loop3A_627 = arith.constant 1 : i32
        scf.for %parallel_loop3A_628 = %parallel_loop3A_625 to %parallel_loop3A_626 step %parallel_loop3A_627  : i32 {
          %parallel_loop3A_629 = arith.constant 16 : i32
          %parallel_loop3A_630 = arith.muli %parallel_loop3A_628, %parallel_loop3A_629 : i32
          %parallel_loop3A_631 = arith.constant 19968 : i32
          %parallel_loop3A_632 = arith.addi %parallel_loop3A_631, %parallel_loop3A_630 : i32
          %parallel_loop3A_633 = arith.constant 1 : i32
          %parallel_loop3A_634 = arith.index_cast %parallel_loop3A_633 : i32 to index
          %parallel_loop3A_635 = arith.index_cast %parallel_loop3A_632 : i32 to index
          %parallel_loop3A_636 = tpu.vector_load %arg5[%parallel_loop3A_634, %parallel_loop3A_635] {strides = array<i32>} : memref<2x20096xi32, #tpu.memory_space<vmem>>, vector<16xi32>,
          %parallel_loop3A_637 = tpu.vector_load_idx %arg7[%parallel_loop3A_636] : memref<10240xf32, #tpu.memory_space<vmem>>[vector<16xi32>], vector<16xf32>,
          %parallel_loop3A_638 = arith.constant 0 : i32
          %parallel_loop3A_639 = arith.index_cast %parallel_loop3A_638 : i32 to index
          %parallel_loop3A_640 = arith.index_cast %parallel_loop3A_632 : i32 to index
          %parallel_loop3A_641 = tpu.vector_load %arg5[%parallel_loop3A_639, %parallel_loop3A_640] {strides = array<i32>} : memref<2x20096xi32, #tpu.memory_space<vmem>>, vector<16xi32>,
          tpu.vector_store_idx %arg8[%parallel_loop3A_641], %parallel_loop3A_637 {add = true} : memref<10240xf32, #tpu.memory_space<vmem>>[vector<16xi32>], vector<16xf32>,
        } {sc.loop_unroll_factor = 8 : i64, sc.parallel_access}
      } else {
      }
    } else {
    }
    %mul3A_616 = arith.constant 16 : i32
    %mul3A_617 = arith.muli %arg0, %mul3A_616 : i32
    %add3A_618 = arith.addi %mul3A_617, %arg1 : i32
    "tpu.region"() ({
      %run_scoped3A = tpu.sem_alloc : memref<!tpu.dma_semaphore, #tpu.memory_space<semaphore_mem>>
      %dma_start3A_619 = arith.constant 0 : i32
      %dma_start3A_620 = tpu.memref_slice %arg3[%add3A_618, %dma_start3A_619] : memref<32x10240xf32, #tpu.memory_space<hbm>> -> memref<1x10240xf32, #tpu.memory_space<hbm>>
      %dma_start3A_621 = tpu.memref_squeeze %dma_start3A_620 : memref<1x10240xf32, #tpu.memory_space<hbm>> -> memref<10240xf32, #tpu.memory_space<hbm>>
      %dma_start3A_622 = arith.constant 0 : i32
      %dma_start3A_623 = tpu.memref_slice %arg3[%add3A_618, %dma_start3A_622] : memref<32x10240xf32, #tpu.memory_space<hbm>> -> memref<1x10240xf32, #tpu.memory_space<hbm>>
      %dma_start3A_624 = tpu.memref_squeeze %dma_start3A_623 : memref<1x10240xf32, #tpu.memory_space<hbm>> -> memref<10240xf32, #tpu.memory_space<hbm>>
      tpu.enqueue_dma source(%arg8 : memref<10240xf32, #tpu.memory_space<vmem>>) target(%dma_start3A_624 : memref<10240xf32, #tpu.memory_space<hbm>>) target_semaphore(%run_scoped3A : memref<!tpu.dma_semaphore, #tpu.memory_space<semaphore_mem>>)
      %dma_wait3A_625 = arith.constant 0 : i32
      %dma_wait3A_626 = tpu.memref_slice %arg3[%add3A_618, %dma_wait3A_625] : memref<32x10240xf32, #tpu.memory_space<hbm>> -> memref<1x10240xf32, #tpu.memory_space<hbm>>
      %dma_wait3A_627 = tpu.memref_squeeze %dma_wait3A_626 : memref<1x10240xf32, #tpu.memory_space<hbm>> -> memref<10240xf32, #tpu.memory_space<hbm>>
      %dma_wait3A_628 = arith.constant 0 : i32
      %dma_wait3A_629 = tpu.memref_slice %arg3[%add3A_618, %dma_wait3A_628] : memref<32x10240xf32, #tpu.memory_space<hbm>> -> memref<1x10240xf32, #tpu.memory_space<hbm>>
      %dma_wait3A_630 = tpu.memref_squeeze %dma_wait3A_629 : memref<1x10240xf32, #tpu.memory_space<hbm>> -> memref<10240xf32, #tpu.memory_space<hbm>>
      tpu.wait_dma2 semaphore(%run_scoped3A : memref<!tpu.dma_semaphore, #tpu.memory_space<semaphore_mem>>) src(%arg8 : memref<10240xf32, #tpu.memory_space<vmem>>) dst(%dma_wait3A_630 : memref<10240xf32, #tpu.memory_space<hbm>>)
      tpu.yield
    }) : () -> ()
    return
  }
}

module attributes {stable_mosaic.version = 14 : i64} {
  func.func @body(%arg0: memref<32x10240xf32, #tpu.memory_space<vmem>>, %arg1: memref<1x10240xf32, #tpu.memory_space<vmem>>, %arg2: memref<10000x128xf32, #tpu.memory_space<vmem>>, %arg3: memref<128x128xf32, #tpu.memory_space<vmem>>, %arg4: memref<1x128xf32, #tpu.memory_space<vmem>>, %arg5: memref<128x10xf32, #tpu.memory_space<vmem>>, %arg6: memref<1x10xf32, #tpu.memory_space<vmem>>, %arg7: memref<1x10xf32, #tpu.memory_space<vmem>>) attributes {dimension_semantics = [], scalar_prefetch = 0 : i64, scratch_operands = 0 : i64, tpu.core_type = #tpu.core_type<tc>} {
    %get3A = arith.constant 0 : index
    %get3A_0 = arith.constant 0 : index
    %get3A_1 = vector.load %arg0[%get3A, %get3A_0] : memref<32x10240xf32, #tpu.memory_space<vmem>>, vector<32x10240xf32>
    %reduce_sum3A = arith.constant dense<0.000000e+00> : vector<10240xf32>
    %reduce_sum3A_2 = vector.multi_reduction <add>, %get3A_1, %reduce_sum3A [0] : vector<32x10240xf32> to vector<10240xf32>
    %broadcast_in_dim3A = vector.shape_cast %reduce_sum3A_2 : vector<10240xf32> to vector<1x10240xf32>
    %get3A_3 = arith.constant 0 : index
    %get3A_4 = arith.constant 0 : index
    %get3A_5 = vector.load %arg1[%get3A_3, %get3A_4] : memref<1x10240xf32, #tpu.memory_space<vmem>>, vector<1x10240xf32>
    %max3A = arith.constant 1.000000e+00 : f32
    %max3A_6 = vector.broadcast %max3A : f32 to vector<1x10240xf32>
    %max3A_7 = arith.maximumf %get3A_5, %max3A_6 : vector<1x10240xf32>
    %rsqrt3A = math.rsqrt %max3A_7 : vector<1x10240xf32>
    %mul3A = arith.mulf %broadcast_in_dim3A, %rsqrt3A : vector<1x10240xf32>
    %slice3A = vector.extract_strided_slice %mul3A {offsets = [0, 0], sizes = [1, 10000], strides = [1, 1]} : vector<1x10240xf32> to vector<1x10000xf32>
    %reduce_sum3A_8 = vector.shape_cast %slice3A : vector<1x10000xf32> to vector<1x1x10000xf32>
    %reduce_sum3A_9 = arith.constant dense<0.000000e+00> : vector<1xf32>
    %reduce_sum3A_10 = vector.multi_reduction <add>, %reduce_sum3A_8, %reduce_sum3A_9 [1, 2] : vector<1x1x10000xf32> to vector<1xf32>
    %reduce_sum3A_11 = vector.shape_cast %reduce_sum3A_10 : vector<1xf32> to vector<1x1x1xf32>
    %reduce_sum3A_12 = vector.extract %reduce_sum3A_11[0, 0, 0] : f32 from vector<1x1x1xf32>
    %get3A_13 = arith.constant 0 : index
    %get3A_14 = arith.constant 0 : index
    %get3A_15 = vector.load %arg2[%get3A_13, %get3A_14] : memref<10000x128xf32, #tpu.memory_space<vmem>>, vector<10000x128xf32>
    %dot_general3A = arith.constant dense<0.000000e+00> : vector<1x128xf32>
    %dot_general3A_16 = tpu.matmul %slice3A, %get3A_15, %dot_general3A {dimension_numbers = #tpu.dot_dimension_numbers<[1], [0], [0], [1], [0, 0, 1, 1], [], []>, transpose_lhs_hint = false} : vector<1x10000xf32>, vector<10000x128xf32>, vector<1x128xf32> -> vector<1x128xf32>
    %get3A_17 = arith.constant 0 : index
    %get3A_18 = arith.constant 0 : index
    %get3A_19 = vector.load %arg3[%get3A_17, %get3A_18] : memref<128x128xf32, #tpu.memory_space<vmem>>, vector<128x128xf32>
    %dot_general3A_20 = arith.constant dense<0.000000e+00> : vector<1x128xf32>
    %dot_general3A_21 = tpu.matmul %dot_general3A_16, %get3A_19, %dot_general3A_20 {dimension_numbers = #tpu.dot_dimension_numbers<[1], [0], [0], [1], [0, 0, 1, 1], [], []>, transpose_lhs_hint = false} : vector<1x128xf32>, vector<128x128xf32>, vector<1x128xf32> -> vector<1x128xf32>
    %get3A_22 = arith.constant 0 : index
    %get3A_23 = arith.constant 0 : index
    %get3A_24 = vector.load %arg4[%get3A_22, %get3A_23] : memref<1x128xf32, #tpu.memory_space<vmem>>, vector<1x128xf32>
    %mul3A_25 = vector.broadcast %reduce_sum3A_12 : f32 to vector<1x128xf32>
    %mul3A_26 = arith.mulf %mul3A_25, %get3A_24 : vector<1x128xf32>
    %add3A = arith.addf %dot_general3A_21, %mul3A_26 : vector<1x128xf32>
    %get3A_27 = arith.constant 0 : index
    %get3A_28 = arith.constant 0 : index
    %get3A_29 = vector.load %arg5[%get3A_27, %get3A_28] : memref<128x10xf32, #tpu.memory_space<vmem>>, vector<128x10xf32>
    %dot_general3A_30 = arith.constant dense<0.000000e+00> : vector<1x10xf32>
    %dot_general3A_31 = tpu.matmul %add3A, %get3A_29, %dot_general3A_30 {dimension_numbers = #tpu.dot_dimension_numbers<[1], [0], [0], [1], [0, 0, 1, 1], [], []>, transpose_lhs_hint = false} : vector<1x128xf32>, vector<128x10xf32>, vector<1x10xf32> -> vector<1x10xf32>
    %get3A_32 = arith.constant 0 : index
    %get3A_33 = arith.constant 0 : index
    %get3A_34 = vector.load %arg6[%get3A_32, %get3A_33] : memref<1x10xf32, #tpu.memory_space<vmem>>, vector<1x10xf32>
    %add3A_35 = arith.addf %dot_general3A_31, %get3A_34 : vector<1x10xf32>
    %reduce_max3A = vector.shape_cast %add3A_35 : vector<1x10xf32> to vector<1x1x10xf32>
    %reduce_max3A_36 = arith.constant dense<0xFF800000> : vector<1xf32>
    %reduce_max3A_37 = vector.multi_reduction <maximumf>, %reduce_max3A, %reduce_max3A_36 [1, 2] : vector<1x1x10xf32> to vector<1xf32>
    %reduce_max3A_38 = vector.shape_cast %reduce_max3A_37 : vector<1xf32> to vector<1x1x1xf32>
    %reduce_max3A_39 = vector.extract %reduce_max3A_38[0, 0, 0] : f32 from vector<1x1x1xf32>
    %sub3A = vector.broadcast %reduce_max3A_39 : f32 to vector<1x10xf32>
    %sub3A_40 = arith.subf %add3A_35, %sub3A : vector<1x10xf32>
    %exp3A = math.exp %sub3A_40 : vector<1x10xf32>
    %reduce_sum3A_41 = vector.shape_cast %exp3A : vector<1x10xf32> to vector<1x1x10xf32>
    %reduce_sum3A_42 = arith.constant dense<0.000000e+00> : vector<1xf32>
    %reduce_sum3A_43 = vector.multi_reduction <add>, %reduce_sum3A_41, %reduce_sum3A_42 [1, 2] : vector<1x1x10xf32> to vector<1xf32>
    %reduce_sum3A_44 = vector.shape_cast %reduce_sum3A_43 : vector<1xf32> to vector<1x1x1xf32>
    %reduce_sum3A_45 = vector.extract %reduce_sum3A_44[0, 0, 0] : f32 from vector<1x1x1xf32>
    %div3A = vector.broadcast %reduce_sum3A_45 : f32 to vector<1x10xf32>
    %div3A_46 = arith.divf %exp3A, %div3A : vector<1x10xf32>
    %swap3A = arith.constant 0 : index
    %swap3A_47 = arith.constant 0 : index
    %swap3A_48 = vector.load %arg7[%swap3A, %swap3A_47] : memref<1x10xf32, #tpu.memory_space<vmem>>, vector<1x10xf32>
    tpu.vector_store %arg7[%swap3A, %swap3A_47], %div3A_46 {strides = array<i32>} : memref<1x10xf32, #tpu.memory_space<vmem>>, vector<1x10xf32>,
    return
  }
}

</mosaic_0001>

<sc_bundles>
// kernel: kernel.4.cloned.1.call-start
scs
__scs_entry_jumppad:
0x0: {  	(pc) =	sbr.rel $0x88, $3  }
0x1: {  	(tag) =	ssettag $0x0;
	lr =	simm.s32 $0x1  }
0x2: {  	[smem:$0x3F9B] =	sst lr;
	_ =	strace $0xD0000000  }
0x3: {  	_ = 	snop  }
0x4: {  	_ = 	snop  }
0x5: {  	_ = 	snop  }
0x6: {  	_ = 	snop  }
0x7: {  	_ = 	snop  }
__scs_overlays_trampoline_lowered:
0x8: {  	[smem:$0x3FAA] =	sst s0  }
0x9: {  	[smem:$0x3FAB] =	sst s1  }
0xa: {  	[smem:$0x3FAC] =	sst s2  }
0xb: {  	[smem:$0x3FAD] =	sst s3  }
0xc: {  	[smem:$0x3FAE] =	sst s4  }
0xd: {  	[smem:$0x3FAF] =	sst s5  }
0xe: {  	[smem:$0x3FB0] =	sst s6  }
0xf: {  	[smem:$0x3FB1] =	sst s7  }
0x10: {  	[smem:$0x3FB2] =	sst s8  }
0x11: {  	[smem:$0x3FB3] =	sst s9;
	s0 =	simm.s32 @!p0 $0x0  }
0x12: {  	s1 =	sld [smem:$0x3F99];
	s0 =	simm.s32 @p0 $0x1  }
0x13: {  	[smem:$0x3FB4] =	sst s0;
	s0 =	simm.s32 @!p1 $0x0  }
0x14: {  	s2 =	sld [smem:$0x3F98];
	s0 =	simm.s32 @p1 $0x1  }
0x15: {  	[smem:$0x3FB5] =	sst s0;
	s0 =	simm.s32 @!p2 $0x0  }
0x16: {  	s3 =	sld [smem:$0x3FDB];
	s0 =	simm.s32 @p2 $0x1  }
0x17: {  	s4 =	simm.s32 $0x1BF5;
	[smem:$0x3FB7] =	sst s0  }
0x18: {  	s0 =	sld [smem:$0x3F9A];
	_ =	swait.ge [sflag:s4], $0x0  }
0x19: {  	s7 =	sld [smem:$0x3F9B]  }
0x1a: {  	s8 =	sadd.s32 $0xFFFFE003, lr  }
0x1b: {  	s9 =	sadd.s32 $0xFFFFFEF7, lr;
	s5 =	simm.s32 $0xFFFFFFFF;
	p2 =	slt.u32 s8, $0xFFFFF086  }
0x1c: {  	p1 =	slt.u32 s9, $0xF7A;
	s5 =	simm.s32 @!p2 $0x0  }
0x1d: {  	s5 =	simm.s32 @p1 $0x1;
	p0 =	seq.s32 s7, s2  }
0x1e: {  	s7 =	smul.u32 @!p0 $0xF7A, s2;
	p2 =	seq.s32 @!p0 s5, $0x0  }
0x1f: {  	s9 =	smul.u32 $0xF7A, s1;
	s8 =	simm.s32 @!p0 $0x1BF5;
	p2 =	por !p2, p0  }
0x20: {  	[sflag:s8] =	ssyncset.s32 @!p0 $0xFFFFF086;
	s6 =	sadd.s32 @!p0 s3, s7;
	s7 =	simm.s32 @!p0 $0x108  }
0x21: {  	s3 =	sadd.s32 s3, s9;
	s6 =	sadd.s32 @!p0 $0x88, s6;
	s7 =	simm.s32 @p2 $0x1082  }
0x22: {  	[simem:s7], [sflag:s8] =	dma.local @!p0 [hbm:s6], $0xF7A  }
0x23: {  	s9 =	sor.u32 $0xD0000000, s2;
	s6 =	simm.s32 $0x108;
	_ =	swait.ge @!p0 [sflag:s8], $0x0  }
0x24: {  	s3 =	sadd.s32 $0x88, s3;
	s6 =	simm.s32 @!p1 $0x1082;
	[sflag:s4] =	ssyncset.s32 $0xFFFFF086  }
0x25: {  	[simem:s6], [sflag:s4] =	dma.local [hbm:s3], $0xF7A  }
0x26: {  	[smem:$0x3F9B] =	sst s1;
	(tag) =	ssettag s2;
	_ =	strace s9  }
0x27: {  	s1 =	sld [smem:$0x3FAB]  }
0x28: {  	s2 =	sld [smem:$0x3FAC]  }
0x29: {  	s4 =	sld [smem:$0x3FAE]  }
0x2a: {  	p0 =	seq.s32 s5, $0x0;
	s5 =	sld [smem:$0x3FAF]  }
0x2b: {  	s6 =	sld [smem:$0x3FB0]  }
0x2c: {  	s7 =	sld [smem:$0x3FB1]  }
0x2d: {  	s3 =	simm.s32 $0x108;
	s8 =	sld [smem:$0x3FB2]  }
0x2e: {  	s3 =	simm.s32 @!p0 $0x1082;
	s9 =	sld [smem:$0x3FB3]  }
0x2f: {  	lr =	sadd.s32 s0, s3;
	s0 =	sld [smem:$0x3FAA]  }
0x30: {  	s3 =	sld [smem:$0x3FAD]  }
0x31: {  	[smem:$0x3FB6] =	sst s10  }
0x32: {  	s10 =	sld [smem:$0x3FB4];
	_ =	sdelay $0x3  }
0x33: {  	p0 =	seq.s32 s10, $0x1;
	s10 =	sld [smem:$0x3FB6];
	_ =	sdelay $0x3  }
0x34: {  	[smem:$0x3FB6] =	sst s10  }
0x35: {  	s10 =	sld [smem:$0x3FB5];
	_ =	sdelay $0x3  }
0x36: {  	p1 =	seq.s32 s10, $0x1;
	s10 =	sld [smem:$0x3FB6];
	_ =	sdelay $0x3  }
0x37: {  	[smem:$0x3FB6] =	sst s10  }
0x38: {  	s10 =	sld [smem:$0x3FB7]  }
0x39: {  	_ = 	snop;
	(pc) =	sbr.ind lr, $3  }
0x3a: {  	_ = 	snop  }
0x3b: {  	_ = 	snop  }
0x3c: {  	p2 =	seq.s32 s10, $0x1;
	s10 =	sld [smem:$0x3FB6]  }
0x3d: {  	_ =	shalt  }
0x3e: {  	_ =	shalt  }
0x3f: {  	_ =	shalt  }
0x40: {  	_ =	shalt  }
0x41: {  	_ =	shalt  }
0x42: {  	_ =	shalt  }
0x43: {  	_ =	shalt  }
0x44: {  	_ =	shalt  }
0x45: {  	_ =	shalt  }
0x46: {  	_ =	shalt  }
0x47: {  	_ =	shalt  }
0x48: {  	_ =	shalt  }
0x49: {  	_ =	shalt  }
0x4a: {  	_ =	shalt  }
0x4b: {  	_ =	shalt  }
0x4c: {  	_ =	shalt  }
0x4d: {  	_ =	shalt  }
0x4e: {  	_ =	shalt  }
0x4f: {  	_ =	shalt  }
0x50: {  	_ =	shalt  }
0x51: {  	_ =	shalt  }
0x52: {  	_ =	shalt  }
0x53: {  	_ =	shalt  }
0x54: {  	_ =	shalt  }
0x55: {  	_ =	shalt  }
0x56: {  	_ =	shalt  }
0x57: {  	_ =	shalt  }
0x58: {  	_ =	shalt  }
0x59: {  	_ =	shalt  }
0x5a: {  	_ =	shalt  }
0x5b: {  	_ =	shalt  }
0x5c: {  	_ =	shalt  }
0x5d: {  	_ =	shalt  }
0x5e: {  	_ =	shalt  }
0x5f: {  	_ =	shalt  }
0x60: {  	_ =	shalt  }
0x61: {  	_ =	shalt  }
0x62: {  	_ =	shalt  }
0x63: {  	_ =	shalt  }
0x64: {  	_ =	shalt  }
0x65: {  	_ =	shalt  }
0x66: {  	_ =	shalt  }
0x67: {  	_ =	shalt  }
0x68: {  	_ =	shalt  }
0x69: {  	_ =	shalt  }
0x6a: {  	_ =	shalt  }
0x6b: {  	_ =	shalt  }
0x6c: {  	_ =	shalt  }
0x6d: {  	_ =	shalt  }
0x6e: {  	_ =	shalt  }
0x6f: {  	_ =	shalt  }
0x70: {  	_ =	shalt  }
0x71: {  	_ =	shalt  }
0x72: {  	_ =	shalt  }
0x73: {  	_ =	shalt  }
0x74: {  	_ =	shalt  }
0x75: {  	_ =	shalt  }
0x76: {  	_ =	shalt  }
0x77: {  	_ =	shalt  }
0x78: {  	_ =	shalt  }
0x79: {  	_ =	shalt  }
0x7a: {  	_ =	shalt  }
0x7b: {  	_ =	shalt  }
0x7c: {  	_ =	shalt  }
0x7d: {  	_ =	shalt  }
0x7e: {  	_ =	shalt  }
0x7f: {  	_ =	shalt  }
0x80: {  	_ =	shalt  }
0x81: {  	_ =	shalt  }
0x82: {  	_ =	shalt  }
0x83: {  	_ =	shalt  }
0x84: {  	_ =	shalt  }
0x85: {  	_ =	shalt  }
0x86: {  	_ =	shalt  }
0x87: {  	_ =	shalt  }
.Lfunc_end0:
.L_simem_size_0:
called_computation_lowered:
.L_overlay_start_0:
0x88: {  	s2 =	sld [smem:$0x3FD9]  }
0x89: {  	s3 =	sld [smem:$0x3FFE];
	_ =	sdelay $0x1  }
0x8a: {  	s1 =	srdreg.scid  }
0x8b: {  	s0 =	sand.u32 $0x1, s1  }
0x8c: {  	s17 =	sshll.u32 s0, $0xA;
	s2 =	sadd.s32 s3, s2  }
0x8d: {  	s2 =	sadd.s32 s2, s17  }
0x8e: {  	[smem:$0x3FC2] =	sst s2  }
0x8f: {  	_ = 	snop  }
0x90: {  	s2 =	sld [smem:$0x3FC8];
	(tm) =	ssettm $0x1  }
0x91: {  	s18 =	sld [smem:$0x3FFB];
	_ =	sdelay $0x3  }
0x92: {  	_ =	strace s18  }
0x93: {  	s3 =	sld [smem:$0x3FFC];
	_ =	sdelay $0x3  }
0x94: {  	_ =	strace s3  }
0x95: {  	s3 =	sld [smem:$0x3FFD];
	_ =	sdelay $0x3  }
0x96: {  	_ =	strace s3  }
0x97: {  	_ =	strace $0x8FFFFFFF  }
0x98: {  	s19 =	sld [smem:$0x3FDB];
	_ =	sdelay $0x1  }
0x99: {  	s4 =	simm.s32 $_scs_section_size  }
0x9a: {  	s5 =	simm.s32 $_size__tile_overlayer_lowered;
	s6 =	simm.s32 $_tile_overlayer_lowered  }
0x9b: {  	s22 =	simm.s32 $0x1BFF;
	s21 =	sshll.u32 s6, $0x1;
	s3 =	sadd.s32 s4, s19  }
0x9c: {  	s7 =	simm.s32 $0x0;
	s20 =	sshll.u32 s5, $0x1;
	s5 =	sadd.s32 s21, s3  }
0x9d: {  	[timem:s7], [sflag:s22] =	dma.local [hbm:s5], s20  }
0x9e: {  	_ =	swait.ge [sflag:s22], s20  }
0x9f: {  	s4 =	ssub.s32 $0x0, s20;
	[sflag:s22] =	ssyncset.done $0x0  }
0xa0: {  	[sflag:s22] =	ssyncadd.s32 s4;
	_ =	sdelay $0x1  }
0xa1: {  	s23 =	simm.s32 $0x1B8B  }
0xa2: {  	_ =	swait.ge [sflag:s23], $0x1  }
0xa3: {  	[sflag:s23] =	ssyncset.done $0x0  }
0xa4: {  	s25 =	simm.s32 $0x1B8E;
	s24 =	sld [smem:$0x3FFE];
	[sflag:s23] =	ssyncadd.s32 $0xFFFFFFFF  }
0xa5: {  	s26 =	simm.s32 $execute0_lowered;
	[smem:$0x3FD2] =	sst s25  }
0xa6: {  	s5 =	sshll.u32 s26, $0x1;
	_ =	strace $0x80000046;
	[dreg:$0x1] =	wrdreg $0xFFFFFFFF  }
0xa7: {  	s28 =	simm.s32 $_size_execute0_lowered;
	s3 =	sadd.s32 s3, s5;
	[dreg:$0x0] =	wrdreg $0x0  }
0xa8: {  	s5 =	sshll.u32 s28, $0x1;
	[dreg:$0x2] =	wrdreg s3  }
0xa9: {  	[dreg:$0x3] =	wrdreg s5  }
0xaa: {  	[dreg:$0x4] =	wrdreg $0xC0  }
0xab: {  	_ =	task [dreg:s7], $0x5FFFF  }
0xac: {  	[dreg:$0x1] =	wrdreg $0xFFFFFFFF  }
0xad: {  	[dreg:$0x0] =	wrdreg $0x60  }
0xae: {  	[dreg:$0x2] =	wrdreg s2  }
0xaf: {  	[dreg:$0x3] =	wrdreg s24  }
0xb0: {  	[dreg:$0x4] =	wrdreg $0x16A000  }
0xb1: {  	[dreg:$0x5] =	wrdreg $0x1BA000  }
0xb2: {  	[dreg:$0x6] =	wrdreg $0x9  }
0xb3: {  	_ =	task.clear_ibuf [dreg:s7], $0x7FFFF;
	_ =	strace $0x90000046  }
0xb4: {  	s29 =	simm.s32 $0x9;
	_ =	strace $0x80000048  }
0xb5: {  	_ =	swait.ge [sflag:s29], $0x1  }
0xb6: {  	[sflag:s29] =	ssyncadd.s32 $0xFFFFFFFF  }
0xb7: {  	_ =	strace $0x90000048  }
0xb8: {  	_ =	sfence  }
0xb9: {  	s30 =	sld [smem:$0x0];
	_ =	sdelay $0x2  }
0xba: {  	s31 =	sshll.u32 s1, $0xD;
	s1 =	sshrl.u32 s1, $0x2  }
0xbb: {  	s3 =	sand.u32 $0x4000, s31;
	s1 =	sadd.s32 s1, s30  }
0xbc: {  	s0 =	sor.u32 s3, s0;
	s1 =	sshll.u32 s1, $0x11  }
0xbd: {  	s0 =	sor.u32 s1, s0  }
0xbe: {  	s0 =	sadd.s32 $0x8F2B, s0  }
0xbf: {  	[sflag:s0] =	ssyncadd.remote.s32 $0x1  }
0xc0: {  	_ =	sfence.sel $0xFFFF  }
0xc1: {  	[dreg:$0x0] =	wrdreg $0xFFFFFFFF;
	(pc) =	sbr.abs _section_cstart, $3  }
0xc2: {  	[dreg:$0x1] =	wrdreg $0xFFFFFFFF  }
0xc3: {  	_ =	task.clear_ibuf [dreg:s7], $0x2FFFF;
	_ =	strace $0x9FFFFFFF  }
0xc4: {  	(tm) =	ssettm $0x7FFFFFFF  }
0xc5: {  	_ =	shalt  }
tec
execute0_lowered:
.L_overlay_start_1:
0x0: {  	(tag) =	ssettag $0x1  }
0x1: {  	s1 =	rddreg [dreg:$0x0]  }
0x2: {  	s3 =	rddreg [dreg:$0x1]  }
0x3: {  	s0 =	srdreg.scid;
	s4 =	rddreg [dreg:$0x2]  }
0x4: {  	s12 =	stileid.u32;
	s13 =	rddreg [dreg:$0x3]  }
0x5: {  	s6 =	simm.s32 $0x0;
	s0 =	sand.u32 $0x1, s0;
	s22 =	smul.u32 $0x280, s12  }
0x6: {  	[smem:$0x7FF] =	sst s6;
	s23 =	smul.u32 $0x9C, s12;
	s8 =	smin.u32 s12, $0x4  }
0x7: {  	s24 =	smul.u32 $0x14000, s12;
	s2 =	sshll.u32 s0, $0x4;
	_ =	strace $0x80000047  }
0x8: {  	s9 =	ssub.s32 $0x2, s0;
	p0 =	sne.s32 s0, $0x0;
	s6 =	sadd.s32 s8, s23  }
0x9: {  	s10 =	sshrl.u32 s9, $0x1;
	s0 =	sadd.s32 s22, s13;
	s6 =	sshll.u32 s6, $0x5  }
0xa: {  	s25 =	ssub.s32 s9, s10;
	[smem:$0x7BB] =	sst s0;
	s26 =	sadd.s32 s1, s6  }
0xb: {  	s7 =	sshrl.u32 s22, $0x3;
	s22 =	smax.u32 s25, $0x1;
	[smem:$0x752] =	sst s26  }
0xc: {  	s11 =	smul.u32 $0x1400, s12;
	s1 =	sadd.s32 $0x9C0, s26;
	[smem:$0x764] =	sst s22  }
0xd: {  	s28 =	sshrl.u32 s24, $0x2;
	s30 =	sadd.s32 $0x1380, s26;
	[smem:$0x751] =	sst s1  }
0xe: {  	s29 =	sshrl.u32 s11, $0x2;
	[smem:$0x753] =	sst s30;
	s1 =	sadd.s32 s28, s4  }
0xf: {  	s4 =	sadd.s32 s29, s4;
	[smem:$0x754] =	sst s1  }
0x10: {  	s1 =	sadd.s32 $0x80, s1;
	[smem:$0x7FC] =	sst s4  }
0x11: {  	s31 =	sadd.s32 $0x80, s4;
	[smem:$0x755] =	sst s1  }
0x12: {  	s6 =	sadd.s32 $0x5080, s4;
	[smem:$0x756] =	sst s31  }
0x13: {  	s8 =	sadd.s32 $0xA080, s4;
	[smem:$0x757] =	sst s6  }
0x14: {  	s9 =	sadd.s32 $0xF080, s4;
	[smem:$0x758] =	sst s8  }
0x15: {  	s10 =	sadd.s32 $0x14080, s4;
	[smem:$0x759] =	sst s9  }
0x16: {  	s11 =	sadd.s32 $0x19080, s4;
	[smem:$0x75A] =	sst s10  }
0x17: {  	s14 =	sadd.s32 $0x1E080, s4;
	[smem:$0x75B] =	sst s11  }
0x18: {  	s15 =	sadd.s32 $0x23080, s4;
	[smem:$0x75C] =	sst s14  }
0x19: {  	s16 =	sadd.s32 $0x28080, s4;
	[smem:$0x75D] =	sst s15  }
0x1a: {  	s17 =	sadd.s32 $0x2D080, s4;
	[smem:$0x75E] =	sst s16  }
0x1b: {  	s18 =	sadd.s32 $0x32080, s4;
	[smem:$0x75F] =	sst s17  }
0x1c: {  	s19 =	sadd.s32 $0x37080, s4;
	[smem:$0x760] =	sst s18  }
0x1d: {  	s23 =	sadd.s32 $0x3C080, s4;
	[smem:$0x761] =	sst s19  }
0x1e: {  	s24 =	sadd.s32 $0x41080, s4;
	[smem:$0x765] =	sst s23  }
0x1f: {  	s5 =	sshll.u32 s12, $0x7;
	s25 =	sadd.s32 $0x46080, s4;
	[smem:$0x766] =	sst s24  }
0x20: {  	s2 =	sor.u32 s12, s2;
	s26 =	sadd.s32 $0x4B080, s4;
	[smem:$0x767] =	sst s25  }
0x21: {  	s2 =	sshrl.u32 s2, $0x3;
	s28 =	sadd.s32 $0x5000, s4;
	[smem:$0x768] =	sst s26  }
0x22: {  	s2 =	smul.u32 $0x14000, s2;
	s29 =	sadd.s32 $0xA000, s4;
	[smem:$0x769] =	sst s28  }
0x23: {  	s5 =	sand.u32 $0x380, s5;
	s30 =	sadd.s32 $0xF000, s4;
	[smem:$0x76A] =	sst s29  }
0x24: {  	s2 =	sor.u32 s5, s2;
	s5 =	sadd.s32 $0x23000, s4;
	[smem:$0x76B] =	sst s30  }
0x25: {  	p1 =	sgt.u32 s12, $0x3;
	s12 =	sadd.s32 $0x46000, s4;
	[smem:$0x76F] =	sst s5  }
0x26: {  	s13 =	sadd.s32 $0x4B000, s4;
	[smem:$0x776] =	sst s12  }
0x27: {  	s22 =	sadd.s32 $0xA180, s4;
	[smem:$0x777] =	sst s13  }
0x28: {  	s2 =	sshrl.u32 s2, $0x3;
	s31 =	sadd.s32 $0x14000, s4;
	[smem:$0x780] =	sst s22  }
0x29: {  	s2 =	sadd.s32 s2, s3;
	s6 =	sadd.s32 $0x28000, s4;
	[smem:$0x76C] =	sst s31  }
0x2a: {  	s3 =	sadd.s32 s7, s3;
	s7 =	sadd.s32 $0x2D000, s4;
	[smem:$0x770] =	sst s6  }
0x2b: {  	s8 =	sadd.s32 $0x32000, s4;
	[smem:$0x771] =	sst s7  }
0x2c: {  	s9 =	sadd.s32 $0x37000, s4;
	[smem:$0x772] =	sst s8  }
0x2d: {  	s10 =	sadd.s32 $0x3C000, s4;
	[smem:$0x773] =	sst s9  }
0x2e: {  	s11 =	sadd.s32 $0x41000, s4;
	[smem:$0x774] =	sst s10  }
0x2f: {  	s14 =	sadd.s32 $0x180, s4;
	[smem:$0x775] =	sst s11  }
0x30: {  	s15 =	sadd.s32 $0x280, s4;
	[smem:$0x778] =	sst s14  }
0x31: {  	s16 =	sadd.s32 $0x380, s4;
	[smem:$0x779] =	sst s15  }
0x32: {  	s17 =	sadd.s32 $0x480, s4;
	[smem:$0x77A] =	sst s16  }
0x33: {  	s18 =	sadd.s32 $0x5180, s4;
	[smem:$0x77B] =	sst s17  }
0x34: {  	s19 =	sadd.s32 $0x5280, s4;
	[smem:$0x77C] =	sst s18  }
0x35: {  	s23 =	sadd.s32 $0xA280, s4;
	[smem:$0x77D] =	sst s19  }
0x36: {  	s24 =	sadd.s32 $0xA380, s4;
	[smem:$0x781] =	sst s23  }
0x37: {  	s25 =	sadd.s32 $0xA480, s4;
	[smem:$0x782] =	sst s24  }
0x38: {  	s26 =	sadd.s32 $0xF180, s4;
	[smem:$0x783] =	sst s25  }
0x39: {  	s28 =	sadd.s32 $0xF280, s4;
	[smem:$0x784] =	sst s26  }
0x3a: {  	s29 =	sadd.s32 $0xF380, s4;
	[smem:$0x785] =	sst s28  }
0x3b: {  	s30 =	sadd.s32 $0xF480, s4;
	[smem:$0x786] =	sst s29  }
0x3c: {  	s5 =	sadd.s32 $0x14480, s4;
	[smem:$0x787] =	sst s30  }
0x3d: {  	s12 =	sadd.s32 $0x1E380, s4;
	[smem:$0x78B] =	sst s5  }
0x3e: {  	s13 =	sadd.s32 $0x1E480, s4;
	[smem:$0x792] =	sst s12  }
0x3f: {  	s22 =	sadd.s32 $0x2D180, s4;
	[smem:$0x793] =	sst s13  }
0x40: {  	s1 =	sadd.s32 $0x5300, s4;
	[smem:$0x79C] =	sst s22  }
0x41: {  	s20 =	sadd.s32 $0xB600, s3;
	[smem:$0x7C3] =	sst s1  }
0x42: {  	s21 =	sadd.s32 $0x1600, s2;
	[smem:$0x762] =	sst s20  }
0x43: {  	s2 =	sadd.s32 $0x19000, s4;
	[smem:$0x763] =	sst s21  }
0x44: {  	s3 =	sadd.s32 $0x1E000, s4;
	[smem:$0x76D] =	sst s2  }
0x45: {  	s31 =	sadd.s32 $0x14180, s4;
	[smem:$0x76E] =	sst s3  }
0x46: {  	s6 =	sadd.s32 $0x19180, s4;
	[smem:$0x788] =	sst s31  }
0x47: {  	s7 =	sadd.s32 $0x19280, s4;
	[smem:$0x78C] =	sst s6  }
0x48: {  	s8 =	sadd.s32 $0x19380, s4;
	[smem:$0x78D] =	sst s7  }
0x49: {  	s9 =	sadd.s32 $0x19480, s4;
	[smem:$0x78E] =	sst s8  }
0x4a: {  	s10 =	sadd.s32 $0x1E180, s4;
	[smem:$0x78F] =	sst s9  }
0x4b: {  	s11 =	sadd.s32 $0x1E280, s4;
	[smem:$0x790] =	sst s10  }
0x4c: {  	s14 =	sadd.s32 $0x23180, s4;
	[smem:$0x791] =	sst s11  }
0x4d: {  	s15 =	sadd.s32 $0x23280, s4;
	[smem:$0x794] =	sst s14  }
0x4e: {  	s16 =	sadd.s32 $0x23380, s4;
	[smem:$0x795] =	sst s15  }
0x4f: {  	s17 =	sadd.s32 $0x23480, s4;
	[smem:$0x796] =	sst s16  }
0x50: {  	s18 =	sadd.s32 $0x28180, s4;
	[smem:$0x797] =	sst s17  }
0x51: {  	s19 =	sadd.s32 $0x28280, s4;
	[smem:$0x798] =	sst s18  }
0x52: {  	s23 =	sadd.s32 $0x2D280, s4;
	[smem:$0x799] =	sst s19  }
0x53: {  	s24 =	sadd.s32 $0x2D380, s4;
	[smem:$0x79D] =	sst s23  }
0x54: {  	s25 =	sadd.s32 $0x2D480, s4;
	[smem:$0x79E] =	sst s24  }
0x55: {  	s26 =	sadd.s32 $0x32180, s4;
	[smem:$0x79F] =	sst s25  }
0x56: {  	s28 =	sadd.s32 $0x32280, s4;
	[smem:$0x7A0] =	sst s26  }
0x57: {  	s29 =	sadd.s32 $0x32380, s4;
	[smem:$0x7A1] =	sst s28  }
0x58: {  	s30 =	sadd.s32 $0x32480, s4;
	[smem:$0x7A2] =	sst s29  }
0x59: {  	s5 =	sadd.s32 $0x37480, s4;
	[smem:$0x7A3] =	sst s30  }
0x5a: {  	s12 =	sadd.s32 $0x41380, s4;
	[smem:$0x7A7] =	sst s5  }
0x5b: {  	s13 =	sadd.s32 $0x41480, s4;
	[smem:$0x7AE] =	sst s12  }
0x5c: {  	s22 =	sadd.s32 $0x80, s0;
	[smem:$0x7AF] =	sst s13  }
0x5d: {  	s1 =	sadd.s32 $0x28400, s4;
	[smem:$0x7B8] =	sst s22  }
0x5e: {  	s20 =	sadd.s32 $0x5380, s4;
	[smem:$0x7E0] =	sst s1  }
0x5f: {  	s21 =	sadd.s32 $0x5480, s4;
	[smem:$0x77E] =	sst s20  }
0x60: {  	s2 =	sadd.s32 $0x14280, s4;
	[smem:$0x77F] =	sst s21  }
0x61: {  	s3 =	sadd.s32 $0x14380, s4;
	[smem:$0x789] =	sst s2  }
0x62: {  	s31 =	sadd.s32 $0x37180, s4;
	[smem:$0x78A] =	sst s3  }
0x63: {  	s6 =	sadd.s32 $0x3C180, s4;
	[smem:$0x7A4] =	sst s31  }
0x64: {  	s7 =	sadd.s32 $0x3C280, s4;
	[smem:$0x7A8] =	sst s6  }
0x65: {  	s8 =	sadd.s32 $0x3C380, s4;
	[smem:$0x7A9] =	sst s7  }
0x66: {  	s9 =	sadd.s32 $0x3C480, s4;
	[smem:$0x7AA] =	sst s8  }
0x67: {  	s10 =	sadd.s32 $0x41180, s4;
	[smem:$0x7AB] =	sst s9  }
0x68: {  	s11 =	sadd.s32 $0x41280, s4;
	[smem:$0x7AC] =	sst s10  }
0x69: {  	s14 =	sadd.s32 $0x46180, s4;
	[smem:$0x7AD] =	sst s11  }
0x6a: {  	s15 =	sadd.s32 $0x46280, s4;
	[smem:$0x7B0] =	sst s14  }
0x6b: {  	s16 =	sadd.s32 $0x46380, s4;
	[smem:$0x7B1] =	sst s15  }
0x6c: {  	s17 =	sadd.s32 $0x46480, s4;
	[smem:$0x7B2] =	sst s16  }
0x6d: {  	s18 =	sadd.s32 $0x4B180, s4;
	[smem:$0x7B3] =	sst s17  }
0x6e: {  	s19 =	sadd.s32 $0x4B280, s4;
	[smem:$0x7B4] =	sst s18  }
0x6f: {  	s23 =	sadd.s32 $0x100, s0;
	[smem:$0x7B5] =	sst s19  }
0x70: {  	s24 =	sadd.s32 $0x180, s0;
	[smem:$0x7B9] =	sst s23  }
0x71: {  	s0 =	sadd.s32 $0x200, s0;
	[smem:$0x7BA] =	sst s24  }
0x72: {  	s25 =	sadd.s32 $0x100, s4;
	[smem:$0x7BC] =	sst s0  }
0x73: {  	s26 =	sadd.s32 $0x200, s4;
	[smem:$0x7BD] =	sst s25  }
0x74: {  	s28 =	sadd.s32 $0x300, s4;
	[smem:$0x7BE] =	sst s26  }
0x75: {  	s29 =	sadd.s32 $0x400, s4;
	[smem:$0x7BF] =	sst s28  }
0x76: {  	s30 =	sadd.s32 $0x5100, s4;
	[smem:$0x7C0] =	sst s29  }
0x77: {  	s5 =	sadd.s32 $0xA200, s4;
	[smem:$0x7C1] =	sst s30  }
0x78: {  	s12 =	sadd.s32 $0x14100, s4;
	[smem:$0x7C6] =	sst s5  }
0x79: {  	s13 =	sadd.s32 $0x14200, s4;
	[smem:$0x7CD] =	sst s12  }
0x7a: {  	s22 =	sadd.s32 $0x1E300, s4;
	[smem:$0x7CE] =	sst s13  }
0x7b: {  	s20 =	sadd.s32 $0x28380, s4;
	[smem:$0x7D7] =	sst s22  }
0x7c: {  	s21 =	sadd.s32 $0x28480, s4;
	[smem:$0x79A] =	sst s20  }
0x7d: {  	s2 =	sadd.s32 $0x37280, s4;
	[smem:$0x79B] =	sst s21  }
0x7e: {  	s3 =	sadd.s32 $0x37380, s4;
	[smem:$0x7A5] =	sst s2  }
0x7f: {  	s31 =	sadd.s32 $0x5200, s4;
	[smem:$0x7A6] =	sst s3  }
0x80: {  	s6 =	sadd.s32 $0xA300, s4;
	[smem:$0x7C2] =	sst s31  }
0x81: {  	s7 =	sadd.s32 $0xA400, s4;
	[smem:$0x7C7] =	sst s6  }
0x82: {  	s8 =	sadd.s32 $0xF100, s4;
	[smem:$0x7C8] =	sst s7  }
0x83: {  	s9 =	sadd.s32 $0xF200, s4;
	[smem:$0x7C9] =	sst s8  }
0x84: {  	s10 =	sadd.s32 $0xF300, s4;
	[smem:$0x7CA] =	sst s9  }
0x85: {  	s11 =	sadd.s32 $0xF400, s4;
	[smem:$0x7CB] =	sst s10  }
0x86: {  	s14 =	sadd.s32 $0x14300, s4;
	[smem:$0x7CC] =	sst s11  }
0x87: {  	s15 =	sadd.s32 $0x14400, s4;
	[smem:$0x7CF] =	sst s14  }
0x88: {  	s16 =	sadd.s32 $0x19100, s4;
	[smem:$0x7D0] =	sst s15  }
0x89: {  	s17 =	sadd.s32 $0x19200, s4;
	[smem:$0x7D1] =	sst s16  }
0x8a: {  	s18 =	sadd.s32 $0x19300, s4;
	[smem:$0x7D2] =	sst s17  }
0x8b: {  	s19 =	sadd.s32 $0x19400, s4;
	[smem:$0x7D3] =	sst s18  }
0x8c: {  	s23 =	sadd.s32 $0x1E400, s4;
	[smem:$0x7D4] =	sst s19  }
0x8d: {  	s24 =	sadd.s32 $0x23100, s4;
	[smem:$0x7D8] =	sst s23  }
0x8e: {  	s25 =	sadd.s32 $0x23200, s4;
	[smem:$0x7D9] =	sst s24  }
0x8f: {  	s26 =	sadd.s32 $0x23300, s4;
	[smem:$0x7DA] =	sst s25  }
0x90: {  	s28 =	sadd.s32 $0x23400, s4;
	[smem:$0x7DB] =	sst s26  }
0x91: {  	s29 =	sadd.s32 $0x28100, s4;
	[smem:$0x7DC] =	sst s28  }
0x92: {  	s30 =	sadd.s32 $0x28200, s4;
	[smem:$0x7DD] =	sst s29  }
0x93: {  	s5 =	sadd.s32 $0x2D300, s4;
	[smem:$0x7DE] =	sst s30  }
0x94: {  	s12 =	sadd.s32 $0x37200, s4;
	[smem:$0x7E3] =	sst s5  }
0x95: {  	s13 =	sadd.s32 $0x37300, s4;
	[smem:$0x7EA] =	sst s12  }
0x96: {  	s22 =	sadd.s32 $0x41400, s4;
	[smem:$0x7EB] =	sst s13  }
0x97: {  	s20 =	sadd.s32 $0x4B380, s4;
	[smem:$0x7F4] =	sst s22  }
0x98: {  	s21 =	sadd.s32 $0x4B480, s4;
	[smem:$0x7B6] =	sst s20  }
0x99: {  	s2 =	sadd.s32 $0x5400, s4;
	[smem:$0x7B7] =	sst s21  }
0x9a: {  	s3 =	sadd.s32 $0xA100, s4;
	[smem:$0x7C4] =	sst s2  }
0x9b: {  	s31 =	sadd.s32 $0x28300, s4;
	[smem:$0x7C5] =	sst s3  }
0x9c: {  	s6 =	sadd.s32 $0x2D400, s4;
	[smem:$0x7DF] =	sst s31  }
0x9d: {  	s7 =	sadd.s32 $0x32100, s4;
	[smem:$0x7E4] =	sst s6  }
0x9e: {  	s8 =	sadd.s32 $0x32200, s4;
	[smem:$0x7E5] =	sst s7  }
0x9f: {  	s9 =	sadd.s32 $0x32300, s4;
	[smem:$0x7E6] =	sst s8  }
0xa0: {  	s10 =	sadd.s32 $0x32400, s4;
	[smem:$0x7E7] =	sst s9  }
0xa1: {  	s11 =	sadd.s32 $0x37100, s4;
	[smem:$0x7E8] =	sst s10  }
0xa2: {  	s14 =	sadd.s32 $0x37400, s4;
	[smem:$0x7E9] =	sst s11  }
0xa3: {  	s15 =	sadd.s32 $0x3C100, s4;
	[smem:$0x7EC] =	sst s14  }
0xa4: {  	s16 =	sadd.s32 $0x3C200, s4;
	[smem:$0x7ED] =	sst s15  }
0xa5: {  	s17 =	sadd.s32 $0x3C300, s4;
	[smem:$0x7EE] =	sst s16  }
0xa6: {  	s18 =	sadd.s32 $0x3C400, s4;
	[smem:$0x7EF] =	sst s17  }
0xa7: {  	s19 =	sadd.s32 $0x41100, s4;
	[smem:$0x7F0] =	sst s18  }
0xa8: {  	s23 =	sadd.s32 $0x46100, s4;
	[smem:$0x7F1] =	sst s19  }
0xa9: {  	s24 =	sadd.s32 $0x46200, s4;
	[smem:$0x7F5] =	sst s23  }
0xaa: {  	s25 =	sadd.s32 $0x46300, s4;
	[smem:$0x7F6] =	sst s24  }
0xab: {  	s26 =	sadd.s32 $0x46400, s4;
	[smem:$0x7F7] =	sst s25  }
0xac: {  	s28 =	sadd.s32 $0x4B100, s4;
	[smem:$0x7F8] =	sst s26  }
0xad: {  	s29 =	sadd.s32 $0x4B200, s4;
	[smem:$0x7F9] =	sst s28  }
0xae: {  	s30 =	sadd.s32 $0x4B300, s4;
	[smem:$0x7FA] =	sst s29  }
0xaf: {  	s20 =	sadd.s32 $0x1E100, s4;
	[smem:$0x7FB] =	sst s30  }
0xb0: {  	s21 =	sadd.s32 $0x1E200, s4;
	[smem:$0x7D5] =	sst s20  }
0xb1: {  	s2 =	sadd.s32 $0x2D100, s4;
	[smem:$0x7D6] =	sst s21  }
.Ltmp0:
0xb2: {  	s3 =	sadd.s32 $0x2D200, s4;
	[smem:$0x7E1] =	sst s2;
	(pc) =	sbr.rel .LBB2_1-.Ltmp0, $4  }
0xb3: {  	s5 =	simm.s32 $0xC500;
	s31 =	sadd.s32 $0x4B400, s4;
	[smem:$0x7E2] =	sst s3  }
0xb4: {  	s6 =	simm.s32 $0x80;
	s20 =	sadd.s32 $0x41200, s4;
	[smem:$0x7FD] =	sst s31  }
0xb5: {  	s7 =	simm.s32 $0x0;
	s21 =	sadd.s32 $0x41300, s4;
	[smem:$0x7F2] =	sst s20  }
0xb6: {  	v0 =	vimm.f32 $0.0e+00;
	v1 =	vimm.f32 $1.000000000e+00;
	s4 =	simm.s32 $0x1;
	s3 =	simm.s32 $0x9D00;
	[smem:$0x7F3] =	sst s21  }
.LBB2_26:
0xb7: {  	_ =	sdelay $0x3  }
0xb8: {  	[tilespmem:v3+s2+$0x0] =	vst.idx.add.f32.msk $0xffff, v2  }
0xb9: {  	v2 =	vld @!p1 [tilespmem:$0x9C80];
	_ =	sdelay $0x1  }
0xba: {  	v3 =	vld @!p1 [tilespmem:$0x9C90]  }
0xbb: {  	v4 =	vld @!p1 [tilespmem:$0x9CA0];
	_ =	sdelay $0x1  }
0xbc: {  	v5 =	vld @!p1 [tilespmem:$0x9C00]  }
0xbd: {  	v6 =	vld @!p1 [tilespmem:$0x9C10]  }
0xbe: {  	s0 =	simm.s32 @!p1 $0xC500;
	v7 =	vld @!p1 [tilespmem:$0x9C20]  }
0xbf: {  	v2 =	vld.idx.msk @!p1 [tilespmem:v2+s0+$0x0], $0xffff  }
0xc0: {  	v8 =	vld @!p1 [tilespmem:$0x9CB0]  }
0xc1: {  	v3 =	vld.idx.msk @!p1 [tilespmem:v3+s0+$0x0], $0xffff  }
0xc2: {  	v4 =	vld.idx.msk @!p1 [tilespmem:v4+s0+$0x0], $0xffff  }
0xc3: {  	s1 =	simm.s32 @!p1 $0xED00;
	v9 =	vld @!p1 [tilespmem:$0x9C50]  }
0xc4: {  	[tilespmem:v5+s1+$0x0] =	vst.idx.add.f32.msk @!p1 $0xffff, v2  }
0xc5: {  	v2 =	vld @!p1 [tilespmem:$0x9CC0]  }
0xc6: {  	[tilespmem:v6+s1+$0x0] =	vst.idx.add.f32.msk @!p1 $0xffff, v3  }
0xc7: {  	[tilespmem:v7+s1+$0x0] =	vst.idx.add.f32.msk @!p1 $0xffff, v4  }
0xc8: {  	v3 =	vld.idx.msk @!p1 [tilespmem:v8+s0+$0x0], $0xffff  }
0xc9: {  	v5 =	vld @!p1 [tilespmem:$0x9CD0]  }
0xca: {  	v6 =	vld @!p1 [tilespmem:$0x9CE0]  }
0xcb: {  	v7 =	vld @!p1 [tilespmem:$0x9CF0]  }
0xcc: {  	v4 =	vld @!p1 [tilespmem:$0x9C30]  }
0xcd: {  	v8 =	vld @!p1 [tilespmem:$0x9C40]  }
0xce: {  	v10 =	vld @!p1 [tilespmem:$0x9C60]  }
0xcf: {  	v11 =	vld @!p1 [tilespmem:$0x9C70]  }
0xd0: {  	v2 =	vld.idx.msk @!p1 [tilespmem:v2+s0+$0x0], $0xffff  }
0xd1: {  	v5 =	vld.idx.msk @!p1 [tilespmem:v5+s0+$0x0], $0xffff  }
0xd2: {  	v6 =	vld.idx.msk @!p1 [tilespmem:v6+s0+$0x0], $0xffff  }
0xd3: {  	v7 =	vld.idx.msk @!p1 [tilespmem:v7+s0+$0x0], $0xffff  }
0xd4: {  	[tilespmem:v4+s1+$0x0] =	vst.idx.add.f32.msk @!p1 $0xffff, v3  }
0xd5: {  	[tilespmem:v8+s1+$0x0] =	vst.idx.add.f32.msk @!p1 $0xffff, v2  }
0xd6: {  	[tilespmem:v9+s1+$0x0] =	vst.idx.add.f32.msk @!p1 $0xffff, v5  }
0xd7: {  	[tilespmem:v10+s1+$0x0] =	vst.idx.add.f32.msk @!p1 $0xffff, v6  }
0xd8: {  	s7 =	sld [smem:$0x750];
	[tilespmem:v11+s1+$0x0] =	vst.idx.add.f32.msk @!p1 $0xffff, v7  }
.LBB2_32:
0xd9: {  	s0 =	sld [smem:$0x763];
	_ =	sdelay $0x1  }
0xda: {  	s1 =	simm.s32 $0x400;
	s30 =	simm.s32 $0x3  }
0xdb: {  	[hbm4b:s0+s6] =	stream.strided.scatter [tilespmem:s2], [sflag:$0x3], $0x2800, s1, s6, $0x38;
	[tilespmem:$0x1BC80] =	vst v63  }
0xdc: {  	_ =	swait.ge [sflag:s30], $0x2800  }
0xdd: {  	s31 =	sld [smem:$0x764];
	_ =	sdelay $0x1  }
0xde: {  	s7 =	sadd.s32 $0x1, s7  }
0xdf: {  	p2 =	sne.s32 s7, s31  }
.Ltmp1:
0xe0: {  	_ = 	snop;
	(pc) =	sbr.rel @!p2 .LBB2_33-.Ltmp1, $3  }
0xe1: {  	_ =	sdelay $0x1  }
0xe2: {  	[sflag:s30] =	ssyncset.done $0x0  }
0xe3: {  	[sflag:s30] =	ssyncadd.s32 $0xFFFFD800  }
.LBB2_1:
0xe4: {  	s1 =	sld [smem:$0x752];
	_ =	sdelay $0x1  }
0xe5: {  	s0 =	simm.s32 $0x0;
	s31 =	sld [smem:$0x751]  }
0xe6: {  	[tilespmem:s0], [sflag:$0x1] =	stream.linear.gather [hbm4b:s1+s0], $0x4E00, $0x38;
	[tilespmem:$0x1BC80] =	vst v63  }
0xe7: {  	s2 =	simm.s32 $0x4E00  }
0xe8: {  	[tilespmem:s2], [sflag:$0x2] =	stream.linear.gather [hbm4b:s31+s0], $0x4E00, $0x38;
	[tilespmem:$0x1BC80] =	vst v63  }
0xe9: {  	s2 =	sld [smem:$0x753];
	_ =	sdelay $0x1  }
0xea: {  	s1 =	simm.s32 @!p1 $0x9C00;
	s0 =	simm.s32 @!p1 $0x0  }
0xeb: {  	[tilespmem:s1], [sflag:$0x1] =	stream.linear.gather @!p1 [hbm4b:s2+s0], $0x100, $0x38;
	[tilespmem:$0x1BC80] =	vst v63  }
0xec: {  	[smem:$0x750] =	sst s7;
	s0 =	simm.s32 @!p1 $0x1  }
0xed: {  	_ =	swait.ge @!p1 [sflag:s0], $0x100  }
0xee: {  	[sflag:s0] =	ssyncset.done @!p1 $0x0  }
0xef: {  	[sflag:s0] =	ssyncadd.s32 @!p1 $0xFFFFFF00;
	s0 =	simm.s32 $0xC540  }
0xf0: {  	[tilespmem:s0+$0x30] =	vst v0  }
0xf1: {  	[tilespmem:s0+$0xFFFFFFF0] =	vst v0  }
0xf2: {  	[tilespmem:s0+$0xFFFFFFC0] =	vst v0  }
0xf3: {  	[tilespmem:s0+$0xFFFFFFE0] =	vst v0  }
0xf4: {  	[tilespmem:s0+$0x10] =	vst v0  }
0xf5: {  	[tilespmem:s0+$0x20] =	vst v0  }
0xf6: {  	[tilespmem:s0+$0x0] =	vst v0  }
0xf7: {  	s1 =	simm.s32 $0xED40;
	[tilespmem:s0+$0xFFFFFFD0] =	vst v0  }
0xf8: {  	[tilespmem:s1+$0xFFFFFFC0] =	vst v0  }
0xf9: {  	[tilespmem:s1+$0x30] =	vst v0  }
0xfa: {  	[tilespmem:s1+$0x20] =	vst v0  }
0xfb: {  	[tilespmem:s1+$0x10] =	vst v0  }
0xfc: {  	[tilespmem:s1+$0xFFFFFFE0] =	vst v0  }
0xfd: {  	[tilespmem:s1+$0x0] =	vst v0  }
0xfe: {  	s2 =	simm.s32 $0x0;
	[tilespmem:s1+$0xFFFFFFF0] =	vst v0  }
.LBB2_2:
0xff: {  	s2 =	sadd.s32 $0x8, s2;
	[tilespmem:s1+$0xFFFFFFD0] =	vst v0;
	s0 =	sadd.s32 $0x80, s0;
	s1 =	sadd.s32 $0x80, s1  }
0x100: {  	[tilespmem:s0+$0x30] =	vst v0;
	p2 =	slt.u32 s2, $0x278  }
0x101: {  	[tilespmem:s0+$0xFFFFFFF0] =	vst v0  }
0x102: {  	[tilespmem:s0+$0xFFFFFFC0] =	vst v0  }
0x103: {  	[tilespmem:s1+$0xFFFFFFC0] =	vst v0  }
0x104: {  	[tilespmem:s1+$0x30] =	vst v0  }
0x105: {  	[tilespmem:s0+$0xFFFFFFE0] =	vst v0  }
0x106: {  	[tilespmem:s0+$0x10] =	vst v0  }
0x107: {  	[tilespmem:s0+$0x20] =	vst v0  }
0x108: {  	[tilespmem:s1+$0x20] =	vst v0  }
0x109: {  	[tilespmem:s1+$0x10] =	vst v0  }
.Ltmp2:
0x10a: {  	[tilespmem:s1+$0xFFFFFFE0] =	vst v0;
	(pc) =	sbr.rel @p2 .LBB2_2-.Ltmp2, $4  }
0x10b: {  	[tilespmem:s0+$0x0] =	vst v0  }
0x10c: {  	[tilespmem:s1+$0x0] =	vst v0  }
0x10d: {  	[tilespmem:s1+$0xFFFFFFF0] =	vst v0  }
0x10e: {  	[tilespmem:s0+$0xFFFFFFD0] =	vst v0  }
.Ltmp3:
0x10f: {  	(pc) =	sbr.rel @p0 .LBB2_12-.Ltmp3, $2  }
0x110: {  	_ =	sdelay $0x2  }
0x111: {  	[tilespmem:s1+$0xFFFFFFD0] =	vst v0  }
0x112: {  	s0 =	simm.s32 $0x9D40  }
0x113: {  	[tilespmem:s0+$0xFFFFFFC0] =	vst v0  }
0x114: {  	[tilespmem:s0+$0x30] =	vst v0  }
0x115: {  	[tilespmem:s0+$0x20] =	vst v0  }
0x116: {  	[tilespmem:s0+$0x10] =	vst v0  }
0x117: {  	[tilespmem:s0+$0x0] =	vst v0  }
0x118: {  	[tilespmem:s0+$0xFFFFFFF0] =	vst v0  }
0x119: {  	s1 =	simm.s32 $0x0;
	[tilespmem:s0+$0xFFFFFFE0] =	vst v0  }
.LBB2_5:
0x11a: {  	s1 =	sadd.s32 $0x8, s1;
	[tilespmem:s0+$0xFFFFFFD0] =	vst v0;
	s0 =	sadd.s32 $0x80, s0  }
0x11b: {  	[tilespmem:s0+$0xFFFFFFC0] =	vst v0;
	p2 =	slt.u32 s1, $0x278  }
0x11c: {  	[tilespmem:s0+$0x30] =	vst v0  }
.Ltmp4:
0x11d: {  	[tilespmem:s0+$0x20] =	vst v0;
	(pc) =	sbr.rel @p2 .LBB2_5-.Ltmp4, $4  }
0x11e: {  	[tilespmem:s0+$0x10] =	vst v0  }
0x11f: {  	[tilespmem:s0+$0x0] =	vst v0  }
0x120: {  	[tilespmem:s0+$0xFFFFFFF0] =	vst v0  }
0x121: {  	[tilespmem:s0+$0xFFFFFFE0] =	vst v0  }
0x122: {  	[tilespmem:s0+$0xFFFFFFD0] =	vst v0  }
0x123: {  	_ =	swait.ge [sflag:s4], $0x4E00  }
0x124: {  	[sflag:s4] =	ssyncset.done $0x0  }
0x125: {  	s31 =	simm.s32 $0x80;
	[sflag:s4] =	ssyncadd.s32 $0xFFFFB200  }
0x126: {  	v2 =	vld [tilespmem:s31+$0xFFFFFFF0]  }
0x127: {  	v3 =	vld [tilespmem:s31+$0xFFFFFF90]  }
0x128: {  	v4 =	vld [tilespmem:s31+$0xFFFFFFA0]  }
0x129: {  	v5 =	vld [tilespmem:s31+$0xFFFFFFB0]  }
0x12a: {  	v6 =	vld [tilespmem:s31+$0xFFFFFFC0]  }
0x12b: {  	v7 =	vld [tilespmem:s31+$0xFFFFFFD0]  }
0x12c: {  	v9 =	vld [tilespmem:s31+$0xFFFFFF80]  }
0x12d: {  	v8 =	vld [tilespmem:s31+$0xFFFFFFE0]  }
0x12e: {  	[tilespmem:v2+s3+$0x0] =	vst.idx.add.f32.msk $0xffff, v1  }
0x12f: {  	[tilespmem:v3+s3+$0x0] =	vst.idx.add.f32.msk $0xffff, v1  }
0x130: {  	[tilespmem:v4+s3+$0x0] =	vst.idx.add.f32.msk $0xffff, v1  }
0x131: {  	[tilespmem:v5+s3+$0x0] =	vst.idx.add.f32.msk $0xffff, v1  }
0x132: {  	[tilespmem:v6+s3+$0x0] =	vst.idx.add.f32.msk $0xffff, v1  }
0x133: {  	[tilespmem:v7+s3+$0x0] =	vst.idx.add.f32.msk $0xffff, v1  }
0x134: {  	[tilespmem:v9+s3+$0x0] =	vst.idx.add.f32.msk $0xffff, v1  }
0x135: {  	v2 =	vld [tilespmem:s31+$0x70]  }
0x136: {  	[tilespmem:v8+s3+$0x0] =	vst.idx.add.f32.msk $0xffff, v1  }
0x137: {  	v3 =	vld [tilespmem:s31+$0x0]  }
0x138: {  	v59 =	vld [tilespmem:s31+$0x10]  }
0x139: {  	v60 =	vld [tilespmem:s31+$0x20]  }
0x13a: {  	v61 =	vld [tilespmem:s31+$0x30]  }
0x13b: {  	v62 =	vld [tilespmem:s31+$0x40]  }
0x13c: {  	v63 =	vld [tilespmem:s31+$0x50]  }
0x13d: {  	[tilespmem:v2+s5+$0x0] =	vst.idx.add.f32.msk $0xffff, v1  }
0x13e: {  	v2 =	vld [tilespmem:s31+$0x60]  }
0x13f: {  	[tilespmem:v3+s5+$0x0] =	vst.idx.add.f32.msk $0xffff, v1  }
0x140: {  	[tilespmem:v59+s5+$0x0] =	vst.idx.add.f32.msk $0xffff, v1  }
0x141: {  	[tilespmem:v60+s5+$0x0] =	vst.idx.add.f32.msk $0xffff, v1  }
0x142: {  	[tilespmem:v61+s5+$0x0] =	vst.idx.add.f32.msk $0xffff, v1  }
0x143: {  	[tilespmem:v62+s5+$0x0] =	vst.idx.add.f32.msk $0xffff, v1  }
0x144: {  	s0 =	simm.s32 $0x0;
	s1 =	simm.s32 $0x180;
	[tilespmem:v63+s5+$0x0] =	vst.idx.add.f32.msk $0xffff, v1  }
.LBB2_7:
0x145: {  	v3 =	vld [tilespmem:s1+$0xFFFFFFF0];
	s0 =	sadd.s32 $0x8, s0  }
0x146: {  	v4 =	vld [tilespmem:s1+$0xFFFFFF90];
	p2 =	slt.u32 s0, $0x268  }
0x147: {  	v5 =	vld [tilespmem:s1+$0xFFFFFFA0]  }
0x148: {  	v6 =	vld [tilespmem:s1+$0xFFFFFFB0]  }
0x149: {  	v7 =	vld [tilespmem:s1+$0xFFFFFFC0]  }
0x14a: {  	v8 =	vld [tilespmem:s1+$0xFFFFFFD0]  }
0x14b: {  	v9 =	vld [tilespmem:s1+$0xFFFFFFE0]  }
0x14c: {  	v10 =	vld [tilespmem:s1+$0xFFFFFF80]  }
0x14d: {  	[tilespmem:v3+s3+$0x0] =	vst.idx.add.f32.msk $0xffff, v1  }
0x14e: {  	v3 =	vld [tilespmem:s1+$0x70]  }
0x14f: {  	[tilespmem:v4+s3+$0x0] =	vst.idx.add.f32.msk $0xffff, v1  }
0x150: {  	[tilespmem:v5+s3+$0x0] =	vst.idx.add.f32.msk $0xffff, v1  }
0x151: {  	[tilespmem:v6+s3+$0x0] =	vst.idx.add.f32.msk $0xffff, v1  }
0x152: {  	[tilespmem:v7+s3+$0x0] =	vst.idx.add.f32.msk $0xffff, v1  }
0x153: {  	[tilespmem:v8+s3+$0x0] =	vst.idx.add.f32.msk $0xffff, v1  }
0x154: {  	[tilespmem:v10+s3+$0x0] =	vst.idx.add.f32.msk $0xffff, v1  }
0x155: {  	[tilespmem:v9+s3+$0x0] =	vst.idx.add.f32.msk $0xffff, v1  }
0x156: {  	[tilespmem:v3+s5+$0x0] =	vst.idx.add.f32.msk $0xffff, v1  }
0x157: {  	v3 =	vld [tilespmem:s1+$0x0]  }
0x158: {  	v4 =	vld [tilespmem:s1+$0x10]  }
0x159: {  	v5 =	vld [tilespmem:s1+$0x20]  }
0x15a: {  	v6 =	vld [tilespmem:s1+$0x30]  }
0x15b: {  	v7 =	vld [tilespmem:s1+$0x40]  }
0x15c: {  	v8 =	vld [tilespmem:s1+$0x50]  }
0x15d: {  	v9 =	vld [tilespmem:s1+$0x60]  }
0x15e: {  	[tilespmem:v2+s5+$0x0] =	vst.idx.add.f32.msk $0xffff, v1  }
0x15f: {  	[tilespmem:v3+s5+$0x0] =	vst.idx.add.f32.msk $0xffff, v1  }
.Ltmp5:
0x160: {  	[tilespmem:v4+s5+$0x0] =	vst.idx.add.f32.msk $0xffff, v1;
	(pc) =	sbr.rel @p2 .LBB2_7-.Ltmp5, $4  }
0x161: {  	[tilespmem:v5+s5+$0x0] =	vst.idx.add.f32.msk $0xffff, v1  }
0x162: {  	[tilespmem:v6+s5+$0x0] =	vst.idx.add.f32.msk $0xffff, v1;
	v2 =	vmov v9  }
0x163: {  	[tilespmem:v7+s5+$0x0] =	vst.idx.add.f32.msk $0xffff, v1  }
0x164: {  	s1 =	sadd.s32 $0x100, s1;
	[tilespmem:v8+s5+$0x0] =	vst.idx.add.f32.msk $0xffff, v1  }
0x165: {  	_ =	sdelay $0x3  }
0x166: {  	[tilespmem:v2+s5+$0x0] =	vst.idx.add.f32.msk $0xffff, v1;
	s0 =	simm.s32 $0x2  }
0x167: {  	_ =	swait.ge [sflag:s0], $0x4E00  }
0x168: {  	[sflag:s0] =	ssyncset.done $0x0  }
0x169: {  	s31 =	simm.s32 $0x4E00;
	[sflag:s0] =	ssyncadd.s32 $0xFFFFB200  }
0x16a: {  	v2 =	vld [tilespmem:s31+$0x70]  }
0x16b: {  	v3 =	vld [tilespmem:s31+$0x10]  }
0x16c: {  	v4 =	vld [tilespmem:s31+$0x20]  }
0x16d: {  	v5 =	vld [tilespmem:s31+$0x30]  }
0x16e: {  	v6 =	vld [tilespmem:s31+$0x40]  }
0x16f: {  	v7 =	vld [tilespmem:s31+$0x50]  }
0x170: {  	v9 =	vld [tilespmem:s31+$0x0]  }
0x171: {  	v8 =	vld [tilespmem:s31+$0x60]  }
0x172: {  	[tilespmem:v2+s3+$0x0] =	vst.idx.add.f32.msk $0xffff, v1  }
0x173: {  	[tilespmem:v3+s3+$0x0] =	vst.idx.add.f32.msk $0xffff, v1  }
0x174: {  	[tilespmem:v4+s3+$0x0] =	vst.idx.add.f32.msk $0xffff, v1  }
0x175: {  	[tilespmem:v5+s3+$0x0] =	vst.idx.add.f32.msk $0xffff, v1  }
0x176: {  	[tilespmem:v6+s3+$0x0] =	vst.idx.add.f32.msk $0xffff, v1  }
0x177: {  	[tilespmem:v7+s3+$0x0] =	vst.idx.add.f32.msk $0xffff, v1  }
0x178: {  	[tilespmem:v9+s3+$0x0] =	vst.idx.add.f32.msk $0xffff, v1  }
0x179: {  	v2 =	vld [tilespmem:s31+$0xF0]  }
0x17a: {  	[tilespmem:v8+s3+$0x0] =	vst.idx.add.f32.msk $0xffff, v1  }
0x17b: {  	v3 =	vld [tilespmem:s31+$0x80]  }
0x17c: {  	v59 =	vld [tilespmem:s31+$0x90]  }
0x17d: {  	v60 =	vld [tilespmem:s31+$0xA0]  }
0x17e: {  	v61 =	vld [tilespmem:s31+$0xB0]  }
0x17f: {  	v62 =	vld [tilespmem:s31+$0xC0]  }
0x180: {  	v63 =	vld [tilespmem:s31+$0xD0]  }
0x181: {  	[tilespmem:v2+s5+$0x0] =	vst.idx.add.f32.msk $0xffff, v1  }
0x182: {  	v2 =	vld [tilespmem:s31+$0xE0]  }
0x183: {  	[tilespmem:v3+s5+$0x0] =	vst.idx.add.f32.msk $0xffff, v1  }
0x184: {  	[tilespmem:v59+s5+$0x0] =	vst.idx.add.f32.msk $0xffff, v1  }
0x185: {  	[tilespmem:v60+s5+$0x0] =	vst.idx.add.f32.msk $0xffff, v1  }
0x186: {  	[tilespmem:v61+s5+$0x0] =	vst.idx.add.f32.msk $0xffff, v1  }
0x187: {  	[tilespmem:v62+s5+$0x0] =	vst.idx.add.f32.msk $0xffff, v1  }
0x188: {  	s1 =	simm.s32 $0x4F00;
	s0 =	simm.s32 $0x0;
	[tilespmem:v63+s5+$0x0] =	vst.idx.add.f32.msk $0xffff, v1  }
.LBB2_9:
0x189: {  	v3 =	vld [tilespmem:s1+$0x70];
	s0 =	sadd.s32 $0x8, s0  }
0x18a: {  	v4 =	vld [tilespmem:s1+$0x10];
	p2 =	slt.u32 s0, $0x268  }
0x18b: {  	v5 =	vld [tilespmem:s1+$0x20]  }
0x18c: {  	v6 =	vld [tilespmem:s1+$0x30]  }
0x18d: {  	v7 =	vld [tilespmem:s1+$0x40]  }
0x18e: {  	v8 =	vld [tilespmem:s1+$0x50]  }
0x18f: {  	v9 =	vld [tilespmem:s1+$0x60]  }
0x190: {  	v10 =	vld [tilespmem:s1+$0x0]  }
0x191: {  	[tilespmem:v3+s3+$0x0] =	vst.idx.add.f32.msk $0xffff, v1  }
0x192: {  	v3 =	vld [tilespmem:s1+$0xF0]  }
0x193: {  	[tilespmem:v4+s3+$0x0] =	vst.idx.add.f32.msk $0xffff, v1  }
0x194: {  	[tilespmem:v5+s3+$0x0] =	vst.idx.add.f32.msk $0xffff, v1  }
0x195: {  	[tilespmem:v6+s3+$0x0] =	vst.idx.add.f32.msk $0xffff, v1  }
0x196: {  	[tilespmem:v7+s3+$0x0] =	vst.idx.add.f32.msk $0xffff, v1  }
0x197: {  	[tilespmem:v8+s3+$0x0] =	vst.idx.add.f32.msk $0xffff, v1  }
0x198: {  	[tilespmem:v10+s3+$0x0] =	vst.idx.add.f32.msk $0xffff, v1  }
0x199: {  	[tilespmem:v9+s3+$0x0] =	vst.idx.add.f32.msk $0xffff, v1  }
0x19a: {  	[tilespmem:v3+s5+$0x0] =	vst.idx.add.f32.msk $0xffff, v1  }
0x19b: {  	v3 =	vld [tilespmem:s1+$0x80]  }
0x19c: {  	v4 =	vld [tilespmem:s1+$0x90]  }
0x19d: {  	v5 =	vld [tilespmem:s1+$0xA0]  }
0x19e: {  	v6 =	vld [tilespmem:s1+$0xB0]  }
0x19f: {  	v7 =	vld [tilespmem:s1+$0xC0]  }
0x1a0: {  	v8 =	vld [tilespmem:s1+$0xD0]  }
0x1a1: {  	v9 =	vld [tilespmem:s1+$0xE0]  }
0x1a2: {  	[tilespmem:v2+s5+$0x0] =	vst.idx.add.f32.msk $0xffff, v1  }
0x1a3: {  	[tilespmem:v3+s5+$0x0] =	vst.idx.add.f32.msk $0xffff, v1  }
.Ltmp6:
0x1a4: {  	[tilespmem:v4+s5+$0x0] =	vst.idx.add.f32.msk $0xffff, v1;
	(pc) =	sbr.rel @p2 .LBB2_9-.Ltmp6, $4  }
0x1a5: {  	[tilespmem:v5+s5+$0x0] =	vst.idx.add.f32.msk $0xffff, v1  }
0x1a6: {  	[tilespmem:v6+s5+$0x0] =	vst.idx.add.f32.msk $0xffff, v1;
	v2 =	vmov v9  }
0x1a7: {  	[tilespmem:v7+s5+$0x0] =	vst.idx.add.f32.msk $0xffff, v1  }
0x1a8: {  	s1 =	sadd.s32 $0x100, s1;
	[tilespmem:v8+s5+$0x0] =	vst.idx.add.f32.msk $0xffff, v1  }
.Ltmp7:
0x1a9: {  	_ = 	snop;
	(pc) =	sbr.rel @p1 .LBB2_19-.Ltmp7, $2  }
0x1aa: {  	_ =	sdelay $0x2  }
0x1ab: {  	[tilespmem:v2+s5+$0x0] =	vst.idx.add.f32.msk $0xffff, v1  }
0x1ac: {  	v2 =	vld [tilespmem:$0x9C00]  }
0x1ad: {  	v3 =	vld [tilespmem:$0x9C10];
	_ =	sdelay $0x1  }
0x1ae: {  	v4 =	vld [tilespmem:$0x9C20]  }
0x1af: {  	v5 =	vld [tilespmem:$0x9C30]  }
0x1b0: {  	v7 =	vld [tilespmem:$0x9C50]  }
0x1b1: {  	v63 =	vld [tilespmem:$0x9C60]  }
0x1b2: {  	v9 =	vld [tilespmem:$0x9C70]  }
0x1b3: {  	[tilespmem:v2+s3+$0x0] =	vst.idx.add.f32.msk $0xffff, v1  }
0x1b4: {  	[tilespmem:v3+s3+$0x0] =	vst.idx.add.f32.msk $0xffff, v1  }
0x1b5: {  	v3 =	vld [tilespmem:$0x9C40]  }
0x1b6: {  	[tilespmem:v4+s3+$0x0] =	vst.idx.add.f32.msk $0xffff, v1  }
0x1b7: {  	[tilespmem:v5+s3+$0x0] =	vst.idx.add.f32.msk $0xffff, v1  }
0x1b8: {  	[tilespmem:v7+s3+$0x0] =	vst.idx.add.f32.msk $0xffff, v1  }
0x1b9: {  	[tilespmem:v63+s3+$0x0] =	vst.idx.add.f32.msk $0xffff, v1  }
0x1ba: {  	v2 =	vld [tilespmem:$0x9C80]  }
0x1bb: {  	v6 =	vld [tilespmem:$0x9C90]  }
0x1bc: {  	v8 =	vld [tilespmem:$0x9CA0]  }
0x1bd: {  	v5 =	vld [tilespmem:$0x9CB0]  }
0x1be: {  	v7 =	vld [tilespmem:$0x9CD0]  }
0x1bf: {  	v4 =	vld [tilespmem:$0x9CE0]  }
0x1c0: {  	[tilespmem:v3+s3+$0x0] =	vst.idx.add.f32.msk $0xffff, v1  }
0x1c1: {  	v3 =	vld [tilespmem:$0x9CC0]  }
0x1c2: {  	[tilespmem:v9+s3+$0x0] =	vst.idx.add.f32.msk $0xffff, v1  }
0x1c3: {  	[tilespmem:v2+s5+$0x0] =	vst.idx.add.f32.msk $0xffff, v1  }
0x1c4: {  	[tilespmem:v6+s5+$0x0] =	vst.idx.add.f32.msk $0xffff, v1  }
.Ltmp8:
0x1c5: {  	[tilespmem:v8+s5+$0x0] =	vst.idx.add.f32.msk $0xffff, v1;
	(pc) =	sbr.rel .LBB2_18-.Ltmp8, $4  }
0x1c6: {  	[tilespmem:v5+s5+$0x0] =	vst.idx.add.f32.msk $0xffff, v1  }
0x1c7: {  	[tilespmem:v7+s5+$0x0] =	vst.idx.add.f32.msk $0xffff, v1  }
0x1c8: {  	[tilespmem:v4+s5+$0x0] =	vst.idx.add.f32.msk $0xffff, v1  }
0x1c9: {  	[tilespmem:v3+s5+$0x0] =	vst.idx.add.f32.msk $0xffff, v1  }
.LBB2_12:
0x1ca: {  	_ =	swait.ge [sflag:s4], $0x4E00  }
0x1cb: {  	[sflag:s4] =	ssyncset.done $0x0  }
0x1cc: {  	s0 =	simm.s32 $0xF0;
	[sflag:s4] =	ssyncadd.s32 $0xFFFFB200  }
0x1cd: {  	v3 =	vld [tilespmem:s0+$0xFFFFFF90]  }
0x1ce: {  	v4 =	vld [tilespmem:s0+$0x0]  }
0x1cf: {  	v5 =	vld [tilespmem:s0+$0xFFFFFFF0]  }
0x1d0: {  	v6 =	vld [tilespmem:s0+$0xFFFFFFE0]  }
0x1d1: {  	v7 =	vld [tilespmem:s0+$0xFFFFFFD0]  }
0x1d2: {  	v8 =	vld [tilespmem:s0+$0xFFFFFFC0]  }
0x1d3: {  	v9 =	vld [tilespmem:s0+$0xFFFFFFB0]  }
0x1d4: {  	v2 =	vld [tilespmem:s0+$0xFFFFFFA0]  }
0x1d5: {  	[tilespmem:v3+s5+$0x0] =	vst.idx.add.f32.msk $0xffff, v1  }
0x1d6: {  	[tilespmem:v4+s5+$0x0] =	vst.idx.add.f32.msk $0xffff, v1  }
0x1d7: {  	[tilespmem:v5+s5+$0x0] =	vst.idx.add.f32.msk $0xffff, v1  }
0x1d8: {  	[tilespmem:v6+s5+$0x0] =	vst.idx.add.f32.msk $0xffff, v1  }
0x1d9: {  	[tilespmem:v7+s5+$0x0] =	vst.idx.add.f32.msk $0xffff, v1  }
0x1da: {  	[tilespmem:v8+s5+$0x0] =	vst.idx.add.f32.msk $0xffff, v1  }
0x1db: {  	s1 =	simm.s32 $0x0;
	[tilespmem:v9+s5+$0x0] =	vst.idx.add.f32.msk $0xffff, v1  }
.LBB2_13:
0x1dc: {  	s1 =	sadd.s32 $0x8, s1;
	[tilespmem:v2+s5+$0x0] =	vst.idx.add.f32.msk $0xffff, v1;
	s0 =	sadd.s32 $0x100, s0  }
0x1dd: {  	v3 =	vld [tilespmem:s0+$0xFFFFFF90];
	p2 =	slt.u32 s1, $0x268  }
0x1de: {  	v4 =	vld [tilespmem:s0+$0x0]  }
0x1df: {  	v5 =	vld [tilespmem:s0+$0xFFFFFFF0]  }
0x1e0: {  	v6 =	vld [tilespmem:s0+$0xFFFFFFE0]  }
0x1e1: {  	v7 =	vld [tilespmem:s0+$0xFFFFFFD0]  }
0x1e2: {  	v8 =	vld [tilespmem:s0+$0xFFFFFFC0]  }
0x1e3: {  	v9 =	vld [tilespmem:s0+$0xFFFFFFB0]  }
0x1e4: {  	v2 =	vld [tilespmem:s0+$0xFFFFFFA0]  }
0x1e5: {  	[tilespmem:v3+s5+$0x0] =	vst.idx.add.f32.msk $0xffff, v1  }
0x1e6: {  	[tilespmem:v4+s5+$0x0] =	vst.idx.add.f32.msk $0xffff, v1  }
.Ltmp9:
0x1e7: {  	[tilespmem:v5+s5+$0x0] =	vst.idx.add.f32.msk $0xffff, v1;
	(pc) =	sbr.rel @p2 .LBB2_13-.Ltmp9, $4  }
0x1e8: {  	[tilespmem:v6+s5+$0x0] =	vst.idx.add.f32.msk $0xffff, v1  }
0x1e9: {  	[tilespmem:v7+s5+$0x0] =	vst.idx.add.f32.msk $0xffff, v1  }
0x1ea: {  	[tilespmem:v8+s5+$0x0] =	vst.idx.add.f32.msk $0xffff, v1  }
0x1eb: {  	[tilespmem:v9+s5+$0x0] =	vst.idx.add.f32.msk $0xffff, v1  }
0x1ec: {  	_ =	sdelay $0x3  }
0x1ed: {  	[tilespmem:v2+s5+$0x0] =	vst.idx.add.f32.msk $0xffff, v1;
	s0 =	simm.s32 $0x2  }
0x1ee: {  	_ =	swait.ge [sflag:s0], $0x4E00  }
0x1ef: {  	[sflag:s0] =	ssyncset.done $0x0  }
0x1f0: {  	[sflag:s0] =	ssyncadd.s32 $0xFFFFB200;
	s0 =	simm.s32 $0x4EF0  }
0x1f1: {  	v3 =	vld [tilespmem:s0+$0xFFFFFF90]  }
0x1f2: {  	v4 =	vld [tilespmem:s0+$0x0]  }
0x1f3: {  	v5 =	vld [tilespmem:s0+$0xFFFFFFF0]  }
0x1f4: {  	v6 =	vld [tilespmem:s0+$0xFFFFFFE0]  }
0x1f5: {  	v7 =	vld [tilespmem:s0+$0xFFFFFFD0]  }
0x1f6: {  	v8 =	vld [tilespmem:s0+$0xFFFFFFC0]  }
0x1f7: {  	v9 =	vld [tilespmem:s0+$0xFFFFFFB0]  }
0x1f8: {  	v2 =	vld [tilespmem:s0+$0xFFFFFFA0]  }
0x1f9: {  	[tilespmem:v3+s5+$0x0] =	vst.idx.add.f32.msk $0xffff, v1  }
0x1fa: {  	[tilespmem:v4+s5+$0x0] =	vst.idx.add.f32.msk $0xffff, v1  }
0x1fb: {  	[tilespmem:v5+s5+$0x0] =	vst.idx.add.f32.msk $0xffff, v1  }
0x1fc: {  	[tilespmem:v6+s5+$0x0] =	vst.idx.add.f32.msk $0xffff, v1  }
0x1fd: {  	[tilespmem:v7+s5+$0x0] =	vst.idx.add.f32.msk $0xffff, v1  }
0x1fe: {  	[tilespmem:v8+s5+$0x0] =	vst.idx.add.f32.msk $0xffff, v1  }
0x1ff: {  	s1 =	simm.s32 $0x0;
	[tilespmem:v9+s5+$0x0] =	vst.idx.add.f32.msk $0xffff, v1  }
.LBB2_15:
0x200: {  	s1 =	sadd.s32 $0x8, s1;
	[tilespmem:v2+s5+$0x0] =	vst.idx.add.f32.msk $0xffff, v1;
	s0 =	sadd.s32 $0x100, s0  }
0x201: {  	v3 =	vld [tilespmem:s0+$0xFFFFFF90];
	p2 =	slt.u32 s1, $0x268  }
0x202: {  	v4 =	vld [tilespmem:s0+$0x0]  }
0x203: {  	v5 =	vld [tilespmem:s0+$0xFFFFFFF0]  }
0x204: {  	v6 =	vld [tilespmem:s0+$0xFFFFFFE0]  }
0x205: {  	v7 =	vld [tilespmem:s0+$0xFFFFFFD0]  }
0x206: {  	v8 =	vld [tilespmem:s0+$0xFFFFFFC0]  }
0x207: {  	v9 =	vld [tilespmem:s0+$0xFFFFFFB0]  }
0x208: {  	v2 =	vld [tilespmem:s0+$0xFFFFFFA0]  }
0x209: {  	[tilespmem:v3+s5+$0x0] =	vst.idx.add.f32.msk $0xffff, v1  }
0x20a: {  	[tilespmem:v4+s5+$0x0] =	vst.idx.add.f32.msk $0xffff, v1  }
.Ltmp10:
0x20b: {  	[tilespmem:v5+s5+$0x0] =	vst.idx.add.f32.msk $0xffff, v1;
	(pc) =	sbr.rel @p2 .LBB2_15-.Ltmp10, $4  }
0x20c: {  	[tilespmem:v6+s5+$0x0] =	vst.idx.add.f32.msk $0xffff, v1  }
0x20d: {  	[tilespmem:v7+s5+$0x0] =	vst.idx.add.f32.msk $0xffff, v1  }
0x20e: {  	[tilespmem:v8+s5+$0x0] =	vst.idx.add.f32.msk $0xffff, v1  }
0x20f: {  	[tilespmem:v9+s5+$0x0] =	vst.idx.add.f32.msk $0xffff, v1  }
.Ltmp11:
0x210: {  	_ = 	snop;
	(pc) =	sbr.rel @p1 .LBB2_19-.Ltmp11, $2  }
0x211: {  	_ =	sdelay $0x2  }
0x212: {  	[tilespmem:v2+s5+$0x0] =	vst.idx.add.f32.msk $0xffff, v1  }
0x213: {  	v2 =	vld [tilespmem:$0x9C80]  }
0x214: {  	v3 =	vld [tilespmem:$0x9C90]  }
0x215: {  	v4 =	vld [tilespmem:$0x9CA0]  }
0x216: {  	v5 =	vld [tilespmem:$0x9CB0]  }
0x217: {  	v6 =	vld [tilespmem:$0x9CC0]  }
0x218: {  	v7 =	vld [tilespmem:$0x9CD0]  }
0x219: {  	v8 =	vld [tilespmem:$0x9CE0];
	_ =	sdelay $0x1  }
0x21a: {  	[tilespmem:v2+s5+$0x0] =	vst.idx.add.f32.msk $0xffff, v1  }
0x21b: {  	[tilespmem:v3+s5+$0x0] =	vst.idx.add.f32.msk $0xffff, v1  }
0x21c: {  	[tilespmem:v4+s5+$0x0] =	vst.idx.add.f32.msk $0xffff, v1  }
0x21d: {  	[tilespmem:v5+s5+$0x0] =	vst.idx.add.f32.msk $0xffff, v1  }
0x21e: {  	[tilespmem:v6+s5+$0x0] =	vst.idx.add.f32.msk $0xffff, v1  }
0x21f: {  	[tilespmem:v7+s5+$0x0] =	vst.idx.add.f32.msk $0xffff, v1  }
0x220: {  	[tilespmem:v8+s5+$0x0] =	vst.idx.add.f32.msk $0xffff, v1  }
.LBB2_18:
0x221: {  	v2 =	vld [tilespmem:$0x9CF0];
	_ =	sdelay $0x7  }
0x222: {  	[tilespmem:v2+s5+$0x0] =	vst.idx.add.f32.msk $0xffff, v1  }
.LBB2_19:
0x223: {  	s0 =	sld [smem:$0x755];
	_ =	sdelay $0x1  }
0x224: {  	s1 =	simm.s32 $0x100  }
0x225: {  	[spmem:s0] =	stream.strided.scatter [tilespmem:s5], [sflag:$0x1], $0x2800, s1, s6, $0x38;
	[tilespmem:$0x1BC80] =	vst v63  }
0x226: {  	_ =	swait.ge [sflag:s4], $0x2800  }
0x227: {  	s3 =	sld [smem:$0x754]  }
0x228: {  	s2 =	simm.s32 @!p0 $0x9D00;
	[sflag:s4] =	ssyncset.done $0x0  }
0x229: {  	s0 =	simm.s32 @!p0 $0x80;
	s1 =	simm.s32 @!p0 $0x100;
	[sflag:s4] =	ssyncadd.s32 $0xFFFFD800  }
0x22a: {  	[spmem:s3] =	stream.strided.scatter @!p0 [tilespmem:s2], [sflag:$0x1], $0x2800, s1, s0, $0x38;
	[tilespmem:$0x1BC80] =	vst v63  }
0x22b: {  	s0 =	simm.s32 @!p0 $0x1  }
0x22c: {  	_ =	swait.ge @!p0 [sflag:s0], $0x2800  }
0x22d: {  	[sflag:s0] =	ssyncset.done @!p0 $0x0  }
0x22e: {  	[sflag:s0] =	ssyncadd.s32 @!p0 $0xFFFFD800  }
0x22f: {  	[bflag:$0x0] =	sbarrier.arrive $0xFFFF  }
0x230: {  	s26 =	sld [smem:$0x756];
	_ =	sdelay $0x1  }
0x231: {  	s28 =	simm.s32 $0x11580;
	s29 =	sld [smem:$0x778]  }
0x232: {  	[tilespmem:s28], [sflag:$0x1] =	stream.linear.gather [spmem:s26], $0x80, $0x38;
	[tilespmem:$0x1BC80] =	vst v63  }
0x233: {  	s30 =	simm.s32 $0x11680;
	s1 =	sld [smem:$0x779]  }
0x234: {  	[tilespmem:s30], [sflag:$0x1] =	stream.linear.gather [spmem:s29], $0x80, $0x38;
	[tilespmem:$0x1BC80] =	vst v63  }
0x235: {  	s2 =	simm.s32 $0x11780;
	s3 =	sld [smem:$0x77A]  }
0x236: {  	[tilespmem:s2], [sflag:$0x1] =	stream.linear.gather [spmem:s1], $0x80, $0x38;
	[tilespmem:$0x1BC80] =	vst v63  }
0x237: {  	s5 =	simm.s32 $0x11880;
	s6 =	sld [smem:$0x77B]  }
0x238: {  	[tilespmem:s5], [sflag:$0x1] =	stream.linear.gather [spmem:s3], $0x80, $0x38;
	[tilespmem:$0x1BC80] =	vst v63  }
0x239: {  	s7 =	simm.s32 $0x11980;
	s8 =	sld [smem:$0x757]  }
0x23a: {  	[tilespmem:s7], [sflag:$0x1] =	stream.linear.gather [spmem:s6], $0x80, $0x38;
	[tilespmem:$0x1BC80] =	vst v63  }
0x23b: {  	s9 =	simm.s32 $0x11A80;
	s10 =	sld [smem:$0x77C]  }
0x23c: {  	[tilespmem:s9], [sflag:$0x1] =	stream.linear.gather [spmem:s8], $0x80, $0x38;
	[tilespmem:$0x1BC80] =	vst v63  }
0x23d: {  	s11 =	simm.s32 $0x11B80;
	s12 =	sld [smem:$0x77D]  }
0x23e: {  	[tilespmem:s11], [sflag:$0x1] =	stream.linear.gather [spmem:s10], $0x80, $0x38;
	[tilespmem:$0x1BC80] =	vst v63  }
0x23f: {  	s13 =	simm.s32 $0x11C80;
	s14 =	sld [smem:$0x77E]  }
0x240: {  	[tilespmem:s13], [sflag:$0x1] =	stream.linear.gather [spmem:s12], $0x80, $0x38;
	[tilespmem:$0x1BC80] =	vst v63  }
0x241: {  	s15 =	simm.s32 $0x11D80;
	s16 =	sld [smem:$0x77F]  }
0x242: {  	[tilespmem:s15], [sflag:$0x1] =	stream.linear.gather [spmem:s14], $0x80, $0x38;
	[tilespmem:$0x1BC80] =	vst v63  }
0x243: {  	s17 =	simm.s32 $0x11E80;
	s18 =	sld [smem:$0x758]  }
0x244: {  	[tilespmem:s17], [sflag:$0x1] =	stream.linear.gather [spmem:s16], $0x80, $0x38;
	[tilespmem:$0x1BC80] =	vst v63  }
0x245: {  	s19 =	simm.s32 $0x11F80;
	s20 =	sld [smem:$0x780]  }
0x246: {  	[tilespmem:s19], [sflag:$0x1] =	stream.linear.gather [spmem:s18], $0x80, $0x38;
	[tilespmem:$0x1BC80] =	vst v63  }
0x247: {  	s21 =	simm.s32 $0x12080;
	s22 =	sld [smem:$0x781]  }
0x248: {  	[tilespmem:s21], [sflag:$0x1] =	stream.linear.gather [spmem:s20], $0x80, $0x38;
	[tilespmem:$0x1BC80] =	vst v63  }
0x249: {  	s23 =	simm.s32 $0x12180;
	s24 =	sld [smem:$0x782]  }
0x24a: {  	[tilespmem:s23], [sflag:$0x1] =	stream.linear.gather [spmem:s22], $0x80, $0x38;
	[tilespmem:$0x1BC80] =	vst v63  }
0x24b: {  	s25 =	simm.s32 $0x12280;
	s26 =	sld [smem:$0x783]  }
0x24c: {  	[tilespmem:s25], [sflag:$0x1] =	stream.linear.gather [spmem:s24], $0x80, $0x38;
	[tilespmem:$0x1BC80] =	vst v63  }
0x24d: {  	s28 =	simm.s32 $0x12380;
	s29 =	sld [smem:$0x759]  }
0x24e: {  	[tilespmem:s28], [sflag:$0x1] =	stream.linear.gather [spmem:s26], $0x80, $0x38;
	[tilespmem:$0x1BC80] =	vst v63  }
0x24f: {  	s30 =	simm.s32 $0x12480;
	s1 =	sld [smem:$0x784]  }
0x250: {  	[tilespmem:s30], [sflag:$0x1] =	stream.linear.gather [spmem:s29], $0x80, $0x38;
	[tilespmem:$0x1BC80] =	vst v63  }
0x251: {  	s2 =	simm.s32 $0x12580;
	s3 =	sld [smem:$0x785]  }
0x252: {  	[tilespmem:s2], [sflag:$0x1] =	stream.linear.gather [spmem:s1], $0x80, $0x38;
	[tilespmem:$0x1BC80] =	vst v63  }
0x253: {  	s5 =	simm.s32 $0x12680;
	s6 =	sld [smem:$0x786]  }
0x254: {  	[tilespmem:s5], [sflag:$0x1] =	stream.linear.gather [spmem:s3], $0x80, $0x38;
	[tilespmem:$0x1BC80] =	vst v63  }
0x255: {  	s7 =	simm.s32 $0x12780;
	s8 =	sld [smem:$0x787]  }
0x256: {  	[tilespmem:s7], [sflag:$0x1] =	stream.linear.gather [spmem:s6], $0x80, $0x38;
	[tilespmem:$0x1BC80] =	vst v63  }
0x257: {  	s9 =	simm.s32 $0x12880;
	s10 =	sld [smem:$0x75A]  }
0x258: {  	[tilespmem:s9], [sflag:$0x1] =	stream.linear.gather [spmem:s8], $0x80, $0x38;
	[tilespmem:$0x1BC80] =	vst v63  }
0x259: {  	s11 =	simm.s32 $0x12980;
	s12 =	sld [smem:$0x788]  }
0x25a: {  	[tilespmem:s11], [sflag:$0x1] =	stream.linear.gather [spmem:s10], $0x80, $0x38;
	[tilespmem:$0x1BC80] =	vst v63  }
0x25b: {  	s13 =	simm.s32 $0x12A80;
	s14 =	sld [smem:$0x789]  }
0x25c: {  	[tilespmem:s13], [sflag:$0x1] =	stream.linear.gather [spmem:s12], $0x80, $0x38;
	[tilespmem:$0x1BC80] =	vst v63  }
0x25d: {  	s15 =	simm.s32 $0x12B80;
	s16 =	sld [smem:$0x78A]  }
0x25e: {  	[tilespmem:s15], [sflag:$0x1] =	stream.linear.gather [spmem:s14], $0x80, $0x38;
	[tilespmem:$0x1BC80] =	vst v63  }
0x25f: {  	s17 =	simm.s32 $0x12C80;
	s18 =	sld [smem:$0x78B]  }
0x260: {  	[tilespmem:s17], [sflag:$0x1] =	stream.linear.gather [spmem:s16], $0x80, $0x38;
	[tilespmem:$0x1BC80] =	vst v63  }
0x261: {  	s19 =	simm.s32 $0x12D80;
	s20 =	sld [smem:$0x75B]  }
0x262: {  	[tilespmem:s19], [sflag:$0x1] =	stream.linear.gather [spmem:s18], $0x80, $0x38;
	[tilespmem:$0x1BC80] =	vst v63  }
0x263: {  	s21 =	simm.s32 $0x12E80;
	s22 =	sld [smem:$0x78C]  }
0x264: {  	[tilespmem:s21], [sflag:$0x1] =	stream.linear.gather [spmem:s20], $0x80, $0x38;
	[tilespmem:$0x1BC80] =	vst v63  }
0x265: {  	s23 =	simm.s32 $0x12F80;
	s24 =	sld [smem:$0x78D]  }
0x266: {  	[tilespmem:s23], [sflag:$0x1] =	stream.linear.gather [spmem:s22], $0x80, $0x38;
	[tilespmem:$0x1BC80] =	vst v63  }
0x267: {  	s25 =	simm.s32 $0x13080;
	s26 =	sld [smem:$0x78E]  }
0x268: {  	[tilespmem:s25], [sflag:$0x1] =	stream.linear.gather [spmem:s24], $0x80, $0x38;
	[tilespmem:$0x1BC80] =	vst v63  }
0x269: {  	s28 =	simm.s32 $0x13180;
	s29 =	sld [smem:$0x78F]  }
0x26a: {  	[tilespmem:s28], [sflag:$0x1] =	stream.linear.gather [spmem:s26], $0x80, $0x38;
	[tilespmem:$0x1BC80] =	vst v63  }
0x26b: {  	s30 =	simm.s32 $0x13280;
	s1 =	sld [smem:$0x75C]  }
0x26c: {  	[tilespmem:s30], [sflag:$0x1] =	stream.linear.gather [spmem:s29], $0x80, $0x38;
	[tilespmem:$0x1BC80] =	vst v63  }
0x26d: {  	s2 =	simm.s32 $0x13380;
	s3 =	sld [smem:$0x790]  }
0x26e: {  	[tilespmem:s2], [sflag:$0x1] =	stream.linear.gather [spmem:s1], $0x80, $0x38;
	[tilespmem:$0x1BC80] =	vst v63  }
0x26f: {  	s5 =	simm.s32 $0x13480;
	s6 =	sld [smem:$0x791]  }
0x270: {  	[tilespmem:s5], [sflag:$0x1] =	stream.linear.gather [spmem:s3], $0x80, $0x38;
	[tilespmem:$0x1BC80] =	vst v63  }
0x271: {  	s7 =	simm.s32 $0x13580;
	s8 =	sld [smem:$0x792]  }
0x272: {  	[tilespmem:s7], [sflag:$0x1] =	stream.linear.gather [spmem:s6], $0x80, $0x38;
	[tilespmem:$0x1BC80] =	vst v63  }
0x273: {  	s9 =	simm.s32 $0x13680;
	s10 =	sld [smem:$0x793]  }
0x274: {  	[tilespmem:s9], [sflag:$0x1] =	stream.linear.gather [spmem:s8], $0x80, $0x38;
	[tilespmem:$0x1BC80] =	vst v63  }
0x275: {  	s11 =	simm.s32 $0x13780;
	s12 =	sld [smem:$0x75D]  }
0x276: {  	[tilespmem:s11], [sflag:$0x1] =	stream.linear.gather [spmem:s10], $0x80, $0x38;
	[tilespmem:$0x1BC80] =	vst v63  }
0x277: {  	s13 =	simm.s32 $0x13880;
	s14 =	sld [smem:$0x794]  }
0x278: {  	[tilespmem:s13], [sflag:$0x1] =	stream.linear.gather [spmem:s12], $0x80, $0x38;
	[tilespmem:$0x1BC80] =	vst v63  }
0x279: {  	s15 =	simm.s32 $0x13980;
	s16 =	sld [smem:$0x795]  }
0x27a: {  	[tilespmem:s15], [sflag:$0x1] =	stream.linear.gather [spmem:s14], $0x80, $0x38;
	[tilespmem:$0x1BC80] =	vst v63  }
0x27b: {  	s17 =	simm.s32 $0x13A80;
	s18 =	sld [smem:$0x796]  }
0x27c: {  	[tilespmem:s17], [sflag:$0x1] =	stream.linear.gather [spmem:s16], $0x80, $0x38;
	[tilespmem:$0x1BC80] =	vst v63  }
0x27d: {  	s19 =	simm.s32 $0x13B80;
	s20 =	sld [smem:$0x797]  }
0x27e: {  	[tilespmem:s19], [sflag:$0x1] =	stream.linear.gather [spmem:s18], $0x80, $0x38;
	[tilespmem:$0x1BC80] =	vst v63  }
0x27f: {  	s21 =	simm.s32 $0x13C80;
	s22 =	sld [smem:$0x75E]  }
0x280: {  	[tilespmem:s21], [sflag:$0x1] =	stream.linear.gather [spmem:s20], $0x80, $0x38;
	[tilespmem:$0x1BC80] =	vst v63  }
0x281: {  	s23 =	simm.s32 $0x13D80;
	s24 =	sld [smem:$0x798]  }
0x282: {  	[tilespmem:s23], [sflag:$0x1] =	stream.linear.gather [spmem:s22], $0x80, $0x38;
	[tilespmem:$0x1BC80] =	vst v63  }
0x283: {  	s25 =	simm.s32 $0x13E80;
	s26 =	sld [smem:$0x799]  }
0x284: {  	[tilespmem:s25], [sflag:$0x1] =	stream.linear.gather [spmem:s24], $0x80, $0x38;
	[tilespmem:$0x1BC80] =	vst v63  }
0x285: {  	s28 =	simm.s32 $0x13F80;
	s29 =	sld [smem:$0x79A]  }
0x286: {  	[tilespmem:s28], [sflag:$0x1] =	stream.linear.gather [spmem:s26], $0x80, $0x38;
	[tilespmem:$0x1BC80] =	vst v63  }
0x287: {  	s30 =	simm.s32 $0x14080;
	s1 =	sld [smem:$0x79B]  }
0x288: {  	[tilespmem:s30], [sflag:$0x1] =	stream.linear.gather [spmem:s29], $0x80, $0x38;
	[tilespmem:$0x1BC80] =	vst v63  }
0x289: {  	s2 =	simm.s32 $0x14180;
	s3 =	sld [smem:$0x75F]  }
0x28a: {  	[tilespmem:s2], [sflag:$0x1] =	stream.linear.gather [spmem:s1], $0x80, $0x38;
	[tilespmem:$0x1BC80] =	vst v63  }
0x28b: {  	s5 =	simm.s32 $0x14280;
	s6 =	sld [smem:$0x79C]  }
0x28c: {  	[tilespmem:s5], [sflag:$0x1] =	stream.linear.gather [spmem:s3], $0x80, $0x38;
	[tilespmem:$0x1BC80] =	vst v63  }
0x28d: {  	s7 =	simm.s32 $0x14380;
	s8 =	sld [smem:$0x79D]  }
0x28e: {  	[tilespmem:s7], [sflag:$0x1] =	stream.linear.gather [spmem:s6], $0x80, $0x38;
	[tilespmem:$0x1BC80] =	vst v63  }
0x28f: {  	s9 =	simm.s32 $0x14480;
	s10 =	sld [smem:$0x79E]  }
0x290: {  	[tilespmem:s9], [sflag:$0x1] =	stream.linear.gather [spmem:s8], $0x80, $0x38;
	[tilespmem:$0x1BC80] =	vst v63  }
0x291: {  	s11 =	simm.s32 $0x14580;
	s12 =	sld [smem:$0x79F]  }
0x292: {  	[tilespmem:s11], [sflag:$0x1] =	stream.linear.gather [spmem:s10], $0x80, $0x38;
	[tilespmem:$0x1BC80] =	vst v63  }
0x293: {  	s13 =	simm.s32 $0x14680;
	s14 =	sld [smem:$0x760]  }
0x294: {  	[tilespmem:s13], [sflag:$0x1] =	stream.linear.gather [spmem:s12], $0x80, $0x38;
	[tilespmem:$0x1BC80] =	vst v63  }
0x295: {  	s15 =	simm.s32 $0x14780;
	s16 =	sld [smem:$0x7A0]  }
0x296: {  	[tilespmem:s15], [sflag:$0x1] =	stream.linear.gather [spmem:s14], $0x80, $0x38;
	[tilespmem:$0x1BC80] =	vst v63  }
0x297: {  	s17 =	simm.s32 $0x14880;
	s18 =	sld [smem:$0x7A1]  }
0x298: {  	[tilespmem:s17], [sflag:$0x1] =	stream.linear.gather [spmem:s16], $0x80, $0x38;
	[tilespmem:$0x1BC80] =	vst v63  }
0x299: {  	s19 =	simm.s32 $0x14980;
	s20 =	sld [smem:$0x7A2]  }
0x29a: {  	[tilespmem:s19], [sflag:$0x1] =	stream.linear.gather [spmem:s18], $0x80, $0x38;
	[tilespmem:$0x1BC80] =	vst v63  }
0x29b: {  	s21 =	simm.s32 $0x14A80;
	s22 =	sld [smem:$0x7A3]  }
0x29c: {  	[tilespmem:s21], [sflag:$0x1] =	stream.linear.gather [spmem:s20], $0x80, $0x38;
	[tilespmem:$0x1BC80] =	vst v63  }
0x29d: {  	s23 =	simm.s32 $0x14B80;
	s24 =	sld [smem:$0x761]  }
0x29e: {  	[tilespmem:s23], [sflag:$0x1] =	stream.linear.gather [spmem:s22], $0x80, $0x38;
	[tilespmem:$0x1BC80] =	vst v63  }
0x29f: {  	s25 =	simm.s32 $0x14C80;
	s26 =	sld [smem:$0x7A4]  }
0x2a0: {  	[tilespmem:s25], [sflag:$0x1] =	stream.linear.gather [spmem:s24], $0x80, $0x38;
	[tilespmem:$0x1BC80] =	vst v63  }
0x2a1: {  	s28 =	simm.s32 $0x14D80;
	s29 =	sld [smem:$0x7A5]  }
0x2a2: {  	[tilespmem:s28], [sflag:$0x1] =	stream.linear.gather [spmem:s26], $0x80, $0x38;
	[tilespmem:$0x1BC80] =	vst v63  }
0x2a3: {  	s30 =	simm.s32 $0x14E80;
	s1 =	sld [smem:$0x7A6]  }
0x2a4: {  	[tilespmem:s30], [sflag:$0x1] =	stream.linear.gather [spmem:s29], $0x80, $0x38;
	[tilespmem:$0x1BC80] =	vst v63  }
0x2a5: {  	s2 =	simm.s32 $0x14F80;
	s3 =	sld [smem:$0x7A7]  }
0x2a6: {  	[tilespmem:s2], [sflag:$0x1] =	stream.linear.gather [spmem:s1], $0x80, $0x38;
	[tilespmem:$0x1BC80] =	vst v63  }
0x2a7: {  	s5 =	simm.s32 $0x15080;
	s6 =	sld [smem:$0x765]  }
0x2a8: {  	[tilespmem:s5], [sflag:$0x1] =	stream.linear.gather [spmem:s3], $0x80, $0x38;
	[tilespmem:$0x1BC80] =	vst v63  }
0x2a9: {  	s7 =	simm.s32 $0x15180;
	s8 =	sld [smem:$0x7A8]  }
0x2aa: {  	[tilespmem:s7], [sflag:$0x1] =	stream.linear.gather [spmem:s6], $0x80, $0x38;
	[tilespmem:$0x1BC80] =	vst v63  }
0x2ab: {  	s9 =	simm.s32 $0x15280;
	s10 =	sld [smem:$0x7A9]  }
0x2ac: {  	[tilespmem:s9], [sflag:$0x1] =	stream.linear.gather [spmem:s8], $0x80, $0x38;
	[tilespmem:$0x1BC80] =	vst v63  }
0x2ad: {  	s11 =	simm.s32 $0x15380;
	s12 =	sld [smem:$0x7AA]  }
0x2ae: {  	[tilespmem:s11], [sflag:$0x1] =	stream.linear.gather [spmem:s10], $0x80, $0x38;
	[tilespmem:$0x1BC80] =	vst v63  }
0x2af: {  	s13 =	simm.s32 $0x15480;
	s14 =	sld [smem:$0x7AB]  }
0x2b0: {  	[tilespmem:s13], [sflag:$0x1] =	stream.linear.gather [spmem:s12], $0x80, $0x38;
	[tilespmem:$0x1BC80] =	vst v63  }
0x2b1: {  	s15 =	simm.s32 $0x15580;
	s16 =	sld [smem:$0x766]  }
0x2b2: {  	[tilespmem:s15], [sflag:$0x1] =	stream.linear.gather [spmem:s14], $0x80, $0x38;
	[tilespmem:$0x1BC80] =	vst v63  }
0x2b3: {  	s17 =	simm.s32 $0x15680;
	s18 =	sld [smem:$0x7AC]  }
0x2b4: {  	[tilespmem:s17], [sflag:$0x1] =	stream.linear.gather [spmem:s16], $0x80, $0x38;
	[tilespmem:$0x1BC80] =	vst v63  }
0x2b5: {  	s19 =	simm.s32 $0x15780;
	s20 =	sld [smem:$0x7AD]  }
0x2b6: {  	[tilespmem:s19], [sflag:$0x1] =	stream.linear.gather [spmem:s18], $0x80, $0x38;
	[tilespmem:$0x1BC80] =	vst v63  }
0x2b7: {  	s21 =	simm.s32 $0x15880;
	s22 =	sld [smem:$0x7AE]  }
0x2b8: {  	[tilespmem:s21], [sflag:$0x1] =	stream.linear.gather [spmem:s20], $0x80, $0x38;
	[tilespmem:$0x1BC80] =	vst v63  }
0x2b9: {  	s23 =	simm.s32 $0x15980;
	s24 =	sld [smem:$0x7AF]  }
0x2ba: {  	[tilespmem:s23], [sflag:$0x1] =	stream.linear.gather [spmem:s22], $0x80, $0x38;
	[tilespmem:$0x1BC80] =	vst v63  }
0x2bb: {  	s25 =	simm.s32 $0x15A80;
	s26 =	sld [smem:$0x767]  }
0x2bc: {  	[tilespmem:s25], [sflag:$0x1] =	stream.linear.gather [spmem:s24], $0x80, $0x38;
	[tilespmem:$0x1BC80] =	vst v63  }
0x2bd: {  	s28 =	simm.s32 $0x15B80;
	s29 =	sld [smem:$0x7B0]  }
0x2be: {  	[tilespmem:s28], [sflag:$0x1] =	stream.linear.gather [spmem:s26], $0x80, $0x38;
	[tilespmem:$0x1BC80] =	vst v63  }
0x2bf: {  	s30 =	simm.s32 $0x15C80;
	s2 =	sld [smem:$0x7B1]  }
0x2c0: {  	[tilespmem:s30], [sflag:$0x1] =	stream.linear.gather [spmem:s29], $0x80, $0x38;
	[tilespmem:$0x1BC80] =	vst v63  }
0x2c1: {  	s3 =	simm.s32 $0x15D80;
	s5 =	sld [smem:$0x7B2]  }
0x2c2: {  	[tilespmem:s3], [sflag:$0x1] =	stream.linear.gather [spmem:s2], $0x80, $0x38;
	[tilespmem:$0x1BC80] =	vst v63  }
0x2c3: {  	s6 =	simm.s32 $0x15E80;
	s7 =	sld [smem:$0x7B3]  }
0x2c4: {  	[tilespmem:s6], [sflag:$0x1] =	stream.linear.gather [spmem:s5], $0x80, $0x38;
	[tilespmem:$0x1BC80] =	vst v63  }
0x2c5: {  	s8 =	simm.s32 $0x15F80;
	s9 =	sld [smem:$0x768]  }
0x2c6: {  	[tilespmem:s8], [sflag:$0x1] =	stream.linear.gather [spmem:s7], $0x80, $0x38;
	[tilespmem:$0x1BC80] =	vst v63  }
0x2c7: {  	s10 =	simm.s32 $0x16080;
	s11 =	sld [smem:$0x7B4]  }
0x2c8: {  	[tilespmem:s10], [sflag:$0x1] =	stream.linear.gather [spmem:s9], $0x80, $0x38;
	[tilespmem:$0x1BC80] =	vst v63  }
0x2c9: {  	s12 =	simm.s32 $0x16180;
	s13 =	sld [smem:$0x7B5]  }
0x2ca: {  	[tilespmem:s12], [sflag:$0x1] =	stream.linear.gather [spmem:s11], $0x80, $0x38;
	[tilespmem:$0x1BC80] =	vst v63  }
0x2cb: {  	s14 =	simm.s32 $0x16280;
	s15 =	sld [smem:$0x7B6]  }
0x2cc: {  	[tilespmem:s14], [sflag:$0x1] =	stream.linear.gather [spmem:s13], $0x80, $0x38;
	[tilespmem:$0x1BC80] =	vst v63  }
0x2cd: {  	s16 =	simm.s32 $0x16380;
	s17 =	sld [smem:$0x7B7]  }
0x2ce: {  	[tilespmem:s16], [sflag:$0x1] =	stream.linear.gather [spmem:s15], $0x80, $0x38;
	[tilespmem:$0x1BC80] =	vst v63  }
0x2cf: {  	s18 =	simm.s32 $0x16480  }
0x2d0: {  	[tilespmem:s18], [sflag:$0x1] =	stream.linear.gather [spmem:s17], $0x80, $0x38;
	[tilespmem:$0x1BC80] =	vst v63  }
0x2d1: {  	_ =	swait.ge [sflag:s4], $0x280  }
0x2d2: {  	[sflag:s4] =	ssyncset.done $0x0  }
0x2d3: {  	[sflag:s4] =	ssyncadd.s32 $0xFFFFFD80  }
0x2d4: {  	_ =	swait.ge [sflag:s4], $0x280  }
0x2d5: {  	[sflag:s4] =	ssyncset.done $0x0  }
0x2d6: {  	[sflag:s4] =	ssyncadd.s32 $0xFFFFFD80  }
0x2d7: {  	_ =	swait.ge [sflag:s4], $0x280  }
0x2d8: {  	[sflag:s4] =	ssyncset.done $0x0  }
0x2d9: {  	[sflag:s4] =	ssyncadd.s32 $0xFFFFFD80  }
0x2da: {  	_ =	swait.ge [sflag:s4], $0x280  }
0x2db: {  	[sflag:s4] =	ssyncset.done $0x0  }
0x2dc: {  	[sflag:s4] =	ssyncadd.s32 $0xFFFFFD80  }
0x2dd: {  	_ =	swait.ge [sflag:s4], $0x280  }
0x2de: {  	[sflag:s4] =	ssyncset.done $0x0  }
0x2df: {  	[sflag:s4] =	ssyncadd.s32 $0xFFFFFD80  }
0x2e0: {  	_ =	swait.ge [sflag:s4], $0x280  }
0x2e1: {  	[sflag:s4] =	ssyncset.done $0x0  }
0x2e2: {  	[sflag:s4] =	ssyncadd.s32 $0xFFFFFD80  }
0x2e3: {  	_ =	swait.ge [sflag:s4], $0x280  }
0x2e4: {  	[sflag:s4] =	ssyncset.done $0x0  }
0x2e5: {  	[sflag:s4] =	ssyncadd.s32 $0xFFFFFD80  }
0x2e6: {  	_ =	swait.ge [sflag:s4], $0x280  }
0x2e7: {  	[sflag:s4] =	ssyncset.done $0x0  }
0x2e8: {  	[sflag:s4] =	ssyncadd.s32 $0xFFFFFD80  }
0x2e9: {  	_ =	swait.ge [sflag:s4], $0x280  }
0x2ea: {  	[sflag:s4] =	ssyncset.done $0x0  }
0x2eb: {  	[sflag:s4] =	ssyncadd.s32 $0xFFFFFD80  }
0x2ec: {  	_ =	swait.ge [sflag:s4], $0x280  }
0x2ed: {  	[sflag:s4] =	ssyncset.done $0x0  }
0x2ee: {  	[sflag:s4] =	ssyncadd.s32 $0xFFFFFD80  }
0x2ef: {  	_ =	swait.ge [sflag:s4], $0x280  }
0x2f0: {  	[sflag:s4] =	ssyncset.done $0x0  }
0x2f1: {  	[sflag:s4] =	ssyncadd.s32 $0xFFFFFD80  }
0x2f2: {  	_ =	swait.ge [sflag:s4], $0x280  }
0x2f3: {  	[sflag:s4] =	ssyncset.done $0x0  }
0x2f4: {  	[sflag:s4] =	ssyncadd.s32 $0xFFFFFD80  }
0x2f5: {  	_ =	swait.ge [sflag:s4], $0x280  }
0x2f6: {  	[sflag:s4] =	ssyncset.done $0x0  }
0x2f7: {  	[sflag:s4] =	ssyncadd.s32 $0xFFFFFD80  }
0x2f8: {  	_ =	swait.ge [sflag:s4], $0x280  }
0x2f9: {  	[sflag:s4] =	ssyncset.done $0x0  }
0x2fa: {  	[sflag:s4] =	ssyncadd.s32 $0xFFFFFD80  }
0x2fb: {  	p2 =	por $0x0, $0x0;
	s0 =	simm.s32 $0x1;
	_ =	swait.ge [sflag:s4], $0x280  }
0x2fc: {  	s0 =	simm.s32 @!p2 $0x0;
	s19 =	simm.s32 $0x0;
	[sflag:s4] =	ssyncset.done $0x0  }
0x2fd: {  	s0 =	sshll.u32 s0, $0x6;
	s7 =	sand.u32 $0x700, s19;
	[sflag:s4] =	ssyncadd.s32 $0xFFFFFD80  }
0x2fe: {  	s2 =	sand.u32 $0x40, s19;
	s20 =	sadd.s32 $0x11A80, s7;
	_ =	swait.ge [sflag:s4], $0x280  }
0x2ff: {  	s15 =	sor.u32 $0x30, s2;
	s18 =	sadd.s32 $0x0, s0;
	[sflag:s4] =	ssyncset.done $0x0  }
0x300: {  	s22 =	sor.u32 s15, s20;
	s21 =	sadd.s32 $0x30, s18;
	[sflag:s4] =	ssyncadd.s32 $0xFFFFFD80  }
0x301: {  	s23 =	sadd.s32 $0x11F80, s7;
	s6 =	sor.u32 $0x80, s21;
	v2 =	vld [tilespmem:s22+$0x0]  }
0x302: {  	s16 =	sadd.s32 $0x12980, s7;
	s24 =	sor.u32 s15, s23;
	v3 =	vld [tilespmem:s6+$0x11500]  }
0x303: {  	s26 =	sor.u32 s15, s16;
	v4 =	vld [tilespmem:s24+$0x0]  }
0x304: {  	s8 =	sor.u32 s2, s20;
	s14 =	sadd.s32 $0x12E80, s7;
	v6 =	vld [tilespmem:s26+$0x0]  }
0x305: {  	s5 =	sor.u32 $0x10, s2;
	s28 =	sor.u32 s15, s14;
	v7 =	vld [tilespmem:s8+$0x0]  }
0x306: {  	s29 =	sor.u32 s5, s20;
	s13 =	sadd.s32 $0x13380, s7;
	v8 =	vld [tilespmem:s28+$0x0]  }
0x307: {  	s9 =	sor.u32 $0x20, s2;
	s30 =	sor.u32 s15, s13;
	v9 =	vld [tilespmem:s29+$0x0]  }
0x308: {  	s0 =	sor.u32 s9, s20;
	v10 =	vld [tilespmem:s30+$0x0]  }
0x309: {  	s10 =	sor.u32 s2, s23;
	s11 =	sadd.s32 $0x13D80, s7;
	v11 =	vld [tilespmem:s0+$0x0]  }
0x30a: {  	s17 =	sor.u32 s15, s11;
	v13 =	vld [tilespmem:s10+$0x0]  }
0x30b: {  	s19 =	sor.u32 s5, s23;
	v14 =	vld [tilespmem:s17+$0x0]  }
0x30c: {  	s21 =	sor.u32 s9, s23;
	s4 =	sadd.s32 $0x12480, s7;
	v15 =	vld [tilespmem:s19+$0x0]  }
0x30d: {  	s12 =	sor.u32 $0x13880, s7;
	s25 =	sor.u32 s15, s4;
	v17 =	vld [tilespmem:s21+$0x0]  }
0x30e: {  	s1 =	sadd.s32 $0x14780, s7;
	s8 =	sor.u32 s15, s12;
	v5 =	vld [tilespmem:s25+$0x0]  }
0x30f: {  	s22 =	sor.u32 s15, s1;
	v12 =	vld [tilespmem:s8+$0x0]  }
0x310: {  	s23 =	sor.u32 s2, s4;
	v18 =	vld [tilespmem:s22+$0x0]  }
0x311: {  	s17 =	sor.u32 s5, s4;
	v19 =	vld [tilespmem:s23+$0x0]  }
0x312: {  	s3 =	sadd.s32 $0x15680, s7;
	s4 =	sor.u32 s9, s4;
	v21 =	vld [tilespmem:s17+$0x0]  }
0x313: {  	s26 =	sor.u32 s15, s3;
	v23 =	vld [tilespmem:s4+$0x0]  }
0x314: {  	s28 =	sor.u32 s2, s16;
	v24 =	vld [tilespmem:s26+$0x0]  }
0x315: {  	s30 =	sor.u32 s5, s16;
	v25 =	vld [tilespmem:s28+$0x0]  }
0x316: {  	s16 =	sor.u32 s9, s16;
	v27 =	vld [tilespmem:s30+$0x0]  }
0x317: {  	s10 =	sadd.s32 $0x14280, s7;
	s21 =	sor.u32 s5, s14;
	v29 =	vld [tilespmem:s16+$0x0]  }
0x318: {  	s0 =	sadd.s32 $0x14C80, s7;
	s20 =	sor.u32 s15, s10;
	v30 =	vld [tilespmem:s21+$0x0]  }
0x319: {  	s24 =	sor.u32 s15, s0;
	s8 =	sadd.s32 $0x15180, s7;
	v16 =	vld [tilespmem:s20+$0x0]  }
0x31a: {  	s4 =	sadd.s32 $0x15B80, s7;
	v20 =	vld [tilespmem:s24+$0x0];
	s25 =	sor.u32 s15, s8  }
0x31b: {  	s7 =	sor.u32 $0x16080, s7;
	s29 =	sor.u32 s15, s4;
	v22 =	vld [tilespmem:s25+$0x0]  }
0x31c: {  	s15 =	sor.u32 s15, s7;
	v26 =	vld [tilespmem:s29+$0x0]  }
0x31d: {  	s19 =	sor.u32 s2, s14;
	s20 =	sadd.s32 $0x10, s18;
	v28 =	vld [tilespmem:s15+$0x0];
	v2 =	vadd.f32 v2, v3  }
0x31e: {  	s23 =	sor.u32 $0x80, s20;
	v3 =	vld [tilespmem:s19+$0x0];
	[smem:$0x74E] =	sst s18  }
0x31f: {  	s31 =	sor.u32 $0x80, s18;
	s22 =	sadd.s32 $0x20, s18;
	v31 =	vld [tilespmem:s23+$0x11500];
	v2 =	vadd.f32 v4, v2  }
0x320: {  	s26 =	sor.u32 $0x80, s22;
	v4 =	vld [tilespmem:s31+$0x11500]  }
0x321: {  	s24 =	sor.u32 s2, s13;
	v32 =	vld [tilespmem:s26+$0x11500];
	v2 =	vadd.f32 v5, v2  }
0x322: {  	s29 =	sor.u32 s5, s12;
	v33 =	vld [tilespmem:s24+$0x0]  }
0x323: {  	s30 =	sor.u32 s2, s11;
	v54 =	vld [tilespmem:s29+$0x0];
	v2 =	vadd.f32 v6, v2  }
0x324: {  	s15 =	sor.u32 s5, s10;
	v55 =	vld [tilespmem:s30+$0x0]  }
0x325: {  	s17 =	sor.u32 s5, s1;
	v59 =	vld [tilespmem:s15+$0x0];
	v4 =	vadd.f32 v7, v4;
	v2 =	vadd.f32 v8, v2  }
0x326: {  	s20 =	sor.u32 s2, s8;
	v60 =	vld [tilespmem:s17+$0x0];
	v11 =	vadd.f32 v11, v32;
	v8 =	vadd.f32 v9, v31  }
0x327: {  	s14 =	sor.u32 s9, s14;
	v61 =	vld [tilespmem:s20+$0x0];
	v4 =	vadd.f32 v13, v4;
	v2 =	vadd.f32 v10, v2  }
0x328: {  	v5 =	vld [tilespmem:s14+$0x0];
	s14 =	sor.u32 s2, s10;
	v8 =	vadd.f32 v15, v8;
	v10 =	vadd.f32 v17, v11  }
0x329: {  	s25 =	sor.u32 s5, s13;
	v58 =	vld [tilespmem:s14+$0x0];
	v4 =	vadd.f32 v19, v4;
	v2 =	vadd.f32 v12, v2  }
0x32a: {  	s13 =	sor.u32 s9, s13;
	v6 =	vld [tilespmem:s25+$0x0];
	v8 =	vadd.f32 v21, v8;
	v10 =	vadd.f32 v23, v10  }
0x32b: {  	s28 =	sor.u32 s2, s12;
	v7 =	vld [tilespmem:s13+$0x0];
	v4 =	vadd.f32 v25, v4;
	v2 =	vadd.f32 v14, v2  }
0x32c: {  	s12 =	sor.u32 s9, s12;
	v9 =	vld [tilespmem:s28+$0x0];
	v8 =	vadd.f32 v27, v8;
	v10 =	vadd.f32 v29, v10  }
0x32d: {  	s13 =	sor.u32 s5, s11;
	v11 =	vld [tilespmem:s12+$0x0];
	v3 =	vadd.f32 v3, v4;
	v2 =	vadd.f32 v16, v2  }
0x32e: {  	s11 =	sor.u32 s9, s11;
	v56 =	vld [tilespmem:s13+$0x0];
	v4 =	vadd.f32 v30, v8;
	v5 =	vadd.f32 v5, v10  }
0x32f: {  	s10 =	sor.u32 s9, s10;
	v57 =	vld [tilespmem:s11+$0x0];
	v3 =	vadd.f32 v33, v3;
	v2 =	vadd.f32 v18, v2  }
0x330: {  	s16 =	sor.u32 s2, s1;
	v8 =	vld [tilespmem:s10+$0x0];
	v4 =	vadd.f32 v6, v4;
	v5 =	vadd.f32 v7, v5  }
0x331: {  	s1 =	sor.u32 s9, s1;
	v10 =	vld [tilespmem:s16+$0x0];
	v3 =	vadd.f32 v9, v3;
	v2 =	vadd.f32 v20, v2  }
0x332: {  	s18 =	sor.u32 s2, s0;
	v6 =	vld [tilespmem:s1+$0x0];
	v4 =	vadd.f32 v54, v4;
	v5 =	vadd.f32 v11, v5  }
0x333: {  	s19 =	sor.u32 s5, s0;
	v7 =	vld [tilespmem:s18+$0x0];
	v3 =	vadd.f32 v55, v3;
	v2 =	vadd.f32 v22, v2  }
0x334: {  	s0 =	sor.u32 s9, s0;
	v9 =	vld [tilespmem:s19+$0x0];
	v4 =	vadd.f32 v56, v4;
	v5 =	vadd.f32 v57, v5  }
0x335: {  	s21 =	sor.u32 s5, s8;
	v11 =	vld [tilespmem:s0+$0x0];
	v3 =	vadd.f32 v58, v3;
	v2 =	vadd.f32 v24, v2  }
0x336: {  	s22 =	sor.u32 s9, s8;
	v62 =	vld [tilespmem:s21+$0x0];
	v4 =	vadd.f32 v59, v4;
	v5 =	vadd.f32 v8, v5  }
0x337: {  	s24 =	sor.u32 s2, s3;
	v3 =	vadd.f32 v10, v3;
	v10 =	vld [tilespmem:s22+$0x0];
	v2 =	vadd.f32 v26, v2  }
0x338: {  	s28 =	sor.u32 s9, s3;
	v8 =	vadd.f32 v60, v4;
	v5 =	vadd.f32 v6, v5;
	v4 =	vld [tilespmem:s24+$0x0]  }
0x339: {  	p3 =	por !p2, !p2;
	s29 =	sor.u32 s2, s4;
	s25 =	sor.u32 s5, s3;
	v6 =	vadd.f32 v7, v3;
	v3 =	vld [tilespmem:s28+$0x0];
	v63 =	vadd.f32 v28, v2  }
0x33a: {  	s30 =	sor.u32 s5, s4;
	s17 =	sor.u32 s5, s7;
	s15 =	sor.u32 s9, s7;
	v2 =	vld [tilespmem:s25+$0x0];
	v7 =	vadd.f32 v9, v8;
	v11 =	vadd.f32 v11, v5  }
0x33b: {  	s14 =	sor.u32 s9, s4;
	s5 =	simm.s32 $0x0;
	s9 =	simm.s32 $0x40;
	v5 =	vld [tilespmem:s30+$0x0];
	v9 =	vadd.f32 v61, v6;
	[tilespmem:s6+$0x16500] =	vst v63  }
0x33c: {  	s18 =	sor.u32 s2, s7;
	v6 =	vld [tilespmem:s29+$0x0];
	v8 =	vadd.f32 v62, v7;
	v7 =	vadd.f32 v10, v11;
	s6 =	simm.s32 $0x80;
	[smem:$0x74F] =	sst s31  }
.LBB2_20:
0x33d: {  	s0 =	simm.s32 $0x1  }
0x33e: {  	s12 =	sand.u32 $0x40, s9;
	s0 =	simm.s32 @!p3 $0x0  }
0x33f: {  	s13 =	sor.u32 $0x30, s12;
	s0 =	sshll.u32 s0, $0x6  }
0x340: {  	s16 =	sor.u32 $0x20, s12;
	s0 =	sadd.s32 s0, s6;
	v4 =	vadd.f32 v4, v9;
	v9 =	vld [tilespmem:s14+$0x0];
	s14 =	sand.u32 $0x700, s6  }
0x341: {  	v10 =	vld [tilespmem:s18+$0x0];
	s2 =	sadd.s32 $0x10, s0;
	s3 =	sadd.s32 $0x30, s0;
	s7 =	sadd.s32 $0x20, s0  }
0x342: {  	v2 =	vadd.f32 v2, v8;
	v8 =	vld [tilespmem:s17+$0x0];
	s1 =	sadd.s32 $0x11A80, s14;
	s3 =	sor.u32 $0x80, s3;
	s24 =	sadd.s32 $0x11F80, s14  }
0x343: {  	s8 =	sor.u32 $0x80, s2;
	s2 =	sor.u32 $0x80, s7;
	s28 =	sadd.s32 $0x12480, s14;
	v4 =	vadd.f32 v6, v4;
	v6 =	vld [tilespmem:s15+$0x0]  }
0x344: {  	s22 =	sadd.s32 $0x12980, s14;
	s4 =	sor.u32 s13, s1;
	s15 =	sor.u32 $0x10, s12;
	v2 =	vadd.f32 v5, v2;
	v5 =	vld [tilespmem:s3+$0x11500]  }
0x345: {  	v3 =	vadd.f32 v3, v7;
	[dreg:$0x7] =	wrdreg s3;
	s3 =	sor.u32 $0x80, s0;
	s25 =	sor.u32 s13, s24;
	v7 =	vld [tilespmem:s4+$0x0]  }
0x346: {  	s11 =	sor.u32 s12, s1;
	s20 =	sor.u32 s12, s24;
	s21 =	sor.u32 s16, s1;
	v4 =	vadd.f32 v10, v4;
	v10 =	vld [tilespmem:s25+$0x0]  }
0x347: {  	s29 =	sor.u32 s13, s28;
	s7 =	sor.u32 s16, s24;
	s30 =	sor.u32 s13, s22;
	v3 =	vadd.f32 v9, v3;
	v9 =	vld [tilespmem:s8+$0x11500]  }
0x348: {  	s18 =	sor.u32 s12, s22;
	s0 =	sor.u32 s16, s28;
	s19 =	sor.u32 s15, s1;
	v2 =	vadd.f32 v8, v2;
	v8 =	vld [tilespmem:s2+$0x11500]  }
0x349: {  	s10 =	sor.u32 s15, s24;
	s4 =	sor.u32 s12, s28;
	s1 =	sor.u32 s15, s28;
	[tilespmem:s31+$0x16500] =	vst v4;
	v4 =	vld [tilespmem:s29+$0x0]  }
0x34a: {  	s24 =	sadd.s32 $0x12E80, s14;
	s17 =	sor.u32 s15, s22;
	s25 =	sor.u32 s16, s22;
	v3 =	vadd.f32 v6, v3;
	[tilespmem:s23+$0x16500] =	vst v2;
	v2 =	vld [tilespmem:s3+$0x11500]  }
0x34b: {  	s28 =	sor.u32 s12, s24;
	[dreg:$0x19] =	wrdreg s25;
	s29 =	sadd.s32 $0x13380, s14;
	v6 =	vld [tilespmem:s11+$0x0];
	v5 =	vadd.f32 v7, v5  }
0x34c: {  	[dreg:$0x16] =	wrdreg s28;
	s23 =	sor.u32 s12, s29;
	[tilespmem:s26+$0x16500] =	vst v3;
	v3 =	vld [tilespmem:s30+$0x0];
	s26 =	sor.u32 s13, s24  }
0x34d: {  	s31 =	smov.u32 s3;
	s28 =	sor.u32 s15, s29;
	[dreg:$0xe] =	wrdreg s23;
	v5 =	vadd.f32 v10, v5;
	v7 =	vld [tilespmem:s26+$0x0]  }
0x34e: {  	s25 =	sor.u32 s13, s29;
	s22 =	sor.u32 s16, s29;
	[dreg:$0x1c] =	wrdreg s28;
	v10 =	vld [tilespmem:s19+$0x0]  }
0x34f: {  	[dreg:$0x11] =	wrdreg s22;
	s23 =	sadd.s32 $0x13D80, s14;
	s30 =	sor.u32 s15, s24;
	v11 =	vld [tilespmem:s21+$0x0];
	v4 =	vadd.f32 v4, v5  }
0x350: {  	s24 =	sor.u32 s16, s24;
	[dreg:$0x17] =	wrdreg s30;
	s26 =	sor.u32 $0x13880, s14;
	v2 =	vadd.f32 v6, v2;
	v6 =	vld [tilespmem:s20+$0x0]  }
0x351: {  	[dreg:$0x1d] =	wrdreg s24;
	s24 =	smov.u32 s8;
	s22 =	sor.u32 s13, s26;
	v5 =	vld [tilespmem:s25+$0x0];
	v3 =	vadd.f32 v3, v4  }
0x352: {  	s28 =	sor.u32 s13, s23;
	s29 =	sor.u32 s12, s26;
	[dreg:$0x9] =	wrdreg s24;
	v4 =	vld [tilespmem:s22+$0x0]  }
0x353: {  	s30 =	sor.u32 s15, s26;
	s19 =	sor.u32 s16, s26;
	[dreg:$0x10] =	wrdreg s29;
	v3 =	vadd.f32 v7, v3;
	v7 =	vadd.f32 v10, v9;
	v9 =	vld [tilespmem:s28+$0x0]  }
0x354: {  	s26 =	sor.u32 s15, s23;
	[dreg:$0xc] =	wrdreg s30;
	s29 =	sadd.s32 $0x14280, s14;
	v10 =	vld [tilespmem:s10+$0x0]  }
0x355: {  	[dreg:$0x13] =	wrdreg s19;
	s25 =	sor.u32 s12, s23;
	s8 =	sor.u32 s13, s29;
	v2 =	vadd.f32 v6, v2;
	v6 =	vld [tilespmem:s4+$0x0]  }
0x356: {  	[dreg:$0x18] =	wrdreg s26;
	s30 =	sor.u32 s16, s23;
	s10 =	sadd.s32 $0x14780, s14;
	v3 =	vadd.f32 v5, v3;
	v5 =	vadd.f32 v11, v8;
	v8 =	vld [tilespmem:s8+$0x0]  }
0x357: {  	s26 =	smov.u32 s2;
	s19 =	sadd.s32 $0x14C80, s14;
	s11 =	sor.u32 s13, s10;
	v11 =	vld [tilespmem:s7+$0x0]  }
0x358: {  	s2 =	sadd.s32 $0x15680, s14;
	[smem:$0x74C] =	sst s25;
	s25 =	sor.u32 s15, s29;
	v3 =	vadd.f32 v4, v3;
	v4 =	vld [tilespmem:s11+$0x0]  }
0x359: {  	s23 =	sor.u32 s16, s29;
	s28 =	sor.u32 s12, s29;
	s29 =	sor.u32 s13, s19;
	v7 =	vadd.f32 v10, v7;
	v10 =	vld [tilespmem:s1+$0x0]  }
0x35a: {  	[smem:$0x74D] =	sst s30;
	s21 =	sor.u32 s15, s19;
	s30 =	sadd.s32 $0x15180, s14;
	v3 =	vadd.f32 v9, v3;
	v9 =	vld [tilespmem:s29+$0x0]  }
0x35b: {  	s3 =	sor.u32 s12, s2;
	s24 =	sor.u32 s15, s10;
	s4 =	sor.u32 s16, s30;
	v2 =	vadd.f32 v6, v2;
	v6 =	vld [tilespmem:s18+$0x0]  }
0x35c: {  	s7 =	sor.u32 s12, s30;
	s8 =	sor.u32 s13, s30;
	s11 =	sor.u32 s15, s30;
	v5 =	vadd.f32 v11, v5;
	v11 =	vld [tilespmem:s0+$0x0];
	v3 =	vadd.f32 v8, v3  }
0x35d: {  	s30 =	sadd.s32 $0x15B80, s14;
	s1 =	sor.u32 s16, s2;
	s29 =	sor.u32 s13, s2;
	v8 =	vld [tilespmem:s8+$0x0]  }
0x35e: {  	s18 =	sor.u32 s13, s30;
	s0 =	sor.u32 s15, s30;
	v3 =	vadd.f32 v4, v3;
	v4 =	vld [tilespmem:s29+$0x0];
	s29 =	sor.u32 $0x16080, s14  }
0x35f: {  	s8 =	sor.u32 s15, s2;
	v7 =	vadd.f32 v10, v7;
	v10 =	vld [tilespmem:s17+$0x0];
	s17 =	sor.u32 s15, s29;
	s13 =	sor.u32 s13, s29  }
0x360: {  	s15 =	sor.u32 s16, s29;
	v3 =	vadd.f32 v9, v3;
	v9 =	vld [tilespmem:s18+$0x0];
	s18 =	sor.u32 s12, s29;
	s29 =	rddreg [dreg:$0x19]  }
0x361: {  	s2 =	sor.u32 s12, s30;
	s14 =	sor.u32 s16, s30;
	s30 =	rddreg [dreg:$0x16];
	v5 =	vadd.f32 v11, v5;
	v11 =	vld [tilespmem:s29+$0x0]  }
0x362: {  	s22 =	sor.u32 s12, s10;
	s20 =	sor.u32 s16, s10;
	v3 =	vadd.f32 v8, v3;
	v8 =	vld [tilespmem:s13+$0x0];
	s13 =	rddreg [dreg:$0x17]  }
0x363: {  	s10 =	sor.u32 s12, s19;
	s19 =	sor.u32 s16, s19;
	v2 =	vadd.f32 v6, v2;
	s16 =	rddreg [dreg:$0x1d];
	v6 =	vld [tilespmem:s13+$0x0]  }
0x364: {  	s29 =	rddreg [dreg:$0xe];
	v3 =	vadd.f32 v4, v3;
	v4 =	vld [tilespmem:s30+$0x0]  }
0x365: {  	v7 =	vadd.f32 v10, v7;
	v10 =	vld [tilespmem:s29+$0x0];
	s13 =	rddreg [dreg:$0x11]  }
0x366: {  	s29 =	rddreg [dreg:$0x10];
	v3 =	vadd.f32 v9, v3;
	v9 =	vld [tilespmem:s16+$0x0]  }
0x367: {  	s30 =	rddreg [dreg:$0x1c];
	v5 =	vadd.f32 v11, v5;
	v11 =	vld [tilespmem:s4+$0x0]  }
0x368: {  	s16 =	rddreg [dreg:$0x7];
	v3 =	vadd.f32 v8, v3;
	v8 =	vld [tilespmem:s30+$0x0]  }
0x369: {  	s30 =	rddreg [dreg:$0xc];
	v2 =	vadd.f32 v4, v2;
	v4 =	vld [tilespmem:s13+$0x0]  }
0x36a: {  	v6 =	vadd.f32 v6, v7;
	v7 =	vld [tilespmem:s30+$0x0];
	[tilespmem:s16+$0x16500] =	vst v3;
	s16 =	sld [smem:$0x74C]  }
0x36b: {  	s13 =	rddreg [dreg:$0x13];
	v3 =	vld [tilespmem:s29+$0x0]  }
0x36c: {  	s30 =	sld [smem:$0x74D];
	v5 =	vadd.f32 v9, v5;
	v9 =	vld [tilespmem:s13+$0x0]  }
0x36d: {  	s29 =	rddreg [dreg:$0x18];
	v2 =	vadd.f32 v10, v2;
	v10 =	vld [tilespmem:s16+$0x0]  }
0x36e: {  	v6 =	vadd.f32 v8, v6;
	v8 =	vld [tilespmem:s29+$0x0]  }
0x36f: {  	v4 =	vadd.f32 v4, v5;
	v5 =	vld [tilespmem:s28+$0x0]  }
0x370: {  	v2 =	vadd.f32 v3, v2;
	v3 =	vld [tilespmem:s30+$0x0]  }
0x371: {  	v6 =	vadd.f32 v7, v6;
	v7 =	vld [tilespmem:s25+$0x0]  }
0x372: {  	v4 =	vadd.f32 v9, v4;
	v9 =	vld [tilespmem:s23+$0x0]  }
0x373: {  	v2 =	vadd.f32 v10, v2;
	v10 =	vld [tilespmem:s22+$0x0]  }
0x374: {  	v6 =	vadd.f32 v8, v6;
	v8 =	vld [tilespmem:s24+$0x0]  }
0x375: {  	v3 =	vadd.f32 v3, v4;
	v4 =	vld [tilespmem:s20+$0x0]  }
0x376: {  	v2 =	vadd.f32 v5, v2;
	v5 =	vld [tilespmem:s10+$0x0]  }
0x377: {  	v6 =	vadd.f32 v7, v6;
	v7 =	vld [tilespmem:s21+$0x0]  }
0x378: {  	v3 =	vadd.f32 v9, v3;
	v9 =	vld [tilespmem:s19+$0x0]  }
0x379: {  	s5 =	sadd.s32 $0x4, s5;
	v2 =	vadd.f32 v10, v2;
	v10 =	vld [tilespmem:s7+$0x0]  }
0x37a: {  	p4 =	slt.u32 s5, $0x24;
	v6 =	vadd.f32 v8, v6;
	v8 =	vld [tilespmem:s11+$0x0]  }
.Ltmp12:
0x37b: {  	v3 =	vadd.f32 v4, v3;
	v4 =	vld [tilespmem:s3+$0x0];
	(pc) =	sbr.rel @p4 .LBB2_20-.Ltmp12, $4  }
0x37c: {  	v5 =	vadd.f32 v5, v2;
	v2 =	vld [tilespmem:s8+$0x0]  }
0x37d: {  	v7 =	vadd.f32 v7, v6;
	v6 =	vld [tilespmem:s2+$0x0];
	v12 =	vadd.f32 v9, v3  }
0x37e: {  	s9 =	sadd.s32 $0x40, s9;
	v3 =	vld [tilespmem:s1+$0x0];
	v9 =	vadd.f32 v10, v5  }
0x37f: {  	p3 =	por !p3, !p3;
	s6 =	sadd.s32 $0x80, s6;
	s23 =	rddreg [dreg:$0x9];
	v8 =	vadd.f32 v8, v7;
	v5 =	vld [tilespmem:s0+$0x0];
	v7 =	vadd.f32 v11, v12  }
0x380: {  	v10 =	vld [tilespmem:s14+$0x0]  }
0x381: {  	v11 =	vld [tilespmem:s18+$0x0]  }
0x382: {  	v4 =	vadd.f32 v4, v9;
	v9 =	vld [tilespmem:s17+$0x0]  }
0x383: {  	v2 =	vadd.f32 v2, v8;
	v8 =	vld [tilespmem:s15+$0x0]  }
0x384: {  	v4 =	vadd.f32 v6, v4;
	v3 =	vadd.f32 v3, v7  }
0x385: {  	v2 =	vadd.f32 v5, v2  }
0x386: {  	v3 =	vadd.f32 v10, v3;
	v4 =	vadd.f32 v11, v4  }
0x387: {  	v2 =	vadd.f32 v9, v2  }
0x388: {  	[tilespmem:s31+$0x16500] =	vst v4;
	v3 =	vadd.f32 v8, v3  }
0x389: {  	[tilespmem:s23+$0x16500] =	vst v2  }
0x38a: {  	[tilespmem:s26+$0x16500] =	vst v3  }
0x38b: {  	s1 =	sld [smem:$0x74E];
	_ =	sdelay $0x2  }
0x38c: {  	s5 =	sor.u32 $0xA0, s1  }
0x38d: {  	v2 =	vld [tilespmem:s5+$0x16500]  }
0x38e: {  	s0 =	sor.u32 $0xB0, s1  }
0x38f: {  	v3 =	vld [tilespmem:s0+$0x16500];
	_ =	sdelay $0x2  }
0x390: {  	s12 =	sld [smem:$0x74F];
	v2 =	vmax.f32 v2, $1.000000000e+00  }
0x391: {  	s1 =	sor.u32 $0x90, s1;
	v4 =	vshra.s32 v2, $0x1;
	v6 =	vmul.f32 $5.000000000e-01, v2  }
0x392: {  	v7 =	vld [tilespmem:s1+$0x16500];
	v3 =	vmax.f32 v3, $1.000000000e+00;
	v2 =	vsub.s32 $0x5F3759DF, v4  }
0x393: {  	v8 =	vshra.s32 v3, $0x1;
	v10 =	vmul.f32 $5.000000000e-01, v3;
	v4 =	vld [tilespmem:s12+$0x16500];
	v5 =	vmul.f32 v2, v6  }
0x394: {  	v3 =	vsub.s32 $0x5F3759DF, v8  }
0x395: {  	v8 =	vmul.f32 v3, v10;
	v5 =	vmul.f32 v2, v5;
	_ =	sdelay $0x1  }
0x396: {  	v7 =	vmax.f32 v7, $1.000000000e+00;
	v8 =	vmul.f32 v3, v8;
	v5 =	vsub.f32 $1.500000000e+00, v5  }
0x397: {  	p2 =	por !p2, !p2;
	s2 =	simm.s32 $0x1;
	v11 =	vshra.s32 v7, $0x1;
	v4 =	vmax.f32 v4, $1.000000000e+00  }
0x398: {  	s2 =	simm.s32 @!p2 $0x0;
	v8 =	vsub.f32 $1.500000000e+00, v8;
	v5 =	vmul.f32 v2, v5;
	v2 =	vmul.f32 $5.000000000e-01, v7  }
0x399: {  	s2 =	sshll.u32 s2, $0x6;
	v9 =	vshra.s32 v4, $0x1;
	v12 =	vmul.f32 $5.000000000e-01, v4;
	v4 =	vsub.s32 $0x5F3759DF, v11  }
0x39a: {  	s3 =	sadd.s32 $0x80, s2;
	v9 =	vsub.s32 $0x5F3759DF, v9;
	v7 =	vmul.f32 v5, v6;
	v11 =	vmul.f32 v4, v2  }
0x39b: {  	s2 =	sor.u32 $0xB0, s3;
	v8 =	vmul.f32 v3, v8;
	v13 =	vmul.f32 v9, v12  }
0x39c: {  	s6 =	sor.u32 $0xA0, s3;
	v3 =	vld [tilespmem:s2+$0x16500];
	v7 =	vmul.f32 v7, v5;
	v11 =	vmul.f32 v4, v11  }
0x39d: {  	s9 =	sor.u32 $0x80, s3;
	v14 =	vld [tilespmem:s6+$0x16500];
	v13 =	vmul.f32 v9, v13  }
0x39e: {  	v16 =	vld [tilespmem:s9+$0x16500];
	v7 =	vsub.f32 $1.500000000e+00, v7;
	v11 =	vsub.f32 $1.500000000e+00, v11  }
0x39f: {  	v15 =	vmul.f32 v8, v10;
	v13 =	vsub.f32 $1.500000000e+00, v13  }
0x3a0: {  	v5 =	vmul.f32 v7, v5;
	v17 =	vmul.f32 v4, v11  }
0x3a1: {  	v3 =	vmax.f32 v3, $1.000000000e+00;
	v4 =	vmul.f32 v15, v8;
	v11 =	vmul.f32 v9, v13  }
0x3a2: {  	v7 =	vmax.f32 v14, $1.000000000e+00;
	v13 =	vshra.s32 v3, $0x1;
	v3 =	vmul.f32 $5.000000000e-01, v3  }
0x3a3: {  	v15 =	vmax.f32 v16, $1.000000000e+00;
	v13 =	vsub.s32 $0x5F3759DF, v13;
	v6 =	vmul.f32 v5, v6  }
0x3a4: {  	s31 =	sor.u32 $0x90, s3;
	v9 =	vmul.f32 v17, v2;
	v14 =	vmul.f32 v11, v12;
	v16 =	vsub.f32 $1.500000000e+00, v4  }
0x3a5: {  	v18 =	vld [tilespmem:s31+$0x16500];
	v4 =	vshra.s32 v7, $0x1;
	v19 =	vmul.f32 v13, v3;
	v7 =	vmul.f32 $5.000000000e-01, v7  }
0x3a6: {  	v20 =	vsub.s32 $0x5F3759DF, v4;
	v14 =	vmul.f32 v14, v11;
	v21 =	vmul.f32 v6, v5  }
0x3a7: {  	v4 =	vshra.s32 v15, $0x1;
	v6 =	vmul.f32 v13, v19;
	v19 =	vmul.f32 v9, v17  }
0x3a8: {  	v9 =	vsub.s32 $0x5F3759DF, v4;
	v22 =	vmul.f32 v20, v7;
	v14 =	vsub.f32 $1.500000000e+00, v14  }
0x3a9: {  	v4 =	vmul.f32 $5.000000000e-01, v15;
	v8 =	vmul.f32 v16, v8;
	v6 =	vsub.f32 $1.500000000e+00, v6  }
0x3aa: {  	v16 =	vmax.f32 v18, $1.000000000e+00;
	v18 =	vmul.f32 v20, v22;
	v11 =	vmul.f32 v14, v11  }
0x3ab: {  	v15 =	vmul.f32 v8, v10;
	v6 =	vmul.f32 v13, v6;
	v13 =	vsub.f32 $1.500000000e+00, v19  }
0x3ac: {  	v14 =	vmul.f32 v9, v4;
	v18 =	vsub.f32 $1.500000000e+00, v18;
	v63 =	vmul.f32 v11, v12  }
0x3ad: {  	v19 =	vshra.s32 v16, $0x1;
	v12 =	vmul.f32 v6, v3;
	v10 =	vmul.f32 v13, v17  }
0x3ae: {  	s11 =	simm.s32 $0x4;
	s7 =	simm.s32 $0x80;
	p2 =	por !p2, !p2;
	v13 =	vmul.f32 v20, v18;
	v17 =	vsub.f32 $1.500000000e+00, v21;
	v18 =	vmul.f32 v63, v11  }
.LBB2_22:
0x3af: {  	s3 =	simm.s32 $0x1  }
0x3b0: {  	s11 =	sadd.s32 $0x4, s11;
	v19 =	vsub.s32 $0x5F3759DF, v19;
	v16 =	vmul.f32 $5.000000000e-01, v16;
	v15 =	vmul.f32 v15, v8;
	s3 =	simm.s32 @!p2 $0x0  }
0x3b1: {  	s7 =	sadd.s32 $0x80, s7;
	v21 =	vmul.f32 v10, v2;
	p3 =	slt.u32 s11, $0x24;
	v20 =	vmul.f32 v13, v7;
	v18 =	vsub.f32 $1.500000000e+00, v18;
	s3 =	sshll.u32 s3, $0x6  }
0x3b2: {  	v5 =	vmul.f32 v17, v5;
	v22 =	vmul.f32 v19, v16;
	v15 =	vsub.f32 $1.500000000e+00, v15;
	v2 =	vmovc v16;
	s3 =	sadd.s32 s3, s7  }
0x3b3: {  	v17 =	vmul.f32 v21, v10;
	v16 =	vmul.f32 v20, v13;
	s4 =	sor.u32 $0x80, s3;
	s8 =	sor.u32 $0x90, s3;
	s10 =	sor.u32 $0xB0, s3  }
0x3b4: {  	v14 =	vmul.f32 v9, v14;
	v21 =	vmul.f32 v19, v22;
	v20 =	vld [tilespmem:s10+$0x16500];
	[tilespmem:s5+$0x16500] =	vst v5;
	s5 =	smov.u32 s6;
	s6 =	sor.u32 $0xA0, s3  }
0x3b5: {  	v11 =	vmul.f32 v18, v11;
	v5 =	vsub.f32 $1.500000000e+00, v16;
	v16 =	vsub.f32 $1.500000000e+00, v17;
	v22 =	vld [tilespmem:s6+$0x16500]  }
0x3b6: {  	v14 =	vsub.f32 $1.500000000e+00, v14;
	v8 =	vmul.f32 v15, v8;
	v18 =	vsub.f32 $1.500000000e+00, v21;
	v17 =	vld [tilespmem:s8+$0x16500]  }
0x3b7: {  	v5 =	vmul.f32 v5, v13;
	v10 =	vmul.f32 v16, v10;
	v15 =	vld [tilespmem:s4+$0x16500];
	[tilespmem:s12+$0x16500] =	vst v11;
	s12 =	smov.u32 s9;
	s9 =	smov.u32 s4  }
0x3b8: {  	v13 =	vmul.f32 v19, v18;
	v11 =	vmul.f32 v12, v6;
	[tilespmem:s0+$0x16500] =	vst v8;
	s0 =	smov.u32 s2;
	s2 =	smov.u32 s10  }
0x3b9: {  	v12 =	vmul.f32 v9, v14;
	v8 =	vmul.f32 v5, v7;
	[tilespmem:s1+$0x16500] =	vst v10;
	s1 =	smov.u32 s31;
	s31 =	smov.u32 s8  }
0x3ba: {  	v9 =	vmax.f32 v20, $1.000000000e+00;
	v10 =	vmul.f32 v13, v2;
	v7 =	vmax.f32 v22, $1.000000000e+00  }
0x3bb: {  	v14 =	vshra.s32 v9, $0x1;
	v18 =	vmul.f32 $5.000000000e-01, v9;
	v9 =	vmul.f32 v12, v4  }
0x3bc: {  	v11 =	vsub.f32 $1.500000000e+00, v11;
	v14 =	vsub.s32 $0x5F3759DF, v14;
	v15 =	vmax.f32 v15, $1.000000000e+00  }
0x3bd: {  	v16 =	vshra.s32 v7, $0x1;
	v19 =	vmul.f32 v14, v18;
	v20 =	vmul.f32 v9, v12  }
0x3be: {  	v22 =	vmul.f32 v8, v5;
	v7 =	vmul.f32 $5.000000000e-01, v7;
	v21 =	vsub.s32 $0x5F3759DF, v16  }
0x3bf: {  	v10 =	vmul.f32 v10, v13;
	v8 =	vshra.s32 v15, $0x1;
	v16 =	vmul.f32 v14, v19  }
0x3c0: {  	v9 =	vsub.s32 $0x5F3759DF, v8;
	v19 =	vmul.f32 v21, v7;
	v20 =	vsub.f32 $1.500000000e+00, v20  }
0x3c1: {  	v23 =	vmul.f32 $5.000000000e-01, v15;
	v8 =	vmul.f32 v11, v6;
	v15 =	vsub.f32 $1.500000000e+00, v16  }
.Ltmp13:
0x3c2: {  	v16 =	vmax.f32 v17, $1.000000000e+00;
	v17 =	vmul.f32 v21, v19;
	v11 =	vmul.f32 v20, v12;
	(pc) =	sbr.rel @p3 .LBB2_22-.Ltmp13, $4  }
0x3c3: {  	v10 =	vsub.f32 $1.500000000e+00, v10;
	v6 =	vmul.f32 v14, v15;
	v15 =	vmul.f32 v8, v3;
	v3 =	vmovc v18  }
0x3c4: {  	v14 =	vmul.f32 v9, v23;
	v17 =	vsub.f32 $1.500000000e+00, v17;
	v18 =	vmul.f32 v11, v4;
	v4 =	vmovc v23  }
0x3c5: {  	v10 =	vmul.f32 v10, v13;
	v19 =	vshra.s32 v16, $0x1;
	v12 =	vmul.f32 v6, v3  }
0x3c6: {  	p2 =	por !p2, !p2;
	v13 =	vmul.f32 v21, v17;
	v18 =	vmul.f32 v18, v11;
	v17 =	vsub.f32 $1.500000000e+00, v22  }
0x3c7: {  	v16 =	vmul.f32 $5.000000000e-01, v16  }
0x3c8: {  	v19 =	vsub.s32 $0x5F3759DF, v19  }
0x3c9: {  	v14 =	vmul.f32 v9, v14;
	v20 =	vmul.f32 v19, v16;
	_ =	sdelay $0x1  }
0x3ca: {  	v14 =	vsub.f32 $1.500000000e+00, v14;
	v20 =	vmul.f32 v19, v20;
	_ =	sdelay $0x1  }
0x3cb: {  	v48 =	vmul.f32 v9, v14;
	v20 =	vsub.f32 $1.500000000e+00, v20  }
0x3cc: {  	v15 =	vmul.f32 v15, v8;
	v2 =	vmul.f32 v10, v2  }
0x3cd: {  	v50 =	vmul.f32 v48, v4;
	v19 =	vmul.f32 v19, v20  }
0x3ce: {  	v12 =	vmul.f32 v12, v6;
	v49 =	vmul.f32 v13, v7  }
0x3cf: {  	v20 =	vmul.f32 v50, v48;
	v21 =	vmul.f32 v19, v16  }
0x3d0: {  	v18 =	vsub.f32 $1.500000000e+00, v18;
	v12 =	vsub.f32 $1.500000000e+00, v12;
	v14 =	vmul.f32 v49, v13  }
0x3d1: {  	v5 =	vmul.f32 v17, v5;
	v20 =	vsub.f32 $1.500000000e+00, v20;
	v51 =	vmul.f32 v21, v19  }
0x3d2: {  	v2 =	vmul.f32 v2, v10;
	v55 =	vmul.f32 v12, v6;
	v14 =	vsub.f32 $1.500000000e+00, v14  }
0x3d3: {  	v11 =	vmul.f32 v18, v11;
	v9 =	vmul.f32 v20, v48;
	v53 =	vsub.f32 $1.500000000e+00, v51  }
0x3d4: {  	v3 =	vmul.f32 v55, v3;
	v52 =	vmul.f32 v14, v13  }
0x3d5: {  	v56 =	vmul.f32 v9, v4;
	v57 =	vmul.f32 v53, v19  }
0x3d6: {  	v58 =	vsub.f32 $1.500000000e+00, v15;
	v3 =	vmul.f32 v3, v55;
	v54 =	vmul.f32 v52, v7  }
0x3d7: {  	v2 =	vsub.f32 $1.500000000e+00, v2;
	v4 =	vmul.f32 v56, v9;
	v59 =	vmul.f32 v57, v16  }
0x3d8: {  	[tilespmem:s5+$0x16500] =	vst v5;
	v60 =	vmul.f32 v58, v8;
	v3 =	vsub.f32 $1.500000000e+00, v3;
	v7 =	vmul.f32 v54, v52  }
0x3d9: {  	[tilespmem:s12+$0x16500] =	vst v11;
	v2 =	vmul.f32 v2, v10;
	v4 =	vsub.f32 $1.500000000e+00, v4;
	v61 =	vmul.f32 v59, v57  }
0x3da: {  	[tilespmem:s0+$0x16500] =	vst v60;
	v3 =	vmul.f32 v3, v55;
	v7 =	vsub.f32 $1.500000000e+00, v7  }
0x3db: {  	[tilespmem:s1+$0x16500] =	vst v2;
	v2 =	vmul.f32 v4, v9;
	v63 =	vsub.f32 $1.500000000e+00, v61  }
0x3dc: {  	[tilespmem:s2+$0x16500] =	vst v3;
	v62 =	vmul.f32 v7, v52  }
0x3dd: {  	[tilespmem:s9+$0x16500] =	vst v2;
	v2 =	vmul.f32 v63, v57  }
0x3de: {  	[tilespmem:s6+$0x16500] =	vst v62  }
0x3df: {  	[tilespmem:s31+$0x16500] =	vst v2  }
0x3e0: {  	s0 =	sld [smem:$0x7BB];
	_ =	sdelay $0x1  }
0x3e1: {  	s21 =	simm.s32 $0x16580;
	s22 =	sld [smem:$0x7B8]  }
0x3e2: {  	[spmem:s0] =	stream.linear.scatter [tilespmem:s21], [sflag:$0x1], $0x80, $0x38;
	[tilespmem:$0x1BC80] =	vst v63  }
0x3e3: {  	s23 =	simm.s32 $0x16680;
	s24 =	sld [smem:$0x7B9]  }
0x3e4: {  	[spmem:s22] =	stream.linear.scatter [tilespmem:s23], [sflag:$0x1], $0x80, $0x38;
	[tilespmem:$0x1BC80] =	vst v63  }
0x3e5: {  	s25 =	simm.s32 $0x16780;
	s26 =	sld [smem:$0x7BA]  }
0x3e6: {  	[spmem:s24] =	stream.linear.scatter [tilespmem:s25], [sflag:$0x1], $0x80, $0x38;
	[tilespmem:$0x1BC80] =	vst v63  }
0x3e7: {  	s28 =	simm.s32 $0x16880;
	s29 =	sld [smem:$0x7BC]  }
0x3e8: {  	[spmem:s26] =	stream.linear.scatter [tilespmem:s28], [sflag:$0x1], $0x80, $0x38;
	[tilespmem:$0x1BC80] =	vst v63  }
0x3e9: {  	s30 =	simm.s32 $0x16980;
	s4 =	simm.s32 $0x1  }
0x3ea: {  	[spmem:s29] =	stream.linear.scatter [tilespmem:s30], [sflag:$0x1], $0x80, $0x38;
	[tilespmem:$0x1BC80] =	vst v63  }
0x3eb: {  	_ =	swait.ge [sflag:s4], $0x280  }
0x3ec: {  	[sflag:s4] =	ssyncset.done $0x0  }
0x3ed: {  	[sflag:s4] =	ssyncadd.s32 $0xFFFFFD80  }
0x3ee: {  	[bflag:$0x0] =	sbarrier.arrive $0xFFFF  }
.Ltmp14:
0x3ef: {  	s5 =	simm.s32 $0xC500;
	s31 =	rddreg [dreg:$0x3];
	(pc) =	sbr.rel @p0 .LBB2_24-.Ltmp14, $4  }
0x3f0: {  	[tilespmem:s5], [sflag:$0x1] =	stream.linear.gather [spmem:s31], $0x2800, $0x38;
	[tilespmem:$0x1BC80] =	vst v63  }
0x3f1: {  	_ =	swait.ge [sflag:s4], $0x2800  }
0x3f2: {  	[sflag:s4] =	ssyncset.done $0x0  }
0x3f3: {  	[sflag:s4] =	ssyncadd.s32 $0xFFFFD800  }
0x3f4: {  	s0 =	sld [smem:$0x7FC];
	_ =	sdelay $0x1  }
0x3f5: {  	s1 =	simm.s32 $0x11500;
	s13 =	sld [smem:$0x7BD]  }
0x3f6: {  	[tilespmem:s1], [sflag:$0x2] =	stream.linear.gather [spmem:s0], $0x80, $0x38;
	[tilespmem:$0x1BC80] =	vst v63  }
0x3f7: {  	s14 =	simm.s32 $0x11600;
	s15 =	sld [smem:$0x7BE]  }
0x3f8: {  	[tilespmem:s14], [sflag:$0x2] =	stream.linear.gather [spmem:s13], $0x80, $0x38;
	[tilespmem:$0x1BC80] =	vst v63  }
0x3f9: {  	s16 =	simm.s32 $0x11700;
	s17 =	sld [smem:$0x7BF]  }
0x3fa: {  	[tilespmem:s16], [sflag:$0x2] =	stream.linear.gather [spmem:s15], $0x80, $0x38;
	[tilespmem:$0x1BC80] =	vst v63  }
0x3fb: {  	s18 =	simm.s32 $0x11800;
	s19 =	sld [smem:$0x7C0]  }
0x3fc: {  	[tilespmem:s18], [sflag:$0x2] =	stream.linear.gather [spmem:s17], $0x80, $0x38;
	[tilespmem:$0x1BC80] =	vst v63  }
0x3fd: {  	s20 =	simm.s32 $0x11900;
	s21 =	sld [smem:$0x769]  }
0x3fe: {  	[tilespmem:s20], [sflag:$0x2] =	stream.linear.gather [spmem:s19], $0x80, $0x38;
	[tilespmem:$0x1BC80] =	vst v63  }
0x3ff: {  	s22 =	simm.s32 $0x11A00;
	s23 =	sld [smem:$0x7C1]  }
0x400: {  	[tilespmem:s22], [sflag:$0x2] =	stream.linear.gather [spmem:s21], $0x80, $0x38;
	[tilespmem:$0x1BC80] =	vst v63  }
0x401: {  	s24 =	simm.s32 $0x11B00;
	s25 =	sld [smem:$0x7C2]  }
0x402: {  	[tilespmem:s24], [sflag:$0x2] =	stream.linear.gather [spmem:s23], $0x80, $0x38;
	[tilespmem:$0x1BC80] =	vst v63  }
0x403: {  	s26 =	simm.s32 $0x11C00;
	s28 =	sld [smem:$0x7C3]  }
0x404: {  	[tilespmem:s26], [sflag:$0x2] =	stream.linear.gather [spmem:s25], $0x80, $0x38;
	[tilespmem:$0x1BC80] =	vst v63  }
0x405: {  	s29 =	simm.s32 $0x11D00;
	s30 =	sld [smem:$0x7C4]  }
0x406: {  	[tilespmem:s29], [sflag:$0x2] =	stream.linear.gather [spmem:s28], $0x80, $0x38;
	[tilespmem:$0x1BC80] =	vst v63  }
0x407: {  	s31 =	simm.s32 $0x11E00;
	s2 =	sld [smem:$0x76A]  }
0x408: {  	[tilespmem:s31], [sflag:$0x2] =	stream.linear.gather [spmem:s30], $0x80, $0x38;
	[tilespmem:$0x1BC80] =	vst v63  }
0x409: {  	s3 =	simm.s32 $0x11F00;
	s4 =	sld [smem:$0x7C5]  }
0x40a: {  	[tilespmem:s3], [sflag:$0x2] =	stream.linear.gather [spmem:s2], $0x80, $0x38;
	[tilespmem:$0x1BC80] =	vst v63  }
0x40b: {  	s6 =	simm.s32 $0x12000;
	s7 =	sld [smem:$0x7C6]  }
0x40c: {  	[tilespmem:s6], [sflag:$0x2] =	stream.linear.gather [spmem:s4], $0x80, $0x38;
	[tilespmem:$0x1BC80] =	vst v63  }
0x40d: {  	s8 =	simm.s32 $0x12100;
	s9 =	sld [smem:$0x7C7]  }
0x40e: {  	[tilespmem:s8], [sflag:$0x2] =	stream.linear.gather [spmem:s7], $0x80, $0x38;
	[tilespmem:$0x1BC80] =	vst v63  }
0x40f: {  	s10 =	simm.s32 $0x12200;
	s11 =	sld [smem:$0x7C8]  }
0x410: {  	[tilespmem:s10], [sflag:$0x2] =	stream.linear.gather [spmem:s9], $0x80, $0x38;
	[tilespmem:$0x1BC80] =	vst v63  }
0x411: {  	s12 =	simm.s32 $0x12300;
	s13 =	sld [smem:$0x76B]  }
0x412: {  	[tilespmem:s12], [sflag:$0x2] =	stream.linear.gather [spmem:s11], $0x80, $0x38;
	[tilespmem:$0x1BC80] =	vst v63  }
0x413: {  	s14 =	simm.s32 $0x12400;
	s15 =	sld [smem:$0x7C9]  }
0x414: {  	[tilespmem:s14], [sflag:$0x2] =	stream.linear.gather [spmem:s13], $0x80, $0x38;
	[tilespmem:$0x1BC80] =	vst v63  }
0x415: {  	s16 =	simm.s32 $0x12500;
	s17 =	sld [smem:$0x7CA]  }
0x416: {  	[tilespmem:s16], [sflag:$0x2] =	stream.linear.gather [spmem:s15], $0x80, $0x38;
	[tilespmem:$0x1BC80] =	vst v63  }
0x417: {  	s18 =	simm.s32 $0x12600;
	s19 =	sld [smem:$0x7CB]  }
0x418: {  	[tilespmem:s18], [sflag:$0x2] =	stream.linear.gather [spmem:s17], $0x80, $0x38;
	[tilespmem:$0x1BC80] =	vst v63  }
0x419: {  	s20 =	simm.s32 $0x12700;
	s21 =	sld [smem:$0x7CC]  }
0x41a: {  	[tilespmem:s20], [sflag:$0x2] =	stream.linear.gather [spmem:s19], $0x80, $0x38;
	[tilespmem:$0x1BC80] =	vst v63  }
0x41b: {  	s22 =	simm.s32 $0x12800;
	s23 =	sld [smem:$0x76C]  }
0x41c: {  	[tilespmem:s22], [sflag:$0x2] =	stream.linear.gather [spmem:s21], $0x80, $0x38;
	[tilespmem:$0x1BC80] =	vst v63  }
0x41d: {  	s24 =	simm.s32 $0x12900;
	s25 =	sld [smem:$0x7CD]  }
0x41e: {  	[tilespmem:s24], [sflag:$0x2] =	stream.linear.gather [spmem:s23], $0x80, $0x38;
	[tilespmem:$0x1BC80] =	vst v63  }
0x41f: {  	s26 =	simm.s32 $0x12A00;
	s28 =	sld [smem:$0x7CE]  }
0x420: {  	[tilespmem:s26], [sflag:$0x2] =	stream.linear.gather [spmem:s25], $0x80, $0x38;
	[tilespmem:$0x1BC80] =	vst v63  }
0x421: {  	s29 =	simm.s32 $0x12B00;
	s30 =	sld [smem:$0x7CF]  }
0x422: {  	[tilespmem:s29], [sflag:$0x2] =	stream.linear.gather [spmem:s28], $0x80, $0x38;
	[tilespmem:$0x1BC80] =	vst v63  }
0x423: {  	s31 =	simm.s32 $0x12C00;
	s2 =	sld [smem:$0x7D0]  }
0x424: {  	[tilespmem:s31], [sflag:$0x2] =	stream.linear.gather [spmem:s30], $0x80, $0x38;
	[tilespmem:$0x1BC80] =	vst v63  }
0x425: {  	s3 =	simm.s32 $0x12D00;
	s4 =	sld [smem:$0x76D]  }
0x426: {  	[tilespmem:s3], [sflag:$0x2] =	stream.linear.gather [spmem:s2], $0x80, $0x38;
	[tilespmem:$0x1BC80] =	vst v63  }
0x427: {  	s6 =	simm.s32 $0x12E00;
	s7 =	sld [smem:$0x7D1]  }
0x428: {  	[tilespmem:s6], [sflag:$0x2] =	stream.linear.gather [spmem:s4], $0x80, $0x38;
	[tilespmem:$0x1BC80] =	vst v63  }
0x429: {  	s8 =	simm.s32 $0x12F00;
	s9 =	sld [smem:$0x7D2]  }
0x42a: {  	[tilespmem:s8], [sflag:$0x2] =	stream.linear.gather [spmem:s7], $0x80, $0x38;
	[tilespmem:$0x1BC80] =	vst v63  }
0x42b: {  	s10 =	simm.s32 $0x13000;
	s11 =	sld [smem:$0x7D3]  }
0x42c: {  	[tilespmem:s10], [sflag:$0x2] =	stream.linear.gather [spmem:s9], $0x80, $0x38;
	[tilespmem:$0x1BC80] =	vst v63  }
0x42d: {  	s12 =	simm.s32 $0x13100;
	s13 =	sld [smem:$0x7D4]  }
0x42e: {  	[tilespmem:s12], [sflag:$0x2] =	stream.linear.gather [spmem:s11], $0x80, $0x38;
	[tilespmem:$0x1BC80] =	vst v63  }
0x42f: {  	s14 =	simm.s32 $0x13200;
	s15 =	sld [smem:$0x76E]  }
0x430: {  	[tilespmem:s14], [sflag:$0x2] =	stream.linear.gather [spmem:s13], $0x80, $0x38;
	[tilespmem:$0x1BC80] =	vst v63  }
0x431: {  	s16 =	simm.s32 $0x13300;
	s17 =	sld [smem:$0x7D5]  }
0x432: {  	[tilespmem:s16], [sflag:$0x2] =	stream.linear.gather [spmem:s15], $0x80, $0x38;
	[tilespmem:$0x1BC80] =	vst v63  }
0x433: {  	s18 =	simm.s32 $0x13400;
	s19 =	sld [smem:$0x7D6]  }
0x434: {  	[tilespmem:s18], [sflag:$0x2] =	stream.linear.gather [spmem:s17], $0x80, $0x38;
	[tilespmem:$0x1BC80] =	vst v63  }
0x435: {  	s20 =	simm.s32 $0x13500;
	s21 =	sld [smem:$0x7D7]  }
0x436: {  	[tilespmem:s20], [sflag:$0x2] =	stream.linear.gather [spmem:s19], $0x80, $0x38;
	[tilespmem:$0x1BC80] =	vst v63  }
0x437: {  	s22 =	simm.s32 $0x13600;
	s23 =	sld [smem:$0x7D8]  }
0x438: {  	[tilespmem:s22], [sflag:$0x2] =	stream.linear.gather [spmem:s21], $0x80, $0x38;
	[tilespmem:$0x1BC80] =	vst v63  }
0x439: {  	s24 =	simm.s32 $0x13700;
	s25 =	sld [smem:$0x76F]  }
0x43a: {  	[tilespmem:s24], [sflag:$0x2] =	stream.linear.gather [spmem:s23], $0x80, $0x38;
	[tilespmem:$0x1BC80] =	vst v63  }
0x43b: {  	s26 =	simm.s32 $0x13800;
	s28 =	sld [smem:$0x7D9]  }
0x43c: {  	[tilespmem:s26], [sflag:$0x2] =	stream.linear.gather [spmem:s25], $0x80, $0x38;
	[tilespmem:$0x1BC80] =	vst v63  }
0x43d: {  	s29 =	simm.s32 $0x13900;
	s30 =	sld [smem:$0x7DA]  }
0x43e: {  	[tilespmem:s29], [sflag:$0x2] =	stream.linear.gather [spmem:s28], $0x80, $0x38;
	[tilespmem:$0x1BC80] =	vst v63  }
0x43f: {  	s31 =	simm.s32 $0x13A00;
	s2 =	sld [smem:$0x7DB]  }
0x440: {  	[tilespmem:s31], [sflag:$0x2] =	stream.linear.gather [spmem:s30], $0x80, $0x38;
	[tilespmem:$0x1BC80] =	vst v63  }
0x441: {  	s3 =	simm.s32 $0x13B00;
	s4 =	sld [smem:$0x7DC]  }
0x442: {  	[tilespmem:s3], [sflag:$0x2] =	stream.linear.gather [spmem:s2], $0x80, $0x38;
	[tilespmem:$0x1BC80] =	vst v63  }
0x443: {  	s6 =	simm.s32 $0x13C00;
	s7 =	sld [smem:$0x770]  }
0x444: {  	[tilespmem:s6], [sflag:$0x2] =	stream.linear.gather [spmem:s4], $0x80, $0x38;
	[tilespmem:$0x1BC80] =	vst v63  }
0x445: {  	s8 =	simm.s32 $0x13D00;
	s9 =	sld [smem:$0x7DD]  }
0x446: {  	[tilespmem:s8], [sflag:$0x2] =	stream.linear.gather [spmem:s7], $0x80, $0x38;
	[tilespmem:$0x1BC80] =	vst v63  }
0x447: {  	s10 =	simm.s32 $0x13E00;
	s11 =	sld [smem:$0x7DE]  }
0x448: {  	[tilespmem:s10], [sflag:$0x2] =	stream.linear.gather [spmem:s9], $0x80, $0x38;
	[tilespmem:$0x1BC80] =	vst v63  }
0x449: {  	s12 =	simm.s32 $0x13F00;
	s13 =	sld [smem:$0x7DF]  }
0x44a: {  	[tilespmem:s12], [sflag:$0x2] =	stream.linear.gather [spmem:s11], $0x80, $0x38;
	[tilespmem:$0x1BC80] =	vst v63  }
0x44b: {  	s14 =	simm.s32 $0x14000;
	s15 =	sld [smem:$0x7E0]  }
0x44c: {  	[tilespmem:s14], [sflag:$0x2] =	stream.linear.gather [spmem:s13], $0x80, $0x38;
	[tilespmem:$0x1BC80] =	vst v63  }
0x44d: {  	s16 =	simm.s32 $0x14100;
	s17 =	sld [smem:$0x771]  }
0x44e: {  	[tilespmem:s16], [sflag:$0x2] =	stream.linear.gather [spmem:s15], $0x80, $0x38;
	[tilespmem:$0x1BC80] =	vst v63  }
0x44f: {  	s18 =	simm.s32 $0x14200;
	s19 =	sld [smem:$0x7E1]  }
0x450: {  	[tilespmem:s18], [sflag:$0x2] =	stream.linear.gather [spmem:s17], $0x80, $0x38;
	[tilespmem:$0x1BC80] =	vst v63  }
0x451: {  	s20 =	simm.s32 $0x14300;
	s21 =	sld [smem:$0x7E2]  }
0x452: {  	[tilespmem:s20], [sflag:$0x2] =	stream.linear.gather [spmem:s19], $0x80, $0x38;
	[tilespmem:$0x1BC80] =	vst v63  }
0x453: {  	s22 =	simm.s32 $0x14400;
	s23 =	sld [smem:$0x7E3]  }
0x454: {  	[tilespmem:s22], [sflag:$0x2] =	stream.linear.gather [spmem:s21], $0x80, $0x38;
	[tilespmem:$0x1BC80] =	vst v63  }
0x455: {  	s24 =	simm.s32 $0x14500;
	s25 =	sld [smem:$0x7E4]  }
0x456: {  	[tilespmem:s24], [sflag:$0x2] =	stream.linear.gather [spmem:s23], $0x80, $0x38;
	[tilespmem:$0x1BC80] =	vst v63  }
0x457: {  	s26 =	simm.s32 $0x14600;
	s28 =	sld [smem:$0x772]  }
0x458: {  	[tilespmem:s26], [sflag:$0x2] =	stream.linear.gather [spmem:s25], $0x80, $0x38;
	[tilespmem:$0x1BC80] =	vst v63  }
0x459: {  	s29 =	simm.s32 $0x14700;
	s30 =	sld [smem:$0x7E5]  }
0x45a: {  	[tilespmem:s29], [sflag:$0x2] =	stream.linear.gather [spmem:s28], $0x80, $0x38;
	[tilespmem:$0x1BC80] =	vst v63  }
0x45b: {  	s31 =	simm.s32 $0x14800;
	s2 =	sld [smem:$0x7E6]  }
0x45c: {  	[tilespmem:s31], [sflag:$0x2] =	stream.linear.gather [spmem:s30], $0x80, $0x38;
	[tilespmem:$0x1BC80] =	vst v63  }
0x45d: {  	s3 =	simm.s32 $0x14900;
	s4 =	sld [smem:$0x7E7]  }
0x45e: {  	[tilespmem:s3], [sflag:$0x2] =	stream.linear.gather [spmem:s2], $0x80, $0x38;
	[tilespmem:$0x1BC80] =	vst v63  }
0x45f: {  	s6 =	simm.s32 $0x14A00;
	s7 =	sld [smem:$0x7E8]  }
0x460: {  	[tilespmem:s6], [sflag:$0x2] =	stream.linear.gather [spmem:s4], $0x80, $0x38;
	[tilespmem:$0x1BC80] =	vst v63  }
0x461: {  	s8 =	simm.s32 $0x14B00;
	s9 =	sld [smem:$0x773]  }
0x462: {  	[tilespmem:s8], [sflag:$0x2] =	stream.linear.gather [spmem:s7], $0x80, $0x38;
	[tilespmem:$0x1BC80] =	vst v63  }
0x463: {  	s10 =	simm.s32 $0x14C00;
	s11 =	sld [smem:$0x7E9]  }
0x464: {  	[tilespmem:s10], [sflag:$0x2] =	stream.linear.gather [spmem:s9], $0x80, $0x38;
	[tilespmem:$0x1BC80] =	vst v63  }
0x465: {  	s12 =	simm.s32 $0x14D00;
	s13 =	sld [smem:$0x7EA]  }
0x466: {  	[tilespmem:s12], [sflag:$0x2] =	stream.linear.gather [spmem:s11], $0x80, $0x38;
	[tilespmem:$0x1BC80] =	vst v63  }
0x467: {  	s14 =	simm.s32 $0x14E00;
	s15 =	sld [smem:$0x7EB]  }
0x468: {  	[tilespmem:s14], [sflag:$0x2] =	stream.linear.gather [spmem:s13], $0x80, $0x38;
	[tilespmem:$0x1BC80] =	vst v63  }
0x469: {  	s16 =	simm.s32 $0x14F00;
	s17 =	sld [smem:$0x7EC]  }
0x46a: {  	[tilespmem:s16], [sflag:$0x2] =	stream.linear.gather [spmem:s15], $0x80, $0x38;
	[tilespmem:$0x1BC80] =	vst v63  }
0x46b: {  	s18 =	simm.s32 $0x15000;
	s19 =	sld [smem:$0x774]  }
0x46c: {  	[tilespmem:s18], [sflag:$0x2] =	stream.linear.gather [spmem:s17], $0x80, $0x38;
	[tilespmem:$0x1BC80] =	vst v63  }
0x46d: {  	s20 =	simm.s32 $0x15100;
	s21 =	sld [smem:$0x7ED]  }
0x46e: {  	[tilespmem:s20], [sflag:$0x2] =	stream.linear.gather [spmem:s19], $0x80, $0x38;
	[tilespmem:$0x1BC80] =	vst v63  }
0x46f: {  	s22 =	simm.s32 $0x15200;
	s23 =	sld [smem:$0x7EE]  }
0x470: {  	[tilespmem:s22], [sflag:$0x2] =	stream.linear.gather [spmem:s21], $0x80, $0x38;
	[tilespmem:$0x1BC80] =	vst v63  }
0x471: {  	s24 =	simm.s32 $0x15300;
	s25 =	sld [smem:$0x7EF]  }
0x472: {  	[tilespmem:s24], [sflag:$0x2] =	stream.linear.gather [spmem:s23], $0x80, $0x38;
	[tilespmem:$0x1BC80] =	vst v63  }
0x473: {  	s26 =	simm.s32 $0x15400;
	s28 =	sld [smem:$0x7F0]  }
0x474: {  	[tilespmem:s26], [sflag:$0x2] =	stream.linear.gather [spmem:s25], $0x80, $0x38;
	[tilespmem:$0x1BC80] =	vst v63  }
0x475: {  	s29 =	simm.s32 $0x15500;
	s30 =	sld [smem:$0x775]  }
0x476: {  	[tilespmem:s29], [sflag:$0x2] =	stream.linear.gather [spmem:s28], $0x80, $0x38;
	[tilespmem:$0x1BC80] =	vst v63  }
0x477: {  	s1 =	sld [smem:$0x7F1];
	s31 =	simm.s32 $0x15600  }
0x478: {  	[tilespmem:s31], [sflag:$0x2] =	stream.linear.gather [spmem:s30], $0x80, $0x38;
	[tilespmem:$0x1BC80] =	vst v63  }
0x479: {  	s2 =	simm.s32 $0x15700;
	s3 =	sld [smem:$0x7F2]  }
0x47a: {  	[tilespmem:s2], [sflag:$0x2] =	stream.linear.gather [spmem:s1], $0x80, $0x38;
	[tilespmem:$0x1BC80] =	vst v63  }
0x47b: {  	s4 =	simm.s32 $0x15800;
	s6 =	sld [smem:$0x7F3]  }
0x47c: {  	[tilespmem:s4], [sflag:$0x2] =	stream.linear.gather [spmem:s3], $0x80, $0x38;
	[tilespmem:$0x1BC80] =	vst v63  }
0x47d: {  	s7 =	simm.s32 $0x15900;
	s8 =	sld [smem:$0x7F4]  }
0x47e: {  	[tilespmem:s7], [sflag:$0x2] =	stream.linear.gather [spmem:s6], $0x80, $0x38;
	[tilespmem:$0x1BC80] =	vst v63  }
0x47f: {  	s9 =	simm.s32 $0x15A00;
	s10 =	sld [smem:$0x776]  }
0x480: {  	[tilespmem:s9], [sflag:$0x2] =	stream.linear.gather [spmem:s8], $0x80, $0x38;
	[tilespmem:$0x1BC80] =	vst v63  }
0x481: {  	s11 =	simm.s32 $0x15B00;
	s12 =	sld [smem:$0x7F5]  }
0x482: {  	[tilespmem:s11], [sflag:$0x2] =	stream.linear.gather [spmem:s10], $0x80, $0x38;
	[tilespmem:$0x1BC80] =	vst v63  }
0x483: {  	s13 =	simm.s32 $0x15C00;
	s14 =	sld [smem:$0x7F6]  }
0x484: {  	[tilespmem:s13], [sflag:$0x2] =	stream.linear.gather [spmem:s12], $0x80, $0x38;
	[tilespmem:$0x1BC80] =	vst v63  }
0x485: {  	s15 =	simm.s32 $0x15D00;
	s16 =	sld [smem:$0x7F7]  }
0x486: {  	[tilespmem:s15], [sflag:$0x2] =	stream.linear.gather [spmem:s14], $0x80, $0x38;
	[tilespmem:$0x1BC80] =	vst v63  }
0x487: {  	s17 =	simm.s32 $0x15E00;
	s18 =	sld [smem:$0x7F8]  }
0x488: {  	[tilespmem:s17], [sflag:$0x2] =	stream.linear.gather [spmem:s16], $0x80, $0x38;
	[tilespmem:$0x1BC80] =	vst v63  }
0x489: {  	s19 =	simm.s32 $0x15F00;
	s20 =	sld [smem:$0x777]  }
0x48a: {  	[tilespmem:s19], [sflag:$0x2] =	stream.linear.gather [spmem:s18], $0x80, $0x38;
	[tilespmem:$0x1BC80] =	vst v63  }
0x48b: {  	s21 =	simm.s32 $0x16000;
	s22 =	sld [smem:$0x7F9]  }
0x48c: {  	[tilespmem:s21], [sflag:$0x2] =	stream.linear.gather [spmem:s20], $0x80, $0x38;
	[tilespmem:$0x1BC80] =	vst v63  }
0x48d: {  	s23 =	simm.s32 $0x16100;
	s24 =	sld [smem:$0x7FA]  }
0x48e: {  	[tilespmem:s23], [sflag:$0x2] =	stream.linear.gather [spmem:s22], $0x80, $0x38;
	[tilespmem:$0x1BC80] =	vst v63  }
0x48f: {  	s25 =	simm.s32 $0x16200;
	s26 =	sld [smem:$0x7FB]  }
0x490: {  	[tilespmem:s25], [sflag:$0x2] =	stream.linear.gather [spmem:s24], $0x80, $0x38;
	[tilespmem:$0x1BC80] =	vst v63  }
0x491: {  	s28 =	simm.s32 $0x16300;
	s29 =	sld [smem:$0x7FD]  }
0x492: {  	[tilespmem:s28], [sflag:$0x2] =	stream.linear.gather [spmem:s26], $0x80, $0x38;
	[tilespmem:$0x1BC80] =	vst v63  }
0x493: {  	s30 =	simm.s32 $0x16400;
	s31 =	simm.s32 $0x80  }
0x494: {  	[tilespmem:s30], [sflag:$0x2] =	stream.linear.gather [spmem:s29], $0x80, $0x38;
	[tilespmem:$0x1BC80] =	vst v63  }
0x495: {  	v2 =	vld [tilespmem:s31+$0x70]  }
0x496: {  	v3 =	vld [tilespmem:s31+$0x10]  }
0x497: {  	v4 =	vld [tilespmem:s31+$0x20]  }
0x498: {  	v5 =	vld [tilespmem:s31+$0x30]  }
0x499: {  	v6 =	vld [tilespmem:s31+$0x40]  }
0x49a: {  	v7 =	vld [tilespmem:s31+$0x50]  }
0x49b: {  	v8 =	vld [tilespmem:s31+$0xFFFFFFF0]  }
0x49c: {  	v9 =	vld [tilespmem:s31+$0x60]  }
0x49d: {  	v10 =	vld [tilespmem:s31+$0x0]  }
0x49e: {  	v63 =	vld [tilespmem:s31+$0xFFFFFF80]  }
0x49f: {  	v12 =	vld [tilespmem:s31+$0xFFFFFF90]  }
0x4a0: {  	v13 =	vld [tilespmem:s31+$0xFFFFFFA0]  }
0x4a1: {  	v14 =	vld [tilespmem:s31+$0xFFFFFFB0]  }
0x4a2: {  	v15 =	vld [tilespmem:s31+$0xFFFFFFC0]  }
0x4a3: {  	v16 =	vld [tilespmem:s31+$0xFFFFFFD0]  }
0x4a4: {  	v2 =	vld.idx.msk [tilespmem:v2+s5+$0x0], $0xffff  }
0x4a5: {  	v11 =	vld.idx.msk [tilespmem:v3+s5+$0x0], $0xffff  }
0x4a6: {  	v4 =	vld.idx.msk [tilespmem:v4+s5+$0x0], $0xffff  }
0x4a7: {  	v5 =	vld.idx.msk [tilespmem:v5+s5+$0x0], $0xffff  }
0x4a8: {  	v6 =	vld.idx.msk [tilespmem:v6+s5+$0x0], $0xffff  }
0x4a9: {  	v62 =	vld.idx.msk [tilespmem:v10+s5+$0x0], $0xffff  }
0x4aa: {  	v7 =	vld.idx.msk [tilespmem:v7+s5+$0x0], $0xffff  }
0x4ab: {  	s2 =	simm.s32 $0xED00;
	v3 =	vld [tilespmem:s31+$0xFFFFFFE0]  }
0x4ac: {  	[tilespmem:v8+s2+$0x0] =	vst.idx.add.f32.msk $0xffff, v2  }
0x4ad: {  	v2 =	vld.idx.msk [tilespmem:v9+s5+$0x0], $0xffff  }
0x4ae: {  	[tilespmem:v63+s2+$0x0] =	vst.idx.add.f32.msk $0xffff, v62  }
0x4af: {  	[tilespmem:v12+s2+$0x0] =	vst.idx.add.f32.msk $0xffff, v11  }
0x4b0: {  	[tilespmem:v13+s2+$0x0] =	vst.idx.add.f32.msk $0xffff, v4  }
0x4b1: {  	[tilespmem:v14+s2+$0x0] =	vst.idx.add.f32.msk $0xffff, v5  }
0x4b2: {  	[tilespmem:v15+s2+$0x0] =	vst.idx.add.f32.msk $0xffff, v6  }
0x4b3: {  	s0 =	simm.s32 $0x0;
	s1 =	simm.s32 $0x180;
	[tilespmem:v16+s2+$0x0] =	vst.idx.add.f32.msk $0xffff, v7  }
.LBB2_28:
0x4b4: {  	v4 =	vld [tilespmem:s1+$0x70];
	s0 =	sadd.s32 $0x8, s0  }
0x4b5: {  	v5 =	vld [tilespmem:s1+$0x10];
	p2 =	slt.u32 s0, $0x130  }
0x4b6: {  	v6 =	vld [tilespmem:s1+$0x20]  }
0x4b7: {  	v7 =	vld [tilespmem:s1+$0x30]  }
0x4b8: {  	v8 =	vld [tilespmem:s1+$0x40]  }
0x4b9: {  	v9 =	vld [tilespmem:s1+$0x50]  }
0x4ba: {  	v10 =	vld [tilespmem:s1+$0xFFFFFFF0]  }
0x4bb: {  	v11 =	vld [tilespmem:s1+$0x60]  }
0x4bc: {  	v4 =	vld.idx.msk [tilespmem:v4+s5+$0x0], $0xffff  }
0x4bd: {  	v12 =	vld [tilespmem:s1+$0x0]  }
0x4be: {  	v5 =	vld.idx.msk [tilespmem:v5+s5+$0x0], $0xffff  }
0x4bf: {  	v6 =	vld.idx.msk [tilespmem:v6+s5+$0x0], $0xffff  }
0x4c0: {  	v7 =	vld.idx.msk [tilespmem:v7+s5+$0x0], $0xffff  }
0x4c1: {  	v8 =	vld.idx.msk [tilespmem:v8+s5+$0x0], $0xffff  }
0x4c2: {  	[tilespmem:v10+s2+$0x0] =	vst.idx.add.f32.msk $0xffff, v4  }
0x4c3: {  	v4 =	vld.idx.msk [tilespmem:v9+s5+$0x0], $0xffff  }
0x4c4: {  	v9 =	vld.idx.msk [tilespmem:v11+s5+$0x0], $0xffff  }
0x4c5: {  	v10 =	vld.idx.msk [tilespmem:v12+s5+$0x0], $0xffff  }
0x4c6: {  	v11 =	vld [tilespmem:s1+$0xFFFFFF80]  }
0x4c7: {  	v12 =	vld [tilespmem:s1+$0xFFFFFF90]  }
0x4c8: {  	v13 =	vld [tilespmem:s1+$0xFFFFFFA0]  }
0x4c9: {  	v14 =	vld [tilespmem:s1+$0xFFFFFFB0]  }
0x4ca: {  	v15 =	vld [tilespmem:s1+$0xFFFFFFC0]  }
0x4cb: {  	v16 =	vld [tilespmem:s1+$0xFFFFFFD0]  }
0x4cc: {  	v17 =	vld [tilespmem:s1+$0xFFFFFFE0]  }
0x4cd: {  	[tilespmem:v3+s2+$0x0] =	vst.idx.add.f32.msk $0xffff, v2;
	v2 =	vmov v9  }
0x4ce: {  	[tilespmem:v11+s2+$0x0] =	vst.idx.add.f32.msk $0xffff, v10  }
.Ltmp15:
0x4cf: {  	[tilespmem:v12+s2+$0x0] =	vst.idx.add.f32.msk $0xffff, v5;
	(pc) =	sbr.rel @p2 .LBB2_28-.Ltmp15, $4  }
0x4d0: {  	[tilespmem:v13+s2+$0x0] =	vst.idx.add.f32.msk $0xffff, v6  }
0x4d1: {  	[tilespmem:v14+s2+$0x0] =	vst.idx.add.f32.msk $0xffff, v7;
	v3 =	vmov v17  }
0x4d2: {  	[tilespmem:v15+s2+$0x0] =	vst.idx.add.f32.msk $0xffff, v8  }
0x4d3: {  	s1 =	sadd.s32 $0x100, s1;
	[tilespmem:v16+s2+$0x0] =	vst.idx.add.f32.msk $0xffff, v4  }
0x4d4: {  	_ =	sdelay $0x3  }
0x4d5: {  	[tilespmem:v3+s2+$0x0] =	vst.idx.add.f32.msk $0xffff, v2;
	s0 =	simm.s32 $0x2  }
0x4d6: {  	_ =	swait.ge [sflag:s0], $0x280  }
0x4d7: {  	[sflag:s0] =	ssyncset.done $0x0  }
0x4d8: {  	[sflag:s0] =	ssyncadd.s32 $0xFFFFFD80  }
0x4d9: {  	_ =	swait.ge [sflag:s0], $0x280  }
0x4da: {  	[sflag:s0] =	ssyncset.done $0x0  }
0x4db: {  	[sflag:s0] =	ssyncadd.s32 $0xFFFFFD80  }
0x4dc: {  	_ =	swait.ge [sflag:s0], $0x280  }
0x4dd: {  	[sflag:s0] =	ssyncset.done $0x0  }
0x4de: {  	[sflag:s0] =	ssyncadd.s32 $0xFFFFFD80  }
0x4df: {  	_ =	swait.ge [sflag:s0], $0x280  }
0x4e0: {  	[sflag:s0] =	ssyncset.done $0x0  }
0x4e1: {  	[sflag:s0] =	ssyncadd.s32 $0xFFFFFD80  }
0x4e2: {  	_ =	swait.ge [sflag:s0], $0x280  }
0x4e3: {  	[sflag:s0] =	ssyncset.done $0x0  }
0x4e4: {  	[sflag:s0] =	ssyncadd.s32 $0xFFFFFD80  }
0x4e5: {  	_ =	swait.ge [sflag:s0], $0x280  }
0x4e6: {  	[sflag:s0] =	ssyncset.done $0x0  }
0x4e7: {  	[sflag:s0] =	ssyncadd.s32 $0xFFFFFD80  }
0x4e8: {  	_ =	swait.ge [sflag:s0], $0x280  }
0x4e9: {  	[sflag:s0] =	ssyncset.done $0x0  }
0x4ea: {  	[sflag:s0] =	ssyncadd.s32 $0xFFFFFD80  }
0x4eb: {  	_ =	swait.ge [sflag:s0], $0x280  }
0x4ec: {  	[sflag:s0] =	ssyncset.done $0x0  }
0x4ed: {  	[sflag:s0] =	ssyncadd.s32 $0xFFFFFD80  }
0x4ee: {  	_ =	swait.ge [sflag:s0], $0x280  }
0x4ef: {  	[sflag:s0] =	ssyncset.done $0x0  }
0x4f0: {  	[sflag:s0] =	ssyncadd.s32 $0xFFFFFD80  }
0x4f1: {  	_ =	swait.ge [sflag:s0], $0x280  }
0x4f2: {  	[sflag:s0] =	ssyncset.done $0x0  }
0x4f3: {  	[sflag:s0] =	ssyncadd.s32 $0xFFFFFD80  }
0x4f4: {  	_ =	swait.ge [sflag:s0], $0x280  }
0x4f5: {  	[sflag:s0] =	ssyncset.done $0x0  }
0x4f6: {  	[sflag:s0] =	ssyncadd.s32 $0xFFFFFD80  }
0x4f7: {  	_ =	swait.ge [sflag:s0], $0x280  }
0x4f8: {  	[sflag:s0] =	ssyncset.done $0x0  }
0x4f9: {  	[sflag:s0] =	ssyncadd.s32 $0xFFFFFD80  }
0x4fa: {  	_ =	swait.ge [sflag:s0], $0x280  }
0x4fb: {  	[sflag:s0] =	ssyncset.done $0x0  }
0x4fc: {  	[sflag:s0] =	ssyncadd.s32 $0xFFFFFD80  }
0x4fd: {  	_ =	swait.ge [sflag:s0], $0x280  }
0x4fe: {  	[sflag:s0] =	ssyncset.done $0x0  }
0x4ff: {  	[sflag:s0] =	ssyncadd.s32 $0xFFFFFD80  }
0x500: {  	_ =	swait.ge [sflag:s0], $0x280  }
0x501: {  	[sflag:s0] =	ssyncset.done $0x0  }
0x502: {  	s19 =	simm.s32 $0x0;
	[sflag:s0] =	ssyncadd.s32 $0xFFFFFD80  }
0x503: {  	s5 =	sand.u32 $0x40, s19;
	_ =	swait.ge [sflag:s0], $0x280  }
0x504: {  	s12 =	sand.u32 $0x700, s19;
	s14 =	sor.u32 $0x30, s5;
	[sflag:s0] =	ssyncset.done $0x0  }
0x505: {  	s22 =	sadd.s32 $0x11A00, s12;
	s6 =	sor.u32 s12, s14;
	[sflag:s0] =	ssyncadd.s32 $0xFFFFFD80  }
0x506: {  	s1 =	sor.u32 s14, s22;
	v2 =	vld [tilespmem:s6+$0x11500]  }
0x507: {  	s3 =	sadd.s32 $0x11F00, s12;
	s23 =	sor.u32 s5, s22;
	v3 =	vld [tilespmem:s1+$0x0]  }
0x508: {  	s11 =	sadd.s32 $0x12400, s12;
	s24 =	sor.u32 s14, s3;
	v4 =	vld [tilespmem:s23+$0x0]  }
0x509: {  	s2 =	sor.u32 $0x10, s5;
	s25 =	sor.u32 s14, s11;
	v5 =	vld [tilespmem:s24+$0x0]  }
0x50a: {  	s17 =	sadd.s32 $0x12900, s12;
	s4 =	sor.u32 s2, s22;
	v6 =	vld [tilespmem:s25+$0x0]  }
0x50b: {  	s16 =	sadd.s32 $0x12E00, s12;
	s26 =	sor.u32 s14, s17;
	v7 =	vld [tilespmem:s4+$0x0]  }
0x50c: {  	s10 =	sor.u32 $0x20, s5;
	s28 =	sor.u32 s14, s16;
	v8 =	vld [tilespmem:s26+$0x0]  }
0x50d: {  	s15 =	sadd.s32 $0x13300, s12;
	s0 =	sor.u32 s10, s22;
	v9 =	vld [tilespmem:s28+$0x0]  }
0x50e: {  	s13 =	sor.u32 $0x13800, s12;
	s29 =	sor.u32 s14, s15;
	v10 =	vld [tilespmem:s0+$0x0]  }
0x50f: {  	s30 =	sor.u32 s14, s13;
	v11 =	vld [tilespmem:s29+$0x0]  }
0x510: {  	s31 =	sor.u32 s5, s3;
	v12 =	vld [tilespmem:s30+$0x0]  }
0x511: {  	s8 =	sadd.s32 $0x14200, s12;
	s7 =	sor.u32 s2, s3;
	v13 =	vld [tilespmem:s31+$0x0]  }
0x512: {  	s18 =	sor.u32 s14, s8;
	v15 =	vld [tilespmem:s7+$0x0]  }
0x513: {  	s20 =	sor.u32 s10, s3;
	v16 =	vld [tilespmem:s18+$0x0]  }
0x514: {  	s9 =	sadd.s32 $0x13D00, s12;
	s22 =	sor.u32 s5, s11;
	v17 =	vld [tilespmem:s20+$0x0]  }
0x515: {  	s4 =	sor.u32 s14, s9;
	v19 =	vld [tilespmem:s22+$0x0]  }
0x516: {  	s24 =	sor.u32 s2, s11;
	v14 =	vld [tilespmem:s4+$0x0]  }
0x517: {  	s3 =	sadd.s32 $0x15600, s12;
	s11 =	sor.u32 s10, s11;
	v21 =	vld [tilespmem:s24+$0x0]  }
0x518: {  	s26 =	sor.u32 s14, s3;
	v23 =	vld [tilespmem:s11+$0x0]  }
0x519: {  	s18 =	sor.u32 s5, s17;
	v24 =	vld [tilespmem:s26+$0x0]  }
0x51a: {  	s29 =	sor.u32 s2, s17;
	v25 =	vld [tilespmem:s18+$0x0]  }
0x51b: {  	s17 =	sor.u32 s10, s17;
	v27 =	vld [tilespmem:s29+$0x0]  }
0x51c: {  	s30 =	sor.u32 s5, s16;
	v29 =	vld [tilespmem:s17+$0x0]  }
0x51d: {  	s7 =	sadd.s32 $0x14700, s12;
	s20 =	sor.u32 s12, s2;
	v30 =	vld [tilespmem:s30+$0x0]  }
0x51e: {  	s1 =	sadd.s32 $0x15100, s12;
	s21 =	sor.u32 s14, s7;
	v31 =	vld [tilespmem:s20+$0x11500]  }
0x51f: {  	s25 =	sor.u32 s14, s1;
	v18 =	vld [tilespmem:s21+$0x0]  }
0x520: {  	s18 =	sor.u32 s10, s16;
	v22 =	vld [tilespmem:s25+$0x0]  }
0x521: {  	s24 =	sor.u32 s2, s15;
	v33 =	vld [tilespmem:s18+$0x0]  }
0x522: {  	s4 =	sadd.s32 $0x14C00, s12;
	s30 =	sor.u32 s5, s9;
	v34 =	vld [tilespmem:s24+$0x0]  }
0x523: {  	s23 =	sor.u32 s14, s4;
	v54 =	vld [tilespmem:s30+$0x0];
	v2 =	vadd.f32 v3, v2  }
0x524: {  	v20 =	vld [tilespmem:s23+$0x0];
	s23 =	sor.u32 s5, s12  }
0x525: {  	s11 =	sadd.s32 $0x15B00, s12;
	s21 =	sor.u32 s12, s10;
	v2 =	vadd.f32 v5, v2;
	v5 =	vld [tilespmem:s23+$0x11500]  }
0x526: {  	s0 =	sor.u32 $0x16000, s12;
	s28 =	sor.u32 s14, s11;
	v32 =	vld [tilespmem:s21+$0x11500]  }
0x527: {  	s14 =	sor.u32 s14, s0;
	v26 =	vld [tilespmem:s28+$0x0]  }
0x528: {  	s22 =	sor.u32 s5, s15;
	s25 =	sor.u32 s10, s15;
	s15 =	sor.u32 s5, s7;
	v28 =	vld [tilespmem:s14+$0x0];
	v2 =	vadd.f32 v6, v2  }
0x529: {  	s26 =	sor.u32 s5, s13;
	s24 =	sor.u32 s2, s1;
	v59 =	vld [tilespmem:s15+$0x0];
	v7 =	vadd.f32 v7, v31  }
0x52a: {  	s29 =	sor.u32 s10, s13;
	s28 =	sor.u32 s2, s13;
	s13 =	sor.u32 s5, s8;
	v61 =	vld [tilespmem:s24+$0x0];
	v2 =	vadd.f32 v8, v2;
	v4 =	vadd.f32 v4, v5  }
0x52b: {  	s31 =	sor.u32 s2, s16;
	v57 =	vld [tilespmem:s13+$0x0];
	v10 =	vadd.f32 v10, v32;
	v7 =	vadd.f32 v15, v7  }
0x52c: {  	v3 =	vld [tilespmem:s31+$0x0];
	s31 =	sor.u32 s2, s9;
	v2 =	vadd.f32 v9, v2;
	v4 =	vadd.f32 v13, v4  }
0x52d: {  	v55 =	vld [tilespmem:s31+$0x0];
	v10 =	vadd.f32 v17, v10;
	v7 =	vadd.f32 v21, v7  }
0x52e: {  	v6 =	vld [tilespmem:s22+$0x0];
	v2 =	vadd.f32 v11, v2;
	v4 =	vadd.f32 v19, v4  }
0x52f: {  	v5 =	vld [tilespmem:s25+$0x0];
	v10 =	vadd.f32 v23, v10;
	v7 =	vadd.f32 v27, v7  }
0x530: {  	v9 =	vld [tilespmem:s28+$0x0];
	v2 =	vadd.f32 v12, v2;
	v4 =	vadd.f32 v25, v4  }
0x531: {  	v8 =	vld [tilespmem:s26+$0x0];
	v10 =	vadd.f32 v29, v10;
	v3 =	vadd.f32 v3, v7  }
0x532: {  	s14 =	sor.u32 s2, s8;
	v11 =	vld [tilespmem:s29+$0x0];
	v2 =	vadd.f32 v14, v2;
	v4 =	vadd.f32 v30, v4  }
0x533: {  	v58 =	vld [tilespmem:s14+$0x0];
	s9 =	sor.u32 s10, s9;
	v10 =	vadd.f32 v33, v10;
	v3 =	vadd.f32 v34, v3  }
0x534: {  	s8 =	sor.u32 s10, s8;
	v56 =	vld [tilespmem:s9+$0x0];
	v2 =	vadd.f32 v16, v2;
	v4 =	vadd.f32 v6, v4  }
0x535: {  	s16 =	sor.u32 s2, s7;
	v7 =	vld [tilespmem:s8+$0x0];
	v5 =	vadd.f32 v5, v10;
	v3 =	vadd.f32 v9, v3  }
0x536: {  	s18 =	sor.u32 s2, s4;
	v6 =	vld [tilespmem:s16+$0x0];
	v2 =	vadd.f32 v18, v2;
	v4 =	vadd.f32 v8, v4  }
0x537: {  	s7 =	sor.u32 s10, s7;
	v9 =	vld [tilespmem:s18+$0x0];
	v5 =	vadd.f32 v11, v5;
	v3 =	vadd.f32 v55, v3  }
0x538: {  	s17 =	sor.u32 s5, s4;
	v8 =	vld [tilespmem:s7+$0x0];
	v2 =	vadd.f32 v20, v2;
	v4 =	vadd.f32 v54, v4  }
0x539: {  	s4 =	sor.u32 s10, s4;
	v10 =	vld [tilespmem:s17+$0x0];
	v5 =	vadd.f32 v56, v5;
	v3 =	vadd.f32 v58, v3  }
0x53a: {  	s22 =	sor.u32 s5, s1;
	v11 =	vld [tilespmem:s4+$0x0];
	v2 =	vadd.f32 v22, v2;
	v4 =	vadd.f32 v57, v4  }
0x53b: {  	v60 =	vld [tilespmem:s22+$0x0];
	s25 =	sor.u32 s5, s3;
	v5 =	vadd.f32 v7, v5;
	v6 =	vadd.f32 v6, v3  }
0x53c: {  	s1 =	sor.u32 s10, s1;
	v62 =	vld [tilespmem:s25+$0x0];
	v2 =	vadd.f32 v24, v2;
	v4 =	vadd.f32 v59, v4  }
0x53d: {  	s26 =	sor.u32 s2, s3;
	v7 =	vld [tilespmem:s1+$0x0];
	v8 =	vadd.f32 v8, v5;
	v6 =	vadd.f32 v9, v6  }
0x53e: {  	s28 =	sor.u32 s10, s3;
	v3 =	vld [tilespmem:s26+$0x0];
	v2 =	vadd.f32 v26, v2;
	v10 =	vadd.f32 v10, v4  }
0x53f: {  	s31 =	sor.u32 s10, s11;
	v5 =	vld [tilespmem:s28+$0x0];
	v9 =	vadd.f32 v11, v8;
	v8 =	vadd.f32 v61, v6  }
0x540: {  	s29 =	sor.u32 s5, s11;
	v6 =	vld [tilespmem:s31+$0x0];
	v63 =	vadd.f32 v28, v2;
	v10 =	vadd.f32 v60, v10  }
0x541: {  	s30 =	sor.u32 s2, s11;
	s12 =	sor.u32 s5, s0;
	s14 =	sor.u32 s2, s0;
	v4 =	vld [tilespmem:s29+$0x0]  }
0x542: {  	s13 =	sor.u32 s10, s0;
	s22 =	simm.s32 $0x0;
	v2 =	vld [tilespmem:s30+$0x0];
	v9 =	vadd.f32 v7, v9;
	[tilespmem:s6+$0x16500] =	vst v63;
	s6 =	simm.s32 $0x40;
	v7 =	vadd.f32 v62, v10  }
.LBB2_30:
0x543: {  	s10 =	sand.u32 $0x40, s6;
	s19 =	sadd.s32 $0x80, s19  }
0x544: {  	v10 =	vld [tilespmem:s12+$0x0];
	[dreg:$0x5] =	wrdreg s19;
	s12 =	sand.u32 $0x700, s19;
	s11 =	sor.u32 $0x30, s10  }
0x545: {  	s0 =	sadd.s32 $0x11A00, s12;
	s1 =	sor.u32 s12, s11;
	s7 =	sadd.s32 $0x11F00, s12  }
0x546: {  	s4 =	sor.u32 s10, s12;
	s16 =	sadd.s32 $0x12400, s12;
	s19 =	sadd.s32 $0x12900, s12;
	v3 =	vadd.f32 v3, v8;
	v8 =	vld [tilespmem:s14+$0x0]  }
0x547: {  	s25 =	sadd.s32 $0x12E00, s12;
	[dreg:$0x6] =	wrdreg s1;
	s30 =	sor.u32 s11, s0;
	v4 =	vadd.f32 v4, v7;
	v7 =	vld [tilespmem:s13+$0x0]  }
0x548: {  	s2 =	sor.u32 s10, s0;
	s3 =	sor.u32 s11, s7;
	s18 =	sor.u32 s10, s7;
	v5 =	vadd.f32 v5, v9;
	v9 =	vld [tilespmem:s1+$0x11500]  }
0x549: {  	s5 =	sor.u32 s11, s16;
	s24 =	sor.u32 s11, s19;
	s28 =	sor.u32 s10, s25;
	v2 =	vadd.f32 v2, v3;
	v3 =	vld [tilespmem:s30+$0x0]  }
0x54a: {  	s14 =	sor.u32 $0x10, s10;
	s13 =	sor.u32 $0x20, s10;
	[dreg:$0xb] =	wrdreg s28;
	v5 =	vadd.f32 v6, v5;
	v6 =	vld [tilespmem:s2+$0x0]  }
0x54b: {  	s15 =	sor.u32 s12, s14;
	s31 =	sor.u32 s14, s0;
	s9 =	sor.u32 s12, s13;
	v4 =	vadd.f32 v10, v4;
	v10 =	vld [tilespmem:s3+$0x0]  }
0x54c: {  	s17 =	sor.u32 s13, s0;
	s8 =	sor.u32 s14, s7;
	s7 =	sor.u32 s13, s7;
	v2 =	vadd.f32 v8, v2;
	v8 =	vld [tilespmem:s15+$0x11500]  }
0x54d: {  	s1 =	sor.u32 s13, s16;
	s26 =	sor.u32 s14, s19;
	s29 =	sor.u32 s13, s19;
	[tilespmem:s23+$0x16500] =	vst v4;
	v4 =	vadd.f32 v7, v5;
	v5 =	vld [tilespmem:s5+$0x0]  }
0x54e: {  	s3 =	sor.u32 s10, s16;
	s2 =	sor.u32 s14, s16;
	[smem:$0x74B] =	sst s29;
	v11 =	vld [tilespmem:s18+$0x0];
	[tilespmem:s20+$0x16500] =	vst v2  }
0x54f: {  	s30 =	sor.u32 s11, s25;
	s29 =	sor.u32 $0x13800, s12;
	s23 =	sor.u32 s13, s25;
	[tilespmem:s21+$0x16500] =	vst v4;
	v4 =	vld [tilespmem:s24+$0x0]  }
0x550: {  	s16 =	sor.u32 s11, s29;
	s5 =	sor.u32 s14, s25;
	[dreg:$0xf] =	wrdreg s23;
	v3 =	vadd.f32 v3, v9;
	v2 =	vld [tilespmem:s31+$0x0]  }
0x551: {  	s23 =	sor.u32 s13, s29;
	[dreg:$0x1a] =	wrdreg s5;
	s5 =	sor.u32 s10, s29;
	v7 =	vld [tilespmem:s9+$0x11500]  }
0x552: {  	[dreg:$0x1b] =	wrdreg s23;
	s23 =	smov.u32 s4;
	s31 =	sadd.s32 $0x13300, s12;
	v3 =	vadd.f32 v10, v3;
	v10 =	vld [tilespmem:s17+$0x0]  }
0x553: {  	s21 =	sor.u32 s10, s19;
	v9 =	vld [tilespmem:s30+$0x0];
	[dreg:$0x1e] =	wrdreg s5;
	s28 =	sor.u32 s11, s31  }
0x554: {  	s19 =	sadd.s32 $0x13D00, s12;
	s5 =	sadd.s32 $0x14C00, s12;
	s24 =	sor.u32 s10, s31;
	v3 =	vadd.f32 v5, v3;
	v5 =	vld [tilespmem:s28+$0x0]  }
0x555: {  	s20 =	sor.u32 s10, s19;
	s25 =	sor.u32 s14, s31;
	[dreg:$0x12] =	wrdreg s24;
	v2 =	vadd.f32 v2, v8;
	v8 =	vld [tilespmem:s4+$0x11500]  }
0x556: {  	s18 =	sor.u32 s14, s5;
	s30 =	sor.u32 s13, s31;
	[dreg:$0xd] =	wrdreg s25;
	v3 =	vadd.f32 v4, v3;
	v4 =	vld [tilespmem:s16+$0x0]  }
0x557: {  	s31 =	smov.u32 s15;
	s15 =	sor.u32 s14, s29;
	[dreg:$0x15] =	wrdreg s30;
	v7 =	vadd.f32 v10, v7;
	v10 =	vld [tilespmem:s8+$0x0]  }
0x558: {  	s29 =	sadd.s32 $0x14200, s12;
	[dreg:$0xa] =	wrdreg s31;
	s28 =	sor.u32 s11, s19;
	v3 =	vadd.f32 v9, v3  }
0x559: {  	s17 =	sor.u32 s10, s5;
	[dreg:$0x14] =	wrdreg s15;
	s30 =	sor.u32 s11, s29;
	v9 =	vld [tilespmem:s28+$0x0]  }
0x55a: {  	s24 =	smov.u32 s9;
	s25 =	sor.u32 s14, s19;
	s31 =	sadd.s32 $0x14700, s12;
	v3 =	vadd.f32 v5, v3;
	v5 =	vadd.f32 v6, v8;
	v6 =	vld [tilespmem:s30+$0x0]  }
0x55b: {  	s9 =	sor.u32 s11, s5;
	s15 =	sor.u32 s13, s5;
	[dreg:$0x8] =	wrdreg s24;
	v8 =	vld [tilespmem:s7+$0x0]  }
0x55c: {  	[dreg:$0x1f] =	wrdreg s25;
	s19 =	sor.u32 s13, s19;
	s0 =	sor.u32 s11, s31;
	v3 =	vadd.f32 v4, v3;
	v2 =	vadd.f32 v10, v2;
	v10 =	vld [tilespmem:s2+$0x0]  }
0x55d: {  	s24 =	sor.u32 s10, s29;
	s25 =	sor.u32 s14, s29;
	s16 =	sadd.s32 $0x15100, s12;
	v4 =	vadd.f32 v11, v5;
	v5 =	vld [tilespmem:s0+$0x0]  }
0x55e: {  	s29 =	sor.u32 s13, s29;
	s8 =	sor.u32 s14, s16;
	s4 =	sor.u32 s13, s16;
	v11 =	vld [tilespmem:s3+$0x0];
	v3 =	vadd.f32 v9, v3  }
0x55f: {  	s28 =	sor.u32 s14, s31;
	s30 =	sor.u32 s10, s31;
	s0 =	sor.u32 s11, s16;
	v9 =	vld [tilespmem:s9+$0x0]  }
0x560: {  	s31 =	sor.u32 s13, s31;
	s7 =	sor.u32 s10, s16;
	s3 =	sadd.s32 $0x15600, s12;
	v3 =	vadd.f32 v6, v3;
	v6 =	vadd.f32 v8, v7;
	v7 =	vld [tilespmem:s0+$0x0]  }
0x561: {  	s9 =	sor.u32 s10, s3;
	s5 =	sor.u32 s11, s3;
	v8 =	vld [tilespmem:s1+$0x0];
	s0 =	sadd.s32 $0x15B00, s12  }
0x562: {  	s16 =	sor.u32 s14, s3;
	s3 =	sor.u32 s13, s3;
	s2 =	sor.u32 s14, s0;
	v3 =	vadd.f32 v5, v3;
	v5 =	vld [tilespmem:s5+$0x0]  }
0x563: {  	s1 =	sor.u32 s11, s0;
	v4 =	vadd.f32 v11, v4;
	v11 =	vld [tilespmem:s21+$0x0];
	s21 =	sor.u32 s10, s0;
	s5 =	sor.u32 $0x16000, s12  }
0x564: {  	s0 =	sor.u32 s13, s0;
	s12 =	sor.u32 s10, s5;
	s14 =	sor.u32 s14, s5  }
0x565: {  	v2 =	vadd.f32 v10, v2;
	v10 =	vld [tilespmem:s26+$0x0];
	s26 =	sor.u32 s11, s5;
	s13 =	sor.u32 s13, s5;
	s5 =	sld [smem:$0x74B];
	v3 =	vadd.f32 v9, v3  }
0x566: {  	v9 =	vld [tilespmem:s1+$0x0]  }
0x567: {  	v3 =	vadd.f32 v7, v3;
	v7 =	vld [tilespmem:s26+$0x0]  }
0x568: {  	s11 =	rddreg [dreg:$0x1a];
	v6 =	vadd.f32 v8, v6;
	v8 =	vld [tilespmem:s5+$0x0]  }
0x569: {  	s10 =	rddreg [dreg:$0xb];
	v4 =	vadd.f32 v11, v4;
	v11 =	vld [tilespmem:s11+$0x0];
	v3 =	vadd.f32 v5, v3  }
0x56a: {  	s5 =	rddreg [dreg:$0x12];
	v5 =	vld [tilespmem:s10+$0x0]  }
0x56b: {  	v2 =	vadd.f32 v10, v2;
	s26 =	rddreg [dreg:$0xf];
	v10 =	vld [tilespmem:s5+$0x0];
	v3 =	vadd.f32 v9, v3  }
0x56c: {  	s10 =	rddreg [dreg:$0xd];
	v9 =	vld [tilespmem:s26+$0x0]  }
0x56d: {  	s11 =	rddreg [dreg:$0x15];
	v3 =	vadd.f32 v7, v3;
	v7 =	vld [tilespmem:s10+$0x0]  }
0x56e: {  	s5 =	rddreg [dreg:$0x1e];
	v2 =	vadd.f32 v11, v2;
	v11 =	vld [tilespmem:s9+$0x0]  }
0x56f: {  	s10 =	rddreg [dreg:$0x14];
	v4 =	vadd.f32 v5, v4;
	v5 =	vld [tilespmem:s11+$0x0]  }
0x570: {  	s26 =	rddreg [dreg:$0x6];
	v6 =	vadd.f32 v8, v6;
	v8 =	vld [tilespmem:s10+$0x0]  }
0x571: {  	s11 =	rddreg [dreg:$0x1b];
	[tilespmem:s26+$0x16500] =	vst v3;
	v3 =	vld [tilespmem:s5+$0x0]  }
0x572: {  	v6 =	vadd.f32 v9, v6;
	v9 =	vld [tilespmem:s11+$0x0]  }
0x573: {  	s26 =	rddreg [dreg:$0x1f];
	v4 =	vadd.f32 v10, v4;
	v10 =	vld [tilespmem:s20+$0x0]  }
0x574: {  	v2 =	vadd.f32 v7, v2;
	v7 =	vld [tilespmem:s26+$0x0]  }
0x575: {  	v5 =	vadd.f32 v5, v6;
	v6 =	vld [tilespmem:s24+$0x0]  }
0x576: {  	v3 =	vadd.f32 v3, v4;
	v4 =	vld [tilespmem:s19+$0x0]  }
0x577: {  	v2 =	vadd.f32 v8, v2;
	v8 =	vld [tilespmem:s25+$0x0]  }
0x578: {  	v5 =	vadd.f32 v9, v5;
	v9 =	vld [tilespmem:s29+$0x0]  }
0x579: {  	v3 =	vadd.f32 v10, v3;
	v10 =	vld [tilespmem:s30+$0x0]  }
0x57a: {  	v2 =	vadd.f32 v7, v2;
	v7 =	vld [tilespmem:s28+$0x0]  }
0x57b: {  	v3 =	vadd.f32 v6, v3;
	v6 =	vld [tilespmem:s17+$0x0]  }
0x57c: {  	v4 =	vadd.f32 v4, v5;
	v5 =	vld [tilespmem:s31+$0x0]  }
0x57d: {  	v2 =	vadd.f32 v8, v2;
	v8 =	vld [tilespmem:s18+$0x0]  }
0x57e: {  	v3 =	vadd.f32 v10, v3;
	v10 =	vld [tilespmem:s7+$0x0]  }
0x57f: {  	v4 =	vadd.f32 v9, v4;
	v9 =	vld [tilespmem:s15+$0x0]  }
0x580: {  	s22 =	sadd.s32 $0x4, s22;
	v2 =	vadd.f32 v7, v2;
	v7 =	vld [tilespmem:s8+$0x0]  }
0x581: {  	p2 =	slt.u32 s22, $0x24;
	v4 =	vadd.f32 v5, v4;
	v5 =	vadd.f32 v6, v3;
	v6 =	vld [tilespmem:s4+$0x0]  }
.Ltmp16:
0x582: {  	v3 =	vld [tilespmem:s16+$0x0];
	(pc) =	sbr.rel @p2 .LBB2_30-.Ltmp16, $4  }
0x583: {  	v2 =	vadd.f32 v8, v2;
	v10 =	vadd.f32 v10, v5;
	v5 =	vld [tilespmem:s3+$0x0]  }
0x584: {  	s20 =	rddreg [dreg:$0xa];
	v9 =	vadd.f32 v9, v4;
	v4 =	vld [tilespmem:s21+$0x0]  }
0x585: {  	s19 =	rddreg [dreg:$0x5];
	v8 =	vadd.f32 v7, v2;
	v2 =	vld [tilespmem:s2+$0x0]  }
0x586: {  	s6 =	sadd.s32 $0x40, s6;
	s21 =	rddreg [dreg:$0x8];
	v7 =	vadd.f32 v11, v10;
	v9 =	vadd.f32 v6, v9;
	v6 =	vld [tilespmem:s0+$0x0]  }
0x587: {  	v10 =	vld [tilespmem:s12+$0x0]  }
0x588: {  	v11 =	vld [tilespmem:s14+$0x0]  }
0x589: {  	v3 =	vadd.f32 v3, v8;
	v63 =	vld [tilespmem:s13+$0x0]  }
0x58a: {  	v5 =	vadd.f32 v5, v9;
	v4 =	vadd.f32 v4, v7  }
0x58b: {  	v2 =	vadd.f32 v2, v3  }
0x58c: {  	v3 =	vadd.f32 v6, v5;
	v4 =	vadd.f32 v10, v4  }
0x58d: {  	v2 =	vadd.f32 v11, v2  }
0x58e: {  	v3 =	vadd.f32 v63, v3;
	[tilespmem:s23+$0x16500] =	vst v4  }
0x58f: {  	[tilespmem:s20+$0x16500] =	vst v2  }
0x590: {  	[tilespmem:s21+$0x16500] =	vst v3  }
0x591: {  	s2 =	sld [smem:$0x762];
	_ =	sdelay $0x1  }
0x592: {  	s1 =	simm.s32 $0x0;
	s0 =	simm.s32 $0x16500  }
0x593: {  	[hbm4b:s2+s1] =	stream.linear.scatter [tilespmem:s0], [sflag:$0x2], $0x80, $0x38;
	[tilespmem:$0x1BC80] =	vst v63  }
0x594: {  	s3 =	simm.s32 $0x16600;
	s23 =	sadd.s32 $0x10, s2  }
0x595: {  	[hbm4b:s23+s1] =	stream.linear.scatter [tilespmem:s3], [sflag:$0x2], $0x80, $0x38;
	[tilespmem:$0x1BC80] =	vst v63  }
0x596: {  	s25 =	simm.s32 $0x16700;
	s24 =	sadd.s32 $0x20, s2  }
0x597: {  	[hbm4b:s24+s1] =	stream.linear.scatter [tilespmem:s25], [sflag:$0x2], $0x80, $0x38;
	[tilespmem:$0x1BC80] =	vst v63  }
0x598: {  	s28 =	simm.s32 $0x16800;
	s30 =	simm.s32 $0x16900;
	s26 =	sadd.s32 $0x30, s2  }
0x599: {  	[hbm4b:s26+s1] =	stream.linear.scatter [tilespmem:s28], [sflag:$0x2], $0x80, $0x38;
	[tilespmem:$0x1BC80] =	vst v63  }
.Ltmp17:
0x59a: {  	s31 =	simm.s32 $0x2;
	s29 =	sadd.s32 $0x40, s2;
	(pc) =	sbr.rel .LBB2_32-.Ltmp17, $4  }
0x59b: {  	[hbm4b:s29+s1] =	stream.linear.scatter [tilespmem:s30], [sflag:$0x2], $0x80, $0x38;
	[tilespmem:$0x1BC80] =	vst v63  }
0x59c: {  	s4 =	simm.s32 $0x1;
	s5 =	simm.s32 $0xC500;
	_ =	swait.ge [sflag:s31], $0x280  }
0x59d: {  	s6 =	simm.s32 $0x80;
	s2 =	simm.s32 $0xED00;
	[sflag:s31] =	ssyncset.done $0x0  }
0x59e: {  	s3 =	simm.s32 $0x9D00;
	s7 =	sld [smem:$0x750];
	[sflag:s31] =	ssyncadd.s32 $0xFFFFFD80  }
.LBB2_24:
0x59f: {  	s0 =	simm.s32 $0x27F0  }
0x5a0: {  	v2 =	vld [tilespmem:s0+$0x0]  }
0x5a1: {  	v3 =	vld [tilespmem:s0+$0xFFFFFFA0]  }
0x5a2: {  	v4 =	vld [tilespmem:s0+$0xFFFFFFB0]  }
0x5a3: {  	v5 =	vld [tilespmem:s0+$0xFFFFFFC0]  }
0x5a4: {  	v6 =	vld [tilespmem:s0+$0xFFFFFFD0]  }
0x5a5: {  	v7 =	vld [tilespmem:s0+$0xFFFFFFE0]  }
0x5a6: {  	v8 =	vld [tilespmem:s0+$0xFFFFFF80]  }
0x5a7: {  	v9 =	vld [tilespmem:s0+$0xFFFFFFF0]  }
0x5a8: {  	v10 =	vld [tilespmem:s0+$0xFFFFFF90]  }
0x5a9: {  	v63 =	vld [tilespmem:s0+$0xFFFFFF10]  }
0x5aa: {  	v12 =	vld [tilespmem:s0+$0xFFFFFF20]  }
0x5ab: {  	v13 =	vld [tilespmem:s0+$0xFFFFFF30]  }
0x5ac: {  	v14 =	vld [tilespmem:s0+$0xFFFFFF40]  }
0x5ad: {  	v15 =	vld [tilespmem:s0+$0xFFFFFF50]  }
0x5ae: {  	v16 =	vld [tilespmem:s0+$0xFFFFFF60]  }
0x5af: {  	v2 =	vld.idx.msk [tilespmem:v2+s5+$0x0], $0xffff  }
0x5b0: {  	v11 =	vld.idx.msk [tilespmem:v3+s5+$0x0], $0xffff  }
0x5b1: {  	v4 =	vld.idx.msk [tilespmem:v4+s5+$0x0], $0xffff  }
0x5b2: {  	v5 =	vld.idx.msk [tilespmem:v5+s5+$0x0], $0xffff  }
0x5b3: {  	v6 =	vld.idx.msk [tilespmem:v6+s5+$0x0], $0xffff  }
0x5b4: {  	v62 =	vld.idx.msk [tilespmem:v10+s5+$0x0], $0xffff  }
0x5b5: {  	v7 =	vld.idx.msk [tilespmem:v7+s5+$0x0], $0xffff  }
0x5b6: {  	s2 =	simm.s32 $0xED00;
	v3 =	vld [tilespmem:s0+$0xFFFFFF70]  }
0x5b7: {  	[tilespmem:v8+s2+$0x0] =	vst.idx.add.f32.msk $0xffff, v2  }
0x5b8: {  	v2 =	vld.idx.msk [tilespmem:v9+s5+$0x0], $0xffff  }
0x5b9: {  	[tilespmem:v63+s2+$0x0] =	vst.idx.add.f32.msk $0xffff, v62  }
0x5ba: {  	[tilespmem:v12+s2+$0x0] =	vst.idx.add.f32.msk $0xffff, v11  }
0x5bb: {  	[tilespmem:v13+s2+$0x0] =	vst.idx.add.f32.msk $0xffff, v4  }
0x5bc: {  	[tilespmem:v14+s2+$0x0] =	vst.idx.add.f32.msk $0xffff, v5  }
0x5bd: {  	s1 =	simm.s32 $0x28F0;
	[tilespmem:v15+s2+$0x0] =	vst.idx.add.f32.msk $0xffff, v6  }
0x5be: {  	s3 =	simm.s32 $0x9D00;
	s6 =	simm.s32 $0x80;
	s0 =	simm.s32 $0x0;
	[tilespmem:v16+s2+$0x0] =	vst.idx.add.f32.msk $0xffff, v7  }
.LBB2_25:
0x5bf: {  	v4 =	vld [tilespmem:s1+$0x0];
	s0 =	sadd.s32 $0x8, s0  }
0x5c0: {  	v5 =	vld [tilespmem:s1+$0xFFFFFFA0];
	p2 =	slt.u32 s0, $0x3A0  }
0x5c1: {  	v6 =	vld [tilespmem:s1+$0xFFFFFFB0]  }
0x5c2: {  	v7 =	vld [tilespmem:s1+$0xFFFFFFC0]  }
0x5c3: {  	v8 =	vld [tilespmem:s1+$0xFFFFFFD0]  }
0x5c4: {  	v9 =	vld [tilespmem:s1+$0xFFFFFFE0]  }
0x5c5: {  	v10 =	vld [tilespmem:s1+$0xFFFFFF80]  }
0x5c6: {  	v11 =	vld [tilespmem:s1+$0xFFFFFFF0]  }
0x5c7: {  	v4 =	vld.idx.msk [tilespmem:v4+s5+$0x0], $0xffff  }
0x5c8: {  	v12 =	vld [tilespmem:s1+$0xFFFFFF90]  }
0x5c9: {  	v5 =	vld.idx.msk [tilespmem:v5+s5+$0x0], $0xffff  }
0x5ca: {  	v6 =	vld.idx.msk [tilespmem:v6+s5+$0x0], $0xffff  }
0x5cb: {  	v7 =	vld.idx.msk [tilespmem:v7+s5+$0x0], $0xffff  }
0x5cc: {  	v8 =	vld.idx.msk [tilespmem:v8+s5+$0x0], $0xffff  }
0x5cd: {  	[tilespmem:v10+s2+$0x0] =	vst.idx.add.f32.msk $0xffff, v4  }
0x5ce: {  	v4 =	vld.idx.msk [tilespmem:v9+s5+$0x0], $0xffff  }
0x5cf: {  	v9 =	vld.idx.msk [tilespmem:v11+s5+$0x0], $0xffff  }
0x5d0: {  	v10 =	vld.idx.msk [tilespmem:v12+s5+$0x0], $0xffff  }
0x5d1: {  	v11 =	vld [tilespmem:s1+$0xFFFFFF10]  }
0x5d2: {  	v12 =	vld [tilespmem:s1+$0xFFFFFF20]  }
0x5d3: {  	v13 =	vld [tilespmem:s1+$0xFFFFFF30]  }
0x5d4: {  	v14 =	vld [tilespmem:s1+$0xFFFFFF40]  }
0x5d5: {  	v15 =	vld [tilespmem:s1+$0xFFFFFF50]  }
0x5d6: {  	v16 =	vld [tilespmem:s1+$0xFFFFFF60]  }
0x5d7: {  	v17 =	vld [tilespmem:s1+$0xFFFFFF70]  }
0x5d8: {  	[tilespmem:v3+s2+$0x0] =	vst.idx.add.f32.msk $0xffff, v2;
	v2 =	vmov v9  }
0x5d9: {  	[tilespmem:v11+s2+$0x0] =	vst.idx.add.f32.msk $0xffff, v10  }
.Ltmp18:
0x5da: {  	[tilespmem:v12+s2+$0x0] =	vst.idx.add.f32.msk $0xffff, v5;
	(pc) =	sbr.rel @p2 .LBB2_25-.Ltmp18, $4  }
0x5db: {  	[tilespmem:v13+s2+$0x0] =	vst.idx.add.f32.msk $0xffff, v6  }
0x5dc: {  	[tilespmem:v14+s2+$0x0] =	vst.idx.add.f32.msk $0xffff, v7;
	v3 =	vmov v17  }
0x5dd: {  	[tilespmem:v15+s2+$0x0] =	vst.idx.add.f32.msk $0xffff, v8  }
0x5de: {  	s1 =	sadd.s32 $0x100, s1;
	[tilespmem:v16+s2+$0x0] =	vst.idx.add.f32.msk $0xffff, v4  }
.Ltmp19:
0x5df: {  	_ = 	snop;
	(pc) =	sbr.rel .LBB2_26-.Ltmp19, $1  }
0x5e0: {  	_ =	sdelay $0x3  }
.LBB2_33:
0x5e1: {  	_ =	sfence.sel $0x180000  }
0x5e2: {  	[bflag:$0x0] =	sbarrier.arrive $0xFFFF  }
0x5e3: {  	_ =	strace $0x90000047  }
0x5e4: {  	s0 =	stileid.u32;
	[bflag:$0x2] =	sbarrier.arrive $0xFFFF  }
0x5e5: {  	p0 =	sne.s32 s0, $0x0;
	s0 =	rddreg [dreg:$0x4]  }
0x5e6: {  	s0 =	sadd.s32 @!p0 $0x100000, s0  }
0x5e7: {  	[sflag:s0] =	ssyncadd.tile.s32 @!p0 $0x1;
	_ =	shalt  }
.Lfunc_end2:
_tile_overlayer_lowered:
.L_overlay_start_2:
0x5e8: {  	(tag) =	ssettag $0x2  }
0x5e9: {  	s0 =	rddreg [dreg:$0x0];
	s2 =	stileid.u32  }
0x5ea: {  	s1 =	rddreg [dreg:$0x1];
	p0 =	sne.s32 s2, $0x0  }
0x5eb: {  	s3 =	rddreg [dreg:$0x2];
	[bflag:$0x3] =	sbarrier.arrive $0xFFFF;
	s2 =	simm.s32 @!p0 $0x1C03  }
0x5ec: {  	[timem:s3], [sflag:s2] =	dma.local @!p0 [hbm:s0], s1  }
0x5ed: {  	s0 =	simm.s32 @!p0 $0x3  }
0x5ee: {  	_ =	swait.ge @!p0 [sflag:s0], s1  }
0x5ef: {  	s1 =	ssub.s32 @!p0 $0x0, s1;
	[sflag:s0] =	ssyncset.done @!p0 $0x0  }
0x5f0: {  	[sflag:s0] =	ssyncadd.s32 @!p0 s1  }
0x5f1: {  	[bflag:$0x3] =	sbarrier.arrive $0xFFFF  }
0x5f2: {  	_ =	shalt  }

</sc_bundles>
